<compile_context>
chip_gen: v7x
topology: tpu7x:2x2x1
jax: 0.10.2.dev20260603
libtpu: 0.0.44.dev20260713+nightly
codegen_flags: <defaults>
</compile_context>

<pallas_src>
import functools

import jax
import jax.numpy as jnp
from jax import lax
from jax.experimental import pallas as pl
from jax.experimental.pallas import tpu as pltpu
from jax.experimental.pallas import tpu_sc as plsc

N = 10000
E = 320000
D = 128
DE = 16
L = 3

NC = 2
NS = 16
NW = NC * NS
EPT = E // NW
C = 80
NCH = EPT // C
NP = 10240
STRIPE = NP // NS

_mesh = plsc.VectorSubcoreMesh(core_axis_name="c", subcore_axis_name="s",
                               num_cores=NC, num_subcores=NS)
_sc_params = pltpu.CompilerParams(needs_layout_passes=False)


def _wid():
    return lax.axis_index("s") * NC + lax.axis_index("c")


def _fill_iota(idx_v, base):
    def grp(j, _):
        idx_v[pl.ds(j * 16, 16)] = (
            lax.broadcasted_iota(jnp.int32, (16,), 0) + j * 16 + base
        )
        return 0

    lax.fori_loop(0, C // 16, grp, 0)


def _deg_body(rowf_hbm, out_hbm, rowc_v, iz_v, ones_v, zb_v, acc_sh):
    c = lax.axis_index("c")
    s = lax.axis_index("s")
    wid = _wid()
    ebase = wid * EPT
    flat = c * NP + s * STRIPE

    def fill(i, _):
        ones_v[i, :] = jnp.full((16,), 1.0, jnp.float32)
        zb_v[i, :] = jnp.zeros((16,), jnp.float32)
        return 0

    lax.fori_loop(0, C, fill, 0)

    def zero(q, _):
        _fill_iota(iz_v, s * STRIPE + q * C)
        pltpu.sync_copy(zb_v, acc_sh.at[iz_v])
        return 0

    lax.fori_loop(0, STRIPE // C, zero, 0)
    plsc.subcore_barrier()

    def chunk(g, _):
        pltpu.sync_copy(rowf_hbm.at[pl.ds(ebase + g * C, C)], rowc_v)
        pltpu.sync_copy(ones_v, acc_sh.at[rowc_v], add=True)
        return 0

    lax.fori_loop(0, NCH, chunk, 0)
    plsc.subcore_barrier()

    def dump(q, _):
        pltpu.sync_copy(acc_sh.at[pl.ds(s * STRIPE + q * C, C)], zb_v)
        pltpu.sync_copy(zb_v, out_hbm.at[pl.ds(flat + q * C, C)])
        return 0

    lax.fori_loop(0, STRIPE // C, dump, 0)


_deg_call = pl.kernel(
    _deg_body,
    out_type=jax.ShapeDtypeStruct((NC * NP, 16), jnp.float32),
    mesh=_mesh,
    scratch_types=[
        pltpu.VMEM((C,), jnp.int32),
        pltpu.VMEM((C,), jnp.int32),
        pltpu.VMEM((C, 16), jnp.float32),
        pltpu.VMEM((C, 16), jnp.float32),
        pltpu.VMEM_SHARED((NP, 16), jnp.float32),
    ],
    compiler_params=_sc_params,
)


def _norm_body(rowf_hbm, colf_hbm, dis_hbm, out_hbm, rowf_v, colf_v, dis_v,
               norm_v):
    wid = _wid()
    ebase = wid * EPT
    pltpu.sync_copy(rowf_hbm.at[pl.ds(ebase, EPT)], rowf_v)
    pltpu.sync_copy(colf_hbm.at[pl.ds(ebase, EPT)], colf_v)
    pltpu.sync_copy(dis_hbm, dis_v)

    def norm_grp(j, _):
        rv = rowf_v[pl.ds(j * 16, 16)]
        cv = colf_v[pl.ds(j * 16, 16)]
        dr = plsc.load_gather(dis_v, [rv])
        dc = plsc.load_gather(dis_v, [cv])
        norm_v[pl.ds(j * 16, 16)] = dr * dc
        return 0

    lax.fori_loop(0, EPT // 16, norm_grp, 0)
    pltpu.sync_copy(norm_v, out_hbm.at[pl.ds(ebase, EPT)])


_norm_call = pl.kernel(
    _norm_body,
    out_type=jax.ShapeDtypeStruct((E,), jnp.float32),
    mesh=_mesh,
    scratch_types=[
        pltpu.VMEM((EPT,), jnp.int32),
        pltpu.VMEM((EPT,), jnp.int32),
        pltpu.VMEM((NP,), jnp.float32),
        pltpu.VMEM((EPT,), jnp.float32),
    ],
    compiler_params=_sc_params,
)


def _msg_body(hl_hbm, e_hbm, rowf_hbm, colf_hbm, norm_hbm, out_hbm,
              row0_v, col0_v, nrm0_v, row1_v, col1_v, nrm1_v, iz_v,
              hlr0_v, er0_v, hlr1_v, er1_v, acc_sh,
              semg0, seme0, semg1, seme1, semi0, semi1):
    c = lax.axis_index("c")
    s = lax.axis_index("s")
    wid = _wid()
    ebase = wid * EPT
    flat = c * NP + s * STRIPE

    def fill_zero(i, _):
        for k in range(8):
            er0_v[i, pl.ds(k * 16, 16)] = jnp.zeros((16,), jnp.float32)
        return 0

    lax.fori_loop(0, C, fill_zero, 0)

    def zero(q, _):
        _fill_iota(iz_v, s * STRIPE + q * C)
        pltpu.sync_copy(er0_v, acc_sh.at[iz_v])
        return 0

    lax.fori_loop(0, STRIPE // C, zero, 0)
    plsc.subcore_barrier()

    def idx_load(g, row_v, col_v, nrm_v, semi):
        base = ebase + g * C
        a = pltpu.async_copy(rowf_hbm.at[pl.ds(base, C)], row_v, semi)
        b = pltpu.async_copy(colf_hbm.at[pl.ds(base, C)], col_v, semi)
        d = pltpu.async_copy(norm_hbm.at[pl.ds(base, C)], nrm_v, semi)
        return a, b, d

    def data_load(g, row_v, hlr_v, er_v, semg, seme):
        ga = pltpu.async_copy(hl_hbm.at[row_v], hlr_v, semg)
        eb = pltpu.async_copy(e_hbm.at[pl.ds(ebase + g * C, C)], er_v, seme)
        return ga, eb

    def compute(nrm_v, hlr_v, er_v):
        def edge(i, _):
            nsp = plsc.load_gather(nrm_v, [jnp.full((16,), i, jnp.int32)])
            for k in range(8):
                sl = pl.ds(k * 16, 16)
                er_v[i, sl] = jnp.maximum(hlr_v[i, sl] + er_v[i, sl],
                                          0.0) * nsp
            return 0

        lax.fori_loop(0, C, edge, 0)

    a, b, d = idx_load(0, row0_v, col0_v, nrm0_v, semi0)
    a.wait(); b.wait(); d.wait()
    ga, eb = data_load(0, row0_v, hlr0_v, er0_v, semg0, seme0)

    def pair(g, _):
        a0 = 2 * g
        b1 = 2 * g + 1
        ia, ib, ic = idx_load(b1, row1_v, col1_v, nrm1_v, semi1)
        ia.wait(); ib.wait(); ic.wait()
        ga1, eb1 = data_load(b1, row1_v, hlr1_v, er1_v, semg1, seme1)
        pltpu.make_async_copy(hl_hbm.at[row0_v], hlr0_v, semg0).wait()
        pltpu.make_async_copy(e_hbm.at[pl.ds(0, C)], er0_v, seme0).wait()
        compute(nrm0_v, hlr0_v, er0_v)
        pltpu.sync_copy(er0_v, acc_sh.at[col0_v], add=True)
        @pl.when(g < (NCH - 1) // 2)
        def _():
            ja, jb, jc = idx_load(a0 + 2, row0_v, col0_v, nrm0_v, semi0)
            ja.wait(); jb.wait(); jc.wait()
            data_load(a0 + 2, row0_v, hlr0_v, er0_v, semg0, seme0)

        ga1.wait()
        eb1.wait()
        compute(nrm1_v, hlr1_v, er1_v)
        pltpu.sync_copy(er1_v, acc_sh.at[col1_v], add=True)
        return 0

    lax.fori_loop(0, NCH // 2, pair, 0)
    pltpu.make_async_copy(hl_hbm.at[row0_v], hlr0_v, semg0).wait()
    pltpu.make_async_copy(e_hbm.at[pl.ds(0, C)], er0_v, seme0).wait()
    compute(nrm0_v, hlr0_v, er0_v)
    pltpu.sync_copy(er0_v, acc_sh.at[col0_v], add=True)

    plsc.subcore_barrier()

    def dump(q, _):
        pltpu.sync_copy(acc_sh.at[pl.ds(s * STRIPE + q * C, C)], er0_v)
        pltpu.sync_copy(er0_v, out_hbm.at[pl.ds(flat + q * C, C)])
        return 0

    lax.fori_loop(0, STRIPE // C, dump, 0)


_msg_call = pl.kernel(
    _msg_body,
    out_type=jax.ShapeDtypeStruct((NC * NP, D), jnp.float32),
    mesh=_mesh,
    scratch_types=[
        pltpu.VMEM((C,), jnp.int32),
        pltpu.VMEM((C,), jnp.int32),
        pltpu.VMEM((C,), jnp.float32),
        pltpu.VMEM((C,), jnp.int32),
        pltpu.VMEM((C,), jnp.int32),
        pltpu.VMEM((C,), jnp.float32),
        pltpu.VMEM((C,), jnp.int32),
        pltpu.VMEM((C, D), jnp.float32),
        pltpu.VMEM((C, D), jnp.float32),
        pltpu.VMEM((C, D), jnp.float32),
        pltpu.VMEM((C, D), jnp.float32),
        pltpu.VMEM_SHARED((NP, D), jnp.float32),
        pltpu.SemaphoreType.DMA,
        pltpu.SemaphoreType.DMA,
        pltpu.SemaphoreType.DMA,
        pltpu.SemaphoreType.DMA,
        pltpu.SemaphoreType.DMA,
        pltpu.SemaphoreType.DMA,
    ],
    compiler_params=_sc_params,
)


def _prep_body(x_ref, nW_ref, nb_ref, W0_ref, b0_ref, deg16_ref,
               hl0_ref, dis_ref, dinv_ref):
    h = jnp.dot(x_ref[...], nW_ref[...],
                preferred_element_type=jnp.float32) + nb_ref[...]
    hl0_ref[...] = jnp.dot(h, W0_ref[...],
                           preferred_element_type=jnp.float32) + b0_ref[...]
    t = deg16_ref[...][:NP] + deg16_ref[...][NP:]
    deg = jnp.sum(t, axis=1, keepdims=True) * (1.0 / 16.0) + 1.0
    dis_ref[...] = lax.rsqrt(deg)
    dinv_ref[...] = (1.0 / deg)[:N]


_prep_call = pl.pallas_call(
    _prep_body,
    out_shape=[
        jax.ShapeDtypeStruct((N, D), jnp.float32),
        jax.ShapeDtypeStruct((NP, 1), jnp.float32),
        jax.ShapeDtypeStruct((N, 1), jnp.float32),
    ],
)


def _edge_body(ea_ref, eW_ref, eb_ref, o_ref):
    o_ref[...] = jnp.dot(ea_ref[...], eW_ref[...],
                         preferred_element_type=jnp.float32) + eb_ref[...]


BE = 6400
_edge_call = pl.pallas_call(
    _edge_body,
    grid=(E // BE,),
    in_specs=[
        pl.BlockSpec((BE, DE), lambda i: (i, 0)),
        pl.BlockSpec((DE, D), lambda i: (0, 0)),
        pl.BlockSpec((1, D), lambda i: (0, 0)),
    ],
    out_specs=pl.BlockSpec((BE, D), lambda i: (i, 0)),
    out_shape=jax.ShapeDtypeStruct((E, D), jnp.float32),
)


def _epi_body(agg2_ref, hl_ref, root_ref, dinv_ref, gamma_ref, beta_ref,
              *rest, act, nxt):
    a2 = agg2_ref[...]
    pre = (a2[:N] + a2[NP:NP + N]
           + jnp.maximum(hl_ref[...] + root_ref[...], 0.0) * dinv_ref[...])
    mean = jnp.mean(pre, axis=0, keepdims=True)
    var = jnp.mean(pre * pre, axis=0, keepdims=True) - mean * mean
    y = (pre - mean) * lax.rsqrt(var + 1e-5) * gamma_ref[...] + beta_ref[...]
    if act:
        y = jnp.maximum(y, 0.0)
    if nxt:
        Wn_ref, bn_ref, o_ref = rest
        o_ref[...] = jnp.dot(y, Wn_ref[...],
                             preferred_element_type=jnp.float32) + bn_ref[...]
    else:
        (o_ref,) = rest
        o_ref[...] = y


_epi_next_call = pl.pallas_call(
    functools.partial(_epi_body, act=True, nxt=True),
    out_shape=jax.ShapeDtypeStruct((N, D), jnp.float32),
)
_epi_last_call = pl.pallas_call(
    functools.partial(_epi_body, act=False, nxt=False),
    out_shape=jax.ShapeDtypeStruct((N, D), jnp.float32),
)


def kernel(x, edge_index, edge_attr, batch, node_W, node_b, W, b, eW, eb,
           root, gamma, beta):
    del batch
    row = edge_index[0]
    col = edge_index[1]

    deg16 = _deg_call(row)
    hl, dis, dinv = _prep_call(x, node_W, node_b[None, :], W[0], b[0][None, :],
                               deg16)
    norm = _norm_call(row, col, dis.reshape(NP))
    for l in range(L):
        e = _edge_call(edge_attr, eW[l], eb[l][None, :])
        agg2 = _msg_call(hl, e, row, col, norm)
        if l < L - 1:
            hl = _epi_next_call(agg2, hl, root[l][None, :], dinv,
                                gamma[l][None, :], beta[l][None, :],
                                W[l + 1], b[l + 1][None, :])
        else:
            out = _epi_last_call(agg2, hl, root[l][None, :], dinv,
                                 gamma[l][None, :], beta[l][None, :])
    return out

# --- scband reference (transcript-rebuilt; emitter-appended) ---
"""Pipeline reference for scband-gnn-node-53274774340067 (READ-ONLY COPY).

The authoritative reference and input builder live on the scoring server;
editing this copy changes nothing except your own understanding.
"""

import jax, jax.numpy as jnp
import numpy as np

N = 10000
E = 320000
D = 128
DE = 16
L = 3


def setup_inputs(seed: int = 0) -> dict:
    key = jax.random.key(seed)
    ks = jax.random.split(key, 16)
    x = jax.random.normal(ks[0], (N, D), dtype=jnp.float32)
    edge_index = jax.random.randint(ks[1], (2, E), 0, N, dtype=jnp.int32)
    edge_attr = jax.random.normal(ks[2], (E, DE), dtype=jnp.float32)
    batch = jnp.sort(jax.random.randint(ks[3], (N,), 0, 256, dtype=jnp.int32))
    s = 0.05
    node_W = jax.random.normal(ks[4], (D, D), dtype=jnp.float32) * s
    node_b = jnp.zeros((D,), dtype=jnp.float32)
    W = jax.random.normal(ks[5], (L, D, D), dtype=jnp.float32) * s
    b = jnp.zeros((L, D), dtype=jnp.float32)
    eW = jax.random.normal(ks[6], (L, DE, D), dtype=jnp.float32) * s
    eb = jnp.zeros((L, D), dtype=jnp.float32)
    root = jax.random.normal(ks[7], (L, D), dtype=jnp.float32) * s
    gamma = jnp.ones((L, D), dtype=jnp.float32)
    beta = jnp.zeros((L, D), dtype=jnp.float32)
    return {"x": x, "edge_index": edge_index, "edge_attr": edge_attr, "batch": batch,
            "node_W": node_W, "node_b": node_b, "W": W, "b": b, "eW": eW, "eb": eb,
            "root": root, "gamma": gamma, "beta": beta}


def reference(x, edge_index, edge_attr, batch, node_W, node_b, W, b, eW, eb, root, gamma, beta):
    # node encoder (Linear emb_dim -> emb_dim)
    h = x @ node_W + node_b
    row = edge_index[0]
    col = edge_index[1]
    n = h.shape[0]
    deg = jax.ops.segment_sum(jnp.ones((E,), dtype=h.dtype), row, num_segments=n) + 1.0
    deg_inv_sqrt = deg ** -0.5
    deg_inv_sqrt = jnp.where(jnp.isinf(deg_inv_sqrt), 0.0, deg_inv_sqrt)
    norm = deg_inv_sqrt[row] * deg_inv_sqrt[col]
    for l in range(L):
        hl = h @ W[l] + b[l]
        e = edge_attr @ eW[l] + eb[l]
        # message: norm * relu(x_j + edge_attr), x_j gathered at source (row)
        msg = norm[:, None] * jax.nn.relu(hl[row] + e)
        # aggregate (add) at target (col)
        agg = jax.ops.segment_sum(msg, col, num_segments=n)
        out = agg + jax.nn.relu(hl + root[l][None, :]) * (1.0 / deg[:, None])
        # BatchNorm1d (training-mode batch statistics)
        mean = jnp.mean(out, axis=0)
        var = jnp.var(out, axis=0)
        out = (out - mean) / jnp.sqrt(var + 1e-5) * gamma[l] + beta[l]
        # dropout with drop_ratio=0.0 is identity
        if l < L - 1:
            out = jax.nn.relu(out)
        h = out
    return h

if __name__ == "__main__":
    import jax
    _d = setup_inputs()
    print(jax.jit(kernel)(*tuple(_d.values())))

</pallas_src>

<mosaic_0001>
#map = affine_map<(d0, d1) -> (0, 0)>
#map1 = affine_map<(d0, d1) -> (0)>
module attributes {stable_mosaic.version = 14 : i64} {
  func.func @_msg_body(%arg0: i32, %arg1: i32, %arg2: memref<10000x128xf32, #tpu.memory_space<hbm>>, %arg3: memref<320000x128xf32, #tpu.memory_space<hbm>>, %arg4: memref<320000xi32, #tpu.memory_space<hbm>>, %arg5: memref<320000xi32, #tpu.memory_space<hbm>>, %arg6: memref<320000xf32, #tpu.memory_space<hbm>>, %arg7: memref<20480x128xf32, #tpu.memory_space<hbm>>, %arg8: memref<80xi32, #tpu.memory_space<vmem>>, %arg9: memref<80xi32, #tpu.memory_space<vmem>>, %arg10: memref<80xf32, #tpu.memory_space<vmem>>, %arg11: memref<80xi32, #tpu.memory_space<vmem>>, %arg12: memref<80xi32, #tpu.memory_space<vmem>>, %arg13: memref<80xf32, #tpu.memory_space<vmem>>, %arg14: memref<80xi32, #tpu.memory_space<vmem>>, %arg15: memref<80x128xf32, #tpu.memory_space<vmem>>, %arg16: memref<80x128xf32, #tpu.memory_space<vmem>>, %arg17: memref<80x128xf32, #tpu.memory_space<vmem>>, %arg18: memref<80x128xf32, #tpu.memory_space<vmem>>, %arg19: memref<10240x128xf32, #tpu.memory_space<vmem_shared>>, %arg20: memref<!tpu.dma_semaphore, #tpu.memory_space<semaphore_mem>>, %arg21: memref<!tpu.dma_semaphore, #tpu.memory_space<semaphore_mem>>, %arg22: memref<!tpu.dma_semaphore, #tpu.memory_space<semaphore_mem>>, %arg23: memref<!tpu.dma_semaphore, #tpu.memory_space<semaphore_mem>>, %arg24: memref<!tpu.dma_semaphore, #tpu.memory_space<semaphore_mem>>, %arg25: memref<!tpu.dma_semaphore, #tpu.memory_space<semaphore_mem>>) attributes {dimension_semantics = [#tpu.dimension_semantics<core_parallel>, #tpu.dimension_semantics<subcore_parallel>], iteration_bounds = array<i64: 2, 16>, scalar_prefetch = 0 : i64, scratch_operands = 18 : i64, tpu.core_type = #tpu.core_type<sc_vector_subcore>, window_params = [{transform_indices = #map}, {transform_indices = #map}, {transform_indices = #map1}, {transform_indices = #map1}, {transform_indices = #map1}, {transform_indices = #map}]} {
    %mul3A = arith.constant 2 : i32
    %mul3A_0 = arith.muli %arg1, %mul3A : i32
    %add3A = arith.addi %mul3A_0, %arg0 : i32
    %mul3A_1 = arith.constant 10000 : i32
    %mul3A_2 = arith.muli %add3A, %mul3A_1 : i32
    %mul3A_3 = arith.constant 10240 : i32
    %mul3A_4 = arith.muli %arg0, %mul3A_3 : i32
    %mul3A_5 = arith.constant 640 : i32
    %mul3A_6 = arith.muli %arg1, %mul3A_5 : i32
    %add3A_7 = arith.addi %mul3A_4, %mul3A_6 : i32
    %scan3A = arith.constant 0 : i32
    %scan3A_8 = arith.constant 0 : i32
    %scan3A_9 = arith.constant 80 : i32
    %scan3A_10 = arith.addi %scan3A_8, %scan3A_9 : i32
    %scan3A_11 = arith.constant 1 : i32
    %scan3A_12 = scf.for %scan3A_73 = %scan3A_8 to %scan3A_10 step %scan3A_11 iter_args(%scan3A_74 = %scan3A) -> (i32)  : i32 {
      %broadcast_in_dim3A = arith.constant 0.000000e+00 : f32
      %broadcast_in_dim3A_75 = vector.broadcast %broadcast_in_dim3A : f32 to vector<16xf32>
      %swap3A = arith.index_cast %scan3A_73 : i32 to index
      %swap3A_76 = arith.constant 0 : index
      %swap3A_77 = tpu.vector_load %arg16[%swap3A, %swap3A_76] {strides = array<i32>} : memref<80x128xf32, #tpu.memory_space<vmem>>, vector<16xf32>,
      tpu.vector_store %arg16[%swap3A, %swap3A_76], %broadcast_in_dim3A_75 {strides = array<i32>} : memref<80x128xf32, #tpu.memory_space<vmem>>, vector<16xf32>,
      %broadcast_in_dim3A_78 = arith.constant 0.000000e+00 : f32
      %broadcast_in_dim3A_79 = vector.broadcast %broadcast_in_dim3A_78 : f32 to vector<16xf32>
      %swap3A_80 = arith.index_cast %scan3A_73 : i32 to index
      %swap3A_81 = arith.constant 16 : index
      %swap3A_82 = tpu.vector_load %arg16[%swap3A_80, %swap3A_81] {strides = array<i32>} : memref<80x128xf32, #tpu.memory_space<vmem>>, vector<16xf32>,
      tpu.vector_store %arg16[%swap3A_80, %swap3A_81], %broadcast_in_dim3A_79 {strides = array<i32>} : memref<80x128xf32, #tpu.memory_space<vmem>>, vector<16xf32>,
      %broadcast_in_dim3A_83 = arith.constant 0.000000e+00 : f32
      %broadcast_in_dim3A_84 = vector.broadcast %broadcast_in_dim3A_83 : f32 to vector<16xf32>
      %swap3A_85 = arith.index_cast %scan3A_73 : i32 to index
      %swap3A_86 = arith.constant 32 : index
      %swap3A_87 = tpu.vector_load %arg16[%swap3A_85, %swap3A_86] {strides = array<i32>} : memref<80x128xf32, #tpu.memory_space<vmem>>, vector<16xf32>,
      tpu.vector_store %arg16[%swap3A_85, %swap3A_86], %broadcast_in_dim3A_84 {strides = array<i32>} : memref<80x128xf32, #tpu.memory_space<vmem>>, vector<16xf32>,
      %broadcast_in_dim3A_88 = arith.constant 0.000000e+00 : f32
      %broadcast_in_dim3A_89 = vector.broadcast %broadcast_in_dim3A_88 : f32 to vector<16xf32>
      %swap3A_90 = arith.index_cast %scan3A_73 : i32 to index
      %swap3A_91 = arith.constant 48 : index
      %swap3A_92 = tpu.vector_load %arg16[%swap3A_90, %swap3A_91] {strides = array<i32>} : memref<80x128xf32, #tpu.memory_space<vmem>>, vector<16xf32>,
      tpu.vector_store %arg16[%swap3A_90, %swap3A_91], %broadcast_in_dim3A_89 {strides = array<i32>} : memref<80x128xf32, #tpu.memory_space<vmem>>, vector<16xf32>,
      %broadcast_in_dim3A_93 = arith.constant 0.000000e+00 : f32
      %broadcast_in_dim3A_94 = vector.broadcast %broadcast_in_dim3A_93 : f32 to vector<16xf32>
      %swap3A_95 = arith.index_cast %scan3A_73 : i32 to index
      %swap3A_96 = arith.constant 64 : index
      %swap3A_97 = tpu.vector_load %arg16[%swap3A_95, %swap3A_96] {strides = array<i32>} : memref<80x128xf32, #tpu.memory_space<vmem>>, vector<16xf32>,
      tpu.vector_store %arg16[%swap3A_95, %swap3A_96], %broadcast_in_dim3A_94 {strides = array<i32>} : memref<80x128xf32, #tpu.memory_space<vmem>>, vector<16xf32>,
      %broadcast_in_dim3A_98 = arith.constant 0.000000e+00 : f32
      %broadcast_in_dim3A_99 = vector.broadcast %broadcast_in_dim3A_98 : f32 to vector<16xf32>
      %swap3A_100 = arith.index_cast %scan3A_73 : i32 to index
      %swap3A_101 = arith.constant 80 : index
      %swap3A_102 = tpu.vector_load %arg16[%swap3A_100, %swap3A_101] {strides = array<i32>} : memref<80x128xf32, #tpu.memory_space<vmem>>, vector<16xf32>,
      tpu.vector_store %arg16[%swap3A_100, %swap3A_101], %broadcast_in_dim3A_99 {strides = array<i32>} : memref<80x128xf32, #tpu.memory_space<vmem>>, vector<16xf32>,
      %broadcast_in_dim3A_103 = arith.constant 0.000000e+00 : f32
      %broadcast_in_dim3A_104 = vector.broadcast %broadcast_in_dim3A_103 : f32 to vector<16xf32>
      %swap3A_105 = arith.index_cast %scan3A_73 : i32 to index
      %swap3A_106 = arith.constant 96 : index
      %swap3A_107 = tpu.vector_load %arg16[%swap3A_105, %swap3A_106] {strides = array<i32>} : memref<80x128xf32, #tpu.memory_space<vmem>>, vector<16xf32>,
      tpu.vector_store %arg16[%swap3A_105, %swap3A_106], %broadcast_in_dim3A_104 {strides = array<i32>} : memref<80x128xf32, #tpu.memory_space<vmem>>, vector<16xf32>,
      %broadcast_in_dim3A_108 = arith.constant 0.000000e+00 : f32
      %broadcast_in_dim3A_109 = vector.broadcast %broadcast_in_dim3A_108 : f32 to vector<16xf32>
      %swap3A_110 = arith.index_cast %scan3A_73 : i32 to index
      %swap3A_111 = arith.constant 112 : index
      %swap3A_112 = tpu.vector_load %arg16[%swap3A_110, %swap3A_111] {strides = array<i32>} : memref<80x128xf32, #tpu.memory_space<vmem>>, vector<16xf32>,
      tpu.vector_store %arg16[%swap3A_110, %swap3A_111], %broadcast_in_dim3A_109 {strides = array<i32>} : memref<80x128xf32, #tpu.memory_space<vmem>>, vector<16xf32>,
      %scan3A_113 = arith.constant 0 : i32
      scf.yield %scan3A_113 : i32
    }
    %scan3A_13 = arith.constant 80 : i32
    %scan3A_14 = arith.constant 0 : i32
    %scan3A_15 = arith.constant 0 : i32
    %scan3A_16 = arith.constant 8 : i32
    %scan3A_17 = arith.addi %scan3A_15, %scan3A_16 : i32
    %scan3A_18 = arith.constant 1 : i32
    %scan3A_19 = scf.for %scan3A_73 = %scan3A_15 to %scan3A_17 step %scan3A_18 iter_args(%scan3A_74 = %scan3A_14) -> (i32)  : i32 {
      %mul3A_75 = arith.constant 640 : i32
      %mul3A_76 = arith.muli %arg1, %mul3A_75 : i32
      %mul3A_77 = arith.constant 80 : i32
      %mul3A_78 = arith.muli %scan3A_73, %mul3A_77 : i32
      %add3A_79 = arith.addi %mul3A_76, %mul3A_78 : i32
      %scan3A_80 = arith.constant 0 : i32
      %scan3A_81 = arith.constant 0 : i32
      %scan3A_82 = arith.constant 5 : i32
      %scan3A_83 = arith.addi %scan3A_81, %scan3A_82 : i32
      %scan3A_84 = arith.constant 1 : i32
      %scan3A_85 = scf.for %scan3A_88 = %scan3A_81 to %scan3A_83 step %scan3A_84 iter_args(%scan3A_89 = %scan3A_80) -> (i32)  : i32 {
        %iota3A = tpu.iota {dimensions = array<i32: 0>} : vector<16xi32>
        %mul3A_90 = arith.constant 16 : i32
        %mul3A_91 = arith.muli %scan3A_88, %mul3A_90 : i32
        %add3A_92 = vector.broadcast %mul3A_91 : i32 to vector<16xi32>
        %add3A_93 = arith.addi %iota3A, %add3A_92 : vector<16xi32>
        %add3A_94 = vector.broadcast %add3A_79 : i32 to vector<16xi32>
        %add3A_95 = arith.addi %add3A_93, %add3A_94 : vector<16xi32>
        %mul3A_96 = arith.constant 16 : i32
        %mul3A_97 = arith.muli %scan3A_88, %mul3A_96 : i32
        %swap3A = arith.index_cast %mul3A_97 : i32 to index
        %swap3A_98 = tpu.vector_load %arg14[%swap3A] {strides = array<i32>} : memref<80xi32, #tpu.memory_space<vmem>>, vector<16xi32>,
        tpu.vector_store %arg14[%swap3A], %add3A_95 {strides = array<i32>} : memref<80xi32, #tpu.memory_space<vmem>>, vector<16xi32>,
        %scan3A_99 = arith.constant 0 : i32
        scf.yield %scan3A_99 : i32
      }
      %scan3A_86 = arith.constant 5 : i32
      "tpu.region"() ({
        %run_scoped3A = tpu.sem_alloc : memref<!tpu.dma_semaphore, #tpu.memory_space<semaphore_mem>>
        %dma_start3A_88 = arith.constant 0 : i32
        %dma_start3A_89 = arith.constant 0 : i32
        %dma_start3A_90 = tpu.memref_slice %arg19[%dma_start3A_88, %dma_start3A_89] : memref<10240x128xf32, #tpu.memory_space<vmem_shared>> -> memref<10240x128xf32, #tpu.memory_space<vmem_shared>>
        tpu.enqueue_indirect_dma source(%arg16 : memref<80x128xf32, #tpu.memory_space<vmem>>) target(%dma_start3A_90 : memref<10240x128xf32, #tpu.memory_space<vmem_shared>>) offsets(%arg14 : memref<80xi32, #tpu.memory_space<vmem>>) semaphore(%run_scoped3A : memref<!tpu.dma_semaphore, #tpu.memory_space<semaphore_mem>>)
        %dma_wait3A_91 = arith.constant 0 : i32
        %dma_wait3A_92 = arith.constant 0 : i32
        %dma_wait3A_93 = tpu.memref_slice %arg19[%dma_wait3A_91, %dma_wait3A_92] : memref<10240x128xf32, #tpu.memory_space<vmem_shared>> -> memref<10240x128xf32, #tpu.memory_space<vmem_shared>>
        tpu.wait_indirect_dma semaphore(%run_scoped3A : memref<!tpu.dma_semaphore, #tpu.memory_space<semaphore_mem>>) src(%arg16 : memref<80x128xf32, #tpu.memory_space<vmem>>) dst(%dma_wait3A_93 : memref<10240x128xf32, #tpu.memory_space<vmem_shared>>)
        tpu.yield
      }) : () -> ()
      %scan3A_87 = arith.constant 0 : i32
      scf.yield %scan3A_87 : i32
    }
    %scan3A_20 = arith.constant 8 : i32
    %barrier3A = arith.constant 0 : index
    tpu.barrier barrier_id(%barrier3A)
    %add3A_21 = arith.constant 0 : i32
    %add3A_22 = arith.addi %mul3A_2, %add3A_21 : i32
    %dma_start3A = tpu.memref_slice %arg4[%add3A_22] : memref<320000xi32, #tpu.memory_space<hbm>> -> memref<80xi32, #tpu.memory_space<hbm>>
    %dma_start3A_23 = tpu.memref_slice %arg4[%add3A_22] : memref<320000xi32, #tpu.memory_space<hbm>> -> memref<80xi32, #tpu.memory_space<hbm>>
    tpu.enqueue_dma source(%dma_start3A_23 : memref<80xi32, #tpu.memory_space<hbm>>) target(%arg8 : memref<80xi32, #tpu.memory_space<vmem>>) target_semaphore(%arg24 : memref<!tpu.dma_semaphore, #tpu.memory_space<semaphore_mem>>)
    %dma_start3A_24 = tpu.memref_slice %arg5[%add3A_22] : memref<320000xi32, #tpu.memory_space<hbm>> -> memref<80xi32, #tpu.memory_space<hbm>>
    %dma_start3A_25 = tpu.memref_slice %arg5[%add3A_22] : memref<320000xi32, #tpu.memory_space<hbm>> -> memref<80xi32, #tpu.memory_space<hbm>>
    tpu.enqueue_dma source(%dma_start3A_25 : memref<80xi32, #tpu.memory_space<hbm>>) target(%arg9 : memref<80xi32, #tpu.memory_space<vmem>>) target_semaphore(%arg24 : memref<!tpu.dma_semaphore, #tpu.memory_space<semaphore_mem>>)
    %dma_start3A_26 = tpu.memref_slice %arg6[%add3A_22] : memref<320000xf32, #tpu.memory_space<hbm>> -> memref<80xf32, #tpu.memory_space<hbm>>
    %dma_start3A_27 = tpu.memref_slice %arg6[%add3A_22] : memref<320000xf32, #tpu.memory_space<hbm>> -> memref<80xf32, #tpu.memory_space<hbm>>
    tpu.enqueue_dma source(%dma_start3A_27 : memref<80xf32, #tpu.memory_space<hbm>>) target(%arg10 : memref<80xf32, #tpu.memory_space<vmem>>) target_semaphore(%arg24 : memref<!tpu.dma_semaphore, #tpu.memory_space<semaphore_mem>>)
    %dma_wait3A = tpu.memref_slice %arg4[%add3A_22] : memref<320000xi32, #tpu.memory_space<hbm>> -> memref<80xi32, #tpu.memory_space<hbm>>
    %dma_wait3A_28 = tpu.memref_slice %arg4[%add3A_22] : memref<320000xi32, #tpu.memory_space<hbm>> -> memref<80xi32, #tpu.memory_space<hbm>>
    tpu.wait_dma2 semaphore(%arg24 : memref<!tpu.dma_semaphore, #tpu.memory_space<semaphore_mem>>) src(%dma_wait3A_28 : memref<80xi32, #tpu.memory_space<hbm>>) dst(%arg8 : memref<80xi32, #tpu.memory_space<vmem>>)
    %dma_wait3A_29 = tpu.memref_slice %arg5[%add3A_22] : memref<320000xi32, #tpu.memory_space<hbm>> -> memref<80xi32, #tpu.memory_space<hbm>>
    %dma_wait3A_30 = tpu.memref_slice %arg5[%add3A_22] : memref<320000xi32, #tpu.memory_space<hbm>> -> memref<80xi32, #tpu.memory_space<hbm>>
    tpu.wait_dma2 semaphore(%arg24 : memref<!tpu.dma_semaphore, #tpu.memory_space<semaphore_mem>>) src(%dma_wait3A_30 : memref<80xi32, #tpu.memory_space<hbm>>) dst(%arg9 : memref<80xi32, #tpu.memory_space<vmem>>)
    %dma_wait3A_31 = tpu.memref_slice %arg6[%add3A_22] : memref<320000xf32, #tpu.memory_space<hbm>> -> memref<80xf32, #tpu.memory_space<hbm>>
    %dma_wait3A_32 = tpu.memref_slice %arg6[%add3A_22] : memref<320000xf32, #tpu.memory_space<hbm>> -> memref<80xf32, #tpu.memory_space<hbm>>
    tpu.wait_dma2 semaphore(%arg24 : memref<!tpu.dma_semaphore, #tpu.memory_space<semaphore_mem>>) src(%dma_wait3A_32 : memref<80xf32, #tpu.memory_space<hbm>>) dst(%arg10 : memref<80xf32, #tpu.memory_space<vmem>>)
    %dma_start3A_33 = arith.constant 0 : i32
    %dma_start3A_34 = arith.constant 0 : i32
    %dma_start3A_35 = tpu.memref_slice %arg2[%dma_start3A_33, %dma_start3A_34] : memref<10000x128xf32, #tpu.memory_space<hbm>> -> memref<10000x128xf32, #tpu.memory_space<hbm>>
    tpu.enqueue_indirect_dma source(%dma_start3A_35 : memref<10000x128xf32, #tpu.memory_space<hbm>>) target(%arg15 : memref<80x128xf32, #tpu.memory_space<vmem>>) offsets(%arg8 : memref<80xi32, #tpu.memory_space<vmem>>) semaphore(%arg20 : memref<!tpu.dma_semaphore, #tpu.memory_space<semaphore_mem>>)
    %add3A_36 = arith.constant 0 : i32
    %add3A_37 = arith.addi %mul3A_2, %add3A_36 : i32
    %dma_start3A_38 = arith.constant 0 : i32
    %dma_start3A_39 = tpu.memref_slice %arg3[%add3A_37, %dma_start3A_38] : memref<320000x128xf32, #tpu.memory_space<hbm>> -> memref<80x128xf32, #tpu.memory_space<hbm>>
    %dma_start3A_40 = arith.constant 0 : i32
    %dma_start3A_41 = tpu.memref_slice %arg3[%add3A_37, %dma_start3A_40] : memref<320000x128xf32, #tpu.memory_space<hbm>> -> memref<80x128xf32, #tpu.memory_space<hbm>>
    tpu.enqueue_dma source(%dma_start3A_41 : memref<80x128xf32, #tpu.memory_space<hbm>>) target(%arg16 : memref<80x128xf32, #tpu.memory_space<vmem>>) target_semaphore(%arg21 : memref<!tpu.dma_semaphore, #tpu.memory_space<semaphore_mem>>)
    %scan3A_42 = arith.constant 0 : i32
    %scan3A_43 = arith.constant 0 : i32
    %scan3A_44 = arith.constant 62 : i32
    %scan3A_45 = arith.addi %scan3A_43, %scan3A_44 : i32
    %scan3A_46 = arith.constant 1 : i32
    %scan3A_47 = scf.for %scan3A_73 = %scan3A_43 to %scan3A_45 step %scan3A_46 iter_args(%scan3A_74 = %scan3A_42) -> (i32)  : i32 {
      %mul3A_75 = arith.constant 2 : i32
      %mul3A_76 = arith.muli %mul3A_75, %scan3A_73 : i32
      %mul3A_77 = arith.constant 2 : i32
      %mul3A_78 = arith.muli %mul3A_77, %scan3A_73 : i32
      %add3A_79 = arith.constant 1 : i32
      %add3A_80 = arith.addi %mul3A_78, %add3A_79 : i32
      %mul3A_81 = arith.constant 80 : i32
      %mul3A_82 = arith.muli %add3A_80, %mul3A_81 : i32
      %add3A_83 = arith.addi %mul3A_2, %mul3A_82 : i32
      %dma_start3A_84 = tpu.memref_slice %arg4[%add3A_83] : memref<320000xi32, #tpu.memory_space<hbm>> -> memref<80xi32, #tpu.memory_space<hbm>>
      %dma_start3A_85 = tpu.memref_slice %arg4[%add3A_83] : memref<320000xi32, #tpu.memory_space<hbm>> -> memref<80xi32, #tpu.memory_space<hbm>>
      tpu.enqueue_dma source(%dma_start3A_85 : memref<80xi32, #tpu.memory_space<hbm>>) target(%arg11 : memref<80xi32, #tpu.memory_space<vmem>>) target_semaphore(%arg25 : memref<!tpu.dma_semaphore, #tpu.memory_space<semaphore_mem>>)
      %dma_start3A_86 = tpu.memref_slice %arg5[%add3A_83] : memref<320000xi32, #tpu.memory_space<hbm>> -> memref<80xi32, #tpu.memory_space<hbm>>
      %dma_start3A_87 = tpu.memref_slice %arg5[%add3A_83] : memref<320000xi32, #tpu.memory_space<hbm>> -> memref<80xi32, #tpu.memory_space<hbm>>
      tpu.enqueue_dma source(%dma_start3A_87 : memref<80xi32, #tpu.memory_space<hbm>>) target(%arg12 : memref<80xi32, #tpu.memory_space<vmem>>) target_semaphore(%arg25 : memref<!tpu.dma_semaphore, #tpu.memory_space<semaphore_mem>>)
      %dma_start3A_88 = tpu.memref_slice %arg6[%add3A_83] : memref<320000xf32, #tpu.memory_space<hbm>> -> memref<80xf32, #tpu.memory_space<hbm>>
      %dma_start3A_89 = tpu.memref_slice %arg6[%add3A_83] : memref<320000xf32, #tpu.memory_space<hbm>> -> memref<80xf32, #tpu.memory_space<hbm>>
      tpu.enqueue_dma source(%dma_start3A_89 : memref<80xf32, #tpu.memory_space<hbm>>) target(%arg13 : memref<80xf32, #tpu.memory_space<vmem>>) target_semaphore(%arg25 : memref<!tpu.dma_semaphore, #tpu.memory_space<semaphore_mem>>)
      %dma_wait3A_90 = tpu.memref_slice %arg4[%add3A_83] : memref<320000xi32, #tpu.memory_space<hbm>> -> memref<80xi32, #tpu.memory_space<hbm>>
      %dma_wait3A_91 = tpu.memref_slice %arg4[%add3A_83] : memref<320000xi32, #tpu.memory_space<hbm>> -> memref<80xi32, #tpu.memory_space<hbm>>
      tpu.wait_dma2 semaphore(%arg25 : memref<!tpu.dma_semaphore, #tpu.memory_space<semaphore_mem>>) src(%dma_wait3A_91 : memref<80xi32, #tpu.memory_space<hbm>>) dst(%arg11 : memref<80xi32, #tpu.memory_space<vmem>>)
      %dma_wait3A_92 = tpu.memref_slice %arg5[%add3A_83] : memref<320000xi32, #tpu.memory_space<hbm>> -> memref<80xi32, #tpu.memory_space<hbm>>
      %dma_wait3A_93 = tpu.memref_slice %arg5[%add3A_83] : memref<320000xi32, #tpu.memory_space<hbm>> -> memref<80xi32, #tpu.memory_space<hbm>>
      tpu.wait_dma2 semaphore(%arg25 : memref<!tpu.dma_semaphore, #tpu.memory_space<semaphore_mem>>) src(%dma_wait3A_93 : memref<80xi32, #tpu.memory_space<hbm>>) dst(%arg12 : memref<80xi32, #tpu.memory_space<vmem>>)
      %dma_wait3A_94 = tpu.memref_slice %arg6[%add3A_83] : memref<320000xf32, #tpu.memory_space<hbm>> -> memref<80xf32, #tpu.memory_space<hbm>>
      %dma_wait3A_95 = tpu.memref_slice %arg6[%add3A_83] : memref<320000xf32, #tpu.memory_space<hbm>> -> memref<80xf32, #tpu.memory_space<hbm>>
      tpu.wait_dma2 semaphore(%arg25 : memref<!tpu.dma_semaphore, #tpu.memory_space<semaphore_mem>>) src(%dma_wait3A_95 : memref<80xf32, #tpu.memory_space<hbm>>) dst(%arg13 : memref<80xf32, #tpu.memory_space<vmem>>)
      %dma_start3A_96 = arith.constant 0 : i32
      %dma_start3A_97 = arith.constant 0 : i32
      %dma_start3A_98 = tpu.memref_slice %arg2[%dma_start3A_96, %dma_start3A_97] : memref<10000x128xf32, #tpu.memory_space<hbm>> -> memref<10000x128xf32, #tpu.memory_space<hbm>>
      tpu.enqueue_indirect_dma source(%dma_start3A_98 : memref<10000x128xf32, #tpu.memory_space<hbm>>) target(%arg17 : memref<80x128xf32, #tpu.memory_space<vmem>>) offsets(%arg11 : memref<80xi32, #tpu.memory_space<vmem>>) semaphore(%arg22 : memref<!tpu.dma_semaphore, #tpu.memory_space<semaphore_mem>>)
      %mul3A_99 = arith.constant 80 : i32
      %mul3A_100 = arith.muli %add3A_80, %mul3A_99 : i32
      %add3A_101 = arith.addi %mul3A_2, %mul3A_100 : i32
      %dma_start3A_102 = arith.constant 0 : i32
      %dma_start3A_103 = tpu.memref_slice %arg3[%add3A_101, %dma_start3A_102] : memref<320000x128xf32, #tpu.memory_space<hbm>> -> memref<80x128xf32, #tpu.memory_space<hbm>>
      %dma_start3A_104 = arith.constant 0 : i32
      %dma_start3A_105 = tpu.memref_slice %arg3[%add3A_101, %dma_start3A_104] : memref<320000x128xf32, #tpu.memory_space<hbm>> -> memref<80x128xf32, #tpu.memory_space<hbm>>
      tpu.enqueue_dma source(%dma_start3A_105 : memref<80x128xf32, #tpu.memory_space<hbm>>) target(%arg18 : memref<80x128xf32, #tpu.memory_space<vmem>>) target_semaphore(%arg23 : memref<!tpu.dma_semaphore, #tpu.memory_space<semaphore_mem>>)
      %dma_wait3A_106 = arith.constant 0 : i32
      %dma_wait3A_107 = arith.constant 0 : i32
      %dma_wait3A_108 = tpu.memref_slice %arg2[%dma_wait3A_106, %dma_wait3A_107] : memref<10000x128xf32, #tpu.memory_space<hbm>> -> memref<10000x128xf32, #tpu.memory_space<hbm>>
      tpu.wait_indirect_dma semaphore(%arg20 : memref<!tpu.dma_semaphore, #tpu.memory_space<semaphore_mem>>) src(%dma_wait3A_108 : memref<10000x128xf32, #tpu.memory_space<hbm>>) dst(%arg15 : memref<80x128xf32, #tpu.memory_space<vmem>>)
      %dma_wait3A_109 = arith.constant 0 : i32
      %dma_wait3A_110 = arith.constant 0 : i32
      %dma_wait3A_111 = tpu.memref_slice %arg3[%dma_wait3A_109, %dma_wait3A_110] : memref<320000x128xf32, #tpu.memory_space<hbm>> -> memref<80x128xf32, #tpu.memory_space<hbm>>
      %dma_wait3A_112 = arith.constant 0 : i32
      %dma_wait3A_113 = arith.constant 0 : i32
      %dma_wait3A_114 = tpu.memref_slice %arg3[%dma_wait3A_112, %dma_wait3A_113] : memref<320000x128xf32, #tpu.memory_space<hbm>> -> memref<80x128xf32, #tpu.memory_space<hbm>>
      tpu.wait_dma2 semaphore(%arg21 : memref<!tpu.dma_semaphore, #tpu.memory_space<semaphore_mem>>) src(%dma_wait3A_114 : memref<80x128xf32, #tpu.memory_space<hbm>>) dst(%arg16 : memref<80x128xf32, #tpu.memory_space<vmem>>)
      %scan3A_115 = arith.constant 0 : i32
      %scan3A_116 = arith.constant 0 : i32
      %scan3A_117 = arith.constant 80 : i32
      %scan3A_118 = arith.addi %scan3A_116, %scan3A_117 : i32
      %scan3A_119 = arith.constant 1 : i32
      %scan3A_120 = scf.for %scan3A_139 = %scan3A_116 to %scan3A_118 step %scan3A_119 iter_args(%scan3A_140 = %scan3A_115) -> (i32)  : i32 {
        %broadcast_in_dim3A = vector.broadcast %scan3A_139 : i32 to vector<16xi32>
        %gather3A = tpu.vector_load_idx %arg10[%broadcast_in_dim3A] : memref<80xf32, #tpu.memory_space<vmem>>[vector<16xi32>], vector<16xf32>,
        %get3A = arith.index_cast %scan3A_139 : i32 to index
        %get3A_141 = arith.constant 0 : index
        %get3A_142 = tpu.vector_load %arg15[%get3A, %get3A_141] {strides = array<i32>} : memref<80x128xf32, #tpu.memory_space<vmem>>, vector<16xf32>,
        %get3A_143 = arith.index_cast %scan3A_139 : i32 to index
        %get3A_144 = arith.constant 0 : index
        %get3A_145 = tpu.vector_load %arg16[%get3A_143, %get3A_144] {strides = array<i32>} : memref<80x128xf32, #tpu.memory_space<vmem>>, vector<16xf32>,
        %add3A_146 = arith.addf %get3A_142, %get3A_145 : vector<16xf32>
        %max3A = arith.constant 0.000000e+00 : f32
        %max3A_147 = vector.broadcast %max3A : f32 to vector<16xf32>
        %max3A_148 = arith.maximumf %add3A_146, %max3A_147 : vector<16xf32>
        %mul3A_149 = arith.mulf %max3A_148, %gather3A : vector<16xf32>
        %swap3A = arith.index_cast %scan3A_139 : i32 to index
        %swap3A_150 = arith.constant 0 : index
        %swap3A_151 = tpu.vector_load %arg16[%swap3A, %swap3A_150] {strides = array<i32>} : memref<80x128xf32, #tpu.memory_space<vmem>>, vector<16xf32>,
        tpu.vector_store %arg16[%swap3A, %swap3A_150], %mul3A_149 {strides = array<i32>} : memref<80x128xf32, #tpu.memory_space<vmem>>, vector<16xf32>,
        %get3A_152 = arith.index_cast %scan3A_139 : i32 to index
        %get3A_153 = arith.constant 16 : index
        %get3A_154 = tpu.vector_load %arg15[%get3A_152, %get3A_153] {strides = array<i32>} : memref<80x128xf32, #tpu.memory_space<vmem>>, vector<16xf32>,
        %get3A_155 = arith.index_cast %scan3A_139 : i32 to index
        %get3A_156 = arith.constant 16 : index
        %get3A_157 = tpu.vector_load %arg16[%get3A_155, %get3A_156] {strides = array<i32>} : memref<80x128xf32, #tpu.memory_space<vmem>>, vector<16xf32>,
        %add3A_158 = arith.addf %get3A_154, %get3A_157 : vector<16xf32>
        %max3A_159 = arith.constant 0.000000e+00 : f32
        %max3A_160 = vector.broadcast %max3A_159 : f32 to vector<16xf32>
        %max3A_161 = arith.maximumf %add3A_158, %max3A_160 : vector<16xf32>
        %mul3A_162 = arith.mulf %max3A_161, %gather3A : vector<16xf32>
        %swap3A_163 = arith.index_cast %scan3A_139 : i32 to index
        %swap3A_164 = arith.constant 16 : index
        %swap3A_165 = tpu.vector_load %arg16[%swap3A_163, %swap3A_164] {strides = array<i32>} : memref<80x128xf32, #tpu.memory_space<vmem>>, vector<16xf32>,
        tpu.vector_store %arg16[%swap3A_163, %swap3A_164], %mul3A_162 {strides = array<i32>} : memref<80x128xf32, #tpu.memory_space<vmem>>, vector<16xf32>,
        %get3A_166 = arith.index_cast %scan3A_139 : i32 to index
        %get3A_167 = arith.constant 32 : index
        %get3A_168 = tpu.vector_load %arg15[%get3A_166, %get3A_167] {strides = array<i32>} : memref<80x128xf32, #tpu.memory_space<vmem>>, vector<16xf32>,
        %get3A_169 = arith.index_cast %scan3A_139 : i32 to index
        %get3A_170 = arith.constant 32 : index
        %get3A_171 = tpu.vector_load %arg16[%get3A_169, %get3A_170] {strides = array<i32>} : memref<80x128xf32, #tpu.memory_space<vmem>>, vector<16xf32>,
        %add3A_172 = arith.addf %get3A_168, %get3A_171 : vector<16xf32>
        %max3A_173 = arith.constant 0.000000e+00 : f32
        %max3A_174 = vector.broadcast %max3A_173 : f32 to vector<16xf32>
        %max3A_175 = arith.maximumf %add3A_172, %max3A_174 : vector<16xf32>
        %mul3A_176 = arith.mulf %max3A_175, %gather3A : vector<16xf32>
        %swap3A_177 = arith.index_cast %scan3A_139 : i32 to index
        %swap3A_178 = arith.constant 32 : index
        %swap3A_179 = tpu.vector_load %arg16[%swap3A_177, %swap3A_178] {strides = array<i32>} : memref<80x128xf32, #tpu.memory_space<vmem>>, vector<16xf32>,
        tpu.vector_store %arg16[%swap3A_177, %swap3A_178], %mul3A_176 {strides = array<i32>} : memref<80x128xf32, #tpu.memory_space<vmem>>, vector<16xf32>,
        %get3A_180 = arith.index_cast %scan3A_139 : i32 to index
        %get3A_181 = arith.constant 48 : index
        %get3A_182 = tpu.vector_load %arg15[%get3A_180, %get3A_181] {strides = array<i32>} : memref<80x128xf32, #tpu.memory_space<vmem>>, vector<16xf32>,
        %get3A_183 = arith.index_cast %scan3A_139 : i32 to index
        %get3A_184 = arith.constant 48 : index
        %get3A_185 = tpu.vector_load %arg16[%get3A_183, %get3A_184] {strides = array<i32>} : memref<80x128xf32, #tpu.memory_space<vmem>>, vector<16xf32>,
        %add3A_186 = arith.addf %get3A_182, %get3A_185 : vector<16xf32>
        %max3A_187 = arith.constant 0.000000e+00 : f32
        %max3A_188 = vector.broadcast %max3A_187 : f32 to vector<16xf32>
        %max3A_189 = arith.maximumf %add3A_186, %max3A_188 : vector<16xf32>
        %mul3A_190 = arith.mulf %max3A_189, %gather3A : vector<16xf32>
        %swap3A_191 = arith.index_cast %scan3A_139 : i32 to index
        %swap3A_192 = arith.constant 48 : index
        %swap3A_193 = tpu.vector_load %arg16[%swap3A_191, %swap3A_192] {strides = array<i32>} : memref<80x128xf32, #tpu.memory_space<vmem>>, vector<16xf32>,
        tpu.vector_store %arg16[%swap3A_191, %swap3A_192], %mul3A_190 {strides = array<i32>} : memref<80x128xf32, #tpu.memory_space<vmem>>, vector<16xf32>,
        %get3A_194 = arith.index_cast %scan3A_139 : i32 to index
        %get3A_195 = arith.constant 64 : index
        %get3A_196 = tpu.vector_load %arg15[%get3A_194, %get3A_195] {strides = array<i32>} : memref<80x128xf32, #tpu.memory_space<vmem>>, vector<16xf32>,
        %get3A_197 = arith.index_cast %scan3A_139 : i32 to index
        %get3A_198 = arith.constant 64 : index
        %get3A_199 = tpu.vector_load %arg16[%get3A_197, %get3A_198] {strides = array<i32>} : memref<80x128xf32, #tpu.memory_space<vmem>>, vector<16xf32>,
        %add3A_200 = arith.addf %get3A_196, %get3A_199 : vector<16xf32>
        %max3A_201 = arith.constant 0.000000e+00 : f32
        %max3A_202 = vector.broadcast %max3A_201 : f32 to vector<16xf32>
        %max3A_203 = arith.maximumf %add3A_200, %max3A_202 : vector<16xf32>
        %mul3A_204 = arith.mulf %max3A_203, %gather3A : vector<16xf32>
        %swap3A_205 = arith.index_cast %scan3A_139 : i32 to index
        %swap3A_206 = arith.constant 64 : index
        %swap3A_207 = tpu.vector_load %arg16[%swap3A_205, %swap3A_206] {strides = array<i32>} : memref<80x128xf32, #tpu.memory_space<vmem>>, vector<16xf32>,
        tpu.vector_store %arg16[%swap3A_205, %swap3A_206], %mul3A_204 {strides = array<i32>} : memref<80x128xf32, #tpu.memory_space<vmem>>, vector<16xf32>,
        %get3A_208 = arith.index_cast %scan3A_139 : i32 to index
        %get3A_209 = arith.constant 80 : index
        %get3A_210 = tpu.vector_load %arg15[%get3A_208, %get3A_209] {strides = array<i32>} : memref<80x128xf32, #tpu.memory_space<vmem>>, vector<16xf32>,
        %get3A_211 = arith.index_cast %scan3A_139 : i32 to index
        %get3A_212 = arith.constant 80 : index
        %get3A_213 = tpu.vector_load %arg16[%get3A_211, %get3A_212] {strides = array<i32>} : memref<80x128xf32, #tpu.memory_space<vmem>>, vector<16xf32>,
        %add3A_214 = arith.addf %get3A_210, %get3A_213 : vector<16xf32>
        %max3A_215 = arith.constant 0.000000e+00 : f32
        %max3A_216 = vector.broadcast %max3A_215 : f32 to vector<16xf32>
        %max3A_217 = arith.maximumf %add3A_214, %max3A_216 : vector<16xf32>
        %mul3A_218 = arith.mulf %max3A_217, %gather3A : vector<16xf32>
        %swap3A_219 = arith.index_cast %scan3A_139 : i32 to index
        %swap3A_220 = arith.constant 80 : index
        %swap3A_221 = tpu.vector_load %arg16[%swap3A_219, %swap3A_220] {strides = array<i32>} : memref<80x128xf32, #tpu.memory_space<vmem>>, vector<16xf32>,
        tpu.vector_store %arg16[%swap3A_219, %swap3A_220], %mul3A_218 {strides = array<i32>} : memref<80x128xf32, #tpu.memory_space<vmem>>, vector<16xf32>,
        %get3A_222 = arith.index_cast %scan3A_139 : i32 to index
        %get3A_223 = arith.constant 96 : index
        %get3A_224 = tpu.vector_load %arg15[%get3A_222, %get3A_223] {strides = array<i32>} : memref<80x128xf32, #tpu.memory_space<vmem>>, vector<16xf32>,
        %get3A_225 = arith.index_cast %scan3A_139 : i32 to index
        %get3A_226 = arith.constant 96 : index
        %get3A_227 = tpu.vector_load %arg16[%get3A_225, %get3A_226] {strides = array<i32>} : memref<80x128xf32, #tpu.memory_space<vmem>>, vector<16xf32>,
        %add3A_228 = arith.addf %get3A_224, %get3A_227 : vector<16xf32>
        %max3A_229 = arith.constant 0.000000e+00 : f32
        %max3A_230 = vector.broadcast %max3A_229 : f32 to vector<16xf32>
        %max3A_231 = arith.maximumf %add3A_228, %max3A_230 : vector<16xf32>
        %mul3A_232 = arith.mulf %max3A_231, %gather3A : vector<16xf32>
        %swap3A_233 = arith.index_cast %scan3A_139 : i32 to index
        %swap3A_234 = arith.constant 96 : index
        %swap3A_235 = tpu.vector_load %arg16[%swap3A_233, %swap3A_234] {strides = array<i32>} : memref<80x128xf32, #tpu.memory_space<vmem>>, vector<16xf32>,
        tpu.vector_store %arg16[%swap3A_233, %swap3A_234], %mul3A_232 {strides = array<i32>} : memref<80x128xf32, #tpu.memory_space<vmem>>, vector<16xf32>,
        %get3A_236 = arith.index_cast %scan3A_139 : i32 to index
        %get3A_237 = arith.constant 112 : index
        %get3A_238 = tpu.vector_load %arg15[%get3A_236, %get3A_237] {strides = array<i32>} : memref<80x128xf32, #tpu.memory_space<vmem>>, vector<16xf32>,
        %get3A_239 = arith.index_cast %scan3A_139 : i32 to index
        %get3A_240 = arith.constant 112 : index
        %get3A_241 = tpu.vector_load %arg16[%get3A_239, %get3A_240] {strides = array<i32>} : memref<80x128xf32, #tpu.memory_space<vmem>>, vector<16xf32>,
        %add3A_242 = arith.addf %get3A_238, %get3A_241 : vector<16xf32>
        %max3A_243 = arith.constant 0.000000e+00 : f32
        %max3A_244 = vector.broadcast %max3A_243 : f32 to vector<16xf32>
        %max3A_245 = arith.maximumf %add3A_242, %max3A_244 : vector<16xf32>
        %mul3A_246 = arith.mulf %max3A_245, %gather3A : vector<16xf32>
        %swap3A_247 = arith.index_cast %scan3A_139 : i32 to index
        %swap3A_248 = arith.constant 112 : index
        %swap3A_249 = tpu.vector_load %arg16[%swap3A_247, %swap3A_248] {strides = array<i32>} : memref<80x128xf32, #tpu.memory_space<vmem>>, vector<16xf32>,
        tpu.vector_store %arg16[%swap3A_247, %swap3A_248], %mul3A_246 {strides = array<i32>} : memref<80x128xf32, #tpu.memory_space<vmem>>, vector<16xf32>,
        %scan3A_250 = arith.constant 0 : i32
        scf.yield %scan3A_250 : i32
      }
      %scan3A_121 = arith.constant 80 : i32
      "tpu.region"() ({
        %run_scoped3A = tpu.sem_alloc : memref<!tpu.dma_semaphore, #tpu.memory_space<semaphore_mem>>
        %dma_start3A_139 = arith.constant 0 : i32
        %dma_start3A_140 = arith.constant 0 : i32
        %dma_start3A_141 = tpu.memref_slice %arg19[%dma_start3A_139, %dma_start3A_140] : memref<10240x128xf32, #tpu.memory_space<vmem_shared>> -> memref<10240x128xf32, #tpu.memory_space<vmem_shared>>
        tpu.enqueue_indirect_dma source(%arg16 : memref<80x128xf32, #tpu.memory_space<vmem>>) target(%dma_start3A_141 : memref<10240x128xf32, #tpu.memory_space<vmem_shared>>) offsets(%arg9 : memref<80xi32, #tpu.memory_space<vmem>>) semaphore(%run_scoped3A : memref<!tpu.dma_semaphore, #tpu.memory_space<semaphore_mem>>) {add = true}
        %dma_wait3A_142 = arith.constant 0 : i32
        %dma_wait3A_143 = arith.constant 0 : i32
        %dma_wait3A_144 = tpu.memref_slice %arg19[%dma_wait3A_142, %dma_wait3A_143] : memref<10240x128xf32, #tpu.memory_space<vmem_shared>> -> memref<10240x128xf32, #tpu.memory_space<vmem_shared>>
        tpu.wait_indirect_dma semaphore(%run_scoped3A : memref<!tpu.dma_semaphore, #tpu.memory_space<semaphore_mem>>) src(%arg16 : memref<80x128xf32, #tpu.memory_space<vmem>>) dst(%dma_wait3A_144 : memref<10240x128xf32, #tpu.memory_space<vmem_shared>>)
        tpu.yield
      }) : () -> ()
      %lt3A = arith.constant 62 : i32
      %lt3A_122 = arith.cmpi slt, %scan3A_73, %lt3A : i32
      %convert_element_type3A = arith.extui %lt3A_122 : i1 to i32
      %cond3A = arith.constant 0 : i32
      %cond3A_123 = arith.cmpi ne, %convert_element_type3A, %cond3A : i32
      scf.if %cond3A_123 {
        %add3A_139 = arith.constant 2 : i32
        %add3A_140 = arith.addi %mul3A_76, %add3A_139 : i32
        %mul3A_141 = arith.constant 80 : i32
        %mul3A_142 = arith.muli %add3A_140, %mul3A_141 : i32
        %add3A_143 = arith.addi %mul3A_2, %mul3A_142 : i32
        %dma_start3A_144 = tpu.memref_slice %arg4[%add3A_143] : memref<320000xi32, #tpu.memory_space<hbm>> -> memref<80xi32, #tpu.memory_space<hbm>>
        %dma_start3A_145 = tpu.memref_slice %arg4[%add3A_143] : memref<320000xi32, #tpu.memory_space<hbm>> -> memref<80xi32, #tpu.memory_space<hbm>>
        tpu.enqueue_dma source(%dma_start3A_145 : memref<80xi32, #tpu.memory_space<hbm>>) target(%arg8 : memref<80xi32, #tpu.memory_space<vmem>>) target_semaphore(%arg24 : memref<!tpu.dma_semaphore, #tpu.memory_space<semaphore_mem>>)
        %dma_start3A_146 = tpu.memref_slice %arg5[%add3A_143] : memref<320000xi32, #tpu.memory_space<hbm>> -> memref<80xi32, #tpu.memory_space<hbm>>
        %dma_start3A_147 = tpu.memref_slice %arg5[%add3A_143] : memref<320000xi32, #tpu.memory_space<hbm>> -> memref<80xi32, #tpu.memory_space<hbm>>
        tpu.enqueue_dma source(%dma_start3A_147 : memref<80xi32, #tpu.memory_space<hbm>>) target(%arg9 : memref<80xi32, #tpu.memory_space<vmem>>) target_semaphore(%arg24 : memref<!tpu.dma_semaphore, #tpu.memory_space<semaphore_mem>>)
        %dma_start3A_148 = tpu.memref_slice %arg6[%add3A_143] : memref<320000xf32, #tpu.memory_space<hbm>> -> memref<80xf32, #tpu.memory_space<hbm>>
        %dma_start3A_149 = tpu.memref_slice %arg6[%add3A_143] : memref<320000xf32, #tpu.memory_space<hbm>> -> memref<80xf32, #tpu.memory_space<hbm>>
        tpu.enqueue_dma source(%dma_start3A_149 : memref<80xf32, #tpu.memory_space<hbm>>) target(%arg10 : memref<80xf32, #tpu.memory_space<vmem>>) target_semaphore(%arg24 : memref<!tpu.dma_semaphore, #tpu.memory_space<semaphore_mem>>)
        %dma_wait3A_150 = tpu.memref_slice %arg4[%add3A_143] : memref<320000xi32, #tpu.memory_space<hbm>> -> memref<80xi32, #tpu.memory_space<hbm>>
        %dma_wait3A_151 = tpu.memref_slice %arg4[%add3A_143] : memref<320000xi32, #tpu.memory_space<hbm>> -> memref<80xi32, #tpu.memory_space<hbm>>
        tpu.wait_dma2 semaphore(%arg24 : memref<!tpu.dma_semaphore, #tpu.memory_space<semaphore_mem>>) src(%dma_wait3A_151 : memref<80xi32, #tpu.memory_space<hbm>>) dst(%arg8 : memref<80xi32, #tpu.memory_space<vmem>>)
        %dma_wait3A_152 = tpu.memref_slice %arg5[%add3A_143] : memref<320000xi32, #tpu.memory_space<hbm>> -> memref<80xi32, #tpu.memory_space<hbm>>
        %dma_wait3A_153 = tpu.memref_slice %arg5[%add3A_143] : memref<320000xi32, #tpu.memory_space<hbm>> -> memref<80xi32, #tpu.memory_space<hbm>>
        tpu.wait_dma2 semaphore(%arg24 : memref<!tpu.dma_semaphore, #tpu.memory_space<semaphore_mem>>) src(%dma_wait3A_153 : memref<80xi32, #tpu.memory_space<hbm>>) dst(%arg9 : memref<80xi32, #tpu.memory_space<vmem>>)
        %dma_wait3A_154 = tpu.memref_slice %arg6[%add3A_143] : memref<320000xf32, #tpu.memory_space<hbm>> -> memref<80xf32, #tpu.memory_space<hbm>>
        %dma_wait3A_155 = tpu.memref_slice %arg6[%add3A_143] : memref<320000xf32, #tpu.memory_space<hbm>> -> memref<80xf32, #tpu.memory_space<hbm>>
        tpu.wait_dma2 semaphore(%arg24 : memref<!tpu.dma_semaphore, #tpu.memory_space<semaphore_mem>>) src(%dma_wait3A_155 : memref<80xf32, #tpu.memory_space<hbm>>) dst(%arg10 : memref<80xf32, #tpu.memory_space<vmem>>)
        %add3A_156 = arith.constant 2 : i32
        %add3A_157 = arith.addi %mul3A_76, %add3A_156 : i32
        %dma_start3A_158 = arith.constant 0 : i32
        %dma_start3A_159 = arith.constant 0 : i32
        %dma_start3A_160 = tpu.memref_slice %arg2[%dma_start3A_158, %dma_start3A_159] : memref<10000x128xf32, #tpu.memory_space<hbm>> -> memref<10000x128xf32, #tpu.memory_space<hbm>>
        tpu.enqueue_indirect_dma source(%dma_start3A_160 : memref<10000x128xf32, #tpu.memory_space<hbm>>) target(%arg15 : memref<80x128xf32, #tpu.memory_space<vmem>>) offsets(%arg8 : memref<80xi32, #tpu.memory_space<vmem>>) semaphore(%arg20 : memref<!tpu.dma_semaphore, #tpu.memory_space<semaphore_mem>>)
        %mul3A_161 = arith.constant 80 : i32
        %mul3A_162 = arith.muli %add3A_157, %mul3A_161 : i32
        %add3A_163 = arith.addi %mul3A_2, %mul3A_162 : i32
        %dma_start3A_164 = arith.constant 0 : i32
        %dma_start3A_165 = tpu.memref_slice %arg3[%add3A_163, %dma_start3A_164] : memref<320000x128xf32, #tpu.memory_space<hbm>> -> memref<80x128xf32, #tpu.memory_space<hbm>>
        %dma_start3A_166 = arith.constant 0 : i32
        %dma_start3A_167 = tpu.memref_slice %arg3[%add3A_163, %dma_start3A_166] : memref<320000x128xf32, #tpu.memory_space<hbm>> -> memref<80x128xf32, #tpu.memory_space<hbm>>
        tpu.enqueue_dma source(%dma_start3A_167 : memref<80x128xf32, #tpu.memory_space<hbm>>) target(%arg16 : memref<80x128xf32, #tpu.memory_space<vmem>>) target_semaphore(%arg21 : memref<!tpu.dma_semaphore, #tpu.memory_space<semaphore_mem>>)
      } else {
      }
      %dma_wait3A_124 = arith.constant 0 : i32
      %dma_wait3A_125 = arith.constant 0 : i32
      %dma_wait3A_126 = tpu.memref_slice %arg2[%dma_wait3A_124, %dma_wait3A_125] : memref<10000x128xf32, #tpu.memory_space<hbm>> -> memref<10000x128xf32, #tpu.memory_space<hbm>>
      tpu.wait_indirect_dma semaphore(%arg22 : memref<!tpu.dma_semaphore, #tpu.memory_space<semaphore_mem>>) src(%dma_wait3A_126 : memref<10000x128xf32, #tpu.memory_space<hbm>>) dst(%arg17 : memref<80x128xf32, #tpu.memory_space<vmem>>)
      %dma_wait3A_127 = arith.constant 0 : i32
      %dma_wait3A_128 = tpu.memref_slice %arg3[%add3A_101, %dma_wait3A_127] : memref<320000x128xf32, #tpu.memory_space<hbm>> -> memref<80x128xf32, #tpu.memory_space<hbm>>
      %dma_wait3A_129 = arith.constant 0 : i32
      %dma_wait3A_130 = tpu.memref_slice %arg3[%add3A_101, %dma_wait3A_129] : memref<320000x128xf32, #tpu.memory_space<hbm>> -> memref<80x128xf32, #tpu.memory_space<hbm>>
      tpu.wait_dma2 semaphore(%arg23 : memref<!tpu.dma_semaphore, #tpu.memory_space<semaphore_mem>>) src(%dma_wait3A_130 : memref<80x128xf32, #tpu.memory_space<hbm>>) dst(%arg18 : memref<80x128xf32, #tpu.memory_space<vmem>>)
      %scan3A_131 = arith.constant 0 : i32
      %scan3A_132 = arith.constant 0 : i32
      %scan3A_133 = arith.constant 80 : i32
      %scan3A_134 = arith.addi %scan3A_132, %scan3A_133 : i32
      %scan3A_135 = arith.constant 1 : i32
      %scan3A_136 = scf.for %scan3A_139 = %scan3A_132 to %scan3A_134 step %scan3A_135 iter_args(%scan3A_140 = %scan3A_131) -> (i32)  : i32 {
        %broadcast_in_dim3A = vector.broadcast %scan3A_139 : i32 to vector<16xi32>
        %gather3A = tpu.vector_load_idx %arg13[%broadcast_in_dim3A] : memref<80xf32, #tpu.memory_space<vmem>>[vector<16xi32>], vector<16xf32>,
        %get3A = arith.index_cast %scan3A_139 : i32 to index
        %get3A_141 = arith.constant 0 : index
        %get3A_142 = tpu.vector_load %arg17[%get3A, %get3A_141] {strides = array<i32>} : memref<80x128xf32, #tpu.memory_space<vmem>>, vector<16xf32>,
        %get3A_143 = arith.index_cast %scan3A_139 : i32 to index
        %get3A_144 = arith.constant 0 : index
        %get3A_145 = tpu.vector_load %arg18[%get3A_143, %get3A_144] {strides = array<i32>} : memref<80x128xf32, #tpu.memory_space<vmem>>, vector<16xf32>,
        %add3A_146 = arith.addf %get3A_142, %get3A_145 : vector<16xf32>
        %max3A = arith.constant 0.000000e+00 : f32
        %max3A_147 = vector.broadcast %max3A : f32 to vector<16xf32>
        %max3A_148 = arith.maximumf %add3A_146, %max3A_147 : vector<16xf32>
        %mul3A_149 = arith.mulf %max3A_148, %gather3A : vector<16xf32>
        %swap3A = arith.index_cast %scan3A_139 : i32 to index
        %swap3A_150 = arith.constant 0 : index
        %swap3A_151 = tpu.vector_load %arg18[%swap3A, %swap3A_150] {strides = array<i32>} : memref<80x128xf32, #tpu.memory_space<vmem>>, vector<16xf32>,
        tpu.vector_store %arg18[%swap3A, %swap3A_150], %mul3A_149 {strides = array<i32>} : memref<80x128xf32, #tpu.memory_space<vmem>>, vector<16xf32>,
        %get3A_152 = arith.index_cast %scan3A_139 : i32 to index
        %get3A_153 = arith.constant 16 : index
        %get3A_154 = tpu.vector_load %arg17[%get3A_152, %get3A_153] {strides = array<i32>} : memref<80x128xf32, #tpu.memory_space<vmem>>, vector<16xf32>,
        %get3A_155 = arith.index_cast %scan3A_139 : i32 to index
        %get3A_156 = arith.constant 16 : index
        %get3A_157 = tpu.vector_load %arg18[%get3A_155, %get3A_156] {strides = array<i32>} : memref<80x128xf32, #tpu.memory_space<vmem>>, vector<16xf32>,
        %add3A_158 = arith.addf %get3A_154, %get3A_157 : vector<16xf32>
        %max3A_159 = arith.constant 0.000000e+00 : f32
        %max3A_160 = vector.broadcast %max3A_159 : f32 to vector<16xf32>
        %max3A_161 = arith.maximumf %add3A_158, %max3A_160 : vector<16xf32>
        %mul3A_162 = arith.mulf %max3A_161, %gather3A : vector<16xf32>
        %swap3A_163 = arith.index_cast %scan3A_139 : i32 to index
        %swap3A_164 = arith.constant 16 : index
        %swap3A_165 = tpu.vector_load %arg18[%swap3A_163, %swap3A_164] {strides = array<i32>} : memref<80x128xf32, #tpu.memory_space<vmem>>, vector<16xf32>,
        tpu.vector_store %arg18[%swap3A_163, %swap3A_164], %mul3A_162 {strides = array<i32>} : memref<80x128xf32, #tpu.memory_space<vmem>>, vector<16xf32>,
        %get3A_166 = arith.index_cast %scan3A_139 : i32 to index
        %get3A_167 = arith.constant 32 : index
        %get3A_168 = tpu.vector_load %arg17[%get3A_166, %get3A_167] {strides = array<i32>} : memref<80x128xf32, #tpu.memory_space<vmem>>, vector<16xf32>,
        %get3A_169 = arith.index_cast %scan3A_139 : i32 to index
        %get3A_170 = arith.constant 32 : index
        %get3A_171 = tpu.vector_load %arg18[%get3A_169, %get3A_170] {strides = array<i32>} : memref<80x128xf32, #tpu.memory_space<vmem>>, vector<16xf32>,
        %add3A_172 = arith.addf %get3A_168, %get3A_171 : vector<16xf32>
        %max3A_173 = arith.constant 0.000000e+00 : f32
        %max3A_174 = vector.broadcast %max3A_173 : f32 to vector<16xf32>
        %max3A_175 = arith.maximumf %add3A_172, %max3A_174 : vector<16xf32>
        %mul3A_176 = arith.mulf %max3A_175, %gather3A : vector<16xf32>
        %swap3A_177 = arith.index_cast %scan3A_139 : i32 to index
        %swap3A_178 = arith.constant 32 : index
        %swap3A_179 = tpu.vector_load %arg18[%swap3A_177, %swap3A_178] {strides = array<i32>} : memref<80x128xf32, #tpu.memory_space<vmem>>, vector<16xf32>,
        tpu.vector_store %arg18[%swap3A_177, %swap3A_178], %mul3A_176 {strides = array<i32>} : memref<80x128xf32, #tpu.memory_space<vmem>>, vector<16xf32>,
        %get3A_180 = arith.index_cast %scan3A_139 : i32 to index
        %get3A_181 = arith.constant 48 : index
        %get3A_182 = tpu.vector_load %arg17[%get3A_180, %get3A_181] {strides = array<i32>} : memref<80x128xf32, #tpu.memory_space<vmem>>, vector<16xf32>,
        %get3A_183 = arith.index_cast %scan3A_139 : i32 to index
        %get3A_184 = arith.constant 48 : index
        %get3A_185 = tpu.vector_load %arg18[%get3A_183, %get3A_184] {strides = array<i32>} : memref<80x128xf32, #tpu.memory_space<vmem>>, vector<16xf32>,
        %add3A_186 = arith.addf %get3A_182, %get3A_185 : vector<16xf32>
        %max3A_187 = arith.constant 0.000000e+00 : f32
        %max3A_188 = vector.broadcast %max3A_187 : f32 to vector<16xf32>
        %max3A_189 = arith.maximumf %add3A_186, %max3A_188 : vector<16xf32>
        %mul3A_190 = arith.mulf %max3A_189, %gather3A : vector<16xf32>
        %swap3A_191 = arith.index_cast %scan3A_139 : i32 to index
        %swap3A_192 = arith.constant 48 : index
        %swap3A_193 = tpu.vector_load %arg18[%swap3A_191, %swap3A_192] {strides = array<i32>} : memref<80x128xf32, #tpu.memory_space<vmem>>, vector<16xf32>,
        tpu.vector_store %arg18[%swap3A_191, %swap3A_192], %mul3A_190 {strides = array<i32>} : memref<80x128xf32, #tpu.memory_space<vmem>>, vector<16xf32>,
        %get3A_194 = arith.index_cast %scan3A_139 : i32 to index
        %get3A_195 = arith.constant 64 : index
        %get3A_196 = tpu.vector_load %arg17[%get3A_194, %get3A_195] {strides = array<i32>} : memref<80x128xf32, #tpu.memory_space<vmem>>, vector<16xf32>,
        %get3A_197 = arith.index_cast %scan3A_139 : i32 to index
        %get3A_198 = arith.constant 64 : index
        %get3A_199 = tpu.vector_load %arg18[%get3A_197, %get3A_198] {strides = array<i32>} : memref<80x128xf32, #tpu.memory_space<vmem>>, vector<16xf32>,
        %add3A_200 = arith.addf %get3A_196, %get3A_199 : vector<16xf32>
        %max3A_201 = arith.constant 0.000000e+00 : f32
        %max3A_202 = vector.broadcast %max3A_201 : f32 to vector<16xf32>
        %max3A_203 = arith.maximumf %add3A_200, %max3A_202 : vector<16xf32>
        %mul3A_204 = arith.mulf %max3A_203, %gather3A : vector<16xf32>
        %swap3A_205 = arith.index_cast %scan3A_139 : i32 to index
        %swap3A_206 = arith.constant 64 : index
        %swap3A_207 = tpu.vector_load %arg18[%swap3A_205, %swap3A_206] {strides = array<i32>} : memref<80x128xf32, #tpu.memory_space<vmem>>, vector<16xf32>,
        tpu.vector_store %arg18[%swap3A_205, %swap3A_206], %mul3A_204 {strides = array<i32>} : memref<80x128xf32, #tpu.memory_space<vmem>>, vector<16xf32>,
        %get3A_208 = arith.index_cast %scan3A_139 : i32 to index
        %get3A_209 = arith.constant 80 : index
        %get3A_210 = tpu.vector_load %arg17[%get3A_208, %get3A_209] {strides = array<i32>} : memref<80x128xf32, #tpu.memory_space<vmem>>, vector<16xf32>,
        %get3A_211 = arith.index_cast %scan3A_139 : i32 to index
        %get3A_212 = arith.constant 80 : index
        %get3A_213 = tpu.vector_load %arg18[%get3A_211, %get3A_212] {strides = array<i32>} : memref<80x128xf32, #tpu.memory_space<vmem>>, vector<16xf32>,
        %add3A_214 = arith.addf %get3A_210, %get3A_213 : vector<16xf32>
        %max3A_215 = arith.constant 0.000000e+00 : f32
        %max3A_216 = vector.broadcast %max3A_215 : f32 to vector<16xf32>
        %max3A_217 = arith.maximumf %add3A_214, %max3A_216 : vector<16xf32>
        %mul3A_218 = arith.mulf %max3A_217, %gather3A : vector<16xf32>
        %swap3A_219 = arith.index_cast %scan3A_139 : i32 to index
        %swap3A_220 = arith.constant 80 : index
        %swap3A_221 = tpu.vector_load %arg18[%swap3A_219, %swap3A_220] {strides = array<i32>} : memref<80x128xf32, #tpu.memory_space<vmem>>, vector<16xf32>,
        tpu.vector_store %arg18[%swap3A_219, %swap3A_220], %mul3A_218 {strides = array<i32>} : memref<80x128xf32, #tpu.memory_space<vmem>>, vector<16xf32>,
        %get3A_222 = arith.index_cast %scan3A_139 : i32 to index
        %get3A_223 = arith.constant 96 : index
        %get3A_224 = tpu.vector_load %arg17[%get3A_222, %get3A_223] {strides = array<i32>} : memref<80x128xf32, #tpu.memory_space<vmem>>, vector<16xf32>,
        %get3A_225 = arith.index_cast %scan3A_139 : i32 to index
        %get3A_226 = arith.constant 96 : index
        %get3A_227 = tpu.vector_load %arg18[%get3A_225, %get3A_226] {strides = array<i32>} : memref<80x128xf32, #tpu.memory_space<vmem>>, vector<16xf32>,
        %add3A_228 = arith.addf %get3A_224, %get3A_227 : vector<16xf32>
        %max3A_229 = arith.constant 0.000000e+00 : f32
        %max3A_230 = vector.broadcast %max3A_229 : f32 to vector<16xf32>
        %max3A_231 = arith.maximumf %add3A_228, %max3A_230 : vector<16xf32>
        %mul3A_232 = arith.mulf %max3A_231, %gather3A : vector<16xf32>
        %swap3A_233 = arith.index_cast %scan3A_139 : i32 to index
        %swap3A_234 = arith.constant 96 : index
        %swap3A_235 = tpu.vector_load %arg18[%swap3A_233, %swap3A_234] {strides = array<i32>} : memref<80x128xf32, #tpu.memory_space<vmem>>, vector<16xf32>,
        tpu.vector_store %arg18[%swap3A_233, %swap3A_234], %mul3A_232 {strides = array<i32>} : memref<80x128xf32, #tpu.memory_space<vmem>>, vector<16xf32>,
        %get3A_236 = arith.index_cast %scan3A_139 : i32 to index
        %get3A_237 = arith.constant 112 : index
        %get3A_238 = tpu.vector_load %arg17[%get3A_236, %get3A_237] {strides = array<i32>} : memref<80x128xf32, #tpu.memory_space<vmem>>, vector<16xf32>,
        %get3A_239 = arith.index_cast %scan3A_139 : i32 to index
        %get3A_240 = arith.constant 112 : index
        %get3A_241 = tpu.vector_load %arg18[%get3A_239, %get3A_240] {strides = array<i32>} : memref<80x128xf32, #tpu.memory_space<vmem>>, vector<16xf32>,
        %add3A_242 = arith.addf %get3A_238, %get3A_241 : vector<16xf32>
        %max3A_243 = arith.constant 0.000000e+00 : f32
        %max3A_244 = vector.broadcast %max3A_243 : f32 to vector<16xf32>
        %max3A_245 = arith.maximumf %add3A_242, %max3A_244 : vector<16xf32>
        %mul3A_246 = arith.mulf %max3A_245, %gather3A : vector<16xf32>
        %swap3A_247 = arith.index_cast %scan3A_139 : i32 to index
        %swap3A_248 = arith.constant 112 : index
        %swap3A_249 = tpu.vector_load %arg18[%swap3A_247, %swap3A_248] {strides = array<i32>} : memref<80x128xf32, #tpu.memory_space<vmem>>, vector<16xf32>,
        tpu.vector_store %arg18[%swap3A_247, %swap3A_248], %mul3A_246 {strides = array<i32>} : memref<80x128xf32, #tpu.memory_space<vmem>>, vector<16xf32>,
        %scan3A_250 = arith.constant 0 : i32
        scf.yield %scan3A_250 : i32
      }
      %scan3A_137 = arith.constant 80 : i32
      "tpu.region"() ({
        %run_scoped3A = tpu.sem_alloc : memref<!tpu.dma_semaphore, #tpu.memory_space<semaphore_mem>>
        %dma_start3A_139 = arith.constant 0 : i32
        %dma_start3A_140 = arith.constant 0 : i32
        %dma_start3A_141 = tpu.memref_slice %arg19[%dma_start3A_139, %dma_start3A_140] : memref<10240x128xf32, #tpu.memory_space<vmem_shared>> -> memref<10240x128xf32, #tpu.memory_space<vmem_shared>>
        tpu.enqueue_indirect_dma source(%arg18 : memref<80x128xf32, #tpu.memory_space<vmem>>) target(%dma_start3A_141 : memref<10240x128xf32, #tpu.memory_space<vmem_shared>>) offsets(%arg12 : memref<80xi32, #tpu.memory_space<vmem>>) semaphore(%run_scoped3A : memref<!tpu.dma_semaphore, #tpu.memory_space<semaphore_mem>>) {add = true}
        %dma_wait3A_142 = arith.constant 0 : i32
        %dma_wait3A_143 = arith.constant 0 : i32
        %dma_wait3A_144 = tpu.memref_slice %arg19[%dma_wait3A_142, %dma_wait3A_143] : memref<10240x128xf32, #tpu.memory_space<vmem_shared>> -> memref<10240x128xf32, #tpu.memory_space<vmem_shared>>
        tpu.wait_indirect_dma semaphore(%run_scoped3A : memref<!tpu.dma_semaphore, #tpu.memory_space<semaphore_mem>>) src(%arg18 : memref<80x128xf32, #tpu.memory_space<vmem>>) dst(%dma_wait3A_144 : memref<10240x128xf32, #tpu.memory_space<vmem_shared>>)
        tpu.yield
      }) : () -> ()
      %scan3A_138 = arith.constant 0 : i32
      scf.yield %scan3A_138 : i32
    }
    %scan3A_48 = arith.constant 62 : i32
    %dma_wait3A_49 = arith.constant 0 : i32
    %dma_wait3A_50 = arith.constant 0 : i32
    %dma_wait3A_51 = tpu.memref_slice %arg2[%dma_wait3A_49, %dma_wait3A_50] : memref<10000x128xf32, #tpu.memory_space<hbm>> -> memref<10000x128xf32, #tpu.memory_space<hbm>>
    tpu.wait_indirect_dma semaphore(%arg20 : memref<!tpu.dma_semaphore, #tpu.memory_space<semaphore_mem>>) src(%dma_wait3A_51 : memref<10000x128xf32, #tpu.memory_space<hbm>>) dst(%arg15 : memref<80x128xf32, #tpu.memory_space<vmem>>)
    %dma_wait3A_52 = arith.constant 0 : i32
    %dma_wait3A_53 = arith.constant 0 : i32
    %dma_wait3A_54 = tpu.memref_slice %arg3[%dma_wait3A_52, %dma_wait3A_53] : memref<320000x128xf32, #tpu.memory_space<hbm>> -> memref<80x128xf32, #tpu.memory_space<hbm>>
    %dma_wait3A_55 = arith.constant 0 : i32
    %dma_wait3A_56 = arith.constant 0 : i32
    %dma_wait3A_57 = tpu.memref_slice %arg3[%dma_wait3A_55, %dma_wait3A_56] : memref<320000x128xf32, #tpu.memory_space<hbm>> -> memref<80x128xf32, #tpu.memory_space<hbm>>
    tpu.wait_dma2 semaphore(%arg21 : memref<!tpu.dma_semaphore, #tpu.memory_space<semaphore_mem>>) src(%dma_wait3A_57 : memref<80x128xf32, #tpu.memory_space<hbm>>) dst(%arg16 : memref<80x128xf32, #tpu.memory_space<vmem>>)
    %scan3A_58 = arith.constant 0 : i32
    %scan3A_59 = arith.constant 0 : i32
    %scan3A_60 = arith.constant 80 : i32
    %scan3A_61 = arith.addi %scan3A_59, %scan3A_60 : i32
    %scan3A_62 = arith.constant 1 : i32
    %scan3A_63 = scf.for %scan3A_73 = %scan3A_59 to %scan3A_61 step %scan3A_62 iter_args(%scan3A_74 = %scan3A_58) -> (i32)  : i32 {
      %broadcast_in_dim3A = vector.broadcast %scan3A_73 : i32 to vector<16xi32>
      %gather3A = tpu.vector_load_idx %arg10[%broadcast_in_dim3A] : memref<80xf32, #tpu.memory_space<vmem>>[vector<16xi32>], vector<16xf32>,
      %get3A = arith.index_cast %scan3A_73 : i32 to index
      %get3A_75 = arith.constant 0 : index
      %get3A_76 = tpu.vector_load %arg15[%get3A, %get3A_75] {strides = array<i32>} : memref<80x128xf32, #tpu.memory_space<vmem>>, vector<16xf32>,
      %get3A_77 = arith.index_cast %scan3A_73 : i32 to index
      %get3A_78 = arith.constant 0 : index
      %get3A_79 = tpu.vector_load %arg16[%get3A_77, %get3A_78] {strides = array<i32>} : memref<80x128xf32, #tpu.memory_space<vmem>>, vector<16xf32>,
      %add3A_80 = arith.addf %get3A_76, %get3A_79 : vector<16xf32>
      %max3A = arith.constant 0.000000e+00 : f32
      %max3A_81 = vector.broadcast %max3A : f32 to vector<16xf32>
      %max3A_82 = arith.maximumf %add3A_80, %max3A_81 : vector<16xf32>
      %mul3A_83 = arith.mulf %max3A_82, %gather3A : vector<16xf32>
      %swap3A = arith.index_cast %scan3A_73 : i32 to index
      %swap3A_84 = arith.constant 0 : index
      %swap3A_85 = tpu.vector_load %arg16[%swap3A, %swap3A_84] {strides = array<i32>} : memref<80x128xf32, #tpu.memory_space<vmem>>, vector<16xf32>,
      tpu.vector_store %arg16[%swap3A, %swap3A_84], %mul3A_83 {strides = array<i32>} : memref<80x128xf32, #tpu.memory_space<vmem>>, vector<16xf32>,
      %get3A_86 = arith.index_cast %scan3A_73 : i32 to index
      %get3A_87 = arith.constant 16 : index
      %get3A_88 = tpu.vector_load %arg15[%get3A_86, %get3A_87] {strides = array<i32>} : memref<80x128xf32, #tpu.memory_space<vmem>>, vector<16xf32>,
      %get3A_89 = arith.index_cast %scan3A_73 : i32 to index
      %get3A_90 = arith.constant 16 : index
      %get3A_91 = tpu.vector_load %arg16[%get3A_89, %get3A_90] {strides = array<i32>} : memref<80x128xf32, #tpu.memory_space<vmem>>, vector<16xf32>,
      %add3A_92 = arith.addf %get3A_88, %get3A_91 : vector<16xf32>
      %max3A_93 = arith.constant 0.000000e+00 : f32
      %max3A_94 = vector.broadcast %max3A_93 : f32 to vector<16xf32>
      %max3A_95 = arith.maximumf %add3A_92, %max3A_94 : vector<16xf32>
      %mul3A_96 = arith.mulf %max3A_95, %gather3A : vector<16xf32>
      %swap3A_97 = arith.index_cast %scan3A_73 : i32 to index
      %swap3A_98 = arith.constant 16 : index
      %swap3A_99 = tpu.vector_load %arg16[%swap3A_97, %swap3A_98] {strides = array<i32>} : memref<80x128xf32, #tpu.memory_space<vmem>>, vector<16xf32>,
      tpu.vector_store %arg16[%swap3A_97, %swap3A_98], %mul3A_96 {strides = array<i32>} : memref<80x128xf32, #tpu.memory_space<vmem>>, vector<16xf32>,
      %get3A_100 = arith.index_cast %scan3A_73 : i32 to index
      %get3A_101 = arith.constant 32 : index
      %get3A_102 = tpu.vector_load %arg15[%get3A_100, %get3A_101] {strides = array<i32>} : memref<80x128xf32, #tpu.memory_space<vmem>>, vector<16xf32>,
      %get3A_103 = arith.index_cast %scan3A_73 : i32 to index
      %get3A_104 = arith.constant 32 : index
      %get3A_105 = tpu.vector_load %arg16[%get3A_103, %get3A_104] {strides = array<i32>} : memref<80x128xf32, #tpu.memory_space<vmem>>, vector<16xf32>,
      %add3A_106 = arith.addf %get3A_102, %get3A_105 : vector<16xf32>
      %max3A_107 = arith.constant 0.000000e+00 : f32
      %max3A_108 = vector.broadcast %max3A_107 : f32 to vector<16xf32>
      %max3A_109 = arith.maximumf %add3A_106, %max3A_108 : vector<16xf32>
      %mul3A_110 = arith.mulf %max3A_109, %gather3A : vector<16xf32>
      %swap3A_111 = arith.index_cast %scan3A_73 : i32 to index
      %swap3A_112 = arith.constant 32 : index
      %swap3A_113 = tpu.vector_load %arg16[%swap3A_111, %swap3A_112] {strides = array<i32>} : memref<80x128xf32, #tpu.memory_space<vmem>>, vector<16xf32>,
      tpu.vector_store %arg16[%swap3A_111, %swap3A_112], %mul3A_110 {strides = array<i32>} : memref<80x128xf32, #tpu.memory_space<vmem>>, vector<16xf32>,
      %get3A_114 = arith.index_cast %scan3A_73 : i32 to index
      %get3A_115 = arith.constant 48 : index
      %get3A_116 = tpu.vector_load %arg15[%get3A_114, %get3A_115] {strides = array<i32>} : memref<80x128xf32, #tpu.memory_space<vmem>>, vector<16xf32>,
      %get3A_117 = arith.index_cast %scan3A_73 : i32 to index
      %get3A_118 = arith.constant 48 : index
      %get3A_119 = tpu.vector_load %arg16[%get3A_117, %get3A_118] {strides = array<i32>} : memref<80x128xf32, #tpu.memory_space<vmem>>, vector<16xf32>,
      %add3A_120 = arith.addf %get3A_116, %get3A_119 : vector<16xf32>
      %max3A_121 = arith.constant 0.000000e+00 : f32
      %max3A_122 = vector.broadcast %max3A_121 : f32 to vector<16xf32>
      %max3A_123 = arith.maximumf %add3A_120, %max3A_122 : vector<16xf32>
      %mul3A_124 = arith.mulf %max3A_123, %gather3A : vector<16xf32>
      %swap3A_125 = arith.index_cast %scan3A_73 : i32 to index
      %swap3A_126 = arith.constant 48 : index
      %swap3A_127 = tpu.vector_load %arg16[%swap3A_125, %swap3A_126] {strides = array<i32>} : memref<80x128xf32, #tpu.memory_space<vmem>>, vector<16xf32>,
      tpu.vector_store %arg16[%swap3A_125, %swap3A_126], %mul3A_124 {strides = array<i32>} : memref<80x128xf32, #tpu.memory_space<vmem>>, vector<16xf32>,
      %get3A_128 = arith.index_cast %scan3A_73 : i32 to index
      %get3A_129 = arith.constant 64 : index
      %get3A_130 = tpu.vector_load %arg15[%get3A_128, %get3A_129] {strides = array<i32>} : memref<80x128xf32, #tpu.memory_space<vmem>>, vector<16xf32>,
      %get3A_131 = arith.index_cast %scan3A_73 : i32 to index
      %get3A_132 = arith.constant 64 : index
      %get3A_133 = tpu.vector_load %arg16[%get3A_131, %get3A_132] {strides = array<i32>} : memref<80x128xf32, #tpu.memory_space<vmem>>, vector<16xf32>,
      %add3A_134 = arith.addf %get3A_130, %get3A_133 : vector<16xf32>
      %max3A_135 = arith.constant 0.000000e+00 : f32
      %max3A_136 = vector.broadcast %max3A_135 : f32 to vector<16xf32>
      %max3A_137 = arith.maximumf %add3A_134, %max3A_136 : vector<16xf32>
      %mul3A_138 = arith.mulf %max3A_137, %gather3A : vector<16xf32>
      %swap3A_139 = arith.index_cast %scan3A_73 : i32 to index
      %swap3A_140 = arith.constant 64 : index
      %swap3A_141 = tpu.vector_load %arg16[%swap3A_139, %swap3A_140] {strides = array<i32>} : memref<80x128xf32, #tpu.memory_space<vmem>>, vector<16xf32>,
      tpu.vector_store %arg16[%swap3A_139, %swap3A_140], %mul3A_138 {strides = array<i32>} : memref<80x128xf32, #tpu.memory_space<vmem>>, vector<16xf32>,
      %get3A_142 = arith.index_cast %scan3A_73 : i32 to index
      %get3A_143 = arith.constant 80 : index
      %get3A_144 = tpu.vector_load %arg15[%get3A_142, %get3A_143] {strides = array<i32>} : memref<80x128xf32, #tpu.memory_space<vmem>>, vector<16xf32>,
      %get3A_145 = arith.index_cast %scan3A_73 : i32 to index
      %get3A_146 = arith.constant 80 : index
      %get3A_147 = tpu.vector_load %arg16[%get3A_145, %get3A_146] {strides = array<i32>} : memref<80x128xf32, #tpu.memory_space<vmem>>, vector<16xf32>,
      %add3A_148 = arith.addf %get3A_144, %get3A_147 : vector<16xf32>
      %max3A_149 = arith.constant 0.000000e+00 : f32
      %max3A_150 = vector.broadcast %max3A_149 : f32 to vector<16xf32>
      %max3A_151 = arith.maximumf %add3A_148, %max3A_150 : vector<16xf32>
      %mul3A_152 = arith.mulf %max3A_151, %gather3A : vector<16xf32>
      %swap3A_153 = arith.index_cast %scan3A_73 : i32 to index
      %swap3A_154 = arith.constant 80 : index
      %swap3A_155 = tpu.vector_load %arg16[%swap3A_153, %swap3A_154] {strides = array<i32>} : memref<80x128xf32, #tpu.memory_space<vmem>>, vector<16xf32>,
      tpu.vector_store %arg16[%swap3A_153, %swap3A_154], %mul3A_152 {strides = array<i32>} : memref<80x128xf32, #tpu.memory_space<vmem>>, vector<16xf32>,
      %get3A_156 = arith.index_cast %scan3A_73 : i32 to index
      %get3A_157 = arith.constant 96 : index
      %get3A_158 = tpu.vector_load %arg15[%get3A_156, %get3A_157] {strides = array<i32>} : memref<80x128xf32, #tpu.memory_space<vmem>>, vector<16xf32>,
      %get3A_159 = arith.index_cast %scan3A_73 : i32 to index
      %get3A_160 = arith.constant 96 : index
      %get3A_161 = tpu.vector_load %arg16[%get3A_159, %get3A_160] {strides = array<i32>} : memref<80x128xf32, #tpu.memory_space<vmem>>, vector<16xf32>,
      %add3A_162 = arith.addf %get3A_158, %get3A_161 : vector<16xf32>
      %max3A_163 = arith.constant 0.000000e+00 : f32
      %max3A_164 = vector.broadcast %max3A_163 : f32 to vector<16xf32>
      %max3A_165 = arith.maximumf %add3A_162, %max3A_164 : vector<16xf32>
      %mul3A_166 = arith.mulf %max3A_165, %gather3A : vector<16xf32>
      %swap3A_167 = arith.index_cast %scan3A_73 : i32 to index
      %swap3A_168 = arith.constant 96 : index
      %swap3A_169 = tpu.vector_load %arg16[%swap3A_167, %swap3A_168] {strides = array<i32>} : memref<80x128xf32, #tpu.memory_space<vmem>>, vector<16xf32>,
      tpu.vector_store %arg16[%swap3A_167, %swap3A_168], %mul3A_166 {strides = array<i32>} : memref<80x128xf32, #tpu.memory_space<vmem>>, vector<16xf32>,
      %get3A_170 = arith.index_cast %scan3A_73 : i32 to index
      %get3A_171 = arith.constant 112 : index
      %get3A_172 = tpu.vector_load %arg15[%get3A_170, %get3A_171] {strides = array<i32>} : memref<80x128xf32, #tpu.memory_space<vmem>>, vector<16xf32>,
      %get3A_173 = arith.index_cast %scan3A_73 : i32 to index
      %get3A_174 = arith.constant 112 : index
      %get3A_175 = tpu.vector_load %arg16[%get3A_173, %get3A_174] {strides = array<i32>} : memref<80x128xf32, #tpu.memory_space<vmem>>, vector<16xf32>,
      %add3A_176 = arith.addf %get3A_172, %get3A_175 : vector<16xf32>
      %max3A_177 = arith.constant 0.000000e+00 : f32
      %max3A_178 = vector.broadcast %max3A_177 : f32 to vector<16xf32>
      %max3A_179 = arith.maximumf %add3A_176, %max3A_178 : vector<16xf32>
      %mul3A_180 = arith.mulf %max3A_179, %gather3A : vector<16xf32>
      %swap3A_181 = arith.index_cast %scan3A_73 : i32 to index
      %swap3A_182 = arith.constant 112 : index
      %swap3A_183 = tpu.vector_load %arg16[%swap3A_181, %swap3A_182] {strides = array<i32>} : memref<80x128xf32, #tpu.memory_space<vmem>>, vector<16xf32>,
      tpu.vector_store %arg16[%swap3A_181, %swap3A_182], %mul3A_180 {strides = array<i32>} : memref<80x128xf32, #tpu.memory_space<vmem>>, vector<16xf32>,
      %scan3A_184 = arith.constant 0 : i32
      scf.yield %scan3A_184 : i32
    }
    %scan3A_64 = arith.constant 80 : i32
    "tpu.region"() ({
      %run_scoped3A = tpu.sem_alloc : memref<!tpu.dma_semaphore, #tpu.memory_space<semaphore_mem>>
      %dma_start3A_73 = arith.constant 0 : i32
      %dma_start3A_74 = arith.constant 0 : i32
      %dma_start3A_75 = tpu.memref_slice %arg19[%dma_start3A_73, %dma_start3A_74] : memref<10240x128xf32, #tpu.memory_space<vmem_shared>> -> memref<10240x128xf32, #tpu.memory_space<vmem_shared>>
      tpu.enqueue_indirect_dma source(%arg16 : memref<80x128xf32, #tpu.memory_space<vmem>>) target(%dma_start3A_75 : memref<10240x128xf32, #tpu.memory_space<vmem_shared>>) offsets(%arg9 : memref<80xi32, #tpu.memory_space<vmem>>) semaphore(%run_scoped3A : memref<!tpu.dma_semaphore, #tpu.memory_space<semaphore_mem>>) {add = true}
      %dma_wait3A_76 = arith.constant 0 : i32
      %dma_wait3A_77 = arith.constant 0 : i32
      %dma_wait3A_78 = tpu.memref_slice %arg19[%dma_wait3A_76, %dma_wait3A_77] : memref<10240x128xf32, #tpu.memory_space<vmem_shared>> -> memref<10240x128xf32, #tpu.memory_space<vmem_shared>>
      tpu.wait_indirect_dma semaphore(%run_scoped3A : memref<!tpu.dma_semaphore, #tpu.memory_space<semaphore_mem>>) src(%arg16 : memref<80x128xf32, #tpu.memory_space<vmem>>) dst(%dma_wait3A_78 : memref<10240x128xf32, #tpu.memory_space<vmem_shared>>)
      tpu.yield
    }) : () -> ()
    %barrier3A_65 = arith.constant 0 : index
    tpu.barrier barrier_id(%barrier3A_65)
    %scan3A_66 = arith.constant 0 : i32
    %scan3A_67 = arith.constant 0 : i32
    %scan3A_68 = arith.constant 8 : i32
    %scan3A_69 = arith.addi %scan3A_67, %scan3A_68 : i32
    %scan3A_70 = arith.constant 1 : i32
    %scan3A_71 = scf.for %scan3A_73 = %scan3A_67 to %scan3A_69 step %scan3A_70 iter_args(%scan3A_74 = %scan3A_66) -> (i32)  : i32 {
      %mul3A_75 = arith.constant 640 : i32
      %mul3A_76 = arith.muli %arg1, %mul3A_75 : i32
      %mul3A_77 = arith.constant 80 : i32
      %mul3A_78 = arith.muli %scan3A_73, %mul3A_77 : i32
      %add3A_79 = arith.addi %mul3A_76, %mul3A_78 : i32
      "tpu.region"() ({
        %run_scoped3A = tpu.sem_alloc : memref<!tpu.dma_semaphore, #tpu.memory_space<semaphore_mem>>
        %dma_start3A_84 = arith.constant 0 : i32
        %dma_start3A_85 = tpu.memref_slice %arg19[%add3A_79, %dma_start3A_84] : memref<10240x128xf32, #tpu.memory_space<vmem_shared>> -> memref<80x128xf32, #tpu.memory_space<vmem_shared>>
        %dma_start3A_86 = arith.constant 0 : i32
        %dma_start3A_87 = tpu.memref_slice %arg19[%add3A_79, %dma_start3A_86] : memref<10240x128xf32, #tpu.memory_space<vmem_shared>> -> memref<80x128xf32, #tpu.memory_space<vmem_shared>>
        tpu.enqueue_dma source(%dma_start3A_87 : memref<80x128xf32, #tpu.memory_space<vmem_shared>>) target(%arg16 : memref<80x128xf32, #tpu.memory_space<vmem>>) target_semaphore(%run_scoped3A : memref<!tpu.dma_semaphore, #tpu.memory_space<semaphore_mem>>)
        %dma_wait3A_88 = arith.constant 0 : i32
        %dma_wait3A_89 = tpu.memref_slice %arg19[%add3A_79, %dma_wait3A_88] : memref<10240x128xf32, #tpu.memory_space<vmem_shared>> -> memref<80x128xf32, #tpu.memory_space<vmem_shared>>
        %dma_wait3A_90 = arith.constant 0 : i32
        %dma_wait3A_91 = tpu.memref_slice %arg19[%add3A_79, %dma_wait3A_90] : memref<10240x128xf32, #tpu.memory_space<vmem_shared>> -> memref<80x128xf32, #tpu.memory_space<vmem_shared>>
        tpu.wait_dma2 semaphore(%run_scoped3A : memref<!tpu.dma_semaphore, #tpu.memory_space<semaphore_mem>>) src(%dma_wait3A_91 : memref<80x128xf32, #tpu.memory_space<vmem_shared>>) dst(%arg16 : memref<80x128xf32, #tpu.memory_space<vmem>>)
        tpu.yield
      }) : () -> ()
      %mul3A_80 = arith.constant 80 : i32
      %mul3A_81 = arith.muli %scan3A_73, %mul3A_80 : i32
      %add3A_82 = arith.addi %add3A_7, %mul3A_81 : i32
      "tpu.region"() ({
        %run_scoped3A = tpu.sem_alloc : memref<!tpu.dma_semaphore, #tpu.memory_space<semaphore_mem>>
        %dma_start3A_84 = arith.constant 0 : i32
        %dma_start3A_85 = tpu.memref_slice %arg7[%add3A_82, %dma_start3A_84] : memref<20480x128xf32, #tpu.memory_space<hbm>> -> memref<80x128xf32, #tpu.memory_space<hbm>>
        %dma_start3A_86 = arith.constant 0 : i32
        %dma_start3A_87 = tpu.memref_slice %arg7[%add3A_82, %dma_start3A_86] : memref<20480x128xf32, #tpu.memory_space<hbm>> -> memref<80x128xf32, #tpu.memory_space<hbm>>
        tpu.enqueue_dma source(%arg16 : memref<80x128xf32, #tpu.memory_space<vmem>>) target(%dma_start3A_87 : memref<80x128xf32, #tpu.memory_space<hbm>>) target_semaphore(%run_scoped3A : memref<!tpu.dma_semaphore, #tpu.memory_space<semaphore_mem>>)
        %dma_wait3A_88 = arith.constant 0 : i32
        %dma_wait3A_89 = tpu.memref_slice %arg7[%add3A_82, %dma_wait3A_88] : memref<20480x128xf32, #tpu.memory_space<hbm>> -> memref<80x128xf32, #tpu.memory_space<hbm>>
        %dma_wait3A_90 = arith.constant 0 : i32
        %dma_wait3A_91 = tpu.memref_slice %arg7[%add3A_82, %dma_wait3A_90] : memref<20480x128xf32, #tpu.memory_space<hbm>> -> memref<80x128xf32, #tpu.memory_space<hbm>>
        tpu.wait_dma2 semaphore(%run_scoped3A : memref<!tpu.dma_semaphore, #tpu.memory_space<semaphore_mem>>) src(%arg16 : memref<80x128xf32, #tpu.memory_space<vmem>>) dst(%dma_wait3A_91 : memref<80x128xf32, #tpu.memory_space<hbm>>)
        tpu.yield
      }) : () -> ()
      %scan3A_83 = arith.constant 0 : i32
      scf.yield %scan3A_83 : i32
    }
    %scan3A_72 = arith.constant 8 : i32
    return
  }
}

#map = affine_map<(d0, d1) -> (0)>
module attributes {stable_mosaic.version = 14 : i64} {
  func.func @_norm_body(%arg0: i32, %arg1: i32, %arg2: memref<320000xi32, #tpu.memory_space<hbm>>, %arg3: memref<320000xi32, #tpu.memory_space<hbm>>, %arg4: memref<10240xf32, #tpu.memory_space<hbm>>, %arg5: memref<320000xf32, #tpu.memory_space<hbm>>, %arg6: memref<10000xi32, #tpu.memory_space<vmem>>, %arg7: memref<10000xi32, #tpu.memory_space<vmem>>, %arg8: memref<10240xf32, #tpu.memory_space<vmem>>, %arg9: memref<10000xf32, #tpu.memory_space<vmem>>) attributes {dimension_semantics = [#tpu.dimension_semantics<core_parallel>, #tpu.dimension_semantics<subcore_parallel>], iteration_bounds = array<i64: 2, 16>, scalar_prefetch = 0 : i64, scratch_operands = 4 : i64, tpu.core_type = #tpu.core_type<sc_vector_subcore>, window_params = [{transform_indices = #map}, {transform_indices = #map}, {transform_indices = #map}, {transform_indices = #map}]} {
    %mul3A = arith.constant 2 : i32
    %mul3A_0 = arith.muli %arg1, %mul3A : i32
    %add3A = arith.addi %mul3A_0, %arg0 : i32
    %mul3A_1 = arith.constant 10000 : i32
    %mul3A_2 = arith.muli %add3A, %mul3A_1 : i32
    "tpu.region"() ({
      %run_scoped3A = tpu.sem_alloc : memref<!tpu.dma_semaphore, #tpu.memory_space<semaphore_mem>>
      %dma_start3A = tpu.memref_slice %arg2[%mul3A_2] : memref<320000xi32, #tpu.memory_space<hbm>> -> memref<10000xi32, #tpu.memory_space<hbm>>
      %dma_start3A_9 = tpu.memref_slice %arg2[%mul3A_2] : memref<320000xi32, #tpu.memory_space<hbm>> -> memref<10000xi32, #tpu.memory_space<hbm>>
      tpu.enqueue_dma source(%dma_start3A_9 : memref<10000xi32, #tpu.memory_space<hbm>>) target(%arg6 : memref<10000xi32, #tpu.memory_space<vmem>>) target_semaphore(%run_scoped3A : memref<!tpu.dma_semaphore, #tpu.memory_space<semaphore_mem>>)
      %dma_wait3A = tpu.memref_slice %arg2[%mul3A_2] : memref<320000xi32, #tpu.memory_space<hbm>> -> memref<10000xi32, #tpu.memory_space<hbm>>
      %dma_wait3A_10 = tpu.memref_slice %arg2[%mul3A_2] : memref<320000xi32, #tpu.memory_space<hbm>> -> memref<10000xi32, #tpu.memory_space<hbm>>
      tpu.wait_dma2 semaphore(%run_scoped3A : memref<!tpu.dma_semaphore, #tpu.memory_space<semaphore_mem>>) src(%dma_wait3A_10 : memref<10000xi32, #tpu.memory_space<hbm>>) dst(%arg6 : memref<10000xi32, #tpu.memory_space<vmem>>)
      tpu.yield
    }) : () -> ()
    "tpu.region"() ({
      %run_scoped3A = tpu.sem_alloc : memref<!tpu.dma_semaphore, #tpu.memory_space<semaphore_mem>>
      %dma_start3A = tpu.memref_slice %arg3[%mul3A_2] : memref<320000xi32, #tpu.memory_space<hbm>> -> memref<10000xi32, #tpu.memory_space<hbm>>
      %dma_start3A_9 = tpu.memref_slice %arg3[%mul3A_2] : memref<320000xi32, #tpu.memory_space<hbm>> -> memref<10000xi32, #tpu.memory_space<hbm>>
      tpu.enqueue_dma source(%dma_start3A_9 : memref<10000xi32, #tpu.memory_space<hbm>>) target(%arg7 : memref<10000xi32, #tpu.memory_space<vmem>>) target_semaphore(%run_scoped3A : memref<!tpu.dma_semaphore, #tpu.memory_space<semaphore_mem>>)
      %dma_wait3A = tpu.memref_slice %arg3[%mul3A_2] : memref<320000xi32, #tpu.memory_space<hbm>> -> memref<10000xi32, #tpu.memory_space<hbm>>
      %dma_wait3A_10 = tpu.memref_slice %arg3[%mul3A_2] : memref<320000xi32, #tpu.memory_space<hbm>> -> memref<10000xi32, #tpu.memory_space<hbm>>
      tpu.wait_dma2 semaphore(%run_scoped3A : memref<!tpu.dma_semaphore, #tpu.memory_space<semaphore_mem>>) src(%dma_wait3A_10 : memref<10000xi32, #tpu.memory_space<hbm>>) dst(%arg7 : memref<10000xi32, #tpu.memory_space<vmem>>)
      tpu.yield
    }) : () -> ()
    "tpu.region"() ({
      %run_scoped3A = tpu.sem_alloc : memref<!tpu.dma_semaphore, #tpu.memory_space<semaphore_mem>>
      tpu.enqueue_dma source(%arg4 : memref<10240xf32, #tpu.memory_space<hbm>>) target(%arg8 : memref<10240xf32, #tpu.memory_space<vmem>>) target_semaphore(%run_scoped3A : memref<!tpu.dma_semaphore, #tpu.memory_space<semaphore_mem>>)
      tpu.wait_dma2 semaphore(%run_scoped3A : memref<!tpu.dma_semaphore, #tpu.memory_space<semaphore_mem>>) src(%arg4 : memref<10240xf32, #tpu.memory_space<hbm>>) dst(%arg8 : memref<10240xf32, #tpu.memory_space<vmem>>)
      tpu.yield
    }) : () -> ()
    %scan3A = arith.constant 0 : i32
    %scan3A_3 = arith.constant 0 : i32
    %scan3A_4 = arith.constant 625 : i32
    %scan3A_5 = arith.addi %scan3A_3, %scan3A_4 : i32
    %scan3A_6 = arith.constant 1 : i32
    %scan3A_7 = scf.for %scan3A_9 = %scan3A_3 to %scan3A_5 step %scan3A_6 iter_args(%scan3A_10 = %scan3A) -> (i32)  : i32 {
      %mul3A_11 = arith.constant 16 : i32
      %mul3A_12 = arith.muli %scan3A_9, %mul3A_11 : i32
      %get3A = arith.index_cast %mul3A_12 : i32 to index
      %get3A_13 = tpu.vector_load %arg6[%get3A] {strides = array<i32>} : memref<10000xi32, #tpu.memory_space<vmem>>, vector<16xi32>,
      %mul3A_14 = arith.constant 16 : i32
      %mul3A_15 = arith.muli %scan3A_9, %mul3A_14 : i32
      %get3A_16 = arith.index_cast %mul3A_15 : i32 to index
      %get3A_17 = tpu.vector_load %arg7[%get3A_16] {strides = array<i32>} : memref<10000xi32, #tpu.memory_space<vmem>>, vector<16xi32>,
      %gather3A = tpu.vector_load_idx %arg8[%get3A_13] : memref<10240xf32, #tpu.memory_space<vmem>>[vector<16xi32>], vector<16xf32>,
      %gather3A_18 = tpu.vector_load_idx %arg8[%get3A_17] : memref<10240xf32, #tpu.memory_space<vmem>>[vector<16xi32>], vector<16xf32>,
      %mul3A_19 = arith.mulf %gather3A, %gather3A_18 : vector<16xf32>
      %mul3A_20 = arith.constant 16 : i32
      %mul3A_21 = arith.muli %scan3A_9, %mul3A_20 : i32
      %swap3A = arith.index_cast %mul3A_21 : i32 to index
      %swap3A_22 = tpu.vector_load %arg9[%swap3A] {strides = array<i32>} : memref<10000xf32, #tpu.memory_space<vmem>>, vector<16xf32>,
      tpu.vector_store %arg9[%swap3A], %mul3A_19 {strides = array<i32>} : memref<10000xf32, #tpu.memory_space<vmem>>, vector<16xf32>,
      %scan3A_23 = arith.constant 0 : i32
      scf.yield %scan3A_23 : i32
    }
    %scan3A_8 = arith.constant 625 : i32
    "tpu.region"() ({
      %run_scoped3A = tpu.sem_alloc : memref<!tpu.dma_semaphore, #tpu.memory_space<semaphore_mem>>
      %dma_start3A = tpu.memref_slice %arg5[%mul3A_2] : memref<320000xf32, #tpu.memory_space<hbm>> -> memref<10000xf32, #tpu.memory_space<hbm>>
      %dma_start3A_9 = tpu.memref_slice %arg5[%mul3A_2] : memref<320000xf32, #tpu.memory_space<hbm>> -> memref<10000xf32, #tpu.memory_space<hbm>>
      tpu.enqueue_dma source(%arg9 : memref<10000xf32, #tpu.memory_space<vmem>>) target(%dma_start3A_9 : memref<10000xf32, #tpu.memory_space<hbm>>) target_semaphore(%run_scoped3A : memref<!tpu.dma_semaphore, #tpu.memory_space<semaphore_mem>>)
      %dma_wait3A = tpu.memref_slice %arg5[%mul3A_2] : memref<320000xf32, #tpu.memory_space<hbm>> -> memref<10000xf32, #tpu.memory_space<hbm>>
      %dma_wait3A_10 = tpu.memref_slice %arg5[%mul3A_2] : memref<320000xf32, #tpu.memory_space<hbm>> -> memref<10000xf32, #tpu.memory_space<hbm>>
      tpu.wait_dma2 semaphore(%run_scoped3A : memref<!tpu.dma_semaphore, #tpu.memory_space<semaphore_mem>>) src(%arg9 : memref<10000xf32, #tpu.memory_space<vmem>>) dst(%dma_wait3A_10 : memref<10000xf32, #tpu.memory_space<hbm>>)
      tpu.yield
    }) : () -> ()
    return
  }
}

#map = affine_map<(d0, d1) -> (0, 0)>
#map1 = affine_map<(d0, d1) -> (0)>
module attributes {stable_mosaic.version = 14 : i64} {
  func.func @_msg_body(%arg0: i32, %arg1: i32, %arg2: memref<10000x128xf32, #tpu.memory_space<hbm>>, %arg3: memref<320000x128xf32, #tpu.memory_space<hbm>>, %arg4: memref<320000xi32, #tpu.memory_space<hbm>>, %arg5: memref<320000xi32, #tpu.memory_space<hbm>>, %arg6: memref<320000xf32, #tpu.memory_space<hbm>>, %arg7: memref<20480x128xf32, #tpu.memory_space<hbm>>, %arg8: memref<80xi32, #tpu.memory_space<vmem>>, %arg9: memref<80xi32, #tpu.memory_space<vmem>>, %arg10: memref<80xf32, #tpu.memory_space<vmem>>, %arg11: memref<80xi32, #tpu.memory_space<vmem>>, %arg12: memref<80xi32, #tpu.memory_space<vmem>>, %arg13: memref<80xf32, #tpu.memory_space<vmem>>, %arg14: memref<80xi32, #tpu.memory_space<vmem>>, %arg15: memref<80x128xf32, #tpu.memory_space<vmem>>, %arg16: memref<80x128xf32, #tpu.memory_space<vmem>>, %arg17: memref<80x128xf32, #tpu.memory_space<vmem>>, %arg18: memref<80x128xf32, #tpu.memory_space<vmem>>, %arg19: memref<10240x128xf32, #tpu.memory_space<vmem_shared>>, %arg20: memref<!tpu.dma_semaphore, #tpu.memory_space<semaphore_mem>>, %arg21: memref<!tpu.dma_semaphore, #tpu.memory_space<semaphore_mem>>, %arg22: memref<!tpu.dma_semaphore, #tpu.memory_space<semaphore_mem>>, %arg23: memref<!tpu.dma_semaphore, #tpu.memory_space<semaphore_mem>>, %arg24: memref<!tpu.dma_semaphore, #tpu.memory_space<semaphore_mem>>, %arg25: memref<!tpu.dma_semaphore, #tpu.memory_space<semaphore_mem>>) attributes {dimension_semantics = [#tpu.dimension_semantics<core_parallel>, #tpu.dimension_semantics<subcore_parallel>], iteration_bounds = array<i64: 2, 16>, scalar_prefetch = 0 : i64, scratch_operands = 18 : i64, tpu.core_type = #tpu.core_type<sc_vector_subcore>, window_params = [{transform_indices = #map}, {transform_indices = #map}, {transform_indices = #map1}, {transform_indices = #map1}, {transform_indices = #map1}, {transform_indices = #map}]} {
    %mul3A = arith.constant 2 : i32
    %mul3A_0 = arith.muli %arg1, %mul3A : i32
    %add3A = arith.addi %mul3A_0, %arg0 : i32
    %mul3A_1 = arith.constant 10000 : i32
    %mul3A_2 = arith.muli %add3A, %mul3A_1 : i32
    %mul3A_3 = arith.constant 10240 : i32
    %mul3A_4 = arith.muli %arg0, %mul3A_3 : i32
    %mul3A_5 = arith.constant 640 : i32
    %mul3A_6 = arith.muli %arg1, %mul3A_5 : i32
    %add3A_7 = arith.addi %mul3A_4, %mul3A_6 : i32
    %scan3A = arith.constant 0 : i32
    %scan3A_8 = arith.constant 0 : i32
    %scan3A_9 = arith.constant 80 : i32
    %scan3A_10 = arith.addi %scan3A_8, %scan3A_9 : i32
    %scan3A_11 = arith.constant 1 : i32
    %scan3A_12 = scf.for %scan3A_73 = %scan3A_8 to %scan3A_10 step %scan3A_11 iter_args(%scan3A_74 = %scan3A) -> (i32)  : i32 {
      %broadcast_in_dim3A = arith.constant 0.000000e+00 : f32
      %broadcast_in_dim3A_75 = vector.broadcast %broadcast_in_dim3A : f32 to vector<16xf32>
      %swap3A = arith.index_cast %scan3A_73 : i32 to index
      %swap3A_76 = arith.constant 0 : index
      %swap3A_77 = tpu.vector_load %arg16[%swap3A, %swap3A_76] {strides = array<i32>} : memref<80x128xf32, #tpu.memory_space<vmem>>, vector<16xf32>,
      tpu.vector_store %arg16[%swap3A, %swap3A_76], %broadcast_in_dim3A_75 {strides = array<i32>} : memref<80x128xf32, #tpu.memory_space<vmem>>, vector<16xf32>,
      %broadcast_in_dim3A_78 = arith.constant 0.000000e+00 : f32
      %broadcast_in_dim3A_79 = vector.broadcast %broadcast_in_dim3A_78 : f32 to vector<16xf32>
      %swap3A_80 = arith.index_cast %scan3A_73 : i32 to index
      %swap3A_81 = arith.constant 16 : index
      %swap3A_82 = tpu.vector_load %arg16[%swap3A_80, %swap3A_81] {strides = array<i32>} : memref<80x128xf32, #tpu.memory_space<vmem>>, vector<16xf32>,
      tpu.vector_store %arg16[%swap3A_80, %swap3A_81], %broadcast_in_dim3A_79 {strides = array<i32>} : memref<80x128xf32, #tpu.memory_space<vmem>>, vector<16xf32>,
      %broadcast_in_dim3A_83 = arith.constant 0.000000e+00 : f32
      %broadcast_in_dim3A_84 = vector.broadcast %broadcast_in_dim3A_83 : f32 to vector<16xf32>
      %swap3A_85 = arith.index_cast %scan3A_73 : i32 to index
      %swap3A_86 = arith.constant 32 : index
      %swap3A_87 = tpu.vector_load %arg16[%swap3A_85, %swap3A_86] {strides = array<i32>} : memref<80x128xf32, #tpu.memory_space<vmem>>, vector<16xf32>,
      tpu.vector_store %arg16[%swap3A_85, %swap3A_86], %broadcast_in_dim3A_84 {strides = array<i32>} : memref<80x128xf32, #tpu.memory_space<vmem>>, vector<16xf32>,
      %broadcast_in_dim3A_88 = arith.constant 0.000000e+00 : f32
      %broadcast_in_dim3A_89 = vector.broadcast %broadcast_in_dim3A_88 : f32 to vector<16xf32>
      %swap3A_90 = arith.index_cast %scan3A_73 : i32 to index
      %swap3A_91 = arith.constant 48 : index
      %swap3A_92 = tpu.vector_load %arg16[%swap3A_90, %swap3A_91] {strides = array<i32>} : memref<80x128xf32, #tpu.memory_space<vmem>>, vector<16xf32>,
      tpu.vector_store %arg16[%swap3A_90, %swap3A_91], %broadcast_in_dim3A_89 {strides = array<i32>} : memref<80x128xf32, #tpu.memory_space<vmem>>, vector<16xf32>,
      %broadcast_in_dim3A_93 = arith.constant 0.000000e+00 : f32
      %broadcast_in_dim3A_94 = vector.broadcast %broadcast_in_dim3A_93 : f32 to vector<16xf32>
      %swap3A_95 = arith.index_cast %scan3A_73 : i32 to index
      %swap3A_96 = arith.constant 64 : index
      %swap3A_97 = tpu.vector_load %arg16[%swap3A_95, %swap3A_96] {strides = array<i32>} : memref<80x128xf32, #tpu.memory_space<vmem>>, vector<16xf32>,
      tpu.vector_store %arg16[%swap3A_95, %swap3A_96], %broadcast_in_dim3A_94 {strides = array<i32>} : memref<80x128xf32, #tpu.memory_space<vmem>>, vector<16xf32>,
      %broadcast_in_dim3A_98 = arith.constant 0.000000e+00 : f32
      %broadcast_in_dim3A_99 = vector.broadcast %broadcast_in_dim3A_98 : f32 to vector<16xf32>
      %swap3A_100 = arith.index_cast %scan3A_73 : i32 to index
      %swap3A_101 = arith.constant 80 : index
      %swap3A_102 = tpu.vector_load %arg16[%swap3A_100, %swap3A_101] {strides = array<i32>} : memref<80x128xf32, #tpu.memory_space<vmem>>, vector<16xf32>,
      tpu.vector_store %arg16[%swap3A_100, %swap3A_101], %broadcast_in_dim3A_99 {strides = array<i32>} : memref<80x128xf32, #tpu.memory_space<vmem>>, vector<16xf32>,
      %broadcast_in_dim3A_103 = arith.constant 0.000000e+00 : f32
      %broadcast_in_dim3A_104 = vector.broadcast %broadcast_in_dim3A_103 : f32 to vector<16xf32>
      %swap3A_105 = arith.index_cast %scan3A_73 : i32 to index
      %swap3A_106 = arith.constant 96 : index
      %swap3A_107 = tpu.vector_load %arg16[%swap3A_105, %swap3A_106] {strides = array<i32>} : memref<80x128xf32, #tpu.memory_space<vmem>>, vector<16xf32>,
      tpu.vector_store %arg16[%swap3A_105, %swap3A_106], %broadcast_in_dim3A_104 {strides = array<i32>} : memref<80x128xf32, #tpu.memory_space<vmem>>, vector<16xf32>,
      %broadcast_in_dim3A_108 = arith.constant 0.000000e+00 : f32
      %broadcast_in_dim3A_109 = vector.broadcast %broadcast_in_dim3A_108 : f32 to vector<16xf32>
      %swap3A_110 = arith.index_cast %scan3A_73 : i32 to index
      %swap3A_111 = arith.constant 112 : index
      %swap3A_112 = tpu.vector_load %arg16[%swap3A_110, %swap3A_111] {strides = array<i32>} : memref<80x128xf32, #tpu.memory_space<vmem>>, vector<16xf32>,
      tpu.vector_store %arg16[%swap3A_110, %swap3A_111], %broadcast_in_dim3A_109 {strides = array<i32>} : memref<80x128xf32, #tpu.memory_space<vmem>>, vector<16xf32>,
      %scan3A_113 = arith.constant 0 : i32
      scf.yield %scan3A_113 : i32
    }
    %scan3A_13 = arith.constant 80 : i32
    %scan3A_14 = arith.constant 0 : i32
    %scan3A_15 = arith.constant 0 : i32
    %scan3A_16 = arith.constant 8 : i32
    %scan3A_17 = arith.addi %scan3A_15, %scan3A_16 : i32
    %scan3A_18 = arith.constant 1 : i32
    %scan3A_19 = scf.for %scan3A_73 = %scan3A_15 to %scan3A_17 step %scan3A_18 iter_args(%scan3A_74 = %scan3A_14) -> (i32)  : i32 {
      %mul3A_75 = arith.constant 640 : i32
      %mul3A_76 = arith.muli %arg1, %mul3A_75 : i32
      %mul3A_77 = arith.constant 80 : i32
      %mul3A_78 = arith.muli %scan3A_73, %mul3A_77 : i32
      %add3A_79 = arith.addi %mul3A_76, %mul3A_78 : i32
      %scan3A_80 = arith.constant 0 : i32
      %scan3A_81 = arith.constant 0 : i32
      %scan3A_82 = arith.constant 5 : i32
      %scan3A_83 = arith.addi %scan3A_81, %scan3A_82 : i32
      %scan3A_84 = arith.constant 1 : i32
      %scan3A_85 = scf.for %scan3A_88 = %scan3A_81 to %scan3A_83 step %scan3A_84 iter_args(%scan3A_89 = %scan3A_80) -> (i32)  : i32 {
        %iota3A = tpu.iota {dimensions = array<i32: 0>} : vector<16xi32>
        %mul3A_90 = arith.constant 16 : i32
        %mul3A_91 = arith.muli %scan3A_88, %mul3A_90 : i32
        %add3A_92 = vector.broadcast %mul3A_91 : i32 to vector<16xi32>
        %add3A_93 = arith.addi %iota3A, %add3A_92 : vector<16xi32>
        %add3A_94 = vector.broadcast %add3A_79 : i32 to vector<16xi32>
        %add3A_95 = arith.addi %add3A_93, %add3A_94 : vector<16xi32>
        %mul3A_96 = arith.constant 16 : i32
        %mul3A_97 = arith.muli %scan3A_88, %mul3A_96 : i32
        %swap3A = arith.index_cast %mul3A_97 : i32 to index
        %swap3A_98 = tpu.vector_load %arg14[%swap3A] {strides = array<i32>} : memref<80xi32, #tpu.memory_space<vmem>>, vector<16xi32>,
        tpu.vector_store %arg14[%swap3A], %add3A_95 {strides = array<i32>} : memref<80xi32, #tpu.memory_space<vmem>>, vector<16xi32>,
        %scan3A_99 = arith.constant 0 : i32
        scf.yield %scan3A_99 : i32
      }
      %scan3A_86 = arith.constant 5 : i32
      "tpu.region"() ({
        %run_scoped3A = tpu.sem_alloc : memref<!tpu.dma_semaphore, #tpu.memory_space<semaphore_mem>>
        %dma_start3A_88 = arith.constant 0 : i32
        %dma_start3A_89 = arith.constant 0 : i32
        %dma_start3A_90 = tpu.memref_slice %arg19[%dma_start3A_88, %dma_start3A_89] : memref<10240x128xf32, #tpu.memory_space<vmem_shared>> -> memref<10240x128xf32, #tpu.memory_space<vmem_shared>>
        tpu.enqueue_indirect_dma source(%arg16 : memref<80x128xf32, #tpu.memory_space<vmem>>) target(%dma_start3A_90 : memref<10240x128xf32, #tpu.memory_space<vmem_shared>>) offsets(%arg14 : memref<80xi32, #tpu.memory_space<vmem>>) semaphore(%run_scoped3A : memref<!tpu.dma_semaphore, #tpu.memory_space<semaphore_mem>>)
        %dma_wait3A_91 = arith.constant 0 : i32
        %dma_wait3A_92 = arith.constant 0 : i32
        %dma_wait3A_93 = tpu.memref_slice %arg19[%dma_wait3A_91, %dma_wait3A_92] : memref<10240x128xf32, #tpu.memory_space<vmem_shared>> -> memref<10240x128xf32, #tpu.memory_space<vmem_shared>>
        tpu.wait_indirect_dma semaphore(%run_scoped3A : memref<!tpu.dma_semaphore, #tpu.memory_space<semaphore_mem>>) src(%arg16 : memref<80x128xf32, #tpu.memory_space<vmem>>) dst(%dma_wait3A_93 : memref<10240x128xf32, #tpu.memory_space<vmem_shared>>)
        tpu.yield
      }) : () -> ()
      %scan3A_87 = arith.constant 0 : i32
      scf.yield %scan3A_87 : i32
    }
    %scan3A_20 = arith.constant 8 : i32
    %barrier3A = arith.constant 0 : index
    tpu.barrier barrier_id(%barrier3A)
    %add3A_21 = arith.constant 0 : i32
    %add3A_22 = arith.addi %mul3A_2, %add3A_21 : i32
    %dma_start3A = tpu.memref_slice %arg4[%add3A_22] : memref<320000xi32, #tpu.memory_space<hbm>> -> memref<80xi32, #tpu.memory_space<hbm>>
    %dma_start3A_23 = tpu.memref_slice %arg4[%add3A_22] : memref<320000xi32, #tpu.memory_space<hbm>> -> memref<80xi32, #tpu.memory_space<hbm>>
    tpu.enqueue_dma source(%dma_start3A_23 : memref<80xi32, #tpu.memory_space<hbm>>) target(%arg8 : memref<80xi32, #tpu.memory_space<vmem>>) target_semaphore(%arg24 : memref<!tpu.dma_semaphore, #tpu.memory_space<semaphore_mem>>)
    %dma_start3A_24 = tpu.memref_slice %arg5[%add3A_22] : memref<320000xi32, #tpu.memory_space<hbm>> -> memref<80xi32, #tpu.memory_space<hbm>>
    %dma_start3A_25 = tpu.memref_slice %arg5[%add3A_22] : memref<320000xi32, #tpu.memory_space<hbm>> -> memref<80xi32, #tpu.memory_space<hbm>>
    tpu.enqueue_dma source(%dma_start3A_25 : memref<80xi32, #tpu.memory_space<hbm>>) target(%arg9 : memref<80xi32, #tpu.memory_space<vmem>>) target_semaphore(%arg24 : memref<!tpu.dma_semaphore, #tpu.memory_space<semaphore_mem>>)
    %dma_start3A_26 = tpu.memref_slice %arg6[%add3A_22] : memref<320000xf32, #tpu.memory_space<hbm>> -> memref<80xf32, #tpu.memory_space<hbm>>
    %dma_start3A_27 = tpu.memref_slice %arg6[%add3A_22] : memref<320000xf32, #tpu.memory_space<hbm>> -> memref<80xf32, #tpu.memory_space<hbm>>
    tpu.enqueue_dma source(%dma_start3A_27 : memref<80xf32, #tpu.memory_space<hbm>>) target(%arg10 : memref<80xf32, #tpu.memory_space<vmem>>) target_semaphore(%arg24 : memref<!tpu.dma_semaphore, #tpu.memory_space<semaphore_mem>>)
    %dma_wait3A = tpu.memref_slice %arg4[%add3A_22] : memref<320000xi32, #tpu.memory_space<hbm>> -> memref<80xi32, #tpu.memory_space<hbm>>
    %dma_wait3A_28 = tpu.memref_slice %arg4[%add3A_22] : memref<320000xi32, #tpu.memory_space<hbm>> -> memref<80xi32, #tpu.memory_space<hbm>>
    tpu.wait_dma2 semaphore(%arg24 : memref<!tpu.dma_semaphore, #tpu.memory_space<semaphore_mem>>) src(%dma_wait3A_28 : memref<80xi32, #tpu.memory_space<hbm>>) dst(%arg8 : memref<80xi32, #tpu.memory_space<vmem>>)
    %dma_wait3A_29 = tpu.memref_slice %arg5[%add3A_22] : memref<320000xi32, #tpu.memory_space<hbm>> -> memref<80xi32, #tpu.memory_space<hbm>>
    %dma_wait3A_30 = tpu.memref_slice %arg5[%add3A_22] : memref<320000xi32, #tpu.memory_space<hbm>> -> memref<80xi32, #tpu.memory_space<hbm>>
    tpu.wait_dma2 semaphore(%arg24 : memref<!tpu.dma_semaphore, #tpu.memory_space<semaphore_mem>>) src(%dma_wait3A_30 : memref<80xi32, #tpu.memory_space<hbm>>) dst(%arg9 : memref<80xi32, #tpu.memory_space<vmem>>)
    %dma_wait3A_31 = tpu.memref_slice %arg6[%add3A_22] : memref<320000xf32, #tpu.memory_space<hbm>> -> memref<80xf32, #tpu.memory_space<hbm>>
    %dma_wait3A_32 = tpu.memref_slice %arg6[%add3A_22] : memref<320000xf32, #tpu.memory_space<hbm>> -> memref<80xf32, #tpu.memory_space<hbm>>
    tpu.wait_dma2 semaphore(%arg24 : memref<!tpu.dma_semaphore, #tpu.memory_space<semaphore_mem>>) src(%dma_wait3A_32 : memref<80xf32, #tpu.memory_space<hbm>>) dst(%arg10 : memref<80xf32, #tpu.memory_space<vmem>>)
    %dma_start3A_33 = arith.constant 0 : i32
    %dma_start3A_34 = arith.constant 0 : i32
    %dma_start3A_35 = tpu.memref_slice %arg2[%dma_start3A_33, %dma_start3A_34] : memref<10000x128xf32, #tpu.memory_space<hbm>> -> memref<10000x128xf32, #tpu.memory_space<hbm>>
    tpu.enqueue_indirect_dma source(%dma_start3A_35 : memref<10000x128xf32, #tpu.memory_space<hbm>>) target(%arg15 : memref<80x128xf32, #tpu.memory_space<vmem>>) offsets(%arg8 : memref<80xi32, #tpu.memory_space<vmem>>) semaphore(%arg20 : memref<!tpu.dma_semaphore, #tpu.memory_space<semaphore_mem>>)
    %add3A_36 = arith.constant 0 : i32
    %add3A_37 = arith.addi %mul3A_2, %add3A_36 : i32
    %dma_start3A_38 = arith.constant 0 : i32
    %dma_start3A_39 = tpu.memref_slice %arg3[%add3A_37, %dma_start3A_38] : memref<320000x128xf32, #tpu.memory_space<hbm>> -> memref<80x128xf32, #tpu.memory_space<hbm>>
    %dma_start3A_40 = arith.constant 0 : i32
    %dma_start3A_41 = tpu.memref_slice %arg3[%add3A_37, %dma_start3A_40] : memref<320000x128xf32, #tpu.memory_space<hbm>> -> memref<80x128xf32, #tpu.memory_space<hbm>>
    tpu.enqueue_dma source(%dma_start3A_41 : memref<80x128xf32, #tpu.memory_space<hbm>>) target(%arg16 : memref<80x128xf32, #tpu.memory_space<vmem>>) target_semaphore(%arg21 : memref<!tpu.dma_semaphore, #tpu.memory_space<semaphore_mem>>)
    %scan3A_42 = arith.constant 0 : i32
    %scan3A_43 = arith.constant 0 : i32
    %scan3A_44 = arith.constant 62 : i32
    %scan3A_45 = arith.addi %scan3A_43, %scan3A_44 : i32
    %scan3A_46 = arith.constant 1 : i32
    %scan3A_47 = scf.for %scan3A_73 = %scan3A_43 to %scan3A_45 step %scan3A_46 iter_args(%scan3A_74 = %scan3A_42) -> (i32)  : i32 {
      %mul3A_75 = arith.constant 2 : i32
      %mul3A_76 = arith.muli %mul3A_75, %scan3A_73 : i32
      %mul3A_77 = arith.constant 2 : i32
      %mul3A_78 = arith.muli %mul3A_77, %scan3A_73 : i32
      %add3A_79 = arith.constant 1 : i32
      %add3A_80 = arith.addi %mul3A_78, %add3A_79 : i32
      %mul3A_81 = arith.constant 80 : i32
      %mul3A_82 = arith.muli %add3A_80, %mul3A_81 : i32
      %add3A_83 = arith.addi %mul3A_2, %mul3A_82 : i32
      %dma_start3A_84 = tpu.memref_slice %arg4[%add3A_83] : memref<320000xi32, #tpu.memory_space<hbm>> -> memref<80xi32, #tpu.memory_space<hbm>>
      %dma_start3A_85 = tpu.memref_slice %arg4[%add3A_83] : memref<320000xi32, #tpu.memory_space<hbm>> -> memref<80xi32, #tpu.memory_space<hbm>>
      tpu.enqueue_dma source(%dma_start3A_85 : memref<80xi32, #tpu.memory_space<hbm>>) target(%arg11 : memref<80xi32, #tpu.memory_space<vmem>>) target_semaphore(%arg25 : memref<!tpu.dma_semaphore, #tpu.memory_space<semaphore_mem>>)
      %dma_start3A_86 = tpu.memref_slice %arg5[%add3A_83] : memref<320000xi32, #tpu.memory_space<hbm>> -> memref<80xi32, #tpu.memory_space<hbm>>
      %dma_start3A_87 = tpu.memref_slice %arg5[%add3A_83] : memref<320000xi32, #tpu.memory_space<hbm>> -> memref<80xi32, #tpu.memory_space<hbm>>
      tpu.enqueue_dma source(%dma_start3A_87 : memref<80xi32, #tpu.memory_space<hbm>>) target(%arg12 : memref<80xi32, #tpu.memory_space<vmem>>) target_semaphore(%arg25 : memref<!tpu.dma_semaphore, #tpu.memory_space<semaphore_mem>>)
      %dma_start3A_88 = tpu.memref_slice %arg6[%add3A_83] : memref<320000xf32, #tpu.memory_space<hbm>> -> memref<80xf32, #tpu.memory_space<hbm>>
      %dma_start3A_89 = tpu.memref_slice %arg6[%add3A_83] : memref<320000xf32, #tpu.memory_space<hbm>> -> memref<80xf32, #tpu.memory_space<hbm>>
      tpu.enqueue_dma source(%dma_start3A_89 : memref<80xf32, #tpu.memory_space<hbm>>) target(%arg13 : memref<80xf32, #tpu.memory_space<vmem>>) target_semaphore(%arg25 : memref<!tpu.dma_semaphore, #tpu.memory_space<semaphore_mem>>)
      %dma_wait3A_90 = tpu.memref_slice %arg4[%add3A_83] : memref<320000xi32, #tpu.memory_space<hbm>> -> memref<80xi32, #tpu.memory_space<hbm>>
      %dma_wait3A_91 = tpu.memref_slice %arg4[%add3A_83] : memref<320000xi32, #tpu.memory_space<hbm>> -> memref<80xi32, #tpu.memory_space<hbm>>
      tpu.wait_dma2 semaphore(%arg25 : memref<!tpu.dma_semaphore, #tpu.memory_space<semaphore_mem>>) src(%dma_wait3A_91 : memref<80xi32, #tpu.memory_space<hbm>>) dst(%arg11 : memref<80xi32, #tpu.memory_space<vmem>>)
      %dma_wait3A_92 = tpu.memref_slice %arg5[%add3A_83] : memref<320000xi32, #tpu.memory_space<hbm>> -> memref<80xi32, #tpu.memory_space<hbm>>
      %dma_wait3A_93 = tpu.memref_slice %arg5[%add3A_83] : memref<320000xi32, #tpu.memory_space<hbm>> -> memref<80xi32, #tpu.memory_space<hbm>>
      tpu.wait_dma2 semaphore(%arg25 : memref<!tpu.dma_semaphore, #tpu.memory_space<semaphore_mem>>) src(%dma_wait3A_93 : memref<80xi32, #tpu.memory_space<hbm>>) dst(%arg12 : memref<80xi32, #tpu.memory_space<vmem>>)
      %dma_wait3A_94 = tpu.memref_slice %arg6[%add3A_83] : memref<320000xf32, #tpu.memory_space<hbm>> -> memref<80xf32, #tpu.memory_space<hbm>>
      %dma_wait3A_95 = tpu.memref_slice %arg6[%add3A_83] : memref<320000xf32, #tpu.memory_space<hbm>> -> memref<80xf32, #tpu.memory_space<hbm>>
      tpu.wait_dma2 semaphore(%arg25 : memref<!tpu.dma_semaphore, #tpu.memory_space<semaphore_mem>>) src(%dma_wait3A_95 : memref<80xf32, #tpu.memory_space<hbm>>) dst(%arg13 : memref<80xf32, #tpu.memory_space<vmem>>)
      %dma_start3A_96 = arith.constant 0 : i32
      %dma_start3A_97 = arith.constant 0 : i32
      %dma_start3A_98 = tpu.memref_slice %arg2[%dma_start3A_96, %dma_start3A_97] : memref<10000x128xf32, #tpu.memory_space<hbm>> -> memref<10000x128xf32, #tpu.memory_space<hbm>>
      tpu.enqueue_indirect_dma source(%dma_start3A_98 : memref<10000x128xf32, #tpu.memory_space<hbm>>) target(%arg17 : memref<80x128xf32, #tpu.memory_space<vmem>>) offsets(%arg11 : memref<80xi32, #tpu.memory_space<vmem>>) semaphore(%arg22 : memref<!tpu.dma_semaphore, #tpu.memory_space<semaphore_mem>>)
      %mul3A_99 = arith.constant 80 : i32
      %mul3A_100 = arith.muli %add3A_80, %mul3A_99 : i32
      %add3A_101 = arith.addi %mul3A_2, %mul3A_100 : i32
      %dma_start3A_102 = arith.constant 0 : i32
      %dma_start3A_103 = tpu.memref_slice %arg3[%add3A_101, %dma_start3A_102] : memref<320000x128xf32, #tpu.memory_space<hbm>> -> memref<80x128xf32, #tpu.memory_space<hbm>>
      %dma_start3A_104 = arith.constant 0 : i32
      %dma_start3A_105 = tpu.memref_slice %arg3[%add3A_101, %dma_start3A_104] : memref<320000x128xf32, #tpu.memory_space<hbm>> -> memref<80x128xf32, #tpu.memory_space<hbm>>
      tpu.enqueue_dma source(%dma_start3A_105 : memref<80x128xf32, #tpu.memory_space<hbm>>) target(%arg18 : memref<80x128xf32, #tpu.memory_space<vmem>>) target_semaphore(%arg23 : memref<!tpu.dma_semaphore, #tpu.memory_space<semaphore_mem>>)
      %dma_wait3A_106 = arith.constant 0 : i32
      %dma_wait3A_107 = arith.constant 0 : i32
      %dma_wait3A_108 = tpu.memref_slice %arg2[%dma_wait3A_106, %dma_wait3A_107] : memref<10000x128xf32, #tpu.memory_space<hbm>> -> memref<10000x128xf32, #tpu.memory_space<hbm>>
      tpu.wait_indirect_dma semaphore(%arg20 : memref<!tpu.dma_semaphore, #tpu.memory_space<semaphore_mem>>) src(%dma_wait3A_108 : memref<10000x128xf32, #tpu.memory_space<hbm>>) dst(%arg15 : memref<80x128xf32, #tpu.memory_space<vmem>>)
      %dma_wait3A_109 = arith.constant 0 : i32
      %dma_wait3A_110 = arith.constant 0 : i32
      %dma_wait3A_111 = tpu.memref_slice %arg3[%dma_wait3A_109, %dma_wait3A_110] : memref<320000x128xf32, #tpu.memory_space<hbm>> -> memref<80x128xf32, #tpu.memory_space<hbm>>
      %dma_wait3A_112 = arith.constant 0 : i32
      %dma_wait3A_113 = arith.constant 0 : i32
      %dma_wait3A_114 = tpu.memref_slice %arg3[%dma_wait3A_112, %dma_wait3A_113] : memref<320000x128xf32, #tpu.memory_space<hbm>> -> memref<80x128xf32, #tpu.memory_space<hbm>>
      tpu.wait_dma2 semaphore(%arg21 : memref<!tpu.dma_semaphore, #tpu.memory_space<semaphore_mem>>) src(%dma_wait3A_114 : memref<80x128xf32, #tpu.memory_space<hbm>>) dst(%arg16 : memref<80x128xf32, #tpu.memory_space<vmem>>)
      %scan3A_115 = arith.constant 0 : i32
      %scan3A_116 = arith.constant 0 : i32
      %scan3A_117 = arith.constant 80 : i32
      %scan3A_118 = arith.addi %scan3A_116, %scan3A_117 : i32
      %scan3A_119 = arith.constant 1 : i32
      %scan3A_120 = scf.for %scan3A_139 = %scan3A_116 to %scan3A_118 step %scan3A_119 iter_args(%scan3A_140 = %scan3A_115) -> (i32)  : i32 {
        %broadcast_in_dim3A = vector.broadcast %scan3A_139 : i32 to vector<16xi32>
        %gather3A = tpu.vector_load_idx %arg10[%broadcast_in_dim3A] : memref<80xf32, #tpu.memory_space<vmem>>[vector<16xi32>], vector<16xf32>,
        %get3A = arith.index_cast %scan3A_139 : i32 to index
        %get3A_141 = arith.constant 0 : index
        %get3A_142 = tpu.vector_load %arg15[%get3A, %get3A_141] {strides = array<i32>} : memref<80x128xf32, #tpu.memory_space<vmem>>, vector<16xf32>,
        %get3A_143 = arith.index_cast %scan3A_139 : i32 to index
        %get3A_144 = arith.constant 0 : index
        %get3A_145 = tpu.vector_load %arg16[%get3A_143, %get3A_144] {strides = array<i32>} : memref<80x128xf32, #tpu.memory_space<vmem>>, vector<16xf32>,
        %add3A_146 = arith.addf %get3A_142, %get3A_145 : vector<16xf32>
        %max3A = arith.constant 0.000000e+00 : f32
        %max3A_147 = vector.broadcast %max3A : f32 to vector<16xf32>
        %max3A_148 = arith.maximumf %add3A_146, %max3A_147 : vector<16xf32>
        %mul3A_149 = arith.mulf %max3A_148, %gather3A : vector<16xf32>
        %swap3A = arith.index_cast %scan3A_139 : i32 to index
        %swap3A_150 = arith.constant 0 : index
        %swap3A_151 = tpu.vector_load %arg16[%swap3A, %swap3A_150] {strides = array<i32>} : memref<80x128xf32, #tpu.memory_space<vmem>>, vector<16xf32>,
        tpu.vector_store %arg16[%swap3A, %swap3A_150], %mul3A_149 {strides = array<i32>} : memref<80x128xf32, #tpu.memory_space<vmem>>, vector<16xf32>,
        %get3A_152 = arith.index_cast %scan3A_139 : i32 to index
        %get3A_153 = arith.constant 16 : index
        %get3A_154 = tpu.vector_load %arg15[%get3A_152, %get3A_153] {strides = array<i32>} : memref<80x128xf32, #tpu.memory_space<vmem>>, vector<16xf32>,
        %get3A_155 = arith.index_cast %scan3A_139 : i32 to index
        %get3A_156 = arith.constant 16 : index
        %get3A_157 = tpu.vector_load %arg16[%get3A_155, %get3A_156] {strides = array<i32>} : memref<80x128xf32, #tpu.memory_space<vmem>>, vector<16xf32>,
        %add3A_158 = arith.addf %get3A_154, %get3A_157 : vector<16xf32>
        %max3A_159 = arith.constant 0.000000e+00 : f32
        %max3A_160 = vector.broadcast %max3A_159 : f32 to vector<16xf32>
        %max3A_161 = arith.maximumf %add3A_158, %max3A_160 : vector<16xf32>
        %mul3A_162 = arith.mulf %max3A_161, %gather3A : vector<16xf32>
        %swap3A_163 = arith.index_cast %scan3A_139 : i32 to index
        %swap3A_164 = arith.constant 16 : index
        %swap3A_165 = tpu.vector_load %arg16[%swap3A_163, %swap3A_164] {strides = array<i32>} : memref<80x128xf32, #tpu.memory_space<vmem>>, vector<16xf32>,
        tpu.vector_store %arg16[%swap3A_163, %swap3A_164], %mul3A_162 {strides = array<i32>} : memref<80x128xf32, #tpu.memory_space<vmem>>, vector<16xf32>,
        %get3A_166 = arith.index_cast %scan3A_139 : i32 to index
        %get3A_167 = arith.constant 32 : index
        %get3A_168 = tpu.vector_load %arg15[%get3A_166, %get3A_167] {strides = array<i32>} : memref<80x128xf32, #tpu.memory_space<vmem>>, vector<16xf32>,
        %get3A_169 = arith.index_cast %scan3A_139 : i32 to index
        %get3A_170 = arith.constant 32 : index
        %get3A_171 = tpu.vector_load %arg16[%get3A_169, %get3A_170] {strides = array<i32>} : memref<80x128xf32, #tpu.memory_space<vmem>>, vector<16xf32>,
        %add3A_172 = arith.addf %get3A_168, %get3A_171 : vector<16xf32>
        %max3A_173 = arith.constant 0.000000e+00 : f32
        %max3A_174 = vector.broadcast %max3A_173 : f32 to vector<16xf32>
        %max3A_175 = arith.maximumf %add3A_172, %max3A_174 : vector<16xf32>
        %mul3A_176 = arith.mulf %max3A_175, %gather3A : vector<16xf32>
        %swap3A_177 = arith.index_cast %scan3A_139 : i32 to index
        %swap3A_178 = arith.constant 32 : index
        %swap3A_179 = tpu.vector_load %arg16[%swap3A_177, %swap3A_178] {strides = array<i32>} : memref<80x128xf32, #tpu.memory_space<vmem>>, vector<16xf32>,
        tpu.vector_store %arg16[%swap3A_177, %swap3A_178], %mul3A_176 {strides = array<i32>} : memref<80x128xf32, #tpu.memory_space<vmem>>, vector<16xf32>,
        %get3A_180 = arith.index_cast %scan3A_139 : i32 to index
        %get3A_181 = arith.constant 48 : index
        %get3A_182 = tpu.vector_load %arg15[%get3A_180, %get3A_181] {strides = array<i32>} : memref<80x128xf32, #tpu.memory_space<vmem>>, vector<16xf32>,
        %get3A_183 = arith.index_cast %scan3A_139 : i32 to index
        %get3A_184 = arith.constant 48 : index
        %get3A_185 = tpu.vector_load %arg16[%get3A_183, %get3A_184] {strides = array<i32>} : memref<80x128xf32, #tpu.memory_space<vmem>>, vector<16xf32>,
        %add3A_186 = arith.addf %get3A_182, %get3A_185 : vector<16xf32>
        %max3A_187 = arith.constant 0.000000e+00 : f32
        %max3A_188 = vector.broadcast %max3A_187 : f32 to vector<16xf32>
        %max3A_189 = arith.maximumf %add3A_186, %max3A_188 : vector<16xf32>
        %mul3A_190 = arith.mulf %max3A_189, %gather3A : vector<16xf32>
        %swap3A_191 = arith.index_cast %scan3A_139 : i32 to index
        %swap3A_192 = arith.constant 48 : index
        %swap3A_193 = tpu.vector_load %arg16[%swap3A_191, %swap3A_192] {strides = array<i32>} : memref<80x128xf32, #tpu.memory_space<vmem>>, vector<16xf32>,
        tpu.vector_store %arg16[%swap3A_191, %swap3A_192], %mul3A_190 {strides = array<i32>} : memref<80x128xf32, #tpu.memory_space<vmem>>, vector<16xf32>,
        %get3A_194 = arith.index_cast %scan3A_139 : i32 to index
        %get3A_195 = arith.constant 64 : index
        %get3A_196 = tpu.vector_load %arg15[%get3A_194, %get3A_195] {strides = array<i32>} : memref<80x128xf32, #tpu.memory_space<vmem>>, vector<16xf32>,
        %get3A_197 = arith.index_cast %scan3A_139 : i32 to index
        %get3A_198 = arith.constant 64 : index
        %get3A_199 = tpu.vector_load %arg16[%get3A_197, %get3A_198] {strides = array<i32>} : memref<80x128xf32, #tpu.memory_space<vmem>>, vector<16xf32>,
        %add3A_200 = arith.addf %get3A_196, %get3A_199 : vector<16xf32>
        %max3A_201 = arith.constant 0.000000e+00 : f32
        %max3A_202 = vector.broadcast %max3A_201 : f32 to vector<16xf32>
        %max3A_203 = arith.maximumf %add3A_200, %max3A_202 : vector<16xf32>
        %mul3A_204 = arith.mulf %max3A_203, %gather3A : vector<16xf32>
        %swap3A_205 = arith.index_cast %scan3A_139 : i32 to index
        %swap3A_206 = arith.constant 64 : index
        %swap3A_207 = tpu.vector_load %arg16[%swap3A_205, %swap3A_206] {strides = array<i32>} : memref<80x128xf32, #tpu.memory_space<vmem>>, vector<16xf32>,
        tpu.vector_store %arg16[%swap3A_205, %swap3A_206], %mul3A_204 {strides = array<i32>} : memref<80x128xf32, #tpu.memory_space<vmem>>, vector<16xf32>,
        %get3A_208 = arith.index_cast %scan3A_139 : i32 to index
        %get3A_209 = arith.constant 80 : index
        %get3A_210 = tpu.vector_load %arg15[%get3A_208, %get3A_209] {strides = array<i32>} : memref<80x128xf32, #tpu.memory_space<vmem>>, vector<16xf32>,
        %get3A_211 = arith.index_cast %scan3A_139 : i32 to index
        %get3A_212 = arith.constant 80 : index
        %get3A_213 = tpu.vector_load %arg16[%get3A_211, %get3A_212] {strides = array<i32>} : memref<80x128xf32, #tpu.memory_space<vmem>>, vector<16xf32>,
        %add3A_214 = arith.addf %get3A_210, %get3A_213 : vector<16xf32>
        %max3A_215 = arith.constant 0.000000e+00 : f32
        %max3A_216 = vector.broadcast %max3A_215 : f32 to vector<16xf32>
        %max3A_217 = arith.maximumf %add3A_214, %max3A_216 : vector<16xf32>
        %mul3A_218 = arith.mulf %max3A_217, %gather3A : vector<16xf32>
        %swap3A_219 = arith.index_cast %scan3A_139 : i32 to index
        %swap3A_220 = arith.constant 80 : index
        %swap3A_221 = tpu.vector_load %arg16[%swap3A_219, %swap3A_220] {strides = array<i32>} : memref<80x128xf32, #tpu.memory_space<vmem>>, vector<16xf32>,
        tpu.vector_store %arg16[%swap3A_219, %swap3A_220], %mul3A_218 {strides = array<i32>} : memref<80x128xf32, #tpu.memory_space<vmem>>, vector<16xf32>,
        %get3A_222 = arith.index_cast %scan3A_139 : i32 to index
        %get3A_223 = arith.constant 96 : index
        %get3A_224 = tpu.vector_load %arg15[%get3A_222, %get3A_223] {strides = array<i32>} : memref<80x128xf32, #tpu.memory_space<vmem>>, vector<16xf32>,
        %get3A_225 = arith.index_cast %scan3A_139 : i32 to index
        %get3A_226 = arith.constant 96 : index
        %get3A_227 = tpu.vector_load %arg16[%get3A_225, %get3A_226] {strides = array<i32>} : memref<80x128xf32, #tpu.memory_space<vmem>>, vector<16xf32>,
        %add3A_228 = arith.addf %get3A_224, %get3A_227 : vector<16xf32>
        %max3A_229 = arith.constant 0.000000e+00 : f32
        %max3A_230 = vector.broadcast %max3A_229 : f32 to vector<16xf32>
        %max3A_231 = arith.maximumf %add3A_228, %max3A_230 : vector<16xf32>
        %mul3A_232 = arith.mulf %max3A_231, %gather3A : vector<16xf32>
        %swap3A_233 = arith.index_cast %scan3A_139 : i32 to index
        %swap3A_234 = arith.constant 96 : index
        %swap3A_235 = tpu.vector_load %arg16[%swap3A_233, %swap3A_234] {strides = array<i32>} : memref<80x128xf32, #tpu.memory_space<vmem>>, vector<16xf32>,
        tpu.vector_store %arg16[%swap3A_233, %swap3A_234], %mul3A_232 {strides = array<i32>} : memref<80x128xf32, #tpu.memory_space<vmem>>, vector<16xf32>,
        %get3A_236 = arith.index_cast %scan3A_139 : i32 to index
        %get3A_237 = arith.constant 112 : index
        %get3A_238 = tpu.vector_load %arg15[%get3A_236, %get3A_237] {strides = array<i32>} : memref<80x128xf32, #tpu.memory_space<vmem>>, vector<16xf32>,
        %get3A_239 = arith.index_cast %scan3A_139 : i32 to index
        %get3A_240 = arith.constant 112 : index
        %get3A_241 = tpu.vector_load %arg16[%get3A_239, %get3A_240] {strides = array<i32>} : memref<80x128xf32, #tpu.memory_space<vmem>>, vector<16xf32>,
        %add3A_242 = arith.addf %get3A_238, %get3A_241 : vector<16xf32>
        %max3A_243 = arith.constant 0.000000e+00 : f32
        %max3A_244 = vector.broadcast %max3A_243 : f32 to vector<16xf32>
        %max3A_245 = arith.maximumf %add3A_242, %max3A_244 : vector<16xf32>
        %mul3A_246 = arith.mulf %max3A_245, %gather3A : vector<16xf32>
        %swap3A_247 = arith.index_cast %scan3A_139 : i32 to index
        %swap3A_248 = arith.constant 112 : index
        %swap3A_249 = tpu.vector_load %arg16[%swap3A_247, %swap3A_248] {strides = array<i32>} : memref<80x128xf32, #tpu.memory_space<vmem>>, vector<16xf32>,
        tpu.vector_store %arg16[%swap3A_247, %swap3A_248], %mul3A_246 {strides = array<i32>} : memref<80x128xf32, #tpu.memory_space<vmem>>, vector<16xf32>,
        %scan3A_250 = arith.constant 0 : i32
        scf.yield %scan3A_250 : i32
      }
      %scan3A_121 = arith.constant 80 : i32
      "tpu.region"() ({
        %run_scoped3A = tpu.sem_alloc : memref<!tpu.dma_semaphore, #tpu.memory_space<semaphore_mem>>
        %dma_start3A_139 = arith.constant 0 : i32
        %dma_start3A_140 = arith.constant 0 : i32
        %dma_start3A_141 = tpu.memref_slice %arg19[%dma_start3A_139, %dma_start3A_140] : memref<10240x128xf32, #tpu.memory_space<vmem_shared>> -> memref<10240x128xf32, #tpu.memory_space<vmem_shared>>
        tpu.enqueue_indirect_dma source(%arg16 : memref<80x128xf32, #tpu.memory_space<vmem>>) target(%dma_start3A_141 : memref<10240x128xf32, #tpu.memory_space<vmem_shared>>) offsets(%arg9 : memref<80xi32, #tpu.memory_space<vmem>>) semaphore(%run_scoped3A : memref<!tpu.dma_semaphore, #tpu.memory_space<semaphore_mem>>) {add = true}
        %dma_wait3A_142 = arith.constant 0 : i32
        %dma_wait3A_143 = arith.constant 0 : i32
        %dma_wait3A_144 = tpu.memref_slice %arg19[%dma_wait3A_142, %dma_wait3A_143] : memref<10240x128xf32, #tpu.memory_space<vmem_shared>> -> memref<10240x128xf32, #tpu.memory_space<vmem_shared>>
        tpu.wait_indirect_dma semaphore(%run_scoped3A : memref<!tpu.dma_semaphore, #tpu.memory_space<semaphore_mem>>) src(%arg16 : memref<80x128xf32, #tpu.memory_space<vmem>>) dst(%dma_wait3A_144 : memref<10240x128xf32, #tpu.memory_space<vmem_shared>>)
        tpu.yield
      }) : () -> ()
      %lt3A = arith.constant 62 : i32
      %lt3A_122 = arith.cmpi slt, %scan3A_73, %lt3A : i32
      %convert_element_type3A = arith.extui %lt3A_122 : i1 to i32
      %cond3A = arith.constant 0 : i32
      %cond3A_123 = arith.cmpi ne, %convert_element_type3A, %cond3A : i32
      scf.if %cond3A_123 {
        %add3A_139 = arith.constant 2 : i32
        %add3A_140 = arith.addi %mul3A_76, %add3A_139 : i32
        %mul3A_141 = arith.constant 80 : i32
        %mul3A_142 = arith.muli %add3A_140, %mul3A_141 : i32
        %add3A_143 = arith.addi %mul3A_2, %mul3A_142 : i32
        %dma_start3A_144 = tpu.memref_slice %arg4[%add3A_143] : memref<320000xi32, #tpu.memory_space<hbm>> -> memref<80xi32, #tpu.memory_space<hbm>>
        %dma_start3A_145 = tpu.memref_slice %arg4[%add3A_143] : memref<320000xi32, #tpu.memory_space<hbm>> -> memref<80xi32, #tpu.memory_space<hbm>>
        tpu.enqueue_dma source(%dma_start3A_145 : memref<80xi32, #tpu.memory_space<hbm>>) target(%arg8 : memref<80xi32, #tpu.memory_space<vmem>>) target_semaphore(%arg24 : memref<!tpu.dma_semaphore, #tpu.memory_space<semaphore_mem>>)
        %dma_start3A_146 = tpu.memref_slice %arg5[%add3A_143] : memref<320000xi32, #tpu.memory_space<hbm>> -> memref<80xi32, #tpu.memory_space<hbm>>
        %dma_start3A_147 = tpu.memref_slice %arg5[%add3A_143] : memref<320000xi32, #tpu.memory_space<hbm>> -> memref<80xi32, #tpu.memory_space<hbm>>
        tpu.enqueue_dma source(%dma_start3A_147 : memref<80xi32, #tpu.memory_space<hbm>>) target(%arg9 : memref<80xi32, #tpu.memory_space<vmem>>) target_semaphore(%arg24 : memref<!tpu.dma_semaphore, #tpu.memory_space<semaphore_mem>>)
        %dma_start3A_148 = tpu.memref_slice %arg6[%add3A_143] : memref<320000xf32, #tpu.memory_space<hbm>> -> memref<80xf32, #tpu.memory_space<hbm>>
        %dma_start3A_149 = tpu.memref_slice %arg6[%add3A_143] : memref<320000xf32, #tpu.memory_space<hbm>> -> memref<80xf32, #tpu.memory_space<hbm>>
        tpu.enqueue_dma source(%dma_start3A_149 : memref<80xf32, #tpu.memory_space<hbm>>) target(%arg10 : memref<80xf32, #tpu.memory_space<vmem>>) target_semaphore(%arg24 : memref<!tpu.dma_semaphore, #tpu.memory_space<semaphore_mem>>)
        %dma_wait3A_150 = tpu.memref_slice %arg4[%add3A_143] : memref<320000xi32, #tpu.memory_space<hbm>> -> memref<80xi32, #tpu.memory_space<hbm>>
        %dma_wait3A_151 = tpu.memref_slice %arg4[%add3A_143] : memref<320000xi32, #tpu.memory_space<hbm>> -> memref<80xi32, #tpu.memory_space<hbm>>
        tpu.wait_dma2 semaphore(%arg24 : memref<!tpu.dma_semaphore, #tpu.memory_space<semaphore_mem>>) src(%dma_wait3A_151 : memref<80xi32, #tpu.memory_space<hbm>>) dst(%arg8 : memref<80xi32, #tpu.memory_space<vmem>>)
        %dma_wait3A_152 = tpu.memref_slice %arg5[%add3A_143] : memref<320000xi32, #tpu.memory_space<hbm>> -> memref<80xi32, #tpu.memory_space<hbm>>
        %dma_wait3A_153 = tpu.memref_slice %arg5[%add3A_143] : memref<320000xi32, #tpu.memory_space<hbm>> -> memref<80xi32, #tpu.memory_space<hbm>>
        tpu.wait_dma2 semaphore(%arg24 : memref<!tpu.dma_semaphore, #tpu.memory_space<semaphore_mem>>) src(%dma_wait3A_153 : memref<80xi32, #tpu.memory_space<hbm>>) dst(%arg9 : memref<80xi32, #tpu.memory_space<vmem>>)
        %dma_wait3A_154 = tpu.memref_slice %arg6[%add3A_143] : memref<320000xf32, #tpu.memory_space<hbm>> -> memref<80xf32, #tpu.memory_space<hbm>>
        %dma_wait3A_155 = tpu.memref_slice %arg6[%add3A_143] : memref<320000xf32, #tpu.memory_space<hbm>> -> memref<80xf32, #tpu.memory_space<hbm>>
        tpu.wait_dma2 semaphore(%arg24 : memref<!tpu.dma_semaphore, #tpu.memory_space<semaphore_mem>>) src(%dma_wait3A_155 : memref<80xf32, #tpu.memory_space<hbm>>) dst(%arg10 : memref<80xf32, #tpu.memory_space<vmem>>)
        %add3A_156 = arith.constant 2 : i32
        %add3A_157 = arith.addi %mul3A_76, %add3A_156 : i32
        %dma_start3A_158 = arith.constant 0 : i32
        %dma_start3A_159 = arith.constant 0 : i32
        %dma_start3A_160 = tpu.memref_slice %arg2[%dma_start3A_158, %dma_start3A_159] : memref<10000x128xf32, #tpu.memory_space<hbm>> -> memref<10000x128xf32, #tpu.memory_space<hbm>>
        tpu.enqueue_indirect_dma source(%dma_start3A_160 : memref<10000x128xf32, #tpu.memory_space<hbm>>) target(%arg15 : memref<80x128xf32, #tpu.memory_space<vmem>>) offsets(%arg8 : memref<80xi32, #tpu.memory_space<vmem>>) semaphore(%arg20 : memref<!tpu.dma_semaphore, #tpu.memory_space<semaphore_mem>>)
        %mul3A_161 = arith.constant 80 : i32
        %mul3A_162 = arith.muli %add3A_157, %mul3A_161 : i32
        %add3A_163 = arith.addi %mul3A_2, %mul3A_162 : i32
        %dma_start3A_164 = arith.constant 0 : i32
        %dma_start3A_165 = tpu.memref_slice %arg3[%add3A_163, %dma_start3A_164] : memref<320000x128xf32, #tpu.memory_space<hbm>> -> memref<80x128xf32, #tpu.memory_space<hbm>>
        %dma_start3A_166 = arith.constant 0 : i32
        %dma_start3A_167 = tpu.memref_slice %arg3[%add3A_163, %dma_start3A_166] : memref<320000x128xf32, #tpu.memory_space<hbm>> -> memref<80x128xf32, #tpu.memory_space<hbm>>
        tpu.enqueue_dma source(%dma_start3A_167 : memref<80x128xf32, #tpu.memory_space<hbm>>) target(%arg16 : memref<80x128xf32, #tpu.memory_space<vmem>>) target_semaphore(%arg21 : memref<!tpu.dma_semaphore, #tpu.memory_space<semaphore_mem>>)
      } else {
      }
      %dma_wait3A_124 = arith.constant 0 : i32
      %dma_wait3A_125 = arith.constant 0 : i32
      %dma_wait3A_126 = tpu.memref_slice %arg2[%dma_wait3A_124, %dma_wait3A_125] : memref<10000x128xf32, #tpu.memory_space<hbm>> -> memref<10000x128xf32, #tpu.memory_space<hbm>>
      tpu.wait_indirect_dma semaphore(%arg22 : memref<!tpu.dma_semaphore, #tpu.memory_space<semaphore_mem>>) src(%dma_wait3A_126 : memref<10000x128xf32, #tpu.memory_space<hbm>>) dst(%arg17 : memref<80x128xf32, #tpu.memory_space<vmem>>)
      %dma_wait3A_127 = arith.constant 0 : i32
      %dma_wait3A_128 = tpu.memref_slice %arg3[%add3A_101, %dma_wait3A_127] : memref<320000x128xf32, #tpu.memory_space<hbm>> -> memref<80x128xf32, #tpu.memory_space<hbm>>
      %dma_wait3A_129 = arith.constant 0 : i32
      %dma_wait3A_130 = tpu.memref_slice %arg3[%add3A_101, %dma_wait3A_129] : memref<320000x128xf32, #tpu.memory_space<hbm>> -> memref<80x128xf32, #tpu.memory_space<hbm>>
      tpu.wait_dma2 semaphore(%arg23 : memref<!tpu.dma_semaphore, #tpu.memory_space<semaphore_mem>>) src(%dma_wait3A_130 : memref<80x128xf32, #tpu.memory_space<hbm>>) dst(%arg18 : memref<80x128xf32, #tpu.memory_space<vmem>>)
      %scan3A_131 = arith.constant 0 : i32
      %scan3A_132 = arith.constant 0 : i32
      %scan3A_133 = arith.constant 80 : i32
      %scan3A_134 = arith.addi %scan3A_132, %scan3A_133 : i32
      %scan3A_135 = arith.constant 1 : i32
      %scan3A_136 = scf.for %scan3A_139 = %scan3A_132 to %scan3A_134 step %scan3A_135 iter_args(%scan3A_140 = %scan3A_131) -> (i32)  : i32 {
        %broadcast_in_dim3A = vector.broadcast %scan3A_139 : i32 to vector<16xi32>
        %gather3A = tpu.vector_load_idx %arg13[%broadcast_in_dim3A] : memref<80xf32, #tpu.memory_space<vmem>>[vector<16xi32>], vector<16xf32>,
        %get3A = arith.index_cast %scan3A_139 : i32 to index
        %get3A_141 = arith.constant 0 : index
        %get3A_142 = tpu.vector_load %arg17[%get3A, %get3A_141] {strides = array<i32>} : memref<80x128xf32, #tpu.memory_space<vmem>>, vector<16xf32>,
        %get3A_143 = arith.index_cast %scan3A_139 : i32 to index
        %get3A_144 = arith.constant 0 : index
        %get3A_145 = tpu.vector_load %arg18[%get3A_143, %get3A_144] {strides = array<i32>} : memref<80x128xf32, #tpu.memory_space<vmem>>, vector<16xf32>,
        %add3A_146 = arith.addf %get3A_142, %get3A_145 : vector<16xf32>
        %max3A = arith.constant 0.000000e+00 : f32
        %max3A_147 = vector.broadcast %max3A : f32 to vector<16xf32>
        %max3A_148 = arith.maximumf %add3A_146, %max3A_147 : vector<16xf32>
        %mul3A_149 = arith.mulf %max3A_148, %gather3A : vector<16xf32>
        %swap3A = arith.index_cast %scan3A_139 : i32 to index
        %swap3A_150 = arith.constant 0 : index
        %swap3A_151 = tpu.vector_load %arg18[%swap3A, %swap3A_150] {strides = array<i32>} : memref<80x128xf32, #tpu.memory_space<vmem>>, vector<16xf32>,
        tpu.vector_store %arg18[%swap3A, %swap3A_150], %mul3A_149 {strides = array<i32>} : memref<80x128xf32, #tpu.memory_space<vmem>>, vector<16xf32>,
        %get3A_152 = arith.index_cast %scan3A_139 : i32 to index
        %get3A_153 = arith.constant 16 : index
        %get3A_154 = tpu.vector_load %arg17[%get3A_152, %get3A_153] {strides = array<i32>} : memref<80x128xf32, #tpu.memory_space<vmem>>, vector<16xf32>,
        %get3A_155 = arith.index_cast %scan3A_139 : i32 to index
        %get3A_156 = arith.constant 16 : index
        %get3A_157 = tpu.vector_load %arg18[%get3A_155, %get3A_156] {strides = array<i32>} : memref<80x128xf32, #tpu.memory_space<vmem>>, vector<16xf32>,
        %add3A_158 = arith.addf %get3A_154, %get3A_157 : vector<16xf32>
        %max3A_159 = arith.constant 0.000000e+00 : f32
        %max3A_160 = vector.broadcast %max3A_159 : f32 to vector<16xf32>
        %max3A_161 = arith.maximumf %add3A_158, %max3A_160 : vector<16xf32>
        %mul3A_162 = arith.mulf %max3A_161, %gather3A : vector<16xf32>
        %swap3A_163 = arith.index_cast %scan3A_139 : i32 to index
        %swap3A_164 = arith.constant 16 : index
        %swap3A_165 = tpu.vector_load %arg18[%swap3A_163, %swap3A_164] {strides = array<i32>} : memref<80x128xf32, #tpu.memory_space<vmem>>, vector<16xf32>,
        tpu.vector_store %arg18[%swap3A_163, %swap3A_164], %mul3A_162 {strides = array<i32>} : memref<80x128xf32, #tpu.memory_space<vmem>>, vector<16xf32>,
        %get3A_166 = arith.index_cast %scan3A_139 : i32 to index
        %get3A_167 = arith.constant 32 : index
        %get3A_168 = tpu.vector_load %arg17[%get3A_166, %get3A_167] {strides = array<i32>} : memref<80x128xf32, #tpu.memory_space<vmem>>, vector<16xf32>,
        %get3A_169 = arith.index_cast %scan3A_139 : i32 to index
        %get3A_170 = arith.constant 32 : index
        %get3A_171 = tpu.vector_load %arg18[%get3A_169, %get3A_170] {strides = array<i32>} : memref<80x128xf32, #tpu.memory_space<vmem>>, vector<16xf32>,
        %add3A_172 = arith.addf %get3A_168, %get3A_171 : vector<16xf32>
        %max3A_173 = arith.constant 0.000000e+00 : f32
        %max3A_174 = vector.broadcast %max3A_173 : f32 to vector<16xf32>
        %max3A_175 = arith.maximumf %add3A_172, %max3A_174 : vector<16xf32>
        %mul3A_176 = arith.mulf %max3A_175, %gather3A : vector<16xf32>
        %swap3A_177 = arith.index_cast %scan3A_139 : i32 to index
        %swap3A_178 = arith.constant 32 : index
        %swap3A_179 = tpu.vector_load %arg18[%swap3A_177, %swap3A_178] {strides = array<i32>} : memref<80x128xf32, #tpu.memory_space<vmem>>, vector<16xf32>,
        tpu.vector_store %arg18[%swap3A_177, %swap3A_178], %mul3A_176 {strides = array<i32>} : memref<80x128xf32, #tpu.memory_space<vmem>>, vector<16xf32>,
        %get3A_180 = arith.index_cast %scan3A_139 : i32 to index
        %get3A_181 = arith.constant 48 : index
        %get3A_182 = tpu.vector_load %arg17[%get3A_180, %get3A_181] {strides = array<i32>} : memref<80x128xf32, #tpu.memory_space<vmem>>, vector<16xf32>,
        %get3A_183 = arith.index_cast %scan3A_139 : i32 to index
        %get3A_184 = arith.constant 48 : index
        %get3A_185 = tpu.vector_load %arg18[%get3A_183, %get3A_184] {strides = array<i32>} : memref<80x128xf32, #tpu.memory_space<vmem>>, vector<16xf32>,
        %add3A_186 = arith.addf %get3A_182, %get3A_185 : vector<16xf32>
        %max3A_187 = arith.constant 0.000000e+00 : f32
        %max3A_188 = vector.broadcast %max3A_187 : f32 to vector<16xf32>
        %max3A_189 = arith.maximumf %add3A_186, %max3A_188 : vector<16xf32>
        %mul3A_190 = arith.mulf %max3A_189, %gather3A : vector<16xf32>
        %swap3A_191 = arith.index_cast %scan3A_139 : i32 to index
        %swap3A_192 = arith.constant 48 : index
        %swap3A_193 = tpu.vector_load %arg18[%swap3A_191, %swap3A_192] {strides = array<i32>} : memref<80x128xf32, #tpu.memory_space<vmem>>, vector<16xf32>,
        tpu.vector_store %arg18[%swap3A_191, %swap3A_192], %mul3A_190 {strides = array<i32>} : memref<80x128xf32, #tpu.memory_space<vmem>>, vector<16xf32>,
        %get3A_194 = arith.index_cast %scan3A_139 : i32 to index
        %get3A_195 = arith.constant 64 : index
        %get3A_196 = tpu.vector_load %arg17[%get3A_194, %get3A_195] {strides = array<i32>} : memref<80x128xf32, #tpu.memory_space<vmem>>, vector<16xf32>,
        %get3A_197 = arith.index_cast %scan3A_139 : i32 to index
        %get3A_198 = arith.constant 64 : index
        %get3A_199 = tpu.vector_load %arg18[%get3A_197, %get3A_198] {strides = array<i32>} : memref<80x128xf32, #tpu.memory_space<vmem>>, vector<16xf32>,
        %add3A_200 = arith.addf %get3A_196, %get3A_199 : vector<16xf32>
        %max3A_201 = arith.constant 0.000000e+00 : f32
        %max3A_202 = vector.broadcast %max3A_201 : f32 to vector<16xf32>
        %max3A_203 = arith.maximumf %add3A_200, %max3A_202 : vector<16xf32>
        %mul3A_204 = arith.mulf %max3A_203, %gather3A : vector<16xf32>
        %swap3A_205 = arith.index_cast %scan3A_139 : i32 to index
        %swap3A_206 = arith.constant 64 : index
        %swap3A_207 = tpu.vector_load %arg18[%swap3A_205, %swap3A_206] {strides = array<i32>} : memref<80x128xf32, #tpu.memory_space<vmem>>, vector<16xf32>,
        tpu.vector_store %arg18[%swap3A_205, %swap3A_206], %mul3A_204 {strides = array<i32>} : memref<80x128xf32, #tpu.memory_space<vmem>>, vector<16xf32>,
        %get3A_208 = arith.index_cast %scan3A_139 : i32 to index
        %get3A_209 = arith.constant 80 : index
        %get3A_210 = tpu.vector_load %arg17[%get3A_208, %get3A_209] {strides = array<i32>} : memref<80x128xf32, #tpu.memory_space<vmem>>, vector<16xf32>,
        %get3A_211 = arith.index_cast %scan3A_139 : i32 to index
        %get3A_212 = arith.constant 80 : index
        %get3A_213 = tpu.vector_load %arg18[%get3A_211, %get3A_212] {strides = array<i32>} : memref<80x128xf32, #tpu.memory_space<vmem>>, vector<16xf32>,
        %add3A_214 = arith.addf %get3A_210, %get3A_213 : vector<16xf32>
        %max3A_215 = arith.constant 0.000000e+00 : f32
        %max3A_216 = vector.broadcast %max3A_215 : f32 to vector<16xf32>
        %max3A_217 = arith.maximumf %add3A_214, %max3A_216 : vector<16xf32>
        %mul3A_218 = arith.mulf %max3A_217, %gather3A : vector<16xf32>
        %swap3A_219 = arith.index_cast %scan3A_139 : i32 to index
        %swap3A_220 = arith.constant 80 : index
        %swap3A_221 = tpu.vector_load %arg18[%swap3A_219, %swap3A_220] {strides = array<i32>} : memref<80x128xf32, #tpu.memory_space<vmem>>, vector<16xf32>,
        tpu.vector_store %arg18[%swap3A_219, %swap3A_220], %mul3A_218 {strides = array<i32>} : memref<80x128xf32, #tpu.memory_space<vmem>>, vector<16xf32>,
        %get3A_222 = arith.index_cast %scan3A_139 : i32 to index
        %get3A_223 = arith.constant 96 : index
        %get3A_224 = tpu.vector_load %arg17[%get3A_222, %get3A_223] {strides = array<i32>} : memref<80x128xf32, #tpu.memory_space<vmem>>, vector<16xf32>,
        %get3A_225 = arith.index_cast %scan3A_139 : i32 to index
        %get3A_226 = arith.constant 96 : index
        %get3A_227 = tpu.vector_load %arg18[%get3A_225, %get3A_226] {strides = array<i32>} : memref<80x128xf32, #tpu.memory_space<vmem>>, vector<16xf32>,
        %add3A_228 = arith.addf %get3A_224, %get3A_227 : vector<16xf32>
        %max3A_229 = arith.constant 0.000000e+00 : f32
        %max3A_230 = vector.broadcast %max3A_229 : f32 to vector<16xf32>
        %max3A_231 = arith.maximumf %add3A_228, %max3A_230 : vector<16xf32>
        %mul3A_232 = arith.mulf %max3A_231, %gather3A : vector<16xf32>
        %swap3A_233 = arith.index_cast %scan3A_139 : i32 to index
        %swap3A_234 = arith.constant 96 : index
        %swap3A_235 = tpu.vector_load %arg18[%swap3A_233, %swap3A_234] {strides = array<i32>} : memref<80x128xf32, #tpu.memory_space<vmem>>, vector<16xf32>,
        tpu.vector_store %arg18[%swap3A_233, %swap3A_234], %mul3A_232 {strides = array<i32>} : memref<80x128xf32, #tpu.memory_space<vmem>>, vector<16xf32>,
        %get3A_236 = arith.index_cast %scan3A_139 : i32 to index
        %get3A_237 = arith.constant 112 : index
        %get3A_238 = tpu.vector_load %arg17[%get3A_236, %get3A_237] {strides = array<i32>} : memref<80x128xf32, #tpu.memory_space<vmem>>, vector<16xf32>,
        %get3A_239 = arith.index_cast %scan3A_139 : i32 to index
        %get3A_240 = arith.constant 112 : index
        %get3A_241 = tpu.vector_load %arg18[%get3A_239, %get3A_240] {strides = array<i32>} : memref<80x128xf32, #tpu.memory_space<vmem>>, vector<16xf32>,
        %add3A_242 = arith.addf %get3A_238, %get3A_241 : vector<16xf32>
        %max3A_243 = arith.constant 0.000000e+00 : f32
        %max3A_244 = vector.broadcast %max3A_243 : f32 to vector<16xf32>
        %max3A_245 = arith.maximumf %add3A_242, %max3A_244 : vector<16xf32>
        %mul3A_246 = arith.mulf %max3A_245, %gather3A : vector<16xf32>
        %swap3A_247 = arith.index_cast %scan3A_139 : i32 to index
        %swap3A_248 = arith.constant 112 : index
        %swap3A_249 = tpu.vector_load %arg18[%swap3A_247, %swap3A_248] {strides = array<i32>} : memref<80x128xf32, #tpu.memory_space<vmem>>, vector<16xf32>,
        tpu.vector_store %arg18[%swap3A_247, %swap3A_248], %mul3A_246 {strides = array<i32>} : memref<80x128xf32, #tpu.memory_space<vmem>>, vector<16xf32>,
        %scan3A_250 = arith.constant 0 : i32
        scf.yield %scan3A_250 : i32
      }
      %scan3A_137 = arith.constant 80 : i32
      "tpu.region"() ({
        %run_scoped3A = tpu.sem_alloc : memref<!tpu.dma_semaphore, #tpu.memory_space<semaphore_mem>>
        %dma_start3A_139 = arith.constant 0 : i32
        %dma_start3A_140 = arith.constant 0 : i32
        %dma_start3A_141 = tpu.memref_slice %arg19[%dma_start3A_139, %dma_start3A_140] : memref<10240x128xf32, #tpu.memory_space<vmem_shared>> -> memref<10240x128xf32, #tpu.memory_space<vmem_shared>>
        tpu.enqueue_indirect_dma source(%arg18 : memref<80x128xf32, #tpu.memory_space<vmem>>) target(%dma_start3A_141 : memref<10240x128xf32, #tpu.memory_space<vmem_shared>>) offsets(%arg12 : memref<80xi32, #tpu.memory_space<vmem>>) semaphore(%run_scoped3A : memref<!tpu.dma_semaphore, #tpu.memory_space<semaphore_mem>>) {add = true}
        %dma_wait3A_142 = arith.constant 0 : i32
        %dma_wait3A_143 = arith.constant 0 : i32
        %dma_wait3A_144 = tpu.memref_slice %arg19[%dma_wait3A_142, %dma_wait3A_143] : memref<10240x128xf32, #tpu.memory_space<vmem_shared>> -> memref<10240x128xf32, #tpu.memory_space<vmem_shared>>
        tpu.wait_indirect_dma semaphore(%run_scoped3A : memref<!tpu.dma_semaphore, #tpu.memory_space<semaphore_mem>>) src(%arg18 : memref<80x128xf32, #tpu.memory_space<vmem>>) dst(%dma_wait3A_144 : memref<10240x128xf32, #tpu.memory_space<vmem_shared>>)
        tpu.yield
      }) : () -> ()
      %scan3A_138 = arith.constant 0 : i32
      scf.yield %scan3A_138 : i32
    }
    %scan3A_48 = arith.constant 62 : i32
    %dma_wait3A_49 = arith.constant 0 : i32
    %dma_wait3A_50 = arith.constant 0 : i32
    %dma_wait3A_51 = tpu.memref_slice %arg2[%dma_wait3A_49, %dma_wait3A_50] : memref<10000x128xf32, #tpu.memory_space<hbm>> -> memref<10000x128xf32, #tpu.memory_space<hbm>>
    tpu.wait_indirect_dma semaphore(%arg20 : memref<!tpu.dma_semaphore, #tpu.memory_space<semaphore_mem>>) src(%dma_wait3A_51 : memref<10000x128xf32, #tpu.memory_space<hbm>>) dst(%arg15 : memref<80x128xf32, #tpu.memory_space<vmem>>)
    %dma_wait3A_52 = arith.constant 0 : i32
    %dma_wait3A_53 = arith.constant 0 : i32
    %dma_wait3A_54 = tpu.memref_slice %arg3[%dma_wait3A_52, %dma_wait3A_53] : memref<320000x128xf32, #tpu.memory_space<hbm>> -> memref<80x128xf32, #tpu.memory_space<hbm>>
    %dma_wait3A_55 = arith.constant 0 : i32
    %dma_wait3A_56 = arith.constant 0 : i32
    %dma_wait3A_57 = tpu.memref_slice %arg3[%dma_wait3A_55, %dma_wait3A_56] : memref<320000x128xf32, #tpu.memory_space<hbm>> -> memref<80x128xf32, #tpu.memory_space<hbm>>
    tpu.wait_dma2 semaphore(%arg21 : memref<!tpu.dma_semaphore, #tpu.memory_space<semaphore_mem>>) src(%dma_wait3A_57 : memref<80x128xf32, #tpu.memory_space<hbm>>) dst(%arg16 : memref<80x128xf32, #tpu.memory_space<vmem>>)
    %scan3A_58 = arith.constant 0 : i32
    %scan3A_59 = arith.constant 0 : i32
    %scan3A_60 = arith.constant 80 : i32
    %scan3A_61 = arith.addi %scan3A_59, %scan3A_60 : i32
    %scan3A_62 = arith.constant 1 : i32
    %scan3A_63 = scf.for %scan3A_73 = %scan3A_59 to %scan3A_61 step %scan3A_62 iter_args(%scan3A_74 = %scan3A_58) -> (i32)  : i32 {
      %broadcast_in_dim3A = vector.broadcast %scan3A_73 : i32 to vector<16xi32>
      %gather3A = tpu.vector_load_idx %arg10[%broadcast_in_dim3A] : memref<80xf32, #tpu.memory_space<vmem>>[vector<16xi32>], vector<16xf32>,
      %get3A = arith.index_cast %scan3A_73 : i32 to index
      %get3A_75 = arith.constant 0 : index
      %get3A_76 = tpu.vector_load %arg15[%get3A, %get3A_75] {strides = array<i32>} : memref<80x128xf32, #tpu.memory_space<vmem>>, vector<16xf32>,
      %get3A_77 = arith.index_cast %scan3A_73 : i32 to index
      %get3A_78 = arith.constant 0 : index
      %get3A_79 = tpu.vector_load %arg16[%get3A_77, %get3A_78] {strides = array<i32>} : memref<80x128xf32, #tpu.memory_space<vmem>>, vector<16xf32>,
      %add3A_80 = arith.addf %get3A_76, %get3A_79 : vector<16xf32>
      %max3A = arith.constant 0.000000e+00 : f32
      %max3A_81 = vector.broadcast %max3A : f32 to vector<16xf32>
      %max3A_82 = arith.maximumf %add3A_80, %max3A_81 : vector<16xf32>
      %mul3A_83 = arith.mulf %max3A_82, %gather3A : vector<16xf32>
      %swap3A = arith.index_cast %scan3A_73 : i32 to index
      %swap3A_84 = arith.constant 0 : index
      %swap3A_85 = tpu.vector_load %arg16[%swap3A, %swap3A_84] {strides = array<i32>} : memref<80x128xf32, #tpu.memory_space<vmem>>, vector<16xf32>,
      tpu.vector_store %arg16[%swap3A, %swap3A_84], %mul3A_83 {strides = array<i32>} : memref<80x128xf32, #tpu.memory_space<vmem>>, vector<16xf32>,
      %get3A_86 = arith.index_cast %scan3A_73 : i32 to index
      %get3A_87 = arith.constant 16 : index
      %get3A_88 = tpu.vector_load %arg15[%get3A_86, %get3A_87] {strides = array<i32>} : memref<80x128xf32, #tpu.memory_space<vmem>>, vector<16xf32>,
      %get3A_89 = arith.index_cast %scan3A_73 : i32 to index
      %get3A_90 = arith.constant 16 : index
      %get3A_91 = tpu.vector_load %arg16[%get3A_89, %get3A_90] {strides = array<i32>} : memref<80x128xf32, #tpu.memory_space<vmem>>, vector<16xf32>,
      %add3A_92 = arith.addf %get3A_88, %get3A_91 : vector<16xf32>
      %max3A_93 = arith.constant 0.000000e+00 : f32
      %max3A_94 = vector.broadcast %max3A_93 : f32 to vector<16xf32>
      %max3A_95 = arith.maximumf %add3A_92, %max3A_94 : vector<16xf32>
      %mul3A_96 = arith.mulf %max3A_95, %gather3A : vector<16xf32>
      %swap3A_97 = arith.index_cast %scan3A_73 : i32 to index
      %swap3A_98 = arith.constant 16 : index
      %swap3A_99 = tpu.vector_load %arg16[%swap3A_97, %swap3A_98] {strides = array<i32>} : memref<80x128xf32, #tpu.memory_space<vmem>>, vector<16xf32>,
      tpu.vector_store %arg16[%swap3A_97, %swap3A_98], %mul3A_96 {strides = array<i32>} : memref<80x128xf32, #tpu.memory_space<vmem>>, vector<16xf32>,
      %get3A_100 = arith.index_cast %scan3A_73 : i32 to index
      %get3A_101 = arith.constant 32 : index
      %get3A_102 = tpu.vector_load %arg15[%get3A_100, %get3A_101] {strides = array<i32>} : memref<80x128xf32, #tpu.memory_space<vmem>>, vector<16xf32>,
      %get3A_103 = arith.index_cast %scan3A_73 : i32 to index
      %get3A_104 = arith.constant 32 : index
      %get3A_105 = tpu.vector_load %arg16[%get3A_103, %get3A_104] {strides = array<i32>} : memref<80x128xf32, #tpu.memory_space<vmem>>, vector<16xf32>,
      %add3A_106 = arith.addf %get3A_102, %get3A_105 : vector<16xf32>
      %max3A_107 = arith.constant 0.000000e+00 : f32
      %max3A_108 = vector.broadcast %max3A_107 : f32 to vector<16xf32>
      %max3A_109 = arith.maximumf %add3A_106, %max3A_108 : vector<16xf32>
      %mul3A_110 = arith.mulf %max3A_109, %gather3A : vector<16xf32>
      %swap3A_111 = arith.index_cast %scan3A_73 : i32 to index
      %swap3A_112 = arith.constant 32 : index
      %swap3A_113 = tpu.vector_load %arg16[%swap3A_111, %swap3A_112] {strides = array<i32>} : memref<80x128xf32, #tpu.memory_space<vmem>>, vector<16xf32>,
      tpu.vector_store %arg16[%swap3A_111, %swap3A_112], %mul3A_110 {strides = array<i32>} : memref<80x128xf32, #tpu.memory_space<vmem>>, vector<16xf32>,
      %get3A_114 = arith.index_cast %scan3A_73 : i32 to index
      %get3A_115 = arith.constant 48 : index
      %get3A_116 = tpu.vector_load %arg15[%get3A_114, %get3A_115] {strides = array<i32>} : memref<80x128xf32, #tpu.memory_space<vmem>>, vector<16xf32>,
      %get3A_117 = arith.index_cast %scan3A_73 : i32 to index
      %get3A_118 = arith.constant 48 : index
      %get3A_119 = tpu.vector_load %arg16[%get3A_117, %get3A_118] {strides = array<i32>} : memref<80x128xf32, #tpu.memory_space<vmem>>, vector<16xf32>,
      %add3A_120 = arith.addf %get3A_116, %get3A_119 : vector<16xf32>
      %max3A_121 = arith.constant 0.000000e+00 : f32
      %max3A_122 = vector.broadcast %max3A_121 : f32 to vector<16xf32>
      %max3A_123 = arith.maximumf %add3A_120, %max3A_122 : vector<16xf32>
      %mul3A_124 = arith.mulf %max3A_123, %gather3A : vector<16xf32>
      %swap3A_125 = arith.index_cast %scan3A_73 : i32 to index
      %swap3A_126 = arith.constant 48 : index
      %swap3A_127 = tpu.vector_load %arg16[%swap3A_125, %swap3A_126] {strides = array<i32>} : memref<80x128xf32, #tpu.memory_space<vmem>>, vector<16xf32>,
      tpu.vector_store %arg16[%swap3A_125, %swap3A_126], %mul3A_124 {strides = array<i32>} : memref<80x128xf32, #tpu.memory_space<vmem>>, vector<16xf32>,
      %get3A_128 = arith.index_cast %scan3A_73 : i32 to index
      %get3A_129 = arith.constant 64 : index
      %get3A_130 = tpu.vector_load %arg15[%get3A_128, %get3A_129] {strides = array<i32>} : memref<80x128xf32, #tpu.memory_space<vmem>>, vector<16xf32>,
      %get3A_131 = arith.index_cast %scan3A_73 : i32 to index
      %get3A_132 = arith.constant 64 : index
      %get3A_133 = tpu.vector_load %arg16[%get3A_131, %get3A_132] {strides = array<i32>} : memref<80x128xf32, #tpu.memory_space<vmem>>, vector<16xf32>,
      %add3A_134 = arith.addf %get3A_130, %get3A_133 : vector<16xf32>
      %max3A_135 = arith.constant 0.000000e+00 : f32
      %max3A_136 = vector.broadcast %max3A_135 : f32 to vector<16xf32>
      %max3A_137 = arith.maximumf %add3A_134, %max3A_136 : vector<16xf32>
      %mul3A_138 = arith.mulf %max3A_137, %gather3A : vector<16xf32>
      %swap3A_139 = arith.index_cast %scan3A_73 : i32 to index
      %swap3A_140 = arith.constant 64 : index
      %swap3A_141 = tpu.vector_load %arg16[%swap3A_139, %swap3A_140] {strides = array<i32>} : memref<80x128xf32, #tpu.memory_space<vmem>>, vector<16xf32>,
      tpu.vector_store %arg16[%swap3A_139, %swap3A_140], %mul3A_138 {strides = array<i32>} : memref<80x128xf32, #tpu.memory_space<vmem>>, vector<16xf32>,
      %get3A_142 = arith.index_cast %scan3A_73 : i32 to index
      %get3A_143 = arith.constant 80 : index
      %get3A_144 = tpu.vector_load %arg15[%get3A_142, %get3A_143] {strides = array<i32>} : memref<80x128xf32, #tpu.memory_space<vmem>>, vector<16xf32>,
      %get3A_145 = arith.index_cast %scan3A_73 : i32 to index
      %get3A_146 = arith.constant 80 : index
      %get3A_147 = tpu.vector_load %arg16[%get3A_145, %get3A_146] {strides = array<i32>} : memref<80x128xf32, #tpu.memory_space<vmem>>, vector<16xf32>,
      %add3A_148 = arith.addf %get3A_144, %get3A_147 : vector<16xf32>
      %max3A_149 = arith.constant 0.000000e+00 : f32
      %max3A_150 = vector.broadcast %max3A_149 : f32 to vector<16xf32>
      %max3A_151 = arith.maximumf %add3A_148, %max3A_150 : vector<16xf32>
      %mul3A_152 = arith.mulf %max3A_151, %gather3A : vector<16xf32>
      %swap3A_153 = arith.index_cast %scan3A_73 : i32 to index
      %swap3A_154 = arith.constant 80 : index
      %swap3A_155 = tpu.vector_load %arg16[%swap3A_153, %swap3A_154] {strides = array<i32>} : memref<80x128xf32, #tpu.memory_space<vmem>>, vector<16xf32>,
      tpu.vector_store %arg16[%swap3A_153, %swap3A_154], %mul3A_152 {strides = array<i32>} : memref<80x128xf32, #tpu.memory_space<vmem>>, vector<16xf32>,
      %get3A_156 = arith.index_cast %scan3A_73 : i32 to index
      %get3A_157 = arith.constant 96 : index
      %get3A_158 = tpu.vector_load %arg15[%get3A_156, %get3A_157] {strides = array<i32>} : memref<80x128xf32, #tpu.memory_space<vmem>>, vector<16xf32>,
      %get3A_159 = arith.index_cast %scan3A_73 : i32 to index
      %get3A_160 = arith.constant 96 : index
      %get3A_161 = tpu.vector_load %arg16[%get3A_159, %get3A_160] {strides = array<i32>} : memref<80x128xf32, #tpu.memory_space<vmem>>, vector<16xf32>,
      %add3A_162 = arith.addf %get3A_158, %get3A_161 : vector<16xf32>
      %max3A_163 = arith.constant 0.000000e+00 : f32
      %max3A_164 = vector.broadcast %max3A_163 : f32 to vector<16xf32>
      %max3A_165 = arith.maximumf %add3A_162, %max3A_164 : vector<16xf32>
      %mul3A_166 = arith.mulf %max3A_165, %gather3A : vector<16xf32>
      %swap3A_167 = arith.index_cast %scan3A_73 : i32 to index
      %swap3A_168 = arith.constant 96 : index
      %swap3A_169 = tpu.vector_load %arg16[%swap3A_167, %swap3A_168] {strides = array<i32>} : memref<80x128xf32, #tpu.memory_space<vmem>>, vector<16xf32>,
      tpu.vector_store %arg16[%swap3A_167, %swap3A_168], %mul3A_166 {strides = array<i32>} : memref<80x128xf32, #tpu.memory_space<vmem>>, vector<16xf32>,
      %get3A_170 = arith.index_cast %scan3A_73 : i32 to index
      %get3A_171 = arith.constant 112 : index
      %get3A_172 = tpu.vector_load %arg15[%get3A_170, %get3A_171] {strides = array<i32>} : memref<80x128xf32, #tpu.memory_space<vmem>>, vector<16xf32>,
      %get3A_173 = arith.index_cast %scan3A_73 : i32 to index
      %get3A_174 = arith.constant 112 : index
      %get3A_175 = tpu.vector_load %arg16[%get3A_173, %get3A_174] {strides = array<i32>} : memref<80x128xf32, #tpu.memory_space<vmem>>, vector<16xf32>,
      %add3A_176 = arith.addf %get3A_172, %get3A_175 : vector<16xf32>
      %max3A_177 = arith.constant 0.000000e+00 : f32
      %max3A_178 = vector.broadcast %max3A_177 : f32 to vector<16xf32>
      %max3A_179 = arith.maximumf %add3A_176, %max3A_178 : vector<16xf32>
      %mul3A_180 = arith.mulf %max3A_179, %gather3A : vector<16xf32>
      %swap3A_181 = arith.index_cast %scan3A_73 : i32 to index
      %swap3A_182 = arith.constant 112 : index
      %swap3A_183 = tpu.vector_load %arg16[%swap3A_181, %swap3A_182] {strides = array<i32>} : memref<80x128xf32, #tpu.memory_space<vmem>>, vector<16xf32>,
      tpu.vector_store %arg16[%swap3A_181, %swap3A_182], %mul3A_180 {strides = array<i32>} : memref<80x128xf32, #tpu.memory_space<vmem>>, vector<16xf32>,
      %scan3A_184 = arith.constant 0 : i32
      scf.yield %scan3A_184 : i32
    }
    %scan3A_64 = arith.constant 80 : i32
    "tpu.region"() ({
      %run_scoped3A = tpu.sem_alloc : memref<!tpu.dma_semaphore, #tpu.memory_space<semaphore_mem>>
      %dma_start3A_73 = arith.constant 0 : i32
      %dma_start3A_74 = arith.constant 0 : i32
      %dma_start3A_75 = tpu.memref_slice %arg19[%dma_start3A_73, %dma_start3A_74] : memref<10240x128xf32, #tpu.memory_space<vmem_shared>> -> memref<10240x128xf32, #tpu.memory_space<vmem_shared>>
      tpu.enqueue_indirect_dma source(%arg16 : memref<80x128xf32, #tpu.memory_space<vmem>>) target(%dma_start3A_75 : memref<10240x128xf32, #tpu.memory_space<vmem_shared>>) offsets(%arg9 : memref<80xi32, #tpu.memory_space<vmem>>) semaphore(%run_scoped3A : memref<!tpu.dma_semaphore, #tpu.memory_space<semaphore_mem>>) {add = true}
      %dma_wait3A_76 = arith.constant 0 : i32
      %dma_wait3A_77 = arith.constant 0 : i32
      %dma_wait3A_78 = tpu.memref_slice %arg19[%dma_wait3A_76, %dma_wait3A_77] : memref<10240x128xf32, #tpu.memory_space<vmem_shared>> -> memref<10240x128xf32, #tpu.memory_space<vmem_shared>>
      tpu.wait_indirect_dma semaphore(%run_scoped3A : memref<!tpu.dma_semaphore, #tpu.memory_space<semaphore_mem>>) src(%arg16 : memref<80x128xf32, #tpu.memory_space<vmem>>) dst(%dma_wait3A_78 : memref<10240x128xf32, #tpu.memory_space<vmem_shared>>)
      tpu.yield
    }) : () -> ()
    %barrier3A_65 = arith.constant 0 : index
    tpu.barrier barrier_id(%barrier3A_65)
    %scan3A_66 = arith.constant 0 : i32
    %scan3A_67 = arith.constant 0 : i32
    %scan3A_68 = arith.constant 8 : i32
    %scan3A_69 = arith.addi %scan3A_67, %scan3A_68 : i32
    %scan3A_70 = arith.constant 1 : i32
    %scan3A_71 = scf.for %scan3A_73 = %scan3A_67 to %scan3A_69 step %scan3A_70 iter_args(%scan3A_74 = %scan3A_66) -> (i32)  : i32 {
      %mul3A_75 = arith.constant 640 : i32
      %mul3A_76 = arith.muli %arg1, %mul3A_75 : i32
      %mul3A_77 = arith.constant 80 : i32
      %mul3A_78 = arith.muli %scan3A_73, %mul3A_77 : i32
      %add3A_79 = arith.addi %mul3A_76, %mul3A_78 : i32
      "tpu.region"() ({
        %run_scoped3A = tpu.sem_alloc : memref<!tpu.dma_semaphore, #tpu.memory_space<semaphore_mem>>
        %dma_start3A_84 = arith.constant 0 : i32
        %dma_start3A_85 = tpu.memref_slice %arg19[%add3A_79, %dma_start3A_84] : memref<10240x128xf32, #tpu.memory_space<vmem_shared>> -> memref<80x128xf32, #tpu.memory_space<vmem_shared>>
        %dma_start3A_86 = arith.constant 0 : i32
        %dma_start3A_87 = tpu.memref_slice %arg19[%add3A_79, %dma_start3A_86] : memref<10240x128xf32, #tpu.memory_space<vmem_shared>> -> memref<80x128xf32, #tpu.memory_space<vmem_shared>>
        tpu.enqueue_dma source(%dma_start3A_87 : memref<80x128xf32, #tpu.memory_space<vmem_shared>>) target(%arg16 : memref<80x128xf32, #tpu.memory_space<vmem>>) target_semaphore(%run_scoped3A : memref<!tpu.dma_semaphore, #tpu.memory_space<semaphore_mem>>)
        %dma_wait3A_88 = arith.constant 0 : i32
        %dma_wait3A_89 = tpu.memref_slice %arg19[%add3A_79, %dma_wait3A_88] : memref<10240x128xf32, #tpu.memory_space<vmem_shared>> -> memref<80x128xf32, #tpu.memory_space<vmem_shared>>
        %dma_wait3A_90 = arith.constant 0 : i32
        %dma_wait3A_91 = tpu.memref_slice %arg19[%add3A_79, %dma_wait3A_90] : memref<10240x128xf32, #tpu.memory_space<vmem_shared>> -> memref<80x128xf32, #tpu.memory_space<vmem_shared>>
        tpu.wait_dma2 semaphore(%run_scoped3A : memref<!tpu.dma_semaphore, #tpu.memory_space<semaphore_mem>>) src(%dma_wait3A_91 : memref<80x128xf32, #tpu.memory_space<vmem_shared>>) dst(%arg16 : memref<80x128xf32, #tpu.memory_space<vmem>>)
        tpu.yield
      }) : () -> ()
      %mul3A_80 = arith.constant 80 : i32
      %mul3A_81 = arith.muli %scan3A_73, %mul3A_80 : i32
      %add3A_82 = arith.addi %add3A_7, %mul3A_81 : i32
      "tpu.region"() ({
        %run_scoped3A = tpu.sem_alloc : memref<!tpu.dma_semaphore, #tpu.memory_space<semaphore_mem>>
        %dma_start3A_84 = arith.constant 0 : i32
        %dma_start3A_85 = tpu.memref_slice %arg7[%add3A_82, %dma_start3A_84] : memref<20480x128xf32, #tpu.memory_space<hbm>> -> memref<80x128xf32, #tpu.memory_space<hbm>>
        %dma_start3A_86 = arith.constant 0 : i32
        %dma_start3A_87 = tpu.memref_slice %arg7[%add3A_82, %dma_start3A_86] : memref<20480x128xf32, #tpu.memory_space<hbm>> -> memref<80x128xf32, #tpu.memory_space<hbm>>
        tpu.enqueue_dma source(%arg16 : memref<80x128xf32, #tpu.memory_space<vmem>>) target(%dma_start3A_87 : memref<80x128xf32, #tpu.memory_space<hbm>>) target_semaphore(%run_scoped3A : memref<!tpu.dma_semaphore, #tpu.memory_space<semaphore_mem>>)
        %dma_wait3A_88 = arith.constant 0 : i32
        %dma_wait3A_89 = tpu.memref_slice %arg7[%add3A_82, %dma_wait3A_88] : memref<20480x128xf32, #tpu.memory_space<hbm>> -> memref<80x128xf32, #tpu.memory_space<hbm>>
        %dma_wait3A_90 = arith.constant 0 : i32
        %dma_wait3A_91 = tpu.memref_slice %arg7[%add3A_82, %dma_wait3A_90] : memref<20480x128xf32, #tpu.memory_space<hbm>> -> memref<80x128xf32, #tpu.memory_space<hbm>>
        tpu.wait_dma2 semaphore(%run_scoped3A : memref<!tpu.dma_semaphore, #tpu.memory_space<semaphore_mem>>) src(%arg16 : memref<80x128xf32, #tpu.memory_space<vmem>>) dst(%dma_wait3A_91 : memref<80x128xf32, #tpu.memory_space<hbm>>)
        tpu.yield
      }) : () -> ()
      %scan3A_83 = arith.constant 0 : i32
      scf.yield %scan3A_83 : i32
    }
    %scan3A_72 = arith.constant 8 : i32
    return
  }
}

#map = affine_map<(d0, d1) -> (0)>
#map1 = affine_map<(d0, d1) -> (0, 0)>
module attributes {stable_mosaic.version = 14 : i64} {
  func.func @_deg_body(%arg0: i32, %arg1: i32, %arg2: memref<320000xi32, #tpu.memory_space<hbm>>, %arg3: memref<20480x16xf32, #tpu.memory_space<hbm>>, %arg4: memref<80xi32, #tpu.memory_space<vmem>>, %arg5: memref<80xi32, #tpu.memory_space<vmem>>, %arg6: memref<80x16xf32, #tpu.memory_space<vmem>>, %arg7: memref<80x16xf32, #tpu.memory_space<vmem>>, %arg8: memref<10240x16xf32, #tpu.memory_space<vmem_shared>>) attributes {dimension_semantics = [#tpu.dimension_semantics<core_parallel>, #tpu.dimension_semantics<subcore_parallel>], iteration_bounds = array<i64: 2, 16>, scalar_prefetch = 0 : i64, scratch_operands = 5 : i64, tpu.core_type = #tpu.core_type<sc_vector_subcore>, window_params = [{transform_indices = #map}, {transform_indices = #map1}]} {
    %mul3A = arith.constant 2 : i32
    %mul3A_0 = arith.muli %arg1, %mul3A : i32
    %add3A = arith.addi %mul3A_0, %arg0 : i32
    %mul3A_1 = arith.constant 10000 : i32
    %mul3A_2 = arith.muli %add3A, %mul3A_1 : i32
    %mul3A_3 = arith.constant 10240 : i32
    %mul3A_4 = arith.muli %arg0, %mul3A_3 : i32
    %mul3A_5 = arith.constant 640 : i32
    %mul3A_6 = arith.muli %arg1, %mul3A_5 : i32
    %add3A_7 = arith.addi %mul3A_4, %mul3A_6 : i32
    %scan3A = arith.constant 0 : i32
    %scan3A_8 = arith.constant 0 : i32
    %scan3A_9 = arith.constant 80 : i32
    %scan3A_10 = arith.addi %scan3A_8, %scan3A_9 : i32
    %scan3A_11 = arith.constant 1 : i32
    %scan3A_12 = scf.for %scan3A_36 = %scan3A_8 to %scan3A_10 step %scan3A_11 iter_args(%scan3A_37 = %scan3A) -> (i32)  : i32 {
      %broadcast_in_dim3A = arith.constant 1.000000e+00 : f32
      %broadcast_in_dim3A_38 = vector.broadcast %broadcast_in_dim3A : f32 to vector<16xf32>
      %swap3A = arith.index_cast %scan3A_36 : i32 to index
      %swap3A_39 = arith.constant 0 : index
      %swap3A_40 = tpu.vector_load %arg6[%swap3A, %swap3A_39] {strides = array<i32>} : memref<80x16xf32, #tpu.memory_space<vmem>>, vector<16xf32>,
      tpu.vector_store %arg6[%swap3A, %swap3A_39], %broadcast_in_dim3A_38 {strides = array<i32>} : memref<80x16xf32, #tpu.memory_space<vmem>>, vector<16xf32>,
      %broadcast_in_dim3A_41 = arith.constant 0.000000e+00 : f32
      %broadcast_in_dim3A_42 = vector.broadcast %broadcast_in_dim3A_41 : f32 to vector<16xf32>
      %swap3A_43 = arith.index_cast %scan3A_36 : i32 to index
      %swap3A_44 = arith.constant 0 : index
      %swap3A_45 = tpu.vector_load %arg7[%swap3A_43, %swap3A_44] {strides = array<i32>} : memref<80x16xf32, #tpu.memory_space<vmem>>, vector<16xf32>,
      tpu.vector_store %arg7[%swap3A_43, %swap3A_44], %broadcast_in_dim3A_42 {strides = array<i32>} : memref<80x16xf32, #tpu.memory_space<vmem>>, vector<16xf32>,
      %scan3A_46 = arith.constant 0 : i32
      scf.yield %scan3A_46 : i32
    }
    %scan3A_13 = arith.constant 80 : i32
    %scan3A_14 = arith.constant 0 : i32
    %scan3A_15 = arith.constant 0 : i32
    %scan3A_16 = arith.constant 8 : i32
    %scan3A_17 = arith.addi %scan3A_15, %scan3A_16 : i32
    %scan3A_18 = arith.constant 1 : i32
    %scan3A_19 = scf.for %scan3A_36 = %scan3A_15 to %scan3A_17 step %scan3A_18 iter_args(%scan3A_37 = %scan3A_14) -> (i32)  : i32 {
      %mul3A_38 = arith.constant 640 : i32
      %mul3A_39 = arith.muli %arg1, %mul3A_38 : i32
      %mul3A_40 = arith.constant 80 : i32
      %mul3A_41 = arith.muli %scan3A_36, %mul3A_40 : i32
      %add3A_42 = arith.addi %mul3A_39, %mul3A_41 : i32
      %scan3A_43 = arith.constant 0 : i32
      %scan3A_44 = arith.constant 0 : i32
      %scan3A_45 = arith.constant 5 : i32
      %scan3A_46 = arith.addi %scan3A_44, %scan3A_45 : i32
      %scan3A_47 = arith.constant 1 : i32
      %scan3A_48 = scf.for %scan3A_51 = %scan3A_44 to %scan3A_46 step %scan3A_47 iter_args(%scan3A_52 = %scan3A_43) -> (i32)  : i32 {
        %iota3A = tpu.iota {dimensions = array<i32: 0>} : vector<16xi32>
        %mul3A_53 = arith.constant 16 : i32
        %mul3A_54 = arith.muli %scan3A_51, %mul3A_53 : i32
        %add3A_55 = vector.broadcast %mul3A_54 : i32 to vector<16xi32>
        %add3A_56 = arith.addi %iota3A, %add3A_55 : vector<16xi32>
        %add3A_57 = vector.broadcast %add3A_42 : i32 to vector<16xi32>
        %add3A_58 = arith.addi %add3A_56, %add3A_57 : vector<16xi32>
        %mul3A_59 = arith.constant 16 : i32
        %mul3A_60 = arith.muli %scan3A_51, %mul3A_59 : i32
        %swap3A = arith.index_cast %mul3A_60 : i32 to index
        %swap3A_61 = tpu.vector_load %arg5[%swap3A] {strides = array<i32>} : memref<80xi32, #tpu.memory_space<vmem>>, vector<16xi32>,
        tpu.vector_store %arg5[%swap3A], %add3A_58 {strides = array<i32>} : memref<80xi32, #tpu.memory_space<vmem>>, vector<16xi32>,
        %scan3A_62 = arith.constant 0 : i32
        scf.yield %scan3A_62 : i32
      }
      %scan3A_49 = arith.constant 5 : i32
      "tpu.region"() ({
        %run_scoped3A = tpu.sem_alloc : memref<!tpu.dma_semaphore, #tpu.memory_space<semaphore_mem>>
        %dma_start3A = arith.constant 0 : i32
        %dma_start3A_51 = arith.constant 0 : i32
        %dma_start3A_52 = tpu.memref_slice %arg8[%dma_start3A, %dma_start3A_51] : memref<10240x16xf32, #tpu.memory_space<vmem_shared>> -> memref<10240x16xf32, #tpu.memory_space<vmem_shared>>
        tpu.enqueue_indirect_dma source(%arg7 : memref<80x16xf32, #tpu.memory_space<vmem>>) target(%dma_start3A_52 : memref<10240x16xf32, #tpu.memory_space<vmem_shared>>) offsets(%arg5 : memref<80xi32, #tpu.memory_space<vmem>>) semaphore(%run_scoped3A : memref<!tpu.dma_semaphore, #tpu.memory_space<semaphore_mem>>)
        %dma_wait3A = arith.constant 0 : i32
        %dma_wait3A_53 = arith.constant 0 : i32
        %dma_wait3A_54 = tpu.memref_slice %arg8[%dma_wait3A, %dma_wait3A_53] : memref<10240x16xf32, #tpu.memory_space<vmem_shared>> -> memref<10240x16xf32, #tpu.memory_space<vmem_shared>>
        tpu.wait_indirect_dma semaphore(%run_scoped3A : memref<!tpu.dma_semaphore, #tpu.memory_space<semaphore_mem>>) src(%arg7 : memref<80x16xf32, #tpu.memory_space<vmem>>) dst(%dma_wait3A_54 : memref<10240x16xf32, #tpu.memory_space<vmem_shared>>)
        tpu.yield
      }) : () -> ()
      %scan3A_50 = arith.constant 0 : i32
      scf.yield %scan3A_50 : i32
    }
    %scan3A_20 = arith.constant 8 : i32
    %barrier3A = arith.constant 0 : index
    tpu.barrier barrier_id(%barrier3A)
    %scan3A_21 = arith.constant 0 : i32
    %scan3A_22 = arith.constant 0 : i32
    %scan3A_23 = arith.constant 125 : i32
    %scan3A_24 = arith.addi %scan3A_22, %scan3A_23 : i32
    %scan3A_25 = arith.constant 1 : i32
    %scan3A_26 = scf.for %scan3A_36 = %scan3A_22 to %scan3A_24 step %scan3A_25 iter_args(%scan3A_37 = %scan3A_21) -> (i32)  : i32 {
      %mul3A_38 = arith.constant 80 : i32
      %mul3A_39 = arith.muli %scan3A_36, %mul3A_38 : i32
      %add3A_40 = arith.addi %mul3A_2, %mul3A_39 : i32
      "tpu.region"() ({
        %run_scoped3A = tpu.sem_alloc : memref<!tpu.dma_semaphore, #tpu.memory_space<semaphore_mem>>
        %dma_start3A = tpu.memref_slice %arg2[%add3A_40] : memref<320000xi32, #tpu.memory_space<hbm>> -> memref<80xi32, #tpu.memory_space<hbm>>
        %dma_start3A_42 = tpu.memref_slice %arg2[%add3A_40] : memref<320000xi32, #tpu.memory_space<hbm>> -> memref<80xi32, #tpu.memory_space<hbm>>
        tpu.enqueue_dma source(%dma_start3A_42 : memref<80xi32, #tpu.memory_space<hbm>>) target(%arg4 : memref<80xi32, #tpu.memory_space<vmem>>) target_semaphore(%run_scoped3A : memref<!tpu.dma_semaphore, #tpu.memory_space<semaphore_mem>>)
        %dma_wait3A = tpu.memref_slice %arg2[%add3A_40] : memref<320000xi32, #tpu.memory_space<hbm>> -> memref<80xi32, #tpu.memory_space<hbm>>
        %dma_wait3A_43 = tpu.memref_slice %arg2[%add3A_40] : memref<320000xi32, #tpu.memory_space<hbm>> -> memref<80xi32, #tpu.memory_space<hbm>>
        tpu.wait_dma2 semaphore(%run_scoped3A : memref<!tpu.dma_semaphore, #tpu.memory_space<semaphore_mem>>) src(%dma_wait3A_43 : memref<80xi32, #tpu.memory_space<hbm>>) dst(%arg4 : memref<80xi32, #tpu.memory_space<vmem>>)
        tpu.yield
      }) : () -> ()
      "tpu.region"() ({
        %run_scoped3A = tpu.sem_alloc : memref<!tpu.dma_semaphore, #tpu.memory_space<semaphore_mem>>
        %dma_start3A = arith.constant 0 : i32
        %dma_start3A_42 = arith.constant 0 : i32
        %dma_start3A_43 = tpu.memref_slice %arg8[%dma_start3A, %dma_start3A_42] : memref<10240x16xf32, #tpu.memory_space<vmem_shared>> -> memref<10240x16xf32, #tpu.memory_space<vmem_shared>>
        tpu.enqueue_indirect_dma source(%arg6 : memref<80x16xf32, #tpu.memory_space<vmem>>) target(%dma_start3A_43 : memref<10240x16xf32, #tpu.memory_space<vmem_shared>>) offsets(%arg4 : memref<80xi32, #tpu.memory_space<vmem>>) semaphore(%run_scoped3A : memref<!tpu.dma_semaphore, #tpu.memory_space<semaphore_mem>>) {add = true}
        %dma_wait3A = arith.constant 0 : i32
        %dma_wait3A_44 = arith.constant 0 : i32
        %dma_wait3A_45 = tpu.memref_slice %arg8[%dma_wait3A, %dma_wait3A_44] : memref<10240x16xf32, #tpu.memory_space<vmem_shared>> -> memref<10240x16xf32, #tpu.memory_space<vmem_shared>>
        tpu.wait_indirect_dma semaphore(%run_scoped3A : memref<!tpu.dma_semaphore, #tpu.memory_space<semaphore_mem>>) src(%arg6 : memref<80x16xf32, #tpu.memory_space<vmem>>) dst(%dma_wait3A_45 : memref<10240x16xf32, #tpu.memory_space<vmem_shared>>)
        tpu.yield
      }) : () -> ()
      %scan3A_41 = arith.constant 0 : i32
      scf.yield %scan3A_41 : i32
    }
    %scan3A_27 = arith.constant 125 : i32
    %barrier3A_28 = arith.constant 0 : index
    tpu.barrier barrier_id(%barrier3A_28)
    %scan3A_29 = arith.constant 0 : i32
    %scan3A_30 = arith.constant 0 : i32
    %scan3A_31 = arith.constant 8 : i32
    %scan3A_32 = arith.addi %scan3A_30, %scan3A_31 : i32
    %scan3A_33 = arith.constant 1 : i32
    %scan3A_34 = scf.for %scan3A_36 = %scan3A_30 to %scan3A_32 step %scan3A_33 iter_args(%scan3A_37 = %scan3A_29) -> (i32)  : i32 {
      %mul3A_38 = arith.constant 640 : i32
      %mul3A_39 = arith.muli %arg1, %mul3A_38 : i32
      %mul3A_40 = arith.constant 80 : i32
      %mul3A_41 = arith.muli %scan3A_36, %mul3A_40 : i32
      %add3A_42 = arith.addi %mul3A_39, %mul3A_41 : i32
      "tpu.region"() ({
        %run_scoped3A = tpu.sem_alloc : memref<!tpu.dma_semaphore, #tpu.memory_space<semaphore_mem>>
        %dma_start3A = arith.constant 0 : i32
        %dma_start3A_47 = tpu.memref_slice %arg8[%add3A_42, %dma_start3A] : memref<10240x16xf32, #tpu.memory_space<vmem_shared>> -> memref<80x16xf32, #tpu.memory_space<vmem_shared>>
        %dma_start3A_48 = arith.constant 0 : i32
        %dma_start3A_49 = tpu.memref_slice %arg8[%add3A_42, %dma_start3A_48] : memref<10240x16xf32, #tpu.memory_space<vmem_shared>> -> memref<80x16xf32, #tpu.memory_space<vmem_shared>>
        tpu.enqueue_dma source(%dma_start3A_49 : memref<80x16xf32, #tpu.memory_space<vmem_shared>>) target(%arg7 : memref<80x16xf32, #tpu.memory_space<vmem>>) target_semaphore(%run_scoped3A : memref<!tpu.dma_semaphore, #tpu.memory_space<semaphore_mem>>)
        %dma_wait3A = arith.constant 0 : i32
        %dma_wait3A_50 = tpu.memref_slice %arg8[%add3A_42, %dma_wait3A] : memref<10240x16xf32, #tpu.memory_space<vmem_shared>> -> memref<80x16xf32, #tpu.memory_space<vmem_shared>>
        %dma_wait3A_51 = arith.constant 0 : i32
        %dma_wait3A_52 = tpu.memref_slice %arg8[%add3A_42, %dma_wait3A_51] : memref<10240x16xf32, #tpu.memory_space<vmem_shared>> -> memref<80x16xf32, #tpu.memory_space<vmem_shared>>
        tpu.wait_dma2 semaphore(%run_scoped3A : memref<!tpu.dma_semaphore, #tpu.memory_space<semaphore_mem>>) src(%dma_wait3A_52 : memref<80x16xf32, #tpu.memory_space<vmem_shared>>) dst(%arg7 : memref<80x16xf32, #tpu.memory_space<vmem>>)
        tpu.yield
      }) : () -> ()
      %mul3A_43 = arith.constant 80 : i32
      %mul3A_44 = arith.muli %scan3A_36, %mul3A_43 : i32
      %add3A_45 = arith.addi %add3A_7, %mul3A_44 : i32
      "tpu.region"() ({
        %run_scoped3A = tpu.sem_alloc : memref<!tpu.dma_semaphore, #tpu.memory_space<semaphore_mem>>
        %dma_start3A = arith.constant 0 : i32
        %dma_start3A_47 = tpu.memref_slice %arg3[%add3A_45, %dma_start3A] : memref<20480x16xf32, #tpu.memory_space<hbm>> -> memref<80x16xf32, #tpu.memory_space<hbm>>
        %dma_start3A_48 = arith.constant 0 : i32
        %dma_start3A_49 = tpu.memref_slice %arg3[%add3A_45, %dma_start3A_48] : memref<20480x16xf32, #tpu.memory_space<hbm>> -> memref<80x16xf32, #tpu.memory_space<hbm>>
        tpu.enqueue_dma source(%arg7 : memref<80x16xf32, #tpu.memory_space<vmem>>) target(%dma_start3A_49 : memref<80x16xf32, #tpu.memory_space<hbm>>) target_semaphore(%run_scoped3A : memref<!tpu.dma_semaphore, #tpu.memory_space<semaphore_mem>>)
        %dma_wait3A = arith.constant 0 : i32
        %dma_wait3A_50 = tpu.memref_slice %arg3[%add3A_45, %dma_wait3A] : memref<20480x16xf32, #tpu.memory_space<hbm>> -> memref<80x16xf32, #tpu.memory_space<hbm>>
        %dma_wait3A_51 = arith.constant 0 : i32
        %dma_wait3A_52 = tpu.memref_slice %arg3[%add3A_45, %dma_wait3A_51] : memref<20480x16xf32, #tpu.memory_space<hbm>> -> memref<80x16xf32, #tpu.memory_space<hbm>>
        tpu.wait_dma2 semaphore(%run_scoped3A : memref<!tpu.dma_semaphore, #tpu.memory_space<semaphore_mem>>) src(%arg7 : memref<80x16xf32, #tpu.memory_space<vmem>>) dst(%dma_wait3A_52 : memref<80x16xf32, #tpu.memory_space<hbm>>)
        tpu.yield
      }) : () -> ()
      %scan3A_46 = arith.constant 0 : i32
      scf.yield %scan3A_46 : i32
    }
    %scan3A_35 = arith.constant 8 : i32
    return
  }
}

#map = affine_map<(d0, d1) -> (0, 0)>
#map1 = affine_map<(d0, d1) -> (0)>
module attributes {stable_mosaic.version = 14 : i64} {
  func.func @_msg_body(%arg0: i32, %arg1: i32, %arg2: memref<10000x128xf32, #tpu.memory_space<hbm>>, %arg3: memref<320000x128xf32, #tpu.memory_space<hbm>>, %arg4: memref<320000xi32, #tpu.memory_space<hbm>>, %arg5: memref<320000xi32, #tpu.memory_space<hbm>>, %arg6: memref<320000xf32, #tpu.memory_space<hbm>>, %arg7: memref<20480x128xf32, #tpu.memory_space<hbm>>, %arg8: memref<80xi32, #tpu.memory_space<vmem>>, %arg9: memref<80xi32, #tpu.memory_space<vmem>>, %arg10: memref<80xf32, #tpu.memory_space<vmem>>, %arg11: memref<80xi32, #tpu.memory_space<vmem>>, %arg12: memref<80xi32, #tpu.memory_space<vmem>>, %arg13: memref<80xf32, #tpu.memory_space<vmem>>, %arg14: memref<80xi32, #tpu.memory_space<vmem>>, %arg15: memref<80x128xf32, #tpu.memory_space<vmem>>, %arg16: memref<80x128xf32, #tpu.memory_space<vmem>>, %arg17: memref<80x128xf32, #tpu.memory_space<vmem>>, %arg18: memref<80x128xf32, #tpu.memory_space<vmem>>, %arg19: memref<10240x128xf32, #tpu.memory_space<vmem_shared>>, %arg20: memref<!tpu.dma_semaphore, #tpu.memory_space<semaphore_mem>>, %arg21: memref<!tpu.dma_semaphore, #tpu.memory_space<semaphore_mem>>, %arg22: memref<!tpu.dma_semaphore, #tpu.memory_space<semaphore_mem>>, %arg23: memref<!tpu.dma_semaphore, #tpu.memory_space<semaphore_mem>>, %arg24: memref<!tpu.dma_semaphore, #tpu.memory_space<semaphore_mem>>, %arg25: memref<!tpu.dma_semaphore, #tpu.memory_space<semaphore_mem>>) attributes {dimension_semantics = [#tpu.dimension_semantics<core_parallel>, #tpu.dimension_semantics<subcore_parallel>], iteration_bounds = array<i64: 2, 16>, scalar_prefetch = 0 : i64, scratch_operands = 18 : i64, tpu.core_type = #tpu.core_type<sc_vector_subcore>, window_params = [{transform_indices = #map}, {transform_indices = #map}, {transform_indices = #map1}, {transform_indices = #map1}, {transform_indices = #map1}, {transform_indices = #map}]} {
    %mul3A = arith.constant 2 : i32
    %mul3A_0 = arith.muli %arg1, %mul3A : i32
    %add3A = arith.addi %mul3A_0, %arg0 : i32
    %mul3A_1 = arith.constant 10000 : i32
    %mul3A_2 = arith.muli %add3A, %mul3A_1 : i32
    %mul3A_3 = arith.constant 10240 : i32
    %mul3A_4 = arith.muli %arg0, %mul3A_3 : i32
    %mul3A_5 = arith.constant 640 : i32
    %mul3A_6 = arith.muli %arg1, %mul3A_5 : i32
    %add3A_7 = arith.addi %mul3A_4, %mul3A_6 : i32
    %scan3A = arith.constant 0 : i32
    %scan3A_8 = arith.constant 0 : i32
    %scan3A_9 = arith.constant 80 : i32
    %scan3A_10 = arith.addi %scan3A_8, %scan3A_9 : i32
    %scan3A_11 = arith.constant 1 : i32
    %scan3A_12 = scf.for %scan3A_73 = %scan3A_8 to %scan3A_10 step %scan3A_11 iter_args(%scan3A_74 = %scan3A) -> (i32)  : i32 {
      %broadcast_in_dim3A = arith.constant 0.000000e+00 : f32
      %broadcast_in_dim3A_75 = vector.broadcast %broadcast_in_dim3A : f32 to vector<16xf32>
      %swap3A = arith.index_cast %scan3A_73 : i32 to index
      %swap3A_76 = arith.constant 0 : index
      %swap3A_77 = tpu.vector_load %arg16[%swap3A, %swap3A_76] {strides = array<i32>} : memref<80x128xf32, #tpu.memory_space<vmem>>, vector<16xf32>,
      tpu.vector_store %arg16[%swap3A, %swap3A_76], %broadcast_in_dim3A_75 {strides = array<i32>} : memref<80x128xf32, #tpu.memory_space<vmem>>, vector<16xf32>,
      %broadcast_in_dim3A_78 = arith.constant 0.000000e+00 : f32
      %broadcast_in_dim3A_79 = vector.broadcast %broadcast_in_dim3A_78 : f32 to vector<16xf32>
      %swap3A_80 = arith.index_cast %scan3A_73 : i32 to index
      %swap3A_81 = arith.constant 16 : index
      %swap3A_82 = tpu.vector_load %arg16[%swap3A_80, %swap3A_81] {strides = array<i32>} : memref<80x128xf32, #tpu.memory_space<vmem>>, vector<16xf32>,
      tpu.vector_store %arg16[%swap3A_80, %swap3A_81], %broadcast_in_dim3A_79 {strides = array<i32>} : memref<80x128xf32, #tpu.memory_space<vmem>>, vector<16xf32>,
      %broadcast_in_dim3A_83 = arith.constant 0.000000e+00 : f32
      %broadcast_in_dim3A_84 = vector.broadcast %broadcast_in_dim3A_83 : f32 to vector<16xf32>
      %swap3A_85 = arith.index_cast %scan3A_73 : i32 to index
      %swap3A_86 = arith.constant 32 : index
      %swap3A_87 = tpu.vector_load %arg16[%swap3A_85, %swap3A_86] {strides = array<i32>} : memref<80x128xf32, #tpu.memory_space<vmem>>, vector<16xf32>,
      tpu.vector_store %arg16[%swap3A_85, %swap3A_86], %broadcast_in_dim3A_84 {strides = array<i32>} : memref<80x128xf32, #tpu.memory_space<vmem>>, vector<16xf32>,
      %broadcast_in_dim3A_88 = arith.constant 0.000000e+00 : f32
      %broadcast_in_dim3A_89 = vector.broadcast %broadcast_in_dim3A_88 : f32 to vector<16xf32>
      %swap3A_90 = arith.index_cast %scan3A_73 : i32 to index
      %swap3A_91 = arith.constant 48 : index
      %swap3A_92 = tpu.vector_load %arg16[%swap3A_90, %swap3A_91] {strides = array<i32>} : memref<80x128xf32, #tpu.memory_space<vmem>>, vector<16xf32>,
      tpu.vector_store %arg16[%swap3A_90, %swap3A_91], %broadcast_in_dim3A_89 {strides = array<i32>} : memref<80x128xf32, #tpu.memory_space<vmem>>, vector<16xf32>,
      %broadcast_in_dim3A_93 = arith.constant 0.000000e+00 : f32
      %broadcast_in_dim3A_94 = vector.broadcast %broadcast_in_dim3A_93 : f32 to vector<16xf32>
      %swap3A_95 = arith.index_cast %scan3A_73 : i32 to index
      %swap3A_96 = arith.constant 64 : index
      %swap3A_97 = tpu.vector_load %arg16[%swap3A_95, %swap3A_96] {strides = array<i32>} : memref<80x128xf32, #tpu.memory_space<vmem>>, vector<16xf32>,
      tpu.vector_store %arg16[%swap3A_95, %swap3A_96], %broadcast_in_dim3A_94 {strides = array<i32>} : memref<80x128xf32, #tpu.memory_space<vmem>>, vector<16xf32>,
      %broadcast_in_dim3A_98 = arith.constant 0.000000e+00 : f32
      %broadcast_in_dim3A_99 = vector.broadcast %broadcast_in_dim3A_98 : f32 to vector<16xf32>
      %swap3A_100 = arith.index_cast %scan3A_73 : i32 to index
      %swap3A_101 = arith.constant 80 : index
      %swap3A_102 = tpu.vector_load %arg16[%swap3A_100, %swap3A_101] {strides = array<i32>} : memref<80x128xf32, #tpu.memory_space<vmem>>, vector<16xf32>,
      tpu.vector_store %arg16[%swap3A_100, %swap3A_101], %broadcast_in_dim3A_99 {strides = array<i32>} : memref<80x128xf32, #tpu.memory_space<vmem>>, vector<16xf32>,
      %broadcast_in_dim3A_103 = arith.constant 0.000000e+00 : f32
      %broadcast_in_dim3A_104 = vector.broadcast %broadcast_in_dim3A_103 : f32 to vector<16xf32>
      %swap3A_105 = arith.index_cast %scan3A_73 : i32 to index
      %swap3A_106 = arith.constant 96 : index
      %swap3A_107 = tpu.vector_load %arg16[%swap3A_105, %swap3A_106] {strides = array<i32>} : memref<80x128xf32, #tpu.memory_space<vmem>>, vector<16xf32>,
      tpu.vector_store %arg16[%swap3A_105, %swap3A_106], %broadcast_in_dim3A_104 {strides = array<i32>} : memref<80x128xf32, #tpu.memory_space<vmem>>, vector<16xf32>,
      %broadcast_in_dim3A_108 = arith.constant 0.000000e+00 : f32
      %broadcast_in_dim3A_109 = vector.broadcast %broadcast_in_dim3A_108 : f32 to vector<16xf32>
      %swap3A_110 = arith.index_cast %scan3A_73 : i32 to index
      %swap3A_111 = arith.constant 112 : index
      %swap3A_112 = tpu.vector_load %arg16[%swap3A_110, %swap3A_111] {strides = array<i32>} : memref<80x128xf32, #tpu.memory_space<vmem>>, vector<16xf32>,
      tpu.vector_store %arg16[%swap3A_110, %swap3A_111], %broadcast_in_dim3A_109 {strides = array<i32>} : memref<80x128xf32, #tpu.memory_space<vmem>>, vector<16xf32>,
      %scan3A_113 = arith.constant 0 : i32
      scf.yield %scan3A_113 : i32
    }
    %scan3A_13 = arith.constant 80 : i32
    %scan3A_14 = arith.constant 0 : i32
    %scan3A_15 = arith.constant 0 : i32
    %scan3A_16 = arith.constant 8 : i32
    %scan3A_17 = arith.addi %scan3A_15, %scan3A_16 : i32
    %scan3A_18 = arith.constant 1 : i32
    %scan3A_19 = scf.for %scan3A_73 = %scan3A_15 to %scan3A_17 step %scan3A_18 iter_args(%scan3A_74 = %scan3A_14) -> (i32)  : i32 {
      %mul3A_75 = arith.constant 640 : i32
      %mul3A_76 = arith.muli %arg1, %mul3A_75 : i32
      %mul3A_77 = arith.constant 80 : i32
      %mul3A_78 = arith.muli %scan3A_73, %mul3A_77 : i32
      %add3A_79 = arith.addi %mul3A_76, %mul3A_78 : i32
      %scan3A_80 = arith.constant 0 : i32
      %scan3A_81 = arith.constant 0 : i32
      %scan3A_82 = arith.constant 5 : i32
      %scan3A_83 = arith.addi %scan3A_81, %scan3A_82 : i32
      %scan3A_84 = arith.constant 1 : i32
      %scan3A_85 = scf.for %scan3A_88 = %scan3A_81 to %scan3A_83 step %scan3A_84 iter_args(%scan3A_89 = %scan3A_80) -> (i32)  : i32 {
        %iota3A = tpu.iota {dimensions = array<i32: 0>} : vector<16xi32>
        %mul3A_90 = arith.constant 16 : i32
        %mul3A_91 = arith.muli %scan3A_88, %mul3A_90 : i32
        %add3A_92 = vector.broadcast %mul3A_91 : i32 to vector<16xi32>
        %add3A_93 = arith.addi %iota3A, %add3A_92 : vector<16xi32>
        %add3A_94 = vector.broadcast %add3A_79 : i32 to vector<16xi32>
        %add3A_95 = arith.addi %add3A_93, %add3A_94 : vector<16xi32>
        %mul3A_96 = arith.constant 16 : i32
        %mul3A_97 = arith.muli %scan3A_88, %mul3A_96 : i32
        %swap3A = arith.index_cast %mul3A_97 : i32 to index
        %swap3A_98 = tpu.vector_load %arg14[%swap3A] {strides = array<i32>} : memref<80xi32, #tpu.memory_space<vmem>>, vector<16xi32>,
        tpu.vector_store %arg14[%swap3A], %add3A_95 {strides = array<i32>} : memref<80xi32, #tpu.memory_space<vmem>>, vector<16xi32>,
        %scan3A_99 = arith.constant 0 : i32
        scf.yield %scan3A_99 : i32
      }
      %scan3A_86 = arith.constant 5 : i32
      "tpu.region"() ({
        %run_scoped3A = tpu.sem_alloc : memref<!tpu.dma_semaphore, #tpu.memory_space<semaphore_mem>>
        %dma_start3A_88 = arith.constant 0 : i32
        %dma_start3A_89 = arith.constant 0 : i32
        %dma_start3A_90 = tpu.memref_slice %arg19[%dma_start3A_88, %dma_start3A_89] : memref<10240x128xf32, #tpu.memory_space<vmem_shared>> -> memref<10240x128xf32, #tpu.memory_space<vmem_shared>>
        tpu.enqueue_indirect_dma source(%arg16 : memref<80x128xf32, #tpu.memory_space<vmem>>) target(%dma_start3A_90 : memref<10240x128xf32, #tpu.memory_space<vmem_shared>>) offsets(%arg14 : memref<80xi32, #tpu.memory_space<vmem>>) semaphore(%run_scoped3A : memref<!tpu.dma_semaphore, #tpu.memory_space<semaphore_mem>>)
        %dma_wait3A_91 = arith.constant 0 : i32
        %dma_wait3A_92 = arith.constant 0 : i32
        %dma_wait3A_93 = tpu.memref_slice %arg19[%dma_wait3A_91, %dma_wait3A_92] : memref<10240x128xf32, #tpu.memory_space<vmem_shared>> -> memref<10240x128xf32, #tpu.memory_space<vmem_shared>>
        tpu.wait_indirect_dma semaphore(%run_scoped3A : memref<!tpu.dma_semaphore, #tpu.memory_space<semaphore_mem>>) src(%arg16 : memref<80x128xf32, #tpu.memory_space<vmem>>) dst(%dma_wait3A_93 : memref<10240x128xf32, #tpu.memory_space<vmem_shared>>)
        tpu.yield
      }) : () -> ()
      %scan3A_87 = arith.constant 0 : i32
      scf.yield %scan3A_87 : i32
    }
    %scan3A_20 = arith.constant 8 : i32
    %barrier3A = arith.constant 0 : index
    tpu.barrier barrier_id(%barrier3A)
    %add3A_21 = arith.constant 0 : i32
    %add3A_22 = arith.addi %mul3A_2, %add3A_21 : i32
    %dma_start3A = tpu.memref_slice %arg4[%add3A_22] : memref<320000xi32, #tpu.memory_space<hbm>> -> memref<80xi32, #tpu.memory_space<hbm>>
    %dma_start3A_23 = tpu.memref_slice %arg4[%add3A_22] : memref<320000xi32, #tpu.memory_space<hbm>> -> memref<80xi32, #tpu.memory_space<hbm>>
    tpu.enqueue_dma source(%dma_start3A_23 : memref<80xi32, #tpu.memory_space<hbm>>) target(%arg8 : memref<80xi32, #tpu.memory_space<vmem>>) target_semaphore(%arg24 : memref<!tpu.dma_semaphore, #tpu.memory_space<semaphore_mem>>)
    %dma_start3A_24 = tpu.memref_slice %arg5[%add3A_22] : memref<320000xi32, #tpu.memory_space<hbm>> -> memref<80xi32, #tpu.memory_space<hbm>>
    %dma_start3A_25 = tpu.memref_slice %arg5[%add3A_22] : memref<320000xi32, #tpu.memory_space<hbm>> -> memref<80xi32, #tpu.memory_space<hbm>>
    tpu.enqueue_dma source(%dma_start3A_25 : memref<80xi32, #tpu.memory_space<hbm>>) target(%arg9 : memref<80xi32, #tpu.memory_space<vmem>>) target_semaphore(%arg24 : memref<!tpu.dma_semaphore, #tpu.memory_space<semaphore_mem>>)
    %dma_start3A_26 = tpu.memref_slice %arg6[%add3A_22] : memref<320000xf32, #tpu.memory_space<hbm>> -> memref<80xf32, #tpu.memory_space<hbm>>
    %dma_start3A_27 = tpu.memref_slice %arg6[%add3A_22] : memref<320000xf32, #tpu.memory_space<hbm>> -> memref<80xf32, #tpu.memory_space<hbm>>
    tpu.enqueue_dma source(%dma_start3A_27 : memref<80xf32, #tpu.memory_space<hbm>>) target(%arg10 : memref<80xf32, #tpu.memory_space<vmem>>) target_semaphore(%arg24 : memref<!tpu.dma_semaphore, #tpu.memory_space<semaphore_mem>>)
    %dma_wait3A = tpu.memref_slice %arg4[%add3A_22] : memref<320000xi32, #tpu.memory_space<hbm>> -> memref<80xi32, #tpu.memory_space<hbm>>
    %dma_wait3A_28 = tpu.memref_slice %arg4[%add3A_22] : memref<320000xi32, #tpu.memory_space<hbm>> -> memref<80xi32, #tpu.memory_space<hbm>>
    tpu.wait_dma2 semaphore(%arg24 : memref<!tpu.dma_semaphore, #tpu.memory_space<semaphore_mem>>) src(%dma_wait3A_28 : memref<80xi32, #tpu.memory_space<hbm>>) dst(%arg8 : memref<80xi32, #tpu.memory_space<vmem>>)
    %dma_wait3A_29 = tpu.memref_slice %arg5[%add3A_22] : memref<320000xi32, #tpu.memory_space<hbm>> -> memref<80xi32, #tpu.memory_space<hbm>>
    %dma_wait3A_30 = tpu.memref_slice %arg5[%add3A_22] : memref<320000xi32, #tpu.memory_space<hbm>> -> memref<80xi32, #tpu.memory_space<hbm>>
    tpu.wait_dma2 semaphore(%arg24 : memref<!tpu.dma_semaphore, #tpu.memory_space<semaphore_mem>>) src(%dma_wait3A_30 : memref<80xi32, #tpu.memory_space<hbm>>) dst(%arg9 : memref<80xi32, #tpu.memory_space<vmem>>)
    %dma_wait3A_31 = tpu.memref_slice %arg6[%add3A_22] : memref<320000xf32, #tpu.memory_space<hbm>> -> memref<80xf32, #tpu.memory_space<hbm>>
    %dma_wait3A_32 = tpu.memref_slice %arg6[%add3A_22] : memref<320000xf32, #tpu.memory_space<hbm>> -> memref<80xf32, #tpu.memory_space<hbm>>
    tpu.wait_dma2 semaphore(%arg24 : memref<!tpu.dma_semaphore, #tpu.memory_space<semaphore_mem>>) src(%dma_wait3A_32 : memref<80xf32, #tpu.memory_space<hbm>>) dst(%arg10 : memref<80xf32, #tpu.memory_space<vmem>>)
    %dma_start3A_33 = arith.constant 0 : i32
    %dma_start3A_34 = arith.constant 0 : i32
    %dma_start3A_35 = tpu.memref_slice %arg2[%dma_start3A_33, %dma_start3A_34] : memref<10000x128xf32, #tpu.memory_space<hbm>> -> memref<10000x128xf32, #tpu.memory_space<hbm>>
    tpu.enqueue_indirect_dma source(%dma_start3A_35 : memref<10000x128xf32, #tpu.memory_space<hbm>>) target(%arg15 : memref<80x128xf32, #tpu.memory_space<vmem>>) offsets(%arg8 : memref<80xi32, #tpu.memory_space<vmem>>) semaphore(%arg20 : memref<!tpu.dma_semaphore, #tpu.memory_space<semaphore_mem>>)
    %add3A_36 = arith.constant 0 : i32
    %add3A_37 = arith.addi %mul3A_2, %add3A_36 : i32
    %dma_start3A_38 = arith.constant 0 : i32
    %dma_start3A_39 = tpu.memref_slice %arg3[%add3A_37, %dma_start3A_38] : memref<320000x128xf32, #tpu.memory_space<hbm>> -> memref<80x128xf32, #tpu.memory_space<hbm>>
    %dma_start3A_40 = arith.constant 0 : i32
    %dma_start3A_41 = tpu.memref_slice %arg3[%add3A_37, %dma_start3A_40] : memref<320000x128xf32, #tpu.memory_space<hbm>> -> memref<80x128xf32, #tpu.memory_space<hbm>>
    tpu.enqueue_dma source(%dma_start3A_41 : memref<80x128xf32, #tpu.memory_space<hbm>>) target(%arg16 : memref<80x128xf32, #tpu.memory_space<vmem>>) target_semaphore(%arg21 : memref<!tpu.dma_semaphore, #tpu.memory_space<semaphore_mem>>)
    %scan3A_42 = arith.constant 0 : i32
    %scan3A_43 = arith.constant 0 : i32
    %scan3A_44 = arith.constant 62 : i32
    %scan3A_45 = arith.addi %scan3A_43, %scan3A_44 : i32
    %scan3A_46 = arith.constant 1 : i32
    %scan3A_47 = scf.for %scan3A_73 = %scan3A_43 to %scan3A_45 step %scan3A_46 iter_args(%scan3A_74 = %scan3A_42) -> (i32)  : i32 {
      %mul3A_75 = arith.constant 2 : i32
      %mul3A_76 = arith.muli %mul3A_75, %scan3A_73 : i32
      %mul3A_77 = arith.constant 2 : i32
      %mul3A_78 = arith.muli %mul3A_77, %scan3A_73 : i32
      %add3A_79 = arith.constant 1 : i32
      %add3A_80 = arith.addi %mul3A_78, %add3A_79 : i32
      %mul3A_81 = arith.constant 80 : i32
      %mul3A_82 = arith.muli %add3A_80, %mul3A_81 : i32
      %add3A_83 = arith.addi %mul3A_2, %mul3A_82 : i32
      %dma_start3A_84 = tpu.memref_slice %arg4[%add3A_83] : memref<320000xi32, #tpu.memory_space<hbm>> -> memref<80xi32, #tpu.memory_space<hbm>>
      %dma_start3A_85 = tpu.memref_slice %arg4[%add3A_83] : memref<320000xi32, #tpu.memory_space<hbm>> -> memref<80xi32, #tpu.memory_space<hbm>>
      tpu.enqueue_dma source(%dma_start3A_85 : memref<80xi32, #tpu.memory_space<hbm>>) target(%arg11 : memref<80xi32, #tpu.memory_space<vmem>>) target_semaphore(%arg25 : memref<!tpu.dma_semaphore, #tpu.memory_space<semaphore_mem>>)
      %dma_start3A_86 = tpu.memref_slice %arg5[%add3A_83] : memref<320000xi32, #tpu.memory_space<hbm>> -> memref<80xi32, #tpu.memory_space<hbm>>
      %dma_start3A_87 = tpu.memref_slice %arg5[%add3A_83] : memref<320000xi32, #tpu.memory_space<hbm>> -> memref<80xi32, #tpu.memory_space<hbm>>
      tpu.enqueue_dma source(%dma_start3A_87 : memref<80xi32, #tpu.memory_space<hbm>>) target(%arg12 : memref<80xi32, #tpu.memory_space<vmem>>) target_semaphore(%arg25 : memref<!tpu.dma_semaphore, #tpu.memory_space<semaphore_mem>>)
      %dma_start3A_88 = tpu.memref_slice %arg6[%add3A_83] : memref<320000xf32, #tpu.memory_space<hbm>> -> memref<80xf32, #tpu.memory_space<hbm>>
      %dma_start3A_89 = tpu.memref_slice %arg6[%add3A_83] : memref<320000xf32, #tpu.memory_space<hbm>> -> memref<80xf32, #tpu.memory_space<hbm>>
      tpu.enqueue_dma source(%dma_start3A_89 : memref<80xf32, #tpu.memory_space<hbm>>) target(%arg13 : memref<80xf32, #tpu.memory_space<vmem>>) target_semaphore(%arg25 : memref<!tpu.dma_semaphore, #tpu.memory_space<semaphore_mem>>)
      %dma_wait3A_90 = tpu.memref_slice %arg4[%add3A_83] : memref<320000xi32, #tpu.memory_space<hbm>> -> memref<80xi32, #tpu.memory_space<hbm>>
      %dma_wait3A_91 = tpu.memref_slice %arg4[%add3A_83] : memref<320000xi32, #tpu.memory_space<hbm>> -> memref<80xi32, #tpu.memory_space<hbm>>
      tpu.wait_dma2 semaphore(%arg25 : memref<!tpu.dma_semaphore, #tpu.memory_space<semaphore_mem>>) src(%dma_wait3A_91 : memref<80xi32, #tpu.memory_space<hbm>>) dst(%arg11 : memref<80xi32, #tpu.memory_space<vmem>>)
      %dma_wait3A_92 = tpu.memref_slice %arg5[%add3A_83] : memref<320000xi32, #tpu.memory_space<hbm>> -> memref<80xi32, #tpu.memory_space<hbm>>
      %dma_wait3A_93 = tpu.memref_slice %arg5[%add3A_83] : memref<320000xi32, #tpu.memory_space<hbm>> -> memref<80xi32, #tpu.memory_space<hbm>>
      tpu.wait_dma2 semaphore(%arg25 : memref<!tpu.dma_semaphore, #tpu.memory_space<semaphore_mem>>) src(%dma_wait3A_93 : memref<80xi32, #tpu.memory_space<hbm>>) dst(%arg12 : memref<80xi32, #tpu.memory_space<vmem>>)
      %dma_wait3A_94 = tpu.memref_slice %arg6[%add3A_83] : memref<320000xf32, #tpu.memory_space<hbm>> -> memref<80xf32, #tpu.memory_space<hbm>>
      %dma_wait3A_95 = tpu.memref_slice %arg6[%add3A_83] : memref<320000xf32, #tpu.memory_space<hbm>> -> memref<80xf32, #tpu.memory_space<hbm>>
      tpu.wait_dma2 semaphore(%arg25 : memref<!tpu.dma_semaphore, #tpu.memory_space<semaphore_mem>>) src(%dma_wait3A_95 : memref<80xf32, #tpu.memory_space<hbm>>) dst(%arg13 : memref<80xf32, #tpu.memory_space<vmem>>)
      %dma_start3A_96 = arith.constant 0 : i32
      %dma_start3A_97 = arith.constant 0 : i32
      %dma_start3A_98 = tpu.memref_slice %arg2[%dma_start3A_96, %dma_start3A_97] : memref<10000x128xf32, #tpu.memory_space<hbm>> -> memref<10000x128xf32, #tpu.memory_space<hbm>>
      tpu.enqueue_indirect_dma source(%dma_start3A_98 : memref<10000x128xf32, #tpu.memory_space<hbm>>) target(%arg17 : memref<80x128xf32, #tpu.memory_space<vmem>>) offsets(%arg11 : memref<80xi32, #tpu.memory_space<vmem>>) semaphore(%arg22 : memref<!tpu.dma_semaphore, #tpu.memory_space<semaphore_mem>>)
      %mul3A_99 = arith.constant 80 : i32
      %mul3A_100 = arith.muli %add3A_80, %mul3A_99 : i32
      %add3A_101 = arith.addi %mul3A_2, %mul3A_100 : i32
      %dma_start3A_102 = arith.constant 0 : i32
      %dma_start3A_103 = tpu.memref_slice %arg3[%add3A_101, %dma_start3A_102] : memref<320000x128xf32, #tpu.memory_space<hbm>> -> memref<80x128xf32, #tpu.memory_space<hbm>>
      %dma_start3A_104 = arith.constant 0 : i32
      %dma_start3A_105 = tpu.memref_slice %arg3[%add3A_101, %dma_start3A_104] : memref<320000x128xf32, #tpu.memory_space<hbm>> -> memref<80x128xf32, #tpu.memory_space<hbm>>
      tpu.enqueue_dma source(%dma_start3A_105 : memref<80x128xf32, #tpu.memory_space<hbm>>) target(%arg18 : memref<80x128xf32, #tpu.memory_space<vmem>>) target_semaphore(%arg23 : memref<!tpu.dma_semaphore, #tpu.memory_space<semaphore_mem>>)
      %dma_wait3A_106 = arith.constant 0 : i32
      %dma_wait3A_107 = arith.constant 0 : i32
      %dma_wait3A_108 = tpu.memref_slice %arg2[%dma_wait3A_106, %dma_wait3A_107] : memref<10000x128xf32, #tpu.memory_space<hbm>> -> memref<10000x128xf32, #tpu.memory_space<hbm>>
      tpu.wait_indirect_dma semaphore(%arg20 : memref<!tpu.dma_semaphore, #tpu.memory_space<semaphore_mem>>) src(%dma_wait3A_108 : memref<10000x128xf32, #tpu.memory_space<hbm>>) dst(%arg15 : memref<80x128xf32, #tpu.memory_space<vmem>>)
      %dma_wait3A_109 = arith.constant 0 : i32
      %dma_wait3A_110 = arith.constant 0 : i32
      %dma_wait3A_111 = tpu.memref_slice %arg3[%dma_wait3A_109, %dma_wait3A_110] : memref<320000x128xf32, #tpu.memory_space<hbm>> -> memref<80x128xf32, #tpu.memory_space<hbm>>
      %dma_wait3A_112 = arith.constant 0 : i32
      %dma_wait3A_113 = arith.constant 0 : i32
      %dma_wait3A_114 = tpu.memref_slice %arg3[%dma_wait3A_112, %dma_wait3A_113] : memref<320000x128xf32, #tpu.memory_space<hbm>> -> memref<80x128xf32, #tpu.memory_space<hbm>>
      tpu.wait_dma2 semaphore(%arg21 : memref<!tpu.dma_semaphore, #tpu.memory_space<semaphore_mem>>) src(%dma_wait3A_114 : memref<80x128xf32, #tpu.memory_space<hbm>>) dst(%arg16 : memref<80x128xf32, #tpu.memory_space<vmem>>)
      %scan3A_115 = arith.constant 0 : i32
      %scan3A_116 = arith.constant 0 : i32
      %scan3A_117 = arith.constant 80 : i32
      %scan3A_118 = arith.addi %scan3A_116, %scan3A_117 : i32
      %scan3A_119 = arith.constant 1 : i32
      %scan3A_120 = scf.for %scan3A_139 = %scan3A_116 to %scan3A_118 step %scan3A_119 iter_args(%scan3A_140 = %scan3A_115) -> (i32)  : i32 {
        %broadcast_in_dim3A = vector.broadcast %scan3A_139 : i32 to vector<16xi32>
        %gather3A = tpu.vector_load_idx %arg10[%broadcast_in_dim3A] : memref<80xf32, #tpu.memory_space<vmem>>[vector<16xi32>], vector<16xf32>,
        %get3A = arith.index_cast %scan3A_139 : i32 to index
        %get3A_141 = arith.constant 0 : index
        %get3A_142 = tpu.vector_load %arg15[%get3A, %get3A_141] {strides = array<i32>} : memref<80x128xf32, #tpu.memory_space<vmem>>, vector<16xf32>,
        %get3A_143 = arith.index_cast %scan3A_139 : i32 to index
        %get3A_144 = arith.constant 0 : index
        %get3A_145 = tpu.vector_load %arg16[%get3A_143, %get3A_144] {strides = array<i32>} : memref<80x128xf32, #tpu.memory_space<vmem>>, vector<16xf32>,
        %add3A_146 = arith.addf %get3A_142, %get3A_145 : vector<16xf32>
        %max3A = arith.constant 0.000000e+00 : f32
        %max3A_147 = vector.broadcast %max3A : f32 to vector<16xf32>
        %max3A_148 = arith.maximumf %add3A_146, %max3A_147 : vector<16xf32>
        %mul3A_149 = arith.mulf %max3A_148, %gather3A : vector<16xf32>
        %swap3A = arith.index_cast %scan3A_139 : i32 to index
        %swap3A_150 = arith.constant 0 : index
        %swap3A_151 = tpu.vector_load %arg16[%swap3A, %swap3A_150] {strides = array<i32>} : memref<80x128xf32, #tpu.memory_space<vmem>>, vector<16xf32>,
        tpu.vector_store %arg16[%swap3A, %swap3A_150], %mul3A_149 {strides = array<i32>} : memref<80x128xf32, #tpu.memory_space<vmem>>, vector<16xf32>,
        %get3A_152 = arith.index_cast %scan3A_139 : i32 to index
        %get3A_153 = arith.constant 16 : index
        %get3A_154 = tpu.vector_load %arg15[%get3A_152, %get3A_153] {strides = array<i32>} : memref<80x128xf32, #tpu.memory_space<vmem>>, vector<16xf32>,
        %get3A_155 = arith.index_cast %scan3A_139 : i32 to index
        %get3A_156 = arith.constant 16 : index
        %get3A_157 = tpu.vector_load %arg16[%get3A_155, %get3A_156] {strides = array<i32>} : memref<80x128xf32, #tpu.memory_space<vmem>>, vector<16xf32>,
        %add3A_158 = arith.addf %get3A_154, %get3A_157 : vector<16xf32>
        %max3A_159 = arith.constant 0.000000e+00 : f32
        %max3A_160 = vector.broadcast %max3A_159 : f32 to vector<16xf32>
        %max3A_161 = arith.maximumf %add3A_158, %max3A_160 : vector<16xf32>
        %mul3A_162 = arith.mulf %max3A_161, %gather3A : vector<16xf32>
        %swap3A_163 = arith.index_cast %scan3A_139 : i32 to index
        %swap3A_164 = arith.constant 16 : index
        %swap3A_165 = tpu.vector_load %arg16[%swap3A_163, %swap3A_164] {strides = array<i32>} : memref<80x128xf32, #tpu.memory_space<vmem>>, vector<16xf32>,
        tpu.vector_store %arg16[%swap3A_163, %swap3A_164], %mul3A_162 {strides = array<i32>} : memref<80x128xf32, #tpu.memory_space<vmem>>, vector<16xf32>,
        %get3A_166 = arith.index_cast %scan3A_139 : i32 to index
        %get3A_167 = arith.constant 32 : index
        %get3A_168 = tpu.vector_load %arg15[%get3A_166, %get3A_167] {strides = array<i32>} : memref<80x128xf32, #tpu.memory_space<vmem>>, vector<16xf32>,
        %get3A_169 = arith.index_cast %scan3A_139 : i32 to index
        %get3A_170 = arith.constant 32 : index
        %get3A_171 = tpu.vector_load %arg16[%get3A_169, %get3A_170] {strides = array<i32>} : memref<80x128xf32, #tpu.memory_space<vmem>>, vector<16xf32>,
        %add3A_172 = arith.addf %get3A_168, %get3A_171 : vector<16xf32>
        %max3A_173 = arith.constant 0.000000e+00 : f32
        %max3A_174 = vector.broadcast %max3A_173 : f32 to vector<16xf32>
        %max3A_175 = arith.maximumf %add3A_172, %max3A_174 : vector<16xf32>
        %mul3A_176 = arith.mulf %max3A_175, %gather3A : vector<16xf32>
        %swap3A_177 = arith.index_cast %scan3A_139 : i32 to index
        %swap3A_178 = arith.constant 32 : index
        %swap3A_179 = tpu.vector_load %arg16[%swap3A_177, %swap3A_178] {strides = array<i32>} : memref<80x128xf32, #tpu.memory_space<vmem>>, vector<16xf32>,
        tpu.vector_store %arg16[%swap3A_177, %swap3A_178], %mul3A_176 {strides = array<i32>} : memref<80x128xf32, #tpu.memory_space<vmem>>, vector<16xf32>,
        %get3A_180 = arith.index_cast %scan3A_139 : i32 to index
        %get3A_181 = arith.constant 48 : index
        %get3A_182 = tpu.vector_load %arg15[%get3A_180, %get3A_181] {strides = array<i32>} : memref<80x128xf32, #tpu.memory_space<vmem>>, vector<16xf32>,
        %get3A_183 = arith.index_cast %scan3A_139 : i32 to index
        %get3A_184 = arith.constant 48 : index
        %get3A_185 = tpu.vector_load %arg16[%get3A_183, %get3A_184] {strides = array<i32>} : memref<80x128xf32, #tpu.memory_space<vmem>>, vector<16xf32>,
        %add3A_186 = arith.addf %get3A_182, %get3A_185 : vector<16xf32>
        %max3A_187 = arith.constant 0.000000e+00 : f32
        %max3A_188 = vector.broadcast %max3A_187 : f32 to vector<16xf32>
        %max3A_189 = arith.maximumf %add3A_186, %max3A_188 : vector<16xf32>
        %mul3A_190 = arith.mulf %max3A_189, %gather3A : vector<16xf32>
        %swap3A_191 = arith.index_cast %scan3A_139 : i32 to index
        %swap3A_192 = arith.constant 48 : index
        %swap3A_193 = tpu.vector_load %arg16[%swap3A_191, %swap3A_192] {strides = array<i32>} : memref<80x128xf32, #tpu.memory_space<vmem>>, vector<16xf32>,
        tpu.vector_store %arg16[%swap3A_191, %swap3A_192], %mul3A_190 {strides = array<i32>} : memref<80x128xf32, #tpu.memory_space<vmem>>, vector<16xf32>,
        %get3A_194 = arith.index_cast %scan3A_139 : i32 to index
        %get3A_195 = arith.constant 64 : index
        %get3A_196 = tpu.vector_load %arg15[%get3A_194, %get3A_195] {strides = array<i32>} : memref<80x128xf32, #tpu.memory_space<vmem>>, vector<16xf32>,
        %get3A_197 = arith.index_cast %scan3A_139 : i32 to index
        %get3A_198 = arith.constant 64 : index
        %get3A_199 = tpu.vector_load %arg16[%get3A_197, %get3A_198] {strides = array<i32>} : memref<80x128xf32, #tpu.memory_space<vmem>>, vector<16xf32>,
        %add3A_200 = arith.addf %get3A_196, %get3A_199 : vector<16xf32>
        %max3A_201 = arith.constant 0.000000e+00 : f32
        %max3A_202 = vector.broadcast %max3A_201 : f32 to vector<16xf32>
        %max3A_203 = arith.maximumf %add3A_200, %max3A_202 : vector<16xf32>
        %mul3A_204 = arith.mulf %max3A_203, %gather3A : vector<16xf32>
        %swap3A_205 = arith.index_cast %scan3A_139 : i32 to index
        %swap3A_206 = arith.constant 64 : index
        %swap3A_207 = tpu.vector_load %arg16[%swap3A_205, %swap3A_206] {strides = array<i32>} : memref<80x128xf32, #tpu.memory_space<vmem>>, vector<16xf32>,
        tpu.vector_store %arg16[%swap3A_205, %swap3A_206], %mul3A_204 {strides = array<i32>} : memref<80x128xf32, #tpu.memory_space<vmem>>, vector<16xf32>,
        %get3A_208 = arith.index_cast %scan3A_139 : i32 to index
        %get3A_209 = arith.constant 80 : index
        %get3A_210 = tpu.vector_load %arg15[%get3A_208, %get3A_209] {strides = array<i32>} : memref<80x128xf32, #tpu.memory_space<vmem>>, vector<16xf32>,
        %get3A_211 = arith.index_cast %scan3A_139 : i32 to index
        %get3A_212 = arith.constant 80 : index
        %get3A_213 = tpu.vector_load %arg16[%get3A_211, %get3A_212] {strides = array<i32>} : memref<80x128xf32, #tpu.memory_space<vmem>>, vector<16xf32>,
        %add3A_214 = arith.addf %get3A_210, %get3A_213 : vector<16xf32>
        %max3A_215 = arith.constant 0.000000e+00 : f32
        %max3A_216 = vector.broadcast %max3A_215 : f32 to vector<16xf32>
        %max3A_217 = arith.maximumf %add3A_214, %max3A_216 : vector<16xf32>
        %mul3A_218 = arith.mulf %max3A_217, %gather3A : vector<16xf32>
        %swap3A_219 = arith.index_cast %scan3A_139 : i32 to index
        %swap3A_220 = arith.constant 80 : index
        %swap3A_221 = tpu.vector_load %arg16[%swap3A_219, %swap3A_220] {strides = array<i32>} : memref<80x128xf32, #tpu.memory_space<vmem>>, vector<16xf32>,
        tpu.vector_store %arg16[%swap3A_219, %swap3A_220], %mul3A_218 {strides = array<i32>} : memref<80x128xf32, #tpu.memory_space<vmem>>, vector<16xf32>,
        %get3A_222 = arith.index_cast %scan3A_139 : i32 to index
        %get3A_223 = arith.constant 96 : index
        %get3A_224 = tpu.vector_load %arg15[%get3A_222, %get3A_223] {strides = array<i32>} : memref<80x128xf32, #tpu.memory_space<vmem>>, vector<16xf32>,
        %get3A_225 = arith.index_cast %scan3A_139 : i32 to index
        %get3A_226 = arith.constant 96 : index
        %get3A_227 = tpu.vector_load %arg16[%get3A_225, %get3A_226] {strides = array<i32>} : memref<80x128xf32, #tpu.memory_space<vmem>>, vector<16xf32>,
        %add3A_228 = arith.addf %get3A_224, %get3A_227 : vector<16xf32>
        %max3A_229 = arith.constant 0.000000e+00 : f32
        %max3A_230 = vector.broadcast %max3A_229 : f32 to vector<16xf32>
        %max3A_231 = arith.maximumf %add3A_228, %max3A_230 : vector<16xf32>
        %mul3A_232 = arith.mulf %max3A_231, %gather3A : vector<16xf32>
        %swap3A_233 = arith.index_cast %scan3A_139 : i32 to index
        %swap3A_234 = arith.constant 96 : index
        %swap3A_235 = tpu.vector_load %arg16[%swap3A_233, %swap3A_234] {strides = array<i32>} : memref<80x128xf32, #tpu.memory_space<vmem>>, vector<16xf32>,
        tpu.vector_store %arg16[%swap3A_233, %swap3A_234], %mul3A_232 {strides = array<i32>} : memref<80x128xf32, #tpu.memory_space<vmem>>, vector<16xf32>,
        %get3A_236 = arith.index_cast %scan3A_139 : i32 to index
        %get3A_237 = arith.constant 112 : index
        %get3A_238 = tpu.vector_load %arg15[%get3A_236, %get3A_237] {strides = array<i32>} : memref<80x128xf32, #tpu.memory_space<vmem>>, vector<16xf32>,
        %get3A_239 = arith.index_cast %scan3A_139 : i32 to index
        %get3A_240 = arith.constant 112 : index
        %get3A_241 = tpu.vector_load %arg16[%get3A_239, %get3A_240] {strides = array<i32>} : memref<80x128xf32, #tpu.memory_space<vmem>>, vector<16xf32>,
        %add3A_242 = arith.addf %get3A_238, %get3A_241 : vector<16xf32>
        %max3A_243 = arith.constant 0.000000e+00 : f32
        %max3A_244 = vector.broadcast %max3A_243 : f32 to vector<16xf32>
        %max3A_245 = arith.maximumf %add3A_242, %max3A_244 : vector<16xf32>
        %mul3A_246 = arith.mulf %max3A_245, %gather3A : vector<16xf32>
        %swap3A_247 = arith.index_cast %scan3A_139 : i32 to index
        %swap3A_248 = arith.constant 112 : index
        %swap3A_249 = tpu.vector_load %arg16[%swap3A_247, %swap3A_248] {strides = array<i32>} : memref<80x128xf32, #tpu.memory_space<vmem>>, vector<16xf32>,
        tpu.vector_store %arg16[%swap3A_247, %swap3A_248], %mul3A_246 {strides = array<i32>} : memref<80x128xf32, #tpu.memory_space<vmem>>, vector<16xf32>,
        %scan3A_250 = arith.constant 0 : i32
        scf.yield %scan3A_250 : i32
      }
      %scan3A_121 = arith.constant 80 : i32
      "tpu.region"() ({
        %run_scoped3A = tpu.sem_alloc : memref<!tpu.dma_semaphore, #tpu.memory_space<semaphore_mem>>
        %dma_start3A_139 = arith.constant 0 : i32
        %dma_start3A_140 = arith.constant 0 : i32
        %dma_start3A_141 = tpu.memref_slice %arg19[%dma_start3A_139, %dma_start3A_140] : memref<10240x128xf32, #tpu.memory_space<vmem_shared>> -> memref<10240x128xf32, #tpu.memory_space<vmem_shared>>
        tpu.enqueue_indirect_dma source(%arg16 : memref<80x128xf32, #tpu.memory_space<vmem>>) target(%dma_start3A_141 : memref<10240x128xf32, #tpu.memory_space<vmem_shared>>) offsets(%arg9 : memref<80xi32, #tpu.memory_space<vmem>>) semaphore(%run_scoped3A : memref<!tpu.dma_semaphore, #tpu.memory_space<semaphore_mem>>) {add = true}
        %dma_wait3A_142 = arith.constant 0 : i32
        %dma_wait3A_143 = arith.constant 0 : i32
        %dma_wait3A_144 = tpu.memref_slice %arg19[%dma_wait3A_142, %dma_wait3A_143] : memref<10240x128xf32, #tpu.memory_space<vmem_shared>> -> memref<10240x128xf32, #tpu.memory_space<vmem_shared>>
        tpu.wait_indirect_dma semaphore(%run_scoped3A : memref<!tpu.dma_semaphore, #tpu.memory_space<semaphore_mem>>) src(%arg16 : memref<80x128xf32, #tpu.memory_space<vmem>>) dst(%dma_wait3A_144 : memref<10240x128xf32, #tpu.memory_space<vmem_shared>>)
        tpu.yield
      }) : () -> ()
      %lt3A = arith.constant 62 : i32
      %lt3A_122 = arith.cmpi slt, %scan3A_73, %lt3A : i32
      %convert_element_type3A = arith.extui %lt3A_122 : i1 to i32
      %cond3A = arith.constant 0 : i32
      %cond3A_123 = arith.cmpi ne, %convert_element_type3A, %cond3A : i32
      scf.if %cond3A_123 {
        %add3A_139 = arith.constant 2 : i32
        %add3A_140 = arith.addi %mul3A_76, %add3A_139 : i32
        %mul3A_141 = arith.constant 80 : i32
        %mul3A_142 = arith.muli %add3A_140, %mul3A_141 : i32
        %add3A_143 = arith.addi %mul3A_2, %mul3A_142 : i32
        %dma_start3A_144 = tpu.memref_slice %arg4[%add3A_143] : memref<320000xi32, #tpu.memory_space<hbm>> -> memref<80xi32, #tpu.memory_space<hbm>>
        %dma_start3A_145 = tpu.memref_slice %arg4[%add3A_143] : memref<320000xi32, #tpu.memory_space<hbm>> -> memref<80xi32, #tpu.memory_space<hbm>>
        tpu.enqueue_dma source(%dma_start3A_145 : memref<80xi32, #tpu.memory_space<hbm>>) target(%arg8 : memref<80xi32, #tpu.memory_space<vmem>>) target_semaphore(%arg24 : memref<!tpu.dma_semaphore, #tpu.memory_space<semaphore_mem>>)
        %dma_start3A_146 = tpu.memref_slice %arg5[%add3A_143] : memref<320000xi32, #tpu.memory_space<hbm>> -> memref<80xi32, #tpu.memory_space<hbm>>
        %dma_start3A_147 = tpu.memref_slice %arg5[%add3A_143] : memref<320000xi32, #tpu.memory_space<hbm>> -> memref<80xi32, #tpu.memory_space<hbm>>
        tpu.enqueue_dma source(%dma_start3A_147 : memref<80xi32, #tpu.memory_space<hbm>>) target(%arg9 : memref<80xi32, #tpu.memory_space<vmem>>) target_semaphore(%arg24 : memref<!tpu.dma_semaphore, #tpu.memory_space<semaphore_mem>>)
        %dma_start3A_148 = tpu.memref_slice %arg6[%add3A_143] : memref<320000xf32, #tpu.memory_space<hbm>> -> memref<80xf32, #tpu.memory_space<hbm>>
        %dma_start3A_149 = tpu.memref_slice %arg6[%add3A_143] : memref<320000xf32, #tpu.memory_space<hbm>> -> memref<80xf32, #tpu.memory_space<hbm>>
        tpu.enqueue_dma source(%dma_start3A_149 : memref<80xf32, #tpu.memory_space<hbm>>) target(%arg10 : memref<80xf32, #tpu.memory_space<vmem>>) target_semaphore(%arg24 : memref<!tpu.dma_semaphore, #tpu.memory_space<semaphore_mem>>)
        %dma_wait3A_150 = tpu.memref_slice %arg4[%add3A_143] : memref<320000xi32, #tpu.memory_space<hbm>> -> memref<80xi32, #tpu.memory_space<hbm>>
        %dma_wait3A_151 = tpu.memref_slice %arg4[%add3A_143] : memref<320000xi32, #tpu.memory_space<hbm>> -> memref<80xi32, #tpu.memory_space<hbm>>
        tpu.wait_dma2 semaphore(%arg24 : memref<!tpu.dma_semaphore, #tpu.memory_space<semaphore_mem>>) src(%dma_wait3A_151 : memref<80xi32, #tpu.memory_space<hbm>>) dst(%arg8 : memref<80xi32, #tpu.memory_space<vmem>>)
        %dma_wait3A_152 = tpu.memref_slice %arg5[%add3A_143] : memref<320000xi32, #tpu.memory_space<hbm>> -> memref<80xi32, #tpu.memory_space<hbm>>
        %dma_wait3A_153 = tpu.memref_slice %arg5[%add3A_143] : memref<320000xi32, #tpu.memory_space<hbm>> -> memref<80xi32, #tpu.memory_space<hbm>>
        tpu.wait_dma2 semaphore(%arg24 : memref<!tpu.dma_semaphore, #tpu.memory_space<semaphore_mem>>) src(%dma_wait3A_153 : memref<80xi32, #tpu.memory_space<hbm>>) dst(%arg9 : memref<80xi32, #tpu.memory_space<vmem>>)
        %dma_wait3A_154 = tpu.memref_slice %arg6[%add3A_143] : memref<320000xf32, #tpu.memory_space<hbm>> -> memref<80xf32, #tpu.memory_space<hbm>>
        %dma_wait3A_155 = tpu.memref_slice %arg6[%add3A_143] : memref<320000xf32, #tpu.memory_space<hbm>> -> memref<80xf32, #tpu.memory_space<hbm>>
        tpu.wait_dma2 semaphore(%arg24 : memref<!tpu.dma_semaphore, #tpu.memory_space<semaphore_mem>>) src(%dma_wait3A_155 : memref<80xf32, #tpu.memory_space<hbm>>) dst(%arg10 : memref<80xf32, #tpu.memory_space<vmem>>)
        %add3A_156 = arith.constant 2 : i32
        %add3A_157 = arith.addi %mul3A_76, %add3A_156 : i32
        %dma_start3A_158 = arith.constant 0 : i32
        %dma_start3A_159 = arith.constant 0 : i32
        %dma_start3A_160 = tpu.memref_slice %arg2[%dma_start3A_158, %dma_start3A_159] : memref<10000x128xf32, #tpu.memory_space<hbm>> -> memref<10000x128xf32, #tpu.memory_space<hbm>>
        tpu.enqueue_indirect_dma source(%dma_start3A_160 : memref<10000x128xf32, #tpu.memory_space<hbm>>) target(%arg15 : memref<80x128xf32, #tpu.memory_space<vmem>>) offsets(%arg8 : memref<80xi32, #tpu.memory_space<vmem>>) semaphore(%arg20 : memref<!tpu.dma_semaphore, #tpu.memory_space<semaphore_mem>>)
        %mul3A_161 = arith.constant 80 : i32
        %mul3A_162 = arith.muli %add3A_157, %mul3A_161 : i32
        %add3A_163 = arith.addi %mul3A_2, %mul3A_162 : i32
        %dma_start3A_164 = arith.constant 0 : i32
        %dma_start3A_165 = tpu.memref_slice %arg3[%add3A_163, %dma_start3A_164] : memref<320000x128xf32, #tpu.memory_space<hbm>> -> memref<80x128xf32, #tpu.memory_space<hbm>>
        %dma_start3A_166 = arith.constant 0 : i32
        %dma_start3A_167 = tpu.memref_slice %arg3[%add3A_163, %dma_start3A_166] : memref<320000x128xf32, #tpu.memory_space<hbm>> -> memref<80x128xf32, #tpu.memory_space<hbm>>
        tpu.enqueue_dma source(%dma_start3A_167 : memref<80x128xf32, #tpu.memory_space<hbm>>) target(%arg16 : memref<80x128xf32, #tpu.memory_space<vmem>>) target_semaphore(%arg21 : memref<!tpu.dma_semaphore, #tpu.memory_space<semaphore_mem>>)
      } else {
      }
      %dma_wait3A_124 = arith.constant 0 : i32
      %dma_wait3A_125 = arith.constant 0 : i32
      %dma_wait3A_126 = tpu.memref_slice %arg2[%dma_wait3A_124, %dma_wait3A_125] : memref<10000x128xf32, #tpu.memory_space<hbm>> -> memref<10000x128xf32, #tpu.memory_space<hbm>>
      tpu.wait_indirect_dma semaphore(%arg22 : memref<!tpu.dma_semaphore, #tpu.memory_space<semaphore_mem>>) src(%dma_wait3A_126 : memref<10000x128xf32, #tpu.memory_space<hbm>>) dst(%arg17 : memref<80x128xf32, #tpu.memory_space<vmem>>)
      %dma_wait3A_127 = arith.constant 0 : i32
      %dma_wait3A_128 = tpu.memref_slice %arg3[%add3A_101, %dma_wait3A_127] : memref<320000x128xf32, #tpu.memory_space<hbm>> -> memref<80x128xf32, #tpu.memory_space<hbm>>
      %dma_wait3A_129 = arith.constant 0 : i32
      %dma_wait3A_130 = tpu.memref_slice %arg3[%add3A_101, %dma_wait3A_129] : memref<320000x128xf32, #tpu.memory_space<hbm>> -> memref<80x128xf32, #tpu.memory_space<hbm>>
      tpu.wait_dma2 semaphore(%arg23 : memref<!tpu.dma_semaphore, #tpu.memory_space<semaphore_mem>>) src(%dma_wait3A_130 : memref<80x128xf32, #tpu.memory_space<hbm>>) dst(%arg18 : memref<80x128xf32, #tpu.memory_space<vmem>>)
      %scan3A_131 = arith.constant 0 : i32
      %scan3A_132 = arith.constant 0 : i32
      %scan3A_133 = arith.constant 80 : i32
      %scan3A_134 = arith.addi %scan3A_132, %scan3A_133 : i32
      %scan3A_135 = arith.constant 1 : i32
      %scan3A_136 = scf.for %scan3A_139 = %scan3A_132 to %scan3A_134 step %scan3A_135 iter_args(%scan3A_140 = %scan3A_131) -> (i32)  : i32 {
        %broadcast_in_dim3A = vector.broadcast %scan3A_139 : i32 to vector<16xi32>
        %gather3A = tpu.vector_load_idx %arg13[%broadcast_in_dim3A] : memref<80xf32, #tpu.memory_space<vmem>>[vector<16xi32>], vector<16xf32>,
        %get3A = arith.index_cast %scan3A_139 : i32 to index
        %get3A_141 = arith.constant 0 : index
        %get3A_142 = tpu.vector_load %arg17[%get3A, %get3A_141] {strides = array<i32>} : memref<80x128xf32, #tpu.memory_space<vmem>>, vector<16xf32>,
        %get3A_143 = arith.index_cast %scan3A_139 : i32 to index
        %get3A_144 = arith.constant 0 : index
        %get3A_145 = tpu.vector_load %arg18[%get3A_143, %get3A_144] {strides = array<i32>} : memref<80x128xf32, #tpu.memory_space<vmem>>, vector<16xf32>,
        %add3A_146 = arith.addf %get3A_142, %get3A_145 : vector<16xf32>
        %max3A = arith.constant 0.000000e+00 : f32
        %max3A_147 = vector.broadcast %max3A : f32 to vector<16xf32>
        %max3A_148 = arith.maximumf %add3A_146, %max3A_147 : vector<16xf32>
        %mul3A_149 = arith.mulf %max3A_148, %gather3A : vector<16xf32>
        %swap3A = arith.index_cast %scan3A_139 : i32 to index
        %swap3A_150 = arith.constant 0 : index
        %swap3A_151 = tpu.vector_load %arg18[%swap3A, %swap3A_150] {strides = array<i32>} : memref<80x128xf32, #tpu.memory_space<vmem>>, vector<16xf32>,
        tpu.vector_store %arg18[%swap3A, %swap3A_150], %mul3A_149 {strides = array<i32>} : memref<80x128xf32, #tpu.memory_space<vmem>>, vector<16xf32>,
        %get3A_152 = arith.index_cast %scan3A_139 : i32 to index
        %get3A_153 = arith.constant 16 : index
        %get3A_154 = tpu.vector_load %arg17[%get3A_152, %get3A_153] {strides = array<i32>} : memref<80x128xf32, #tpu.memory_space<vmem>>, vector<16xf32>,
        %get3A_155 = arith.index_cast %scan3A_139 : i32 to index
        %get3A_156 = arith.constant 16 : index
        %get3A_157 = tpu.vector_load %arg18[%get3A_155, %get3A_156] {strides = array<i32>} : memref<80x128xf32, #tpu.memory_space<vmem>>, vector<16xf32>,
        %add3A_158 = arith.addf %get3A_154, %get3A_157 : vector<16xf32>
        %max3A_159 = arith.constant 0.000000e+00 : f32
        %max3A_160 = vector.broadcast %max3A_159 : f32 to vector<16xf32>
        %max3A_161 = arith.maximumf %add3A_158, %max3A_160 : vector<16xf32>
        %mul3A_162 = arith.mulf %max3A_161, %gather3A : vector<16xf32>
        %swap3A_163 = arith.index_cast %scan3A_139 : i32 to index
        %swap3A_164 = arith.constant 16 : index
        %swap3A_165 = tpu.vector_load %arg18[%swap3A_163, %swap3A_164] {strides = array<i32>} : memref<80x128xf32, #tpu.memory_space<vmem>>, vector<16xf32>,
        tpu.vector_store %arg18[%swap3A_163, %swap3A_164], %mul3A_162 {strides = array<i32>} : memref<80x128xf32, #tpu.memory_space<vmem>>, vector<16xf32>,
        %get3A_166 = arith.index_cast %scan3A_139 : i32 to index
        %get3A_167 = arith.constant 32 : index
        %get3A_168 = tpu.vector_load %arg17[%get3A_166, %get3A_167] {strides = array<i32>} : memref<80x128xf32, #tpu.memory_space<vmem>>, vector<16xf32>,
        %get3A_169 = arith.index_cast %scan3A_139 : i32 to index
        %get3A_170 = arith.constant 32 : index
        %get3A_171 = tpu.vector_load %arg18[%get3A_169, %get3A_170] {strides = array<i32>} : memref<80x128xf32, #tpu.memory_space<vmem>>, vector<16xf32>,
        %add3A_172 = arith.addf %get3A_168, %get3A_171 : vector<16xf32>
        %max3A_173 = arith.constant 0.000000e+00 : f32
        %max3A_174 = vector.broadcast %max3A_173 : f32 to vector<16xf32>
        %max3A_175 = arith.maximumf %add3A_172, %max3A_174 : vector<16xf32>
        %mul3A_176 = arith.mulf %max3A_175, %gather3A : vector<16xf32>
        %swap3A_177 = arith.index_cast %scan3A_139 : i32 to index
        %swap3A_178 = arith.constant 32 : index
        %swap3A_179 = tpu.vector_load %arg18[%swap3A_177, %swap3A_178] {strides = array<i32>} : memref<80x128xf32, #tpu.memory_space<vmem>>, vector<16xf32>,
        tpu.vector_store %arg18[%swap3A_177, %swap3A_178], %mul3A_176 {strides = array<i32>} : memref<80x128xf32, #tpu.memory_space<vmem>>, vector<16xf32>,
        %get3A_180 = arith.index_cast %scan3A_139 : i32 to index
        %get3A_181 = arith.constant 48 : index
        %get3A_182 = tpu.vector_load %arg17[%get3A_180, %get3A_181] {strides = array<i32>} : memref<80x128xf32, #tpu.memory_space<vmem>>, vector<16xf32>,
        %get3A_183 = arith.index_cast %scan3A_139 : i32 to index
        %get3A_184 = arith.constant 48 : index
        %get3A_185 = tpu.vector_load %arg18[%get3A_183, %get3A_184] {strides = array<i32>} : memref<80x128xf32, #tpu.memory_space<vmem>>, vector<16xf32>,
        %add3A_186 = arith.addf %get3A_182, %get3A_185 : vector<16xf32>
        %max3A_187 = arith.constant 0.000000e+00 : f32
        %max3A_188 = vector.broadcast %max3A_187 : f32 to vector<16xf32>
        %max3A_189 = arith.maximumf %add3A_186, %max3A_188 : vector<16xf32>
        %mul3A_190 = arith.mulf %max3A_189, %gather3A : vector<16xf32>
        %swap3A_191 = arith.index_cast %scan3A_139 : i32 to index
        %swap3A_192 = arith.constant 48 : index
        %swap3A_193 = tpu.vector_load %arg18[%swap3A_191, %swap3A_192] {strides = array<i32>} : memref<80x128xf32, #tpu.memory_space<vmem>>, vector<16xf32>,
        tpu.vector_store %arg18[%swap3A_191, %swap3A_192], %mul3A_190 {strides = array<i32>} : memref<80x128xf32, #tpu.memory_space<vmem>>, vector<16xf32>,
        %get3A_194 = arith.index_cast %scan3A_139 : i32 to index
        %get3A_195 = arith.constant 64 : index
        %get3A_196 = tpu.vector_load %arg17[%get3A_194, %get3A_195] {strides = array<i32>} : memref<80x128xf32, #tpu.memory_space<vmem>>, vector<16xf32>,
        %get3A_197 = arith.index_cast %scan3A_139 : i32 to index
        %get3A_198 = arith.constant 64 : index
        %get3A_199 = tpu.vector_load %arg18[%get3A_197, %get3A_198] {strides = array<i32>} : memref<80x128xf32, #tpu.memory_space<vmem>>, vector<16xf32>,
        %add3A_200 = arith.addf %get3A_196, %get3A_199 : vector<16xf32>
        %max3A_201 = arith.constant 0.000000e+00 : f32
        %max3A_202 = vector.broadcast %max3A_201 : f32 to vector<16xf32>
        %max3A_203 = arith.maximumf %add3A_200, %max3A_202 : vector<16xf32>
        %mul3A_204 = arith.mulf %max3A_203, %gather3A : vector<16xf32>
        %swap3A_205 = arith.index_cast %scan3A_139 : i32 to index
        %swap3A_206 = arith.constant 64 : index
        %swap3A_207 = tpu.vector_load %arg18[%swap3A_205, %swap3A_206] {strides = array<i32>} : memref<80x128xf32, #tpu.memory_space<vmem>>, vector<16xf32>,
        tpu.vector_store %arg18[%swap3A_205, %swap3A_206], %mul3A_204 {strides = array<i32>} : memref<80x128xf32, #tpu.memory_space<vmem>>, vector<16xf32>,
        %get3A_208 = arith.index_cast %scan3A_139 : i32 to index
        %get3A_209 = arith.constant 80 : index
        %get3A_210 = tpu.vector_load %arg17[%get3A_208, %get3A_209] {strides = array<i32>} : memref<80x128xf32, #tpu.memory_space<vmem>>, vector<16xf32>,
        %get3A_211 = arith.index_cast %scan3A_139 : i32 to index
        %get3A_212 = arith.constant 80 : index
        %get3A_213 = tpu.vector_load %arg18[%get3A_211, %get3A_212] {strides = array<i32>} : memref<80x128xf32, #tpu.memory_space<vmem>>, vector<16xf32>,
        %add3A_214 = arith.addf %get3A_210, %get3A_213 : vector<16xf32>
        %max3A_215 = arith.constant 0.000000e+00 : f32
        %max3A_216 = vector.broadcast %max3A_215 : f32 to vector<16xf32>
        %max3A_217 = arith.maximumf %add3A_214, %max3A_216 : vector<16xf32>
        %mul3A_218 = arith.mulf %max3A_217, %gather3A : vector<16xf32>
        %swap3A_219 = arith.index_cast %scan3A_139 : i32 to index
        %swap3A_220 = arith.constant 80 : index
        %swap3A_221 = tpu.vector_load %arg18[%swap3A_219, %swap3A_220] {strides = array<i32>} : memref<80x128xf32, #tpu.memory_space<vmem>>, vector<16xf32>,
        tpu.vector_store %arg18[%swap3A_219, %swap3A_220], %mul3A_218 {strides = array<i32>} : memref<80x128xf32, #tpu.memory_space<vmem>>, vector<16xf32>,
        %get3A_222 = arith.index_cast %scan3A_139 : i32 to index
        %get3A_223 = arith.constant 96 : index
        %get3A_224 = tpu.vector_load %arg17[%get3A_222, %get3A_223] {strides = array<i32>} : memref<80x128xf32, #tpu.memory_space<vmem>>, vector<16xf32>,
        %get3A_225 = arith.index_cast %scan3A_139 : i32 to index
        %get3A_226 = arith.constant 96 : index
        %get3A_227 = tpu.vector_load %arg18[%get3A_225, %get3A_226] {strides = array<i32>} : memref<80x128xf32, #tpu.memory_space<vmem>>, vector<16xf32>,
        %add3A_228 = arith.addf %get3A_224, %get3A_227 : vector<16xf32>
        %max3A_229 = arith.constant 0.000000e+00 : f32
        %max3A_230 = vector.broadcast %max3A_229 : f32 to vector<16xf32>
        %max3A_231 = arith.maximumf %add3A_228, %max3A_230 : vector<16xf32>
        %mul3A_232 = arith.mulf %max3A_231, %gather3A : vector<16xf32>
        %swap3A_233 = arith.index_cast %scan3A_139 : i32 to index
        %swap3A_234 = arith.constant 96 : index
        %swap3A_235 = tpu.vector_load %arg18[%swap3A_233, %swap3A_234] {strides = array<i32>} : memref<80x128xf32, #tpu.memory_space<vmem>>, vector<16xf32>,
        tpu.vector_store %arg18[%swap3A_233, %swap3A_234], %mul3A_232 {strides = array<i32>} : memref<80x128xf32, #tpu.memory_space<vmem>>, vector<16xf32>,
        %get3A_236 = arith.index_cast %scan3A_139 : i32 to index
        %get3A_237 = arith.constant 112 : index
        %get3A_238 = tpu.vector_load %arg17[%get3A_236, %get3A_237] {strides = array<i32>} : memref<80x128xf32, #tpu.memory_space<vmem>>, vector<16xf32>,
        %get3A_239 = arith.index_cast %scan3A_139 : i32 to index
        %get3A_240 = arith.constant 112 : index
        %get3A_241 = tpu.vector_load %arg18[%get3A_239, %get3A_240] {strides = array<i32>} : memref<80x128xf32, #tpu.memory_space<vmem>>, vector<16xf32>,
        %add3A_242 = arith.addf %get3A_238, %get3A_241 : vector<16xf32>
        %max3A_243 = arith.constant 0.000000e+00 : f32
        %max3A_244 = vector.broadcast %max3A_243 : f32 to vector<16xf32>
        %max3A_245 = arith.maximumf %add3A_242, %max3A_244 : vector<16xf32>
        %mul3A_246 = arith.mulf %max3A_245, %gather3A : vector<16xf32>
        %swap3A_247 = arith.index_cast %scan3A_139 : i32 to index
        %swap3A_248 = arith.constant 112 : index
        %swap3A_249 = tpu.vector_load %arg18[%swap3A_247, %swap3A_248] {strides = array<i32>} : memref<80x128xf32, #tpu.memory_space<vmem>>, vector<16xf32>,
        tpu.vector_store %arg18[%swap3A_247, %swap3A_248], %mul3A_246 {strides = array<i32>} : memref<80x128xf32, #tpu.memory_space<vmem>>, vector<16xf32>,
        %scan3A_250 = arith.constant 0 : i32
        scf.yield %scan3A_250 : i32
      }
      %scan3A_137 = arith.constant 80 : i32
      "tpu.region"() ({
        %run_scoped3A = tpu.sem_alloc : memref<!tpu.dma_semaphore, #tpu.memory_space<semaphore_mem>>
        %dma_start3A_139 = arith.constant 0 : i32
        %dma_start3A_140 = arith.constant 0 : i32
        %dma_start3A_141 = tpu.memref_slice %arg19[%dma_start3A_139, %dma_start3A_140] : memref<10240x128xf32, #tpu.memory_space<vmem_shared>> -> memref<10240x128xf32, #tpu.memory_space<vmem_shared>>
        tpu.enqueue_indirect_dma source(%arg18 : memref<80x128xf32, #tpu.memory_space<vmem>>) target(%dma_start3A_141 : memref<10240x128xf32, #tpu.memory_space<vmem_shared>>) offsets(%arg12 : memref<80xi32, #tpu.memory_space<vmem>>) semaphore(%run_scoped3A : memref<!tpu.dma_semaphore, #tpu.memory_space<semaphore_mem>>) {add = true}
        %dma_wait3A_142 = arith.constant 0 : i32
        %dma_wait3A_143 = arith.constant 0 : i32
        %dma_wait3A_144 = tpu.memref_slice %arg19[%dma_wait3A_142, %dma_wait3A_143] : memref<10240x128xf32, #tpu.memory_space<vmem_shared>> -> memref<10240x128xf32, #tpu.memory_space<vmem_shared>>
        tpu.wait_indirect_dma semaphore(%run_scoped3A : memref<!tpu.dma_semaphore, #tpu.memory_space<semaphore_mem>>) src(%arg18 : memref<80x128xf32, #tpu.memory_space<vmem>>) dst(%dma_wait3A_144 : memref<10240x128xf32, #tpu.memory_space<vmem_shared>>)
        tpu.yield
      }) : () -> ()
      %scan3A_138 = arith.constant 0 : i32
      scf.yield %scan3A_138 : i32
    }
    %scan3A_48 = arith.constant 62 : i32
    %dma_wait3A_49 = arith.constant 0 : i32
    %dma_wait3A_50 = arith.constant 0 : i32
    %dma_wait3A_51 = tpu.memref_slice %arg2[%dma_wait3A_49, %dma_wait3A_50] : memref<10000x128xf32, #tpu.memory_space<hbm>> -> memref<10000x128xf32, #tpu.memory_space<hbm>>
    tpu.wait_indirect_dma semaphore(%arg20 : memref<!tpu.dma_semaphore, #tpu.memory_space<semaphore_mem>>) src(%dma_wait3A_51 : memref<10000x128xf32, #tpu.memory_space<hbm>>) dst(%arg15 : memref<80x128xf32, #tpu.memory_space<vmem>>)
    %dma_wait3A_52 = arith.constant 0 : i32
    %dma_wait3A_53 = arith.constant 0 : i32
    %dma_wait3A_54 = tpu.memref_slice %arg3[%dma_wait3A_52, %dma_wait3A_53] : memref<320000x128xf32, #tpu.memory_space<hbm>> -> memref<80x128xf32, #tpu.memory_space<hbm>>
    %dma_wait3A_55 = arith.constant 0 : i32
    %dma_wait3A_56 = arith.constant 0 : i32
    %dma_wait3A_57 = tpu.memref_slice %arg3[%dma_wait3A_55, %dma_wait3A_56] : memref<320000x128xf32, #tpu.memory_space<hbm>> -> memref<80x128xf32, #tpu.memory_space<hbm>>
    tpu.wait_dma2 semaphore(%arg21 : memref<!tpu.dma_semaphore, #tpu.memory_space<semaphore_mem>>) src(%dma_wait3A_57 : memref<80x128xf32, #tpu.memory_space<hbm>>) dst(%arg16 : memref<80x128xf32, #tpu.memory_space<vmem>>)
    %scan3A_58 = arith.constant 0 : i32
    %scan3A_59 = arith.constant 0 : i32
    %scan3A_60 = arith.constant 80 : i32
    %scan3A_61 = arith.addi %scan3A_59, %scan3A_60 : i32
    %scan3A_62 = arith.constant 1 : i32
    %scan3A_63 = scf.for %scan3A_73 = %scan3A_59 to %scan3A_61 step %scan3A_62 iter_args(%scan3A_74 = %scan3A_58) -> (i32)  : i32 {
      %broadcast_in_dim3A = vector.broadcast %scan3A_73 : i32 to vector<16xi32>
      %gather3A = tpu.vector_load_idx %arg10[%broadcast_in_dim3A] : memref<80xf32, #tpu.memory_space<vmem>>[vector<16xi32>], vector<16xf32>,
      %get3A = arith.index_cast %scan3A_73 : i32 to index
      %get3A_75 = arith.constant 0 : index
      %get3A_76 = tpu.vector_load %arg15[%get3A, %get3A_75] {strides = array<i32>} : memref<80x128xf32, #tpu.memory_space<vmem>>, vector<16xf32>,
      %get3A_77 = arith.index_cast %scan3A_73 : i32 to index
      %get3A_78 = arith.constant 0 : index
      %get3A_79 = tpu.vector_load %arg16[%get3A_77, %get3A_78] {strides = array<i32>} : memref<80x128xf32, #tpu.memory_space<vmem>>, vector<16xf32>,
      %add3A_80 = arith.addf %get3A_76, %get3A_79 : vector<16xf32>
      %max3A = arith.constant 0.000000e+00 : f32
      %max3A_81 = vector.broadcast %max3A : f32 to vector<16xf32>
      %max3A_82 = arith.maximumf %add3A_80, %max3A_81 : vector<16xf32>
      %mul3A_83 = arith.mulf %max3A_82, %gather3A : vector<16xf32>
      %swap3A = arith.index_cast %scan3A_73 : i32 to index
      %swap3A_84 = arith.constant 0 : index
      %swap3A_85 = tpu.vector_load %arg16[%swap3A, %swap3A_84] {strides = array<i32>} : memref<80x128xf32, #tpu.memory_space<vmem>>, vector<16xf32>,
      tpu.vector_store %arg16[%swap3A, %swap3A_84], %mul3A_83 {strides = array<i32>} : memref<80x128xf32, #tpu.memory_space<vmem>>, vector<16xf32>,
      %get3A_86 = arith.index_cast %scan3A_73 : i32 to index
      %get3A_87 = arith.constant 16 : index
      %get3A_88 = tpu.vector_load %arg15[%get3A_86, %get3A_87] {strides = array<i32>} : memref<80x128xf32, #tpu.memory_space<vmem>>, vector<16xf32>,
      %get3A_89 = arith.index_cast %scan3A_73 : i32 to index
      %get3A_90 = arith.constant 16 : index
      %get3A_91 = tpu.vector_load %arg16[%get3A_89, %get3A_90] {strides = array<i32>} : memref<80x128xf32, #tpu.memory_space<vmem>>, vector<16xf32>,
      %add3A_92 = arith.addf %get3A_88, %get3A_91 : vector<16xf32>
      %max3A_93 = arith.constant 0.000000e+00 : f32
      %max3A_94 = vector.broadcast %max3A_93 : f32 to vector<16xf32>
      %max3A_95 = arith.maximumf %add3A_92, %max3A_94 : vector<16xf32>
      %mul3A_96 = arith.mulf %max3A_95, %gather3A : vector<16xf32>
      %swap3A_97 = arith.index_cast %scan3A_73 : i32 to index
      %swap3A_98 = arith.constant 16 : index
      %swap3A_99 = tpu.vector_load %arg16[%swap3A_97, %swap3A_98] {strides = array<i32>} : memref<80x128xf32, #tpu.memory_space<vmem>>, vector<16xf32>,
      tpu.vector_store %arg16[%swap3A_97, %swap3A_98], %mul3A_96 {strides = array<i32>} : memref<80x128xf32, #tpu.memory_space<vmem>>, vector<16xf32>,
      %get3A_100 = arith.index_cast %scan3A_73 : i32 to index
      %get3A_101 = arith.constant 32 : index
      %get3A_102 = tpu.vector_load %arg15[%get3A_100, %get3A_101] {strides = array<i32>} : memref<80x128xf32, #tpu.memory_space<vmem>>, vector<16xf32>,
      %get3A_103 = arith.index_cast %scan3A_73 : i32 to index
      %get3A_104 = arith.constant 32 : index
      %get3A_105 = tpu.vector_load %arg16[%get3A_103, %get3A_104] {strides = array<i32>} : memref<80x128xf32, #tpu.memory_space<vmem>>, vector<16xf32>,
      %add3A_106 = arith.addf %get3A_102, %get3A_105 : vector<16xf32>
      %max3A_107 = arith.constant 0.000000e+00 : f32
      %max3A_108 = vector.broadcast %max3A_107 : f32 to vector<16xf32>
      %max3A_109 = arith.maximumf %add3A_106, %max3A_108 : vector<16xf32>
      %mul3A_110 = arith.mulf %max3A_109, %gather3A : vector<16xf32>
      %swap3A_111 = arith.index_cast %scan3A_73 : i32 to index
      %swap3A_112 = arith.constant 32 : index
      %swap3A_113 = tpu.vector_load %arg16[%swap3A_111, %swap3A_112] {strides = array<i32>} : memref<80x128xf32, #tpu.memory_space<vmem>>, vector<16xf32>,
      tpu.vector_store %arg16[%swap3A_111, %swap3A_112], %mul3A_110 {strides = array<i32>} : memref<80x128xf32, #tpu.memory_space<vmem>>, vector<16xf32>,
      %get3A_114 = arith.index_cast %scan3A_73 : i32 to index
      %get3A_115 = arith.constant 48 : index
      %get3A_116 = tpu.vector_load %arg15[%get3A_114, %get3A_115] {strides = array<i32>} : memref<80x128xf32, #tpu.memory_space<vmem>>, vector<16xf32>,
      %get3A_117 = arith.index_cast %scan3A_73 : i32 to index
      %get3A_118 = arith.constant 48 : index
      %get3A_119 = tpu.vector_load %arg16[%get3A_117, %get3A_118] {strides = array<i32>} : memref<80x128xf32, #tpu.memory_space<vmem>>, vector<16xf32>,
      %add3A_120 = arith.addf %get3A_116, %get3A_119 : vector<16xf32>
      %max3A_121 = arith.constant 0.000000e+00 : f32
      %max3A_122 = vector.broadcast %max3A_121 : f32 to vector<16xf32>
      %max3A_123 = arith.maximumf %add3A_120, %max3A_122 : vector<16xf32>
      %mul3A_124 = arith.mulf %max3A_123, %gather3A : vector<16xf32>
      %swap3A_125 = arith.index_cast %scan3A_73 : i32 to index
      %swap3A_126 = arith.constant 48 : index
      %swap3A_127 = tpu.vector_load %arg16[%swap3A_125, %swap3A_126] {strides = array<i32>} : memref<80x128xf32, #tpu.memory_space<vmem>>, vector<16xf32>,
      tpu.vector_store %arg16[%swap3A_125, %swap3A_126], %mul3A_124 {strides = array<i32>} : memref<80x128xf32, #tpu.memory_space<vmem>>, vector<16xf32>,
      %get3A_128 = arith.index_cast %scan3A_73 : i32 to index
      %get3A_129 = arith.constant 64 : index
      %get3A_130 = tpu.vector_load %arg15[%get3A_128, %get3A_129] {strides = array<i32>} : memref<80x128xf32, #tpu.memory_space<vmem>>, vector<16xf32>,
      %get3A_131 = arith.index_cast %scan3A_73 : i32 to index
      %get3A_132 = arith.constant 64 : index
      %get3A_133 = tpu.vector_load %arg16[%get3A_131, %get3A_132] {strides = array<i32>} : memref<80x128xf32, #tpu.memory_space<vmem>>, vector<16xf32>,
      %add3A_134 = arith.addf %get3A_130, %get3A_133 : vector<16xf32>
      %max3A_135 = arith.constant 0.000000e+00 : f32
      %max3A_136 = vector.broadcast %max3A_135 : f32 to vector<16xf32>
      %max3A_137 = arith.maximumf %add3A_134, %max3A_136 : vector<16xf32>
      %mul3A_138 = arith.mulf %max3A_137, %gather3A : vector<16xf32>
      %swap3A_139 = arith.index_cast %scan3A_73 : i32 to index
      %swap3A_140 = arith.constant 64 : index
      %swap3A_141 = tpu.vector_load %arg16[%swap3A_139, %swap3A_140] {strides = array<i32>} : memref<80x128xf32, #tpu.memory_space<vmem>>, vector<16xf32>,
      tpu.vector_store %arg16[%swap3A_139, %swap3A_140], %mul3A_138 {strides = array<i32>} : memref<80x128xf32, #tpu.memory_space<vmem>>, vector<16xf32>,
      %get3A_142 = arith.index_cast %scan3A_73 : i32 to index
      %get3A_143 = arith.constant 80 : index
      %get3A_144 = tpu.vector_load %arg15[%get3A_142, %get3A_143] {strides = array<i32>} : memref<80x128xf32, #tpu.memory_space<vmem>>, vector<16xf32>,
      %get3A_145 = arith.index_cast %scan3A_73 : i32 to index
      %get3A_146 = arith.constant 80 : index
      %get3A_147 = tpu.vector_load %arg16[%get3A_145, %get3A_146] {strides = array<i32>} : memref<80x128xf32, #tpu.memory_space<vmem>>, vector<16xf32>,
      %add3A_148 = arith.addf %get3A_144, %get3A_147 : vector<16xf32>
      %max3A_149 = arith.constant 0.000000e+00 : f32
      %max3A_150 = vector.broadcast %max3A_149 : f32 to vector<16xf32>
      %max3A_151 = arith.maximumf %add3A_148, %max3A_150 : vector<16xf32>
      %mul3A_152 = arith.mulf %max3A_151, %gather3A : vector<16xf32>
      %swap3A_153 = arith.index_cast %scan3A_73 : i32 to index
      %swap3A_154 = arith.constant 80 : index
      %swap3A_155 = tpu.vector_load %arg16[%swap3A_153, %swap3A_154] {strides = array<i32>} : memref<80x128xf32, #tpu.memory_space<vmem>>, vector<16xf32>,
      tpu.vector_store %arg16[%swap3A_153, %swap3A_154], %mul3A_152 {strides = array<i32>} : memref<80x128xf32, #tpu.memory_space<vmem>>, vector<16xf32>,
      %get3A_156 = arith.index_cast %scan3A_73 : i32 to index
      %get3A_157 = arith.constant 96 : index
      %get3A_158 = tpu.vector_load %arg15[%get3A_156, %get3A_157] {strides = array<i32>} : memref<80x128xf32, #tpu.memory_space<vmem>>, vector<16xf32>,
      %get3A_159 = arith.index_cast %scan3A_73 : i32 to index
      %get3A_160 = arith.constant 96 : index
      %get3A_161 = tpu.vector_load %arg16[%get3A_159, %get3A_160] {strides = array<i32>} : memref<80x128xf32, #tpu.memory_space<vmem>>, vector<16xf32>,
      %add3A_162 = arith.addf %get3A_158, %get3A_161 : vector<16xf32>
      %max3A_163 = arith.constant 0.000000e+00 : f32
      %max3A_164 = vector.broadcast %max3A_163 : f32 to vector<16xf32>
      %max3A_165 = arith.maximumf %add3A_162, %max3A_164 : vector<16xf32>
      %mul3A_166 = arith.mulf %max3A_165, %gather3A : vector<16xf32>
      %swap3A_167 = arith.index_cast %scan3A_73 : i32 to index
      %swap3A_168 = arith.constant 96 : index
      %swap3A_169 = tpu.vector_load %arg16[%swap3A_167, %swap3A_168] {strides = array<i32>} : memref<80x128xf32, #tpu.memory_space<vmem>>, vector<16xf32>,
      tpu.vector_store %arg16[%swap3A_167, %swap3A_168], %mul3A_166 {strides = array<i32>} : memref<80x128xf32, #tpu.memory_space<vmem>>, vector<16xf32>,
      %get3A_170 = arith.index_cast %scan3A_73 : i32 to index
      %get3A_171 = arith.constant 112 : index
      %get3A_172 = tpu.vector_load %arg15[%get3A_170, %get3A_171] {strides = array<i32>} : memref<80x128xf32, #tpu.memory_space<vmem>>, vector<16xf32>,
      %get3A_173 = arith.index_cast %scan3A_73 : i32 to index
      %get3A_174 = arith.constant 112 : index
      %get3A_175 = tpu.vector_load %arg16[%get3A_173, %get3A_174] {strides = array<i32>} : memref<80x128xf32, #tpu.memory_space<vmem>>, vector<16xf32>,
      %add3A_176 = arith.addf %get3A_172, %get3A_175 : vector<16xf32>
      %max3A_177 = arith.constant 0.000000e+00 : f32
      %max3A_178 = vector.broadcast %max3A_177 : f32 to vector<16xf32>
      %max3A_179 = arith.maximumf %add3A_176, %max3A_178 : vector<16xf32>
      %mul3A_180 = arith.mulf %max3A_179, %gather3A : vector<16xf32>
      %swap3A_181 = arith.index_cast %scan3A_73 : i32 to index
      %swap3A_182 = arith.constant 112 : index
      %swap3A_183 = tpu.vector_load %arg16[%swap3A_181, %swap3A_182] {strides = array<i32>} : memref<80x128xf32, #tpu.memory_space<vmem>>, vector<16xf32>,
      tpu.vector_store %arg16[%swap3A_181, %swap3A_182], %mul3A_180 {strides = array<i32>} : memref<80x128xf32, #tpu.memory_space<vmem>>, vector<16xf32>,
      %scan3A_184 = arith.constant 0 : i32
      scf.yield %scan3A_184 : i32
    }
    %scan3A_64 = arith.constant 80 : i32
    "tpu.region"() ({
      %run_scoped3A = tpu.sem_alloc : memref<!tpu.dma_semaphore, #tpu.memory_space<semaphore_mem>>
      %dma_start3A_73 = arith.constant 0 : i32
      %dma_start3A_74 = arith.constant 0 : i32
      %dma_start3A_75 = tpu.memref_slice %arg19[%dma_start3A_73, %dma_start3A_74] : memref<10240x128xf32, #tpu.memory_space<vmem_shared>> -> memref<10240x128xf32, #tpu.memory_space<vmem_shared>>
      tpu.enqueue_indirect_dma source(%arg16 : memref<80x128xf32, #tpu.memory_space<vmem>>) target(%dma_start3A_75 : memref<10240x128xf32, #tpu.memory_space<vmem_shared>>) offsets(%arg9 : memref<80xi32, #tpu.memory_space<vmem>>) semaphore(%run_scoped3A : memref<!tpu.dma_semaphore, #tpu.memory_space<semaphore_mem>>) {add = true}
      %dma_wait3A_76 = arith.constant 0 : i32
      %dma_wait3A_77 = arith.constant 0 : i32
      %dma_wait3A_78 = tpu.memref_slice %arg19[%dma_wait3A_76, %dma_wait3A_77] : memref<10240x128xf32, #tpu.memory_space<vmem_shared>> -> memref<10240x128xf32, #tpu.memory_space<vmem_shared>>
      tpu.wait_indirect_dma semaphore(%run_scoped3A : memref<!tpu.dma_semaphore, #tpu.memory_space<semaphore_mem>>) src(%arg16 : memref<80x128xf32, #tpu.memory_space<vmem>>) dst(%dma_wait3A_78 : memref<10240x128xf32, #tpu.memory_space<vmem_shared>>)
      tpu.yield
    }) : () -> ()
    %barrier3A_65 = arith.constant 0 : index
    tpu.barrier barrier_id(%barrier3A_65)
    %scan3A_66 = arith.constant 0 : i32
    %scan3A_67 = arith.constant 0 : i32
    %scan3A_68 = arith.constant 8 : i32
    %scan3A_69 = arith.addi %scan3A_67, %scan3A_68 : i32
    %scan3A_70 = arith.constant 1 : i32
    %scan3A_71 = scf.for %scan3A_73 = %scan3A_67 to %scan3A_69 step %scan3A_70 iter_args(%scan3A_74 = %scan3A_66) -> (i32)  : i32 {
      %mul3A_75 = arith.constant 640 : i32
      %mul3A_76 = arith.muli %arg1, %mul3A_75 : i32
      %mul3A_77 = arith.constant 80 : i32
      %mul3A_78 = arith.muli %scan3A_73, %mul3A_77 : i32
      %add3A_79 = arith.addi %mul3A_76, %mul3A_78 : i32
      "tpu.region"() ({
        %run_scoped3A = tpu.sem_alloc : memref<!tpu.dma_semaphore, #tpu.memory_space<semaphore_mem>>
        %dma_start3A_84 = arith.constant 0 : i32
        %dma_start3A_85 = tpu.memref_slice %arg19[%add3A_79, %dma_start3A_84] : memref<10240x128xf32, #tpu.memory_space<vmem_shared>> -> memref<80x128xf32, #tpu.memory_space<vmem_shared>>
        %dma_start3A_86 = arith.constant 0 : i32
        %dma_start3A_87 = tpu.memref_slice %arg19[%add3A_79, %dma_start3A_86] : memref<10240x128xf32, #tpu.memory_space<vmem_shared>> -> memref<80x128xf32, #tpu.memory_space<vmem_shared>>
        tpu.enqueue_dma source(%dma_start3A_87 : memref<80x128xf32, #tpu.memory_space<vmem_shared>>) target(%arg16 : memref<80x128xf32, #tpu.memory_space<vmem>>) target_semaphore(%run_scoped3A : memref<!tpu.dma_semaphore, #tpu.memory_space<semaphore_mem>>)
        %dma_wait3A_88 = arith.constant 0 : i32
        %dma_wait3A_89 = tpu.memref_slice %arg19[%add3A_79, %dma_wait3A_88] : memref<10240x128xf32, #tpu.memory_space<vmem_shared>> -> memref<80x128xf32, #tpu.memory_space<vmem_shared>>
        %dma_wait3A_90 = arith.constant 0 : i32
        %dma_wait3A_91 = tpu.memref_slice %arg19[%add3A_79, %dma_wait3A_90] : memref<10240x128xf32, #tpu.memory_space<vmem_shared>> -> memref<80x128xf32, #tpu.memory_space<vmem_shared>>
        tpu.wait_dma2 semaphore(%run_scoped3A : memref<!tpu.dma_semaphore, #tpu.memory_space<semaphore_mem>>) src(%dma_wait3A_91 : memref<80x128xf32, #tpu.memory_space<vmem_shared>>) dst(%arg16 : memref<80x128xf32, #tpu.memory_space<vmem>>)
        tpu.yield
      }) : () -> ()
      %mul3A_80 = arith.constant 80 : i32
      %mul3A_81 = arith.muli %scan3A_73, %mul3A_80 : i32
      %add3A_82 = arith.addi %add3A_7, %mul3A_81 : i32
      "tpu.region"() ({
        %run_scoped3A = tpu.sem_alloc : memref<!tpu.dma_semaphore, #tpu.memory_space<semaphore_mem>>
        %dma_start3A_84 = arith.constant 0 : i32
        %dma_start3A_85 = tpu.memref_slice %arg7[%add3A_82, %dma_start3A_84] : memref<20480x128xf32, #tpu.memory_space<hbm>> -> memref<80x128xf32, #tpu.memory_space<hbm>>
        %dma_start3A_86 = arith.constant 0 : i32
        %dma_start3A_87 = tpu.memref_slice %arg7[%add3A_82, %dma_start3A_86] : memref<20480x128xf32, #tpu.memory_space<hbm>> -> memref<80x128xf32, #tpu.memory_space<hbm>>
        tpu.enqueue_dma source(%arg16 : memref<80x128xf32, #tpu.memory_space<vmem>>) target(%dma_start3A_87 : memref<80x128xf32, #tpu.memory_space<hbm>>) target_semaphore(%run_scoped3A : memref<!tpu.dma_semaphore, #tpu.memory_space<semaphore_mem>>)
        %dma_wait3A_88 = arith.constant 0 : i32
        %dma_wait3A_89 = tpu.memref_slice %arg7[%add3A_82, %dma_wait3A_88] : memref<20480x128xf32, #tpu.memory_space<hbm>> -> memref<80x128xf32, #tpu.memory_space<hbm>>
        %dma_wait3A_90 = arith.constant 0 : i32
        %dma_wait3A_91 = tpu.memref_slice %arg7[%add3A_82, %dma_wait3A_90] : memref<20480x128xf32, #tpu.memory_space<hbm>> -> memref<80x128xf32, #tpu.memory_space<hbm>>
        tpu.wait_dma2 semaphore(%run_scoped3A : memref<!tpu.dma_semaphore, #tpu.memory_space<semaphore_mem>>) src(%arg16 : memref<80x128xf32, #tpu.memory_space<vmem>>) dst(%dma_wait3A_91 : memref<80x128xf32, #tpu.memory_space<hbm>>)
        tpu.yield
      }) : () -> ()
      %scan3A_83 = arith.constant 0 : i32
      scf.yield %scan3A_83 : i32
    }
    %scan3A_72 = arith.constant 8 : i32
    return
  }
}

module attributes {stable_mosaic.version = 14 : i64} {
  func.func @_prep_body(%arg0: memref<10000x128xf32, #tpu.memory_space<vmem>>, %arg1: memref<128x128xf32, #tpu.memory_space<vmem>>, %arg2: memref<1x128xf32, #tpu.memory_space<vmem>>, %arg3: memref<128x128xf32, #tpu.memory_space<vmem>>, %arg4: memref<1x128xf32, #tpu.memory_space<vmem>>, %arg5: memref<20480x16xf32, #tpu.memory_space<vmem>>, %arg6: memref<10000x128xf32, #tpu.memory_space<vmem>>, %arg7: memref<10240x1xf32, #tpu.memory_space<vmem>>, %arg8: memref<10000x1xf32, #tpu.memory_space<vmem>>) attributes {dimension_semantics = [], scalar_prefetch = 0 : i64, scratch_operands = 0 : i64, tpu.core_type = #tpu.core_type<tc>} {
    %get3A = arith.constant 0 : index
    %get3A_0 = arith.constant 0 : index
    %get3A_1 = vector.load %arg0[%get3A, %get3A_0] : memref<10000x128xf32, #tpu.memory_space<vmem>>, vector<10000x128xf32>
    %get3A_2 = arith.constant 0 : index
    %get3A_3 = arith.constant 0 : index
    %get3A_4 = vector.load %arg1[%get3A_2, %get3A_3] : memref<128x128xf32, #tpu.memory_space<vmem>>, vector<128x128xf32>
    %dot_general3A = arith.constant dense<0.000000e+00> : vector<10000x128xf32>
    %dot_general3A_5 = tpu.matmul %get3A_1, %get3A_4, %dot_general3A {dimension_numbers = #tpu.dot_dimension_numbers<[1], [0], [0], [1], [0, 0, 1, 1], [], []>, transpose_lhs_hint = false} : vector<10000x128xf32>, vector<128x128xf32>, vector<10000x128xf32> -> vector<10000x128xf32>
    %get3A_6 = arith.constant 0 : index
    %get3A_7 = arith.constant 0 : index
    %get3A_8 = vector.load %arg2[%get3A_6, %get3A_7] : memref<1x128xf32, #tpu.memory_space<vmem>>, vector<1x128xf32>
    %add3A = vector.broadcast %get3A_8 : vector<1x128xf32> to vector<10000x128xf32>
    %add3A_9 = arith.addf %dot_general3A_5, %add3A : vector<10000x128xf32>
    %get3A_10 = arith.constant 0 : index
    %get3A_11 = arith.constant 0 : index
    %get3A_12 = vector.load %arg3[%get3A_10, %get3A_11] : memref<128x128xf32, #tpu.memory_space<vmem>>, vector<128x128xf32>
    %dot_general3A_13 = arith.constant dense<0.000000e+00> : vector<10000x128xf32>
    %dot_general3A_14 = tpu.matmul %add3A_9, %get3A_12, %dot_general3A_13 {dimension_numbers = #tpu.dot_dimension_numbers<[1], [0], [0], [1], [0, 0, 1, 1], [], []>, transpose_lhs_hint = false} : vector<10000x128xf32>, vector<128x128xf32>, vector<10000x128xf32> -> vector<10000x128xf32>
    %get3A_15 = arith.constant 0 : index
    %get3A_16 = arith.constant 0 : index
    %get3A_17 = vector.load %arg4[%get3A_15, %get3A_16] : memref<1x128xf32, #tpu.memory_space<vmem>>, vector<1x128xf32>
    %add3A_18 = vector.broadcast %get3A_17 : vector<1x128xf32> to vector<10000x128xf32>
    %add3A_19 = arith.addf %dot_general3A_14, %add3A_18 : vector<10000x128xf32>
    %swap3A = arith.constant 0 : index
    %swap3A_20 = arith.constant 0 : index
    %swap3A_21 = vector.load %arg6[%swap3A, %swap3A_20] : memref<10000x128xf32, #tpu.memory_space<vmem>>, vector<10000x128xf32>
    tpu.vector_store %arg6[%swap3A, %swap3A_20], %add3A_19 {strides = array<i32>} : memref<10000x128xf32, #tpu.memory_space<vmem>>, vector<10000x128xf32>,
    %get3A_22 = arith.constant 0 : index
    %get3A_23 = arith.constant 0 : index
    %get3A_24 = vector.load %arg5[%get3A_22, %get3A_23] : memref<20480x16xf32, #tpu.memory_space<vmem>>, vector<20480x16xf32>
    %slice3A = vector.extract_strided_slice %get3A_24 {offsets = [0, 0], sizes = [10240, 16], strides = [1, 1]} : vector<20480x16xf32> to vector<10240x16xf32>
    %get3A_25 = arith.constant 0 : index
    %get3A_26 = arith.constant 0 : index
    %get3A_27 = vector.load %arg5[%get3A_25, %get3A_26] : memref<20480x16xf32, #tpu.memory_space<vmem>>, vector<20480x16xf32>
    %slice3A_28 = vector.extract_strided_slice %get3A_27 {offsets = [10240, 0], sizes = [10240, 16], strides = [1, 1]} : vector<20480x16xf32> to vector<10240x16xf32>
    %add3A_29 = arith.addf %slice3A, %slice3A_28 : vector<10240x16xf32>
    %reduce_sum3A = arith.constant dense<0.000000e+00> : vector<10240xf32>
    %reduce_sum3A_30 = vector.multi_reduction <add>, %add3A_29, %reduce_sum3A [1] : vector<10240x16xf32> to vector<10240xf32>
    %broadcast_in_dim3A = vector.shape_cast %reduce_sum3A_30 : vector<10240xf32> to vector<10240x1xf32>
    %mul3A = arith.constant 6.250000e-02 : f32
    %mul3A_31 = vector.broadcast %mul3A : f32 to vector<10240x1xf32>
    %mul3A_32 = arith.mulf %broadcast_in_dim3A, %mul3A_31 : vector<10240x1xf32>
    %add3A_33 = arith.constant 1.000000e+00 : f32
    %add3A_34 = vector.broadcast %add3A_33 : f32 to vector<10240x1xf32>
    %add3A_35 = arith.addf %mul3A_32, %add3A_34 : vector<10240x1xf32>
    %rsqrt3A = math.rsqrt %add3A_35 : vector<10240x1xf32>
    %swap3A_36 = arith.constant 0 : index
    %swap3A_37 = arith.constant 0 : index
    %swap3A_38 = vector.load %arg7[%swap3A_36, %swap3A_37] : memref<10240x1xf32, #tpu.memory_space<vmem>>, vector<10240x1xf32>
    tpu.vector_store %arg7[%swap3A_36, %swap3A_37], %rsqrt3A {strides = array<i32>} : memref<10240x1xf32, #tpu.memory_space<vmem>>, vector<10240x1xf32>,
    %div3A = arith.constant 1.000000e+00 : f32
    %div3A_39 = vector.broadcast %div3A : f32 to vector<10240x1xf32>
    %div3A_40 = arith.divf %div3A_39, %add3A_35 : vector<10240x1xf32>
    %slice3A_41 = vector.extract_strided_slice %div3A_40 {offsets = [0, 0], sizes = [10000, 1], strides = [1, 1]} : vector<10240x1xf32> to vector<10000x1xf32>
    %swap3A_42 = arith.constant 0 : index
    %swap3A_43 = arith.constant 0 : index
    %swap3A_44 = vector.load %arg8[%swap3A_42, %swap3A_43] : memref<10000x1xf32, #tpu.memory_space<vmem>>, vector<10000x1xf32>
    tpu.vector_store %arg8[%swap3A_42, %swap3A_43], %slice3A_41 {strides = array<i32>} : memref<10000x1xf32, #tpu.memory_space<vmem>>, vector<10000x1xf32>,
    return
  }
}

module attributes {stable_mosaic.version = 14 : i64} {
  func.func @_edge_body(%arg0: i32, %arg1: memref<6400x16xf32, #tpu.memory_space<vmem>>, %arg2: memref<16x128xf32, #tpu.memory_space<vmem>>, %arg3: memref<1x128xf32, #tpu.memory_space<vmem>>, %arg4: memref<6400x128xf32, #tpu.memory_space<vmem>>) attributes {dimension_semantics = [#tpu.dimension_semantics<arbitrary>], iteration_bounds = array<i64: 50>, scalar_prefetch = 0 : i64, scratch_operands = 0 : i64, tpu.core_type = #tpu.core_type<tc>, window_params = [{transform_indices = @transform_0, window_bounds = array<i64: 6400, 16>}, {pipeline_mode = #tpu.pipeline_mode<synchronous>, transform_indices = @transform_1, window_bounds = array<i64: 16, 128>}, {pipeline_mode = #tpu.pipeline_mode<synchronous>, transform_indices = @transform_2, window_bounds = array<i64: 1, 128>}, {transform_indices = @transform_3, window_bounds = array<i64: 6400, 128>}]} {
    %get3A = arith.constant 0 : index
    %get3A_0 = arith.constant 0 : index
    %get3A_1 = vector.load %arg1[%get3A, %get3A_0] : memref<6400x16xf32, #tpu.memory_space<vmem>>, vector<6400x16xf32>
    %get3A_2 = arith.constant 0 : index
    %get3A_3 = arith.constant 0 : index
    %get3A_4 = vector.load %arg2[%get3A_2, %get3A_3] : memref<16x128xf32, #tpu.memory_space<vmem>>, vector<16x128xf32>
    %dot_general3A = arith.constant dense<0.000000e+00> : vector<6400x128xf32>
    %dot_general3A_5 = tpu.matmul %get3A_1, %get3A_4, %dot_general3A {dimension_numbers = #tpu.dot_dimension_numbers<[1], [0], [0], [1], [0, 0, 1, 1], [], []>, transpose_lhs_hint = false} : vector<6400x16xf32>, vector<16x128xf32>, vector<6400x128xf32> -> vector<6400x128xf32>
    %get3A_6 = arith.constant 0 : index
    %get3A_7 = arith.constant 0 : index
    %get3A_8 = vector.load %arg3[%get3A_6, %get3A_7] : memref<1x128xf32, #tpu.memory_space<vmem>>, vector<1x128xf32>
    %add3A = vector.broadcast %get3A_8 : vector<1x128xf32> to vector<6400x128xf32>
    %add3A_9 = arith.addf %dot_general3A_5, %add3A : vector<6400x128xf32>
    %swap3A = arith.constant 0 : index
    %swap3A_10 = arith.constant 0 : index
    %swap3A_11 = vector.load %arg4[%swap3A, %swap3A_10] : memref<6400x128xf32, #tpu.memory_space<vmem>>, vector<6400x128xf32>
    tpu.vector_store %arg4[%swap3A, %swap3A_10], %add3A_9 {strides = array<i32>} : memref<6400x128xf32, #tpu.memory_space<vmem>>, vector<6400x128xf32>,
    return
  }
  func.func @transform_0(%arg0: i32) -> (i32, i32) {
    %c0_i32 = arith.constant 0 : i32
    %c0_i32_0 = arith.constant 0 : i32
    return %arg0, %c0_i32 : i32, i32
  }
  func.func @transform_1(%arg0: i32) -> (i32, i32) {
    %c0_i32 = arith.constant 0 : i32
    %c0_i32_0 = arith.constant 0 : i32
    %c0_i32_1 = arith.constant 0 : i32
    return %c0_i32, %c0_i32_0 : i32, i32
  }
  func.func @transform_2(%arg0: i32) -> (i32, i32) {
    %c0_i32 = arith.constant 0 : i32
    %c0_i32_0 = arith.constant 0 : i32
    %c0_i32_1 = arith.constant 0 : i32
    return %c0_i32, %c0_i32_0 : i32, i32
  }
  func.func @transform_3(%arg0: i32) -> (i32, i32) {
    %c0_i32 = arith.constant 0 : i32
    %c0_i32_0 = arith.constant 0 : i32
    return %arg0, %c0_i32 : i32, i32
  }
}

module attributes {stable_mosaic.version = 14 : i64} {
  func.func @_epi_body(%arg0: memref<20480x128xf32, #tpu.memory_space<vmem>>, %arg1: memref<10000x128xf32, #tpu.memory_space<vmem>>, %arg2: memref<1x128xf32, #tpu.memory_space<vmem>>, %arg3: memref<10000x1xf32, #tpu.memory_space<vmem>>, %arg4: memref<1x128xf32, #tpu.memory_space<vmem>>, %arg5: memref<1x128xf32, #tpu.memory_space<vmem>>, %arg6: memref<128x128xf32, #tpu.memory_space<vmem>>, %arg7: memref<1x128xf32, #tpu.memory_space<vmem>>, %arg8: memref<10000x128xf32, #tpu.memory_space<vmem>>) attributes {dimension_semantics = [], scalar_prefetch = 0 : i64, scratch_operands = 0 : i64, tpu.core_type = #tpu.core_type<tc>} {
    %get3A = arith.constant 0 : index
    %get3A_0 = arith.constant 0 : index
    %get3A_1 = vector.load %arg0[%get3A, %get3A_0] : memref<20480x128xf32, #tpu.memory_space<vmem>>, vector<20480x128xf32>
    %slice3A = vector.extract_strided_slice %get3A_1 {offsets = [0, 0], sizes = [10000, 128], strides = [1, 1]} : vector<20480x128xf32> to vector<10000x128xf32>
    %slice3A_2 = vector.extract_strided_slice %get3A_1 {offsets = [10240, 0], sizes = [10000, 128], strides = [1, 1]} : vector<20480x128xf32> to vector<10000x128xf32>
    %add3A = arith.addf %slice3A, %slice3A_2 : vector<10000x128xf32>
    %get3A_3 = arith.constant 0 : index
    %get3A_4 = arith.constant 0 : index
    %get3A_5 = vector.load %arg1[%get3A_3, %get3A_4] : memref<10000x128xf32, #tpu.memory_space<vmem>>, vector<10000x128xf32>
    %get3A_6 = arith.constant 0 : index
    %get3A_7 = arith.constant 0 : index
    %get3A_8 = vector.load %arg2[%get3A_6, %get3A_7] : memref<1x128xf32, #tpu.memory_space<vmem>>, vector<1x128xf32>
    %add3A_9 = vector.broadcast %get3A_8 : vector<1x128xf32> to vector<10000x128xf32>
    %add3A_10 = arith.addf %get3A_5, %add3A_9 : vector<10000x128xf32>
    %max3A = arith.constant 0.000000e+00 : f32
    %max3A_11 = vector.broadcast %max3A : f32 to vector<10000x128xf32>
    %max3A_12 = arith.maximumf %add3A_10, %max3A_11 : vector<10000x128xf32>
    %get3A_13 = arith.constant 0 : index
    %get3A_14 = arith.constant 0 : index
    %get3A_15 = vector.load %arg3[%get3A_13, %get3A_14] : memref<10000x1xf32, #tpu.memory_space<vmem>>, vector<10000x1xf32>
    %mul3A = vector.broadcast %get3A_15 : vector<10000x1xf32> to vector<10000x128xf32>
    %mul3A_16 = arith.mulf %max3A_12, %mul3A : vector<10000x128xf32>
    %add3A_17 = arith.addf %add3A, %mul3A_16 : vector<10000x128xf32>
    %reduce_sum3A = arith.constant dense<0.000000e+00> : vector<128xf32>
    %reduce_sum3A_18 = vector.multi_reduction <add>, %add3A_17, %reduce_sum3A [0] : vector<10000x128xf32> to vector<128xf32>
    %broadcast_in_dim3A = vector.shape_cast %reduce_sum3A_18 : vector<128xf32> to vector<1x128xf32>
    %div3A = arith.constant 1.000000e+04 : f32
    %div3A_19 = vector.broadcast %div3A : f32 to vector<1x128xf32>
    %div3A_20 = arith.divf %broadcast_in_dim3A, %div3A_19 : vector<1x128xf32>
    %mul3A_21 = arith.mulf %add3A_17, %add3A_17 : vector<10000x128xf32>
    %reduce_sum3A_22 = arith.constant dense<0.000000e+00> : vector<128xf32>
    %reduce_sum3A_23 = vector.multi_reduction <add>, %mul3A_21, %reduce_sum3A_22 [0] : vector<10000x128xf32> to vector<128xf32>
    %broadcast_in_dim3A_24 = vector.shape_cast %reduce_sum3A_23 : vector<128xf32> to vector<1x128xf32>
    %div3A_25 = arith.constant 1.000000e+04 : f32
    %div3A_26 = vector.broadcast %div3A_25 : f32 to vector<1x128xf32>
    %div3A_27 = arith.divf %broadcast_in_dim3A_24, %div3A_26 : vector<1x128xf32>
    %mul3A_28 = arith.mulf %div3A_20, %div3A_20 : vector<1x128xf32>
    %sub3A = arith.subf %div3A_27, %mul3A_28 : vector<1x128xf32>
    %sub3A_29 = vector.broadcast %div3A_20 : vector<1x128xf32> to vector<10000x128xf32>
    %sub3A_30 = arith.subf %add3A_17, %sub3A_29 : vector<10000x128xf32>
    %add3A_31 = arith.constant 9.99999974E-6 : f32
    %add3A_32 = vector.broadcast %add3A_31 : f32 to vector<1x128xf32>
    %add3A_33 = arith.addf %sub3A, %add3A_32 : vector<1x128xf32>
    %rsqrt3A = math.rsqrt %add3A_33 : vector<1x128xf32>
    %mul3A_34 = vector.broadcast %rsqrt3A : vector<1x128xf32> to vector<10000x128xf32>
    %mul3A_35 = arith.mulf %sub3A_30, %mul3A_34 : vector<10000x128xf32>
    %get3A_36 = arith.constant 0 : index
    %get3A_37 = arith.constant 0 : index
    %get3A_38 = vector.load %arg4[%get3A_36, %get3A_37] : memref<1x128xf32, #tpu.memory_space<vmem>>, vector<1x128xf32>
    %mul3A_39 = vector.broadcast %get3A_38 : vector<1x128xf32> to vector<10000x128xf32>
    %mul3A_40 = arith.mulf %mul3A_35, %mul3A_39 : vector<10000x128xf32>
    %get3A_41 = arith.constant 0 : index
    %get3A_42 = arith.constant 0 : index
    %get3A_43 = vector.load %arg5[%get3A_41, %get3A_42] : memref<1x128xf32, #tpu.memory_space<vmem>>, vector<1x128xf32>
    %add3A_44 = vector.broadcast %get3A_43 : vector<1x128xf32> to vector<10000x128xf32>
    %add3A_45 = arith.addf %mul3A_40, %add3A_44 : vector<10000x128xf32>
    %max3A_46 = arith.constant 0.000000e+00 : f32
    %max3A_47 = vector.broadcast %max3A_46 : f32 to vector<10000x128xf32>
    %max3A_48 = arith.maximumf %add3A_45, %max3A_47 : vector<10000x128xf32>
    %get3A_49 = arith.constant 0 : index
    %get3A_50 = arith.constant 0 : index
    %get3A_51 = vector.load %arg6[%get3A_49, %get3A_50] : memref<128x128xf32, #tpu.memory_space<vmem>>, vector<128x128xf32>
    %dot_general3A = arith.constant dense<0.000000e+00> : vector<10000x128xf32>
    %dot_general3A_52 = tpu.matmul %max3A_48, %get3A_51, %dot_general3A {dimension_numbers = #tpu.dot_dimension_numbers<[1], [0], [0], [1], [0, 0, 1, 1], [], []>, transpose_lhs_hint = false} : vector<10000x128xf32>, vector<128x128xf32>, vector<10000x128xf32> -> vector<10000x128xf32>
    %get3A_53 = arith.constant 0 : index
    %get3A_54 = arith.constant 0 : index
    %get3A_55 = vector.load %arg7[%get3A_53, %get3A_54] : memref<1x128xf32, #tpu.memory_space<vmem>>, vector<1x128xf32>
    %add3A_56 = vector.broadcast %get3A_55 : vector<1x128xf32> to vector<10000x128xf32>
    %add3A_57 = arith.addf %dot_general3A_52, %add3A_56 : vector<10000x128xf32>
    %swap3A = arith.constant 0 : index
    %swap3A_58 = arith.constant 0 : index
    %swap3A_59 = vector.load %arg8[%swap3A, %swap3A_58] : memref<10000x128xf32, #tpu.memory_space<vmem>>, vector<10000x128xf32>
    tpu.vector_store %arg8[%swap3A, %swap3A_58], %add3A_57 {strides = array<i32>} : memref<10000x128xf32, #tpu.memory_space<vmem>>, vector<10000x128xf32>,
    return
  }
}

module attributes {stable_mosaic.version = 14 : i64} {
  func.func @_epi_body(%arg0: memref<20480x128xf32, #tpu.memory_space<vmem>>, %arg1: memref<10000x128xf32, #tpu.memory_space<vmem>>, %arg2: memref<1x128xf32, #tpu.memory_space<vmem>>, %arg3: memref<10000x1xf32, #tpu.memory_space<vmem>>, %arg4: memref<1x128xf32, #tpu.memory_space<vmem>>, %arg5: memref<1x128xf32, #tpu.memory_space<vmem>>, %arg6: memref<10000x128xf32, #tpu.memory_space<vmem>>) attributes {dimension_semantics = [], scalar_prefetch = 0 : i64, scratch_operands = 0 : i64, tpu.core_type = #tpu.core_type<tc>} {
    %get3A = arith.constant 0 : index
    %get3A_0 = arith.constant 0 : index
    %get3A_1 = vector.load %arg0[%get3A, %get3A_0] : memref<20480x128xf32, #tpu.memory_space<vmem>>, vector<20480x128xf32>
    %slice3A = vector.extract_strided_slice %get3A_1 {offsets = [0, 0], sizes = [10000, 128], strides = [1, 1]} : vector<20480x128xf32> to vector<10000x128xf32>
    %slice3A_2 = vector.extract_strided_slice %get3A_1 {offsets = [10240, 0], sizes = [10000, 128], strides = [1, 1]} : vector<20480x128xf32> to vector<10000x128xf32>
    %add3A = arith.addf %slice3A, %slice3A_2 : vector<10000x128xf32>
    %get3A_3 = arith.constant 0 : index
    %get3A_4 = arith.constant 0 : index
    %get3A_5 = vector.load %arg1[%get3A_3, %get3A_4] : memref<10000x128xf32, #tpu.memory_space<vmem>>, vector<10000x128xf32>
    %get3A_6 = arith.constant 0 : index
    %get3A_7 = arith.constant 0 : index
    %get3A_8 = vector.load %arg2[%get3A_6, %get3A_7] : memref<1x128xf32, #tpu.memory_space<vmem>>, vector<1x128xf32>
    %add3A_9 = vector.broadcast %get3A_8 : vector<1x128xf32> to vector<10000x128xf32>
    %add3A_10 = arith.addf %get3A_5, %add3A_9 : vector<10000x128xf32>
    %max3A = arith.constant 0.000000e+00 : f32
    %max3A_11 = vector.broadcast %max3A : f32 to vector<10000x128xf32>
    %max3A_12 = arith.maximumf %add3A_10, %max3A_11 : vector<10000x128xf32>
    %get3A_13 = arith.constant 0 : index
    %get3A_14 = arith.constant 0 : index
    %get3A_15 = vector.load %arg3[%get3A_13, %get3A_14] : memref<10000x1xf32, #tpu.memory_space<vmem>>, vector<10000x1xf32>
    %mul3A = vector.broadcast %get3A_15 : vector<10000x1xf32> to vector<10000x128xf32>
    %mul3A_16 = arith.mulf %max3A_12, %mul3A : vector<10000x128xf32>
    %add3A_17 = arith.addf %add3A, %mul3A_16 : vector<10000x128xf32>
    %reduce_sum3A = arith.constant dense<0.000000e+00> : vector<128xf32>
    %reduce_sum3A_18 = vector.multi_reduction <add>, %add3A_17, %reduce_sum3A [0] : vector<10000x128xf32> to vector<128xf32>
    %broadcast_in_dim3A = vector.shape_cast %reduce_sum3A_18 : vector<128xf32> to vector<1x128xf32>
    %div3A = arith.constant 1.000000e+04 : f32
    %div3A_19 = vector.broadcast %div3A : f32 to vector<1x128xf32>
    %div3A_20 = arith.divf %broadcast_in_dim3A, %div3A_19 : vector<1x128xf32>
    %mul3A_21 = arith.mulf %add3A_17, %add3A_17 : vector<10000x128xf32>
    %reduce_sum3A_22 = arith.constant dense<0.000000e+00> : vector<128xf32>
    %reduce_sum3A_23 = vector.multi_reduction <add>, %mul3A_21, %reduce_sum3A_22 [0] : vector<10000x128xf32> to vector<128xf32>
    %broadcast_in_dim3A_24 = vector.shape_cast %reduce_sum3A_23 : vector<128xf32> to vector<1x128xf32>
    %div3A_25 = arith.constant 1.000000e+04 : f32
    %div3A_26 = vector.broadcast %div3A_25 : f32 to vector<1x128xf32>
    %div3A_27 = arith.divf %broadcast_in_dim3A_24, %div3A_26 : vector<1x128xf32>
    %mul3A_28 = arith.mulf %div3A_20, %div3A_20 : vector<1x128xf32>
    %sub3A = arith.subf %div3A_27, %mul3A_28 : vector<1x128xf32>
    %sub3A_29 = vector.broadcast %div3A_20 : vector<1x128xf32> to vector<10000x128xf32>
    %sub3A_30 = arith.subf %add3A_17, %sub3A_29 : vector<10000x128xf32>
    %add3A_31 = arith.constant 9.99999974E-6 : f32
    %add3A_32 = vector.broadcast %add3A_31 : f32 to vector<1x128xf32>
    %add3A_33 = arith.addf %sub3A, %add3A_32 : vector<1x128xf32>
    %rsqrt3A = math.rsqrt %add3A_33 : vector<1x128xf32>
    %mul3A_34 = vector.broadcast %rsqrt3A : vector<1x128xf32> to vector<10000x128xf32>
    %mul3A_35 = arith.mulf %sub3A_30, %mul3A_34 : vector<10000x128xf32>
    %get3A_36 = arith.constant 0 : index
    %get3A_37 = arith.constant 0 : index
    %get3A_38 = vector.load %arg4[%get3A_36, %get3A_37] : memref<1x128xf32, #tpu.memory_space<vmem>>, vector<1x128xf32>
    %mul3A_39 = vector.broadcast %get3A_38 : vector<1x128xf32> to vector<10000x128xf32>
    %mul3A_40 = arith.mulf %mul3A_35, %mul3A_39 : vector<10000x128xf32>
    %get3A_41 = arith.constant 0 : index
    %get3A_42 = arith.constant 0 : index
    %get3A_43 = vector.load %arg5[%get3A_41, %get3A_42] : memref<1x128xf32, #tpu.memory_space<vmem>>, vector<1x128xf32>
    %add3A_44 = vector.broadcast %get3A_43 : vector<1x128xf32> to vector<10000x128xf32>
    %add3A_45 = arith.addf %mul3A_40, %add3A_44 : vector<10000x128xf32>
    %swap3A = arith.constant 0 : index
    %swap3A_46 = arith.constant 0 : index
    %swap3A_47 = vector.load %arg6[%swap3A, %swap3A_46] : memref<10000x128xf32, #tpu.memory_space<vmem>>, vector<10000x128xf32>
    tpu.vector_store %arg6[%swap3A, %swap3A_46], %add3A_45 {strides = array<i32>} : memref<10000x128xf32, #tpu.memory_space<vmem>>, vector<10000x128xf32>,
    return
  }
}

</mosaic_0001>

<sc_bundles>
// kernel: kernel.14.cloned.1.call-start
scs
__scs_entry_jumppad:
0x0: {  	(pc) =	sbr.rel $0x88, $3  }
0x1: {  	(tag) =	ssettag $0x0;
	lr =	simm.s32 $0x1  }
0x2: {  	[smem:$0x3F95] =	sst lr;
	_ =	strace $0xD0000000  }
0x3: {  	_ = 	snop  }
0x4: {  	_ = 	snop  }
0x5: {  	_ = 	snop  }
0x6: {  	_ = 	snop  }
0x7: {  	_ = 	snop  }
__scs_overlays_trampoline_lowered:
0x8: {  	[smem:$0x3FA4] =	sst s0  }
0x9: {  	[smem:$0x3FA5] =	sst s1  }
0xa: {  	[smem:$0x3FA6] =	sst s2  }
0xb: {  	[smem:$0x3FA7] =	sst s3  }
0xc: {  	[smem:$0x3FA8] =	sst s4  }
0xd: {  	[smem:$0x3FA9] =	sst s5  }
0xe: {  	[smem:$0x3FAA] =	sst s6  }
0xf: {  	[smem:$0x3FAB] =	sst s7  }
0x10: {  	[smem:$0x3FAC] =	sst s8  }
0x11: {  	[smem:$0x3FAD] =	sst s9;
	s0 =	simm.s32 @!p0 $0x0  }
0x12: {  	s1 =	sld [smem:$0x3F93];
	s0 =	simm.s32 @p0 $0x1  }
0x13: {  	[smem:$0x3FAE] =	sst s0;
	s0 =	simm.s32 @!p1 $0x0  }
0x14: {  	s2 =	sld [smem:$0x3F92];
	s0 =	simm.s32 @p1 $0x1  }
0x15: {  	[smem:$0x3FAF] =	sst s0;
	s0 =	simm.s32 @!p2 $0x0  }
0x16: {  	s3 =	sld [smem:$0x3FDB];
	s0 =	simm.s32 @p2 $0x1  }
0x17: {  	s4 =	simm.s32 $0x1BF5;
	[smem:$0x3FB1] =	sst s0  }
0x18: {  	s0 =	sld [smem:$0x3F94];
	_ =	swait.ge [sflag:s4], $0x0  }
0x19: {  	s7 =	sld [smem:$0x3F95]  }
0x1a: {  	s8 =	sadd.s32 $0xFFFFE003, lr  }
0x1b: {  	s9 =	sadd.s32 $0xFFFFFEF7, lr;
	s5 =	simm.s32 $0xFFFFFFFF;
	p2 =	slt.u32 s8, $0xFFFFF086  }
0x1c: {  	p1 =	slt.u32 s9, $0xF7A;
	s5 =	simm.s32 @!p2 $0x0  }
0x1d: {  	s5 =	simm.s32 @p1 $0x1;
	p0 =	seq.s32 s7, s2  }
0x1e: {  	s7 =	smul.u32 @!p0 $0xF7A, s2;
	p2 =	seq.s32 @!p0 s5, $0x0  }
0x1f: {  	s9 =	smul.u32 $0xF7A, s1;
	s8 =	simm.s32 @!p0 $0x1BF5;
	p2 =	por !p2, p0  }
0x20: {  	[sflag:s8] =	ssyncset.s32 @!p0 $0xFFFFF086;
	s6 =	sadd.s32 @!p0 s3, s7;
	s7 =	simm.s32 @!p0 $0x108  }
0x21: {  	s3 =	sadd.s32 s3, s9;
	s6 =	sadd.s32 @!p0 $0x88, s6;
	s7 =	simm.s32 @p2 $0x1082  }
0x22: {  	[simem:s7], [sflag:s8] =	dma.local @!p0 [hbm:s6], $0xF7A  }
0x23: {  	s9 =	sor.u32 $0xD0000000, s2;
	s6 =	simm.s32 $0x108;
	_ =	swait.ge @!p0 [sflag:s8], $0x0  }
0x24: {  	s3 =	sadd.s32 $0x88, s3;
	s6 =	simm.s32 @!p1 $0x1082;
	[sflag:s4] =	ssyncset.s32 $0xFFFFF086  }
0x25: {  	[simem:s6], [sflag:s4] =	dma.local [hbm:s3], $0xF7A  }
0x26: {  	[smem:$0x3F95] =	sst s1;
	(tag) =	ssettag s2;
	_ =	strace s9  }
0x27: {  	s1 =	sld [smem:$0x3FA5]  }
0x28: {  	s2 =	sld [smem:$0x3FA6]  }
0x29: {  	s4 =	sld [smem:$0x3FA8]  }
0x2a: {  	p0 =	seq.s32 s5, $0x0;
	s5 =	sld [smem:$0x3FA9]  }
0x2b: {  	s6 =	sld [smem:$0x3FAA]  }
0x2c: {  	s7 =	sld [smem:$0x3FAB]  }
0x2d: {  	s3 =	simm.s32 $0x108;
	s8 =	sld [smem:$0x3FAC]  }
0x2e: {  	s3 =	simm.s32 @!p0 $0x1082;
	s9 =	sld [smem:$0x3FAD]  }
0x2f: {  	lr =	sadd.s32 s0, s3;
	s0 =	sld [smem:$0x3FA4]  }
0x30: {  	s3 =	sld [smem:$0x3FA7]  }
0x31: {  	[smem:$0x3FB0] =	sst s10  }
0x32: {  	s10 =	sld [smem:$0x3FAE];
	_ =	sdelay $0x3  }
0x33: {  	p0 =	seq.s32 s10, $0x1;
	s10 =	sld [smem:$0x3FB0];
	_ =	sdelay $0x3  }
0x34: {  	[smem:$0x3FB0] =	sst s10  }
0x35: {  	s10 =	sld [smem:$0x3FAF];
	_ =	sdelay $0x3  }
0x36: {  	p1 =	seq.s32 s10, $0x1;
	s10 =	sld [smem:$0x3FB0];
	_ =	sdelay $0x3  }
0x37: {  	[smem:$0x3FB0] =	sst s10  }
0x38: {  	s10 =	sld [smem:$0x3FB1]  }
0x39: {  	_ = 	snop;
	(pc) =	sbr.ind lr, $3  }
0x3a: {  	_ = 	snop  }
0x3b: {  	_ = 	snop  }
0x3c: {  	p2 =	seq.s32 s10, $0x1;
	s10 =	sld [smem:$0x3FB0]  }
0x3d: {  	_ =	shalt  }
0x3e: {  	_ =	shalt  }
0x3f: {  	_ =	shalt  }
0x40: {  	_ =	shalt  }
0x41: {  	_ =	shalt  }
0x42: {  	_ =	shalt  }
0x43: {  	_ =	shalt  }
0x44: {  	_ =	shalt  }
0x45: {  	_ =	shalt  }
0x46: {  	_ =	shalt  }
0x47: {  	_ =	shalt  }
0x48: {  	_ =	shalt  }
0x49: {  	_ =	shalt  }
0x4a: {  	_ =	shalt  }
0x4b: {  	_ =	shalt  }
0x4c: {  	_ =	shalt  }
0x4d: {  	_ =	shalt  }
0x4e: {  	_ =	shalt  }
0x4f: {  	_ =	shalt  }
0x50: {  	_ =	shalt  }
0x51: {  	_ =	shalt  }
0x52: {  	_ =	shalt  }
0x53: {  	_ =	shalt  }
0x54: {  	_ =	shalt  }
0x55: {  	_ =	shalt  }
0x56: {  	_ =	shalt  }
0x57: {  	_ =	shalt  }
0x58: {  	_ =	shalt  }
0x59: {  	_ =	shalt  }
0x5a: {  	_ =	shalt  }
0x5b: {  	_ =	shalt  }
0x5c: {  	_ =	shalt  }
0x5d: {  	_ =	shalt  }
0x5e: {  	_ =	shalt  }
0x5f: {  	_ =	shalt  }
0x60: {  	_ =	shalt  }
0x61: {  	_ =	shalt  }
0x62: {  	_ =	shalt  }
0x63: {  	_ =	shalt  }
0x64: {  	_ =	shalt  }
0x65: {  	_ =	shalt  }
0x66: {  	_ =	shalt  }
0x67: {  	_ =	shalt  }
0x68: {  	_ =	shalt  }
0x69: {  	_ =	shalt  }
0x6a: {  	_ =	shalt  }
0x6b: {  	_ =	shalt  }
0x6c: {  	_ =	shalt  }
0x6d: {  	_ =	shalt  }
0x6e: {  	_ =	shalt  }
0x6f: {  	_ =	shalt  }
0x70: {  	_ =	shalt  }
0x71: {  	_ =	shalt  }
0x72: {  	_ =	shalt  }
0x73: {  	_ =	shalt  }
0x74: {  	_ =	shalt  }
0x75: {  	_ =	shalt  }
0x76: {  	_ =	shalt  }
0x77: {  	_ =	shalt  }
0x78: {  	_ =	shalt  }
0x79: {  	_ =	shalt  }
0x7a: {  	_ =	shalt  }
0x7b: {  	_ =	shalt  }
0x7c: {  	_ =	shalt  }
0x7d: {  	_ =	shalt  }
0x7e: {  	_ =	shalt  }
0x7f: {  	_ =	shalt  }
0x80: {  	_ =	shalt  }
0x81: {  	_ =	shalt  }
0x82: {  	_ =	shalt  }
0x83: {  	_ =	shalt  }
0x84: {  	_ =	shalt  }
0x85: {  	_ =	shalt  }
0x86: {  	_ =	shalt  }
0x87: {  	_ =	shalt  }
.Lfunc_end0:
.L_simem_size_0:
called_computation_lowered:
.L_overlay_start_0:
0x88: {  	s2 =	sld [smem:$0x3FD9]  }
0x89: {  	s3 =	sld [smem:$0x3FFE];
	_ =	sdelay $0x1  }
0x8a: {  	s1 =	srdreg.scid  }
0x8b: {  	s0 =	sand.u32 $0x1, s1  }
0x8c: {  	s16 =	sshll.u32 s0, $0xA;
	s2 =	sadd.s32 s3, s2  }
0x8d: {  	s2 =	sadd.s32 s2, s16  }
0x8e: {  	[smem:$0x3FBC] =	sst s2  }
0x8f: {  	_ = 	snop  }
0x90: {  	(tm) =	ssettm $0x1  }
0x91: {  	s17 =	sld [smem:$0x3FFB];
	_ =	sdelay $0x3  }
0x92: {  	_ =	strace s17  }
0x93: {  	s2 =	sld [smem:$0x3FFC];
	_ =	sdelay $0x3  }
0x94: {  	_ =	strace s2  }
0x95: {  	s2 =	sld [smem:$0x3FFD];
	_ =	sdelay $0x3  }
0x96: {  	_ =	strace s2  }
0x97: {  	_ =	strace $0x8FFFFFFF  }
0x98: {  	s18 =	sld [smem:$0x3FDB];
	_ =	sdelay $0x1  }
0x99: {  	s19 =	simm.s32 $_scs_section_size  }
0x9a: {  	s4 =	simm.s32 $_size__tile_overlayer_lowered;
	s5 =	simm.s32 $_tile_overlayer_lowered  }
0x9b: {  	s22 =	simm.s32 $0x1BFF;
	s21 =	sshll.u32 s5, $0x1;
	s2 =	sadd.s32 s19, s18  }
0x9c: {  	s6 =	simm.s32 $0x0;
	s20 =	sshll.u32 s4, $0x1;
	s4 =	sadd.s32 s21, s2  }
0x9d: {  	[timem:s6], [sflag:s22] =	dma.local [hbm:s4], s20  }
0x9e: {  	_ =	swait.ge [sflag:s22], s20  }
0x9f: {  	s3 =	ssub.s32 $0x0, s20;
	[sflag:s22] =	ssyncset.done $0x0  }
0xa0: {  	[sflag:s22] =	ssyncadd.s32 s3;
	_ =	sdelay $0x1  }
0xa1: {  	s23 =	simm.s32 $0x1B8B  }
0xa2: {  	_ =	swait.ge [sflag:s23], $0x1  }
0xa3: {  	[sflag:s23] =	ssyncset.done $0x0  }
0xa4: {  	s25 =	simm.s32 $0x1B8E;
	s24 =	sld [smem:$0x3FFE];
	[sflag:s23] =	ssyncadd.s32 $0xFFFFFFFF  }
0xa5: {  	s26 =	simm.s32 $execute0_lowered;
	[smem:$0x3FD2] =	sst s25  }
0xa6: {  	s4 =	sshll.u32 s26, $0x1;
	_ =	strace $0x80000046;
	[dreg:$0x1] =	wrdreg $0xFFFFFFFF  }
0xa7: {  	s28 =	simm.s32 $_size_execute0_lowered;
	s2 =	sadd.s32 s2, s4;
	[dreg:$0x0] =	wrdreg $0x0  }
0xa8: {  	s4 =	sshll.u32 s28, $0x1;
	[dreg:$0x2] =	wrdreg s2  }
0xa9: {  	[dreg:$0x3] =	wrdreg s4  }
0xaa: {  	[dreg:$0x4] =	wrdreg $0xC0  }
0xab: {  	_ =	task [dreg:s6], $0x5FFFF  }
0xac: {  	[dreg:$0x1] =	wrdreg $0xFFFFFFFF  }
0xad: {  	[dreg:$0x0] =	wrdreg $0x60  }
0xae: {  	[dreg:$0x2] =	wrdreg s24  }
0xaf: {  	[dreg:$0x3] =	wrdreg $0x51000  }
0xb0: {  	[dreg:$0x4] =	wrdreg $0x9  }
0xb1: {  	_ =	task.clear_ibuf [dreg:s6], $0x5FFFF;
	_ =	strace $0x90000046  }
0xb2: {  	s29 =	simm.s32 $0x9;
	_ =	strace $0x80000048  }
0xb3: {  	_ =	swait.ge [sflag:s29], $0x1  }
0xb4: {  	[sflag:s29] =	ssyncadd.s32 $0xFFFFFFFF  }
0xb5: {  	_ =	strace $0x90000048  }
0xb6: {  	_ =	sfence  }
0xb7: {  	s30 =	sld [smem:$0x0];
	_ =	sdelay $0x2  }
0xb8: {  	s31 =	sshll.u32 s1, $0xD;
	s1 =	sshrl.u32 s1, $0x2  }
0xb9: {  	s3 =	sand.u32 $0x4000, s31;
	s1 =	sadd.s32 s1, s30  }
0xba: {  	s0 =	sor.u32 s3, s0;
	s1 =	sshll.u32 s1, $0x11  }
0xbb: {  	s0 =	sor.u32 s1, s0  }
0xbc: {  	s0 =	sadd.s32 $0x8F2B, s0  }
0xbd: {  	[sflag:s0] =	ssyncadd.remote.s32 $0x1  }
0xbe: {  	_ =	sfence.sel $0xFFFF  }
0xbf: {  	[dreg:$0x0] =	wrdreg $0xFFFFFFFF;
	(pc) =	sbr.abs _section_cstart, $3  }
0xc0: {  	[dreg:$0x1] =	wrdreg $0xFFFFFFFF  }
0xc1: {  	_ =	task.clear_ibuf [dreg:s6], $0x2FFFF;
	_ =	strace $0x9FFFFFFF  }
0xc2: {  	(tm) =	ssettm $0x7FFFFFFF  }
0xc3: {  	_ =	shalt  }
tec
execute0_lowered:
.L_overlay_start_1:
0x0: {  	(tag) =	ssettag $0x1  }
0x1: {  	s1 =	srdreg.scid;
	s5 =	rddreg [dreg:$0x0]  }
0x2: {  	s0 =	stileid.u32;
	s2 =	rddreg [dreg:$0x1];
	s3 =	simm.s32 $0x0  }
0x3: {  	s23 =	simm.s32 $0x50;
	s24 =	simm.s32 $0x80;
	s4 =	smul.u32 $0x4E20, s0  }
0x4: {  	s25 =	simm.s32 $0x2900;
	s6 =	sand.u32 $0x1, s1;
	s9 =	smul.u32 $0x50000, s0  }
0x5: {  	s28 =	simm.s32 $0x100;
	[smem:$0x7FF] =	sst s3;
	s7 =	smul.u32 $0x2710, s6  }
0x6: {  	s29 =	simm.s32 $0x0;
	s8 =	smul.u32 $0x2800, s6;
	_ =	strace $0x80000047  }
0x7: {  	s6 =	ssub.s32 $0x2, s6;
	s7 =	sadd.s32 s7, s4;
	s4 =	smul.u32 $0x280, s0  }
0x8: {  	s30 =	sshrl.u32 s6, $0x1;
	s31 =	sshrl.u32 s9, $0x2;
	s7 =	sshrl.u32 s7, $0x3  }
0x9: {  	s6 =	ssub.s32 s6, s30;
	s8 =	sadd.s32 s4, s8;
	s22 =	sadd.s32 s7, s5  }
0xa: {  	s6 =	smax.u32 s6, $0x1;
	s26 =	sshll.u32 s8, $0x4;
	s22 =	sadd.s32 $0xFE00, s22  }
0xb: {  	s21 =	sadd.s32 s26, s5;
	s5 =	sadd.s32 s31, s2;
	s26 =	simm.s32 $0x1  }
0xc: {  	s7 =	sadd.s32 $0x19C00, s21;
	s8 =	sadd.s32 $0x2800, s5;
	s9 =	sadd.s32 $0x1A100, s21  }
0xd: {  	s10 =	sadd.s32 $0x5000, s5;
	s11 =	sadd.s32 $0x1A600, s21;
	s12 =	sadd.s32 $0x7800, s5  }
0xe: {  	v0 =	vlaneseq.u32;
	s13 =	sadd.s32 $0x1AB00, s21;
	s14 =	sadd.s32 $0xA000, s5;
	s15 =	sadd.s32 $0x1B000, s21  }
0xf: {  	v1 =	vimm.f32 $1.000000000e+00;
	v2 =	vimm.f32 $0.0e+00;
	v3 =	vor.u32 $0x10, v0;
	s16 =	sadd.s32 $0xC800, s5;
	s17 =	sadd.s32 $0x1B500, s21;
	s18 =	sadd.s32 $0xF000, s5  }
0x10: {  	v4 =	vor.u32 $0x20, v0;
	v5 =	vor.u32 $0x30, v0;
	v6 =	vor.u32 $0x40, v0;
	s19 =	sadd.s32 $0x1BA00, s21;
	s20 =	sadd.s32 $0x11800, s5;
	s21 =	sadd.s32 $0x1BF00, s21  }
.LBB2_1:
0x11: {  	s30 =	simm.s32 $0x0  }
.LBB2_2:
0x12: {  	p0 =	sne.s32 s30, $0x9E00  }
.Ltmp0:
0x13: {  	_ = 	snop;
	(pc) =	sbr.rel @p0 .LBB2_2-.Ltmp0, $4  }
0x14: {  	_ = 	snop  }
0x15: {  	s31 =	sshra.s32 s30, $0x2  }
0x16: {  	[tilespmem:s31+$0x100] =	vst v1  }
0x17: {  	s30 =	sadd.s32 $0x200, s30;
	[tilespmem:s31+$0x2900] =	vst v2  }
0x18: {  	s31 =	sadd.s32 $0x0, s4  }
0x19: {  	v7 =	vadd.s32 s31, v6  }
0x1a: {  	v8 =	vor.u32 s31, v0;
	[tilespmem:$0xC0] =	vst v7  }
0x1b: {  	v7 =	vadd.s32 s31, v3;
	[tilespmem:$0x80] =	vst v8  }
0x1c: {  	v8 =	vadd.s32 s31, v4;
	[tilespmem:$0x90] =	vst v7  }
0x1d: {  	s30 =	simm.s32 $0x50;
	v7 =	vadd.s32 s31, v5;
	[tilespmem:$0xA0] =	vst v8  }
.LBB2_4:
0x1e: {  	p0 =	sne.s32 s30, $0x230;
	[tilespmem:$0xB0] =	vst v7;
	s31 =	smov.u32 s30;
	s30 =	sadd.s32 $0x50, s30  }
0x1f: {  	[spmem:s2] =	stream.indirect.scatter [tilespmem:s25], [sflag:$0x1], $0x10, s24, s23, $0xb8;
	[tilespmem:$0x7900] =	vst v63  }
0x20: {  	_ =	swait.ge [sflag:s26], $0x500  }
0x21: {  	s31 =	sadd.s32 s31, s4;
	[sflag:s26] =	ssyncset.done $0x0  }
.Ltmp1:
0x22: {  	v8 =	vor.u32 s31, v0;
	v9 =	vadd.s32 s31, v3;
	v10 =	vadd.s32 s31, v6;
	[sflag:s26] =	ssyncadd.s32 $0xFFFFFB00;
	(pc) =	sbr.rel @p0 .LBB2_4-.Ltmp1, $4  }
0x23: {  	v11 =	vadd.s32 s31, v4;
	v7 =	vadd.s32 s31, v5;
	[tilespmem:$0xC0] =	vst v10  }
0x24: {  	[tilespmem:$0x80] =	vst v8  }
0x25: {  	[tilespmem:$0x90] =	vst v9  }
0x26: {  	[tilespmem:$0xA0] =	vst v11  }
0x27: {  	[tilespmem:$0xB0] =	vst v7  }
0x28: {  	[spmem:s2] =	stream.indirect.scatter [tilespmem:s25], [sflag:$0x1], $0x10, s24, s23, $0xb8;
	[tilespmem:$0x7900] =	vst v63  }
0x29: {  	_ =	swait.ge [sflag:s26], $0x500  }
0x2a: {  	[sflag:s26] =	ssyncset.done $0x0  }
0x2b: {  	[sflag:s26] =	ssyncadd.s32 $0xFFFFFB00  }
0x2c: {  	s30 =	sadd.s32 $0x0, s22;
	[bflag:$0x0] =	sbarrier.arrive $0xFFFF  }
0x2d: {  	[tilespmem:s3], [sflag:$0x1] =	stream.linear.gather [hbm4b:s30+s3], $0x50, $0x38;
	[tilespmem:$0x7900] =	vst v63  }
0x2e: {  	_ =	swait.ge [sflag:s26], $0x50  }
0x2f: {  	[sflag:s26] =	ssyncset.done $0x0  }
0x30: {  	[sflag:s26] =	ssyncadd.s32 $0xFFFFFFB0  }
0x31: {  	[spmem:s2] =	stream.indirect.scatter.add.f32 [tilespmem:s28], [sflag:$0x1], $0x10, s3, s23, $0xb8;
	[tilespmem:$0x7900] =	vst v63  }
0x32: {  	_ =	swait.ge [sflag:s26], $0x500  }
0x33: {  	s31 =	simm.s32 $0x14;
	s30 =	simm.s32 $0xA;
	[sflag:s26] =	ssyncset.done $0x0  }
.LBB2_6:
0x34: {  	s1 =	sadd.s32 s30, s22  }
0x35: {  	[sflag:s26] =	ssyncadd.s32 $0xFFFFFB00;
	s30 =	smov.u32 s31;
	s0 =	sadd.s32 $0xA, s31  }
0x36: {  	[tilespmem:s3], [sflag:$0x1] =	stream.linear.gather [hbm4b:s1+s3], $0x50, $0x38;
	[tilespmem:$0x7900] =	vst v63  }
0x37: {  	p0 =	sne.s32 s31, $0x4D8;
	_ =	swait.ge [sflag:s26], $0x50  }
.Ltmp2:
0x38: {  	[sflag:s26] =	ssyncset.done $0x0;
	(pc) =	sbr.rel @p0 .LBB2_6-.Ltmp2, $4  }
0x39: {  	[sflag:s26] =	ssyncadd.s32 $0xFFFFFFB0  }
0x3a: {  	[spmem:s2] =	stream.indirect.scatter.add.f32 [tilespmem:s28], [sflag:$0x1], $0x10, s3, s23, $0xb8;
	[tilespmem:$0x7900] =	vst v63  }
0x3b: {  	_ =	swait.ge [sflag:s26], $0x500  }
0x3c: {  	s31 =	smov.u32 s0;
	[sflag:s26] =	ssyncset.done $0x0  }
0x3d: {  	s0 =	sadd.s32 s30, s22;
	[sflag:s26] =	ssyncadd.s32 $0xFFFFFB00  }
0x3e: {  	[tilespmem:s3], [sflag:$0x1] =	stream.linear.gather [hbm4b:s0+s3], $0x50, $0x38;
	[tilespmem:$0x7900] =	vst v63  }
0x3f: {  	_ =	swait.ge [sflag:s26], $0x50  }
0x40: {  	[sflag:s26] =	ssyncset.done $0x0  }
0x41: {  	[sflag:s26] =	ssyncadd.s32 $0xFFFFFFB0  }
0x42: {  	[spmem:s2] =	stream.indirect.scatter.add.f32 [tilespmem:s28], [sflag:$0x1], $0x10, s3, s23, $0xb8;
	[tilespmem:$0x7900] =	vst v63  }
0x43: {  	_ =	swait.ge [sflag:s26], $0x500  }
0x44: {  	[sflag:s26] =	ssyncset.done $0x0  }
0x45: {  	[sflag:s26] =	ssyncadd.s32 $0xFFFFFB00  }
0x46: {  	[bflag:$0x0] =	sbarrier.arrive $0xFFFF  }
0x47: {  	[tilespmem:s25], [sflag:$0x1] =	stream.linear.gather [spmem:s5], $0x2800, $0x38;
	[tilespmem:$0x7900] =	vst v63  }
0x48: {  	_ =	swait.ge [sflag:s26], $0x2800  }
0x49: {  	[sflag:s26] =	ssyncset.done $0x0  }
0x4a: {  	[sflag:s26] =	ssyncadd.s32 $0xFFFFD800  }
0x4b: {  	[hbm4b:s7+s3] =	stream.linear.scatter [tilespmem:s25], [sflag:$0x1], $0x2800, $0x38;
	[tilespmem:$0x7900] =	vst v63  }
0x4c: {  	_ =	swait.ge [sflag:s26], $0x2800  }
0x4d: {  	[sflag:s26] =	ssyncset.done $0x0  }
0x4e: {  	[sflag:s26] =	ssyncadd.s32 $0xFFFFD800  }
0x4f: {  	[tilespmem:s25], [sflag:$0x1] =	stream.linear.gather [spmem:s8], $0x2800, $0x38;
	[tilespmem:$0x7900] =	vst v63  }
0x50: {  	_ =	swait.ge [sflag:s26], $0x2800  }
0x51: {  	[sflag:s26] =	ssyncset.done $0x0  }
0x52: {  	[sflag:s26] =	ssyncadd.s32 $0xFFFFD800  }
0x53: {  	[hbm4b:s9+s3] =	stream.linear.scatter [tilespmem:s25], [sflag:$0x1], $0x2800, $0x38;
	[tilespmem:$0x7900] =	vst v63  }
0x54: {  	_ =	swait.ge [sflag:s26], $0x2800  }
0x55: {  	[sflag:s26] =	ssyncset.done $0x0  }
0x56: {  	[sflag:s26] =	ssyncadd.s32 $0xFFFFD800  }
0x57: {  	[tilespmem:s25], [sflag:$0x1] =	stream.linear.gather [spmem:s10], $0x2800, $0x38;
	[tilespmem:$0x7900] =	vst v63  }
0x58: {  	_ =	swait.ge [sflag:s26], $0x2800  }
0x59: {  	[sflag:s26] =	ssyncset.done $0x0  }
0x5a: {  	[sflag:s26] =	ssyncadd.s32 $0xFFFFD800  }
0x5b: {  	[hbm4b:s11+s3] =	stream.linear.scatter [tilespmem:s25], [sflag:$0x1], $0x2800, $0x38;
	[tilespmem:$0x7900] =	vst v63  }
0x5c: {  	_ =	swait.ge [sflag:s26], $0x2800  }
0x5d: {  	[sflag:s26] =	ssyncset.done $0x0  }
0x5e: {  	[sflag:s26] =	ssyncadd.s32 $0xFFFFD800  }
0x5f: {  	[tilespmem:s25], [sflag:$0x1] =	stream.linear.gather [spmem:s12], $0x2800, $0x38;
	[tilespmem:$0x7900] =	vst v63  }
0x60: {  	_ =	swait.ge [sflag:s26], $0x2800  }
0x61: {  	[sflag:s26] =	ssyncset.done $0x0  }
0x62: {  	[sflag:s26] =	ssyncadd.s32 $0xFFFFD800  }
0x63: {  	[hbm4b:s13+s3] =	stream.linear.scatter [tilespmem:s25], [sflag:$0x1], $0x2800, $0x38;
	[tilespmem:$0x7900] =	vst v63  }
0x64: {  	_ =	swait.ge [sflag:s26], $0x2800  }
0x65: {  	[sflag:s26] =	ssyncset.done $0x0  }
0x66: {  	[sflag:s26] =	ssyncadd.s32 $0xFFFFD800  }
0x67: {  	[tilespmem:s25], [sflag:$0x1] =	stream.linear.gather [spmem:s14], $0x2800, $0x38;
	[tilespmem:$0x7900] =	vst v63  }
0x68: {  	_ =	swait.ge [sflag:s26], $0x2800  }
0x69: {  	[sflag:s26] =	ssyncset.done $0x0  }
0x6a: {  	[sflag:s26] =	ssyncadd.s32 $0xFFFFD800  }
0x6b: {  	[hbm4b:s15+s3] =	stream.linear.scatter [tilespmem:s25], [sflag:$0x1], $0x2800, $0x38;
	[tilespmem:$0x7900] =	vst v63  }
0x6c: {  	_ =	swait.ge [sflag:s26], $0x2800  }
0x6d: {  	[sflag:s26] =	ssyncset.done $0x0  }
0x6e: {  	[sflag:s26] =	ssyncadd.s32 $0xFFFFD800  }
0x6f: {  	[tilespmem:s25], [sflag:$0x1] =	stream.linear.gather [spmem:s16], $0x2800, $0x38;
	[tilespmem:$0x7900] =	vst v63  }
0x70: {  	_ =	swait.ge [sflag:s26], $0x2800  }
0x71: {  	[sflag:s26] =	ssyncset.done $0x0  }
0x72: {  	[sflag:s26] =	ssyncadd.s32 $0xFFFFD800  }
0x73: {  	[hbm4b:s17+s3] =	stream.linear.scatter [tilespmem:s25], [sflag:$0x1], $0x2800, $0x38;
	[tilespmem:$0x7900] =	vst v63  }
0x74: {  	_ =	swait.ge [sflag:s26], $0x2800  }
0x75: {  	[sflag:s26] =	ssyncset.done $0x0  }
0x76: {  	[sflag:s26] =	ssyncadd.s32 $0xFFFFD800  }
0x77: {  	[tilespmem:s25], [sflag:$0x1] =	stream.linear.gather [spmem:s18], $0x2800, $0x38;
	[tilespmem:$0x7900] =	vst v63  }
0x78: {  	_ =	swait.ge [sflag:s26], $0x2800  }
0x79: {  	[sflag:s26] =	ssyncset.done $0x0  }
0x7a: {  	[sflag:s26] =	ssyncadd.s32 $0xFFFFD800  }
0x7b: {  	[hbm4b:s19+s3] =	stream.linear.scatter [tilespmem:s25], [sflag:$0x1], $0x2800, $0x38;
	[tilespmem:$0x7900] =	vst v63  }
0x7c: {  	_ =	swait.ge [sflag:s26], $0x2800  }
0x7d: {  	[sflag:s26] =	ssyncset.done $0x0  }
0x7e: {  	[sflag:s26] =	ssyncadd.s32 $0xFFFFD800  }
0x7f: {  	[tilespmem:s25], [sflag:$0x1] =	stream.linear.gather [spmem:s20], $0x2800, $0x38;
	[tilespmem:$0x7900] =	vst v63  }
0x80: {  	s29 =	sadd.s32 $0x1, s29;
	_ =	swait.ge [sflag:s26], $0x2800  }
0x81: {  	p0 =	sne.s32 s29, s6;
	[sflag:s26] =	ssyncset.done $0x0  }
.Ltmp3:
0x82: {  	[sflag:s26] =	ssyncadd.s32 $0xFFFFD800;
	(pc) =	sbr.rel @p0 .LBB2_1-.Ltmp3, $4  }
0x83: {  	[hbm4b:s21+s3] =	stream.linear.scatter [tilespmem:s25], [sflag:$0x1], $0x2800, $0x38;
	[tilespmem:$0x7900] =	vst v63  }
0x84: {  	_ =	swait.ge [sflag:s26], $0x2800  }
0x85: {  	[sflag:s26] =	ssyncset.done $0x0  }
0x86: {  	[sflag:s26] =	ssyncadd.s32 $0xFFFFD800  }
0x87: {  	_ =	sfence.sel $0x180000  }
0x88: {  	[bflag:$0x0] =	sbarrier.arrive $0xFFFF  }
0x89: {  	_ =	strace $0x90000047  }
0x8a: {  	s0 =	stileid.u32;
	[bflag:$0x2] =	sbarrier.arrive $0xFFFF  }
0x8b: {  	p0 =	sne.s32 s0, $0x0;
	s0 =	rddreg [dreg:$0x2]  }
0x8c: {  	s0 =	sadd.s32 @!p0 $0x100000, s0  }
0x8d: {  	[sflag:s0] =	ssyncadd.tile.s32 @!p0 $0x1;
	_ =	shalt  }
.Lfunc_end2:
_tile_overlayer_lowered:
.L_overlay_start_2:
0x8e: {  	(tag) =	ssettag $0x2  }
0x8f: {  	s0 =	rddreg [dreg:$0x0];
	s2 =	stileid.u32  }
0x90: {  	s1 =	rddreg [dreg:$0x1];
	p0 =	sne.s32 s2, $0x0  }
0x91: {  	s3 =	rddreg [dreg:$0x2];
	[bflag:$0x3] =	sbarrier.arrive $0xFFFF;
	s2 =	simm.s32 @!p0 $0x1C01  }
0x92: {  	[timem:s3], [sflag:s2] =	dma.local @!p0 [hbm:s0], s1  }
0x93: {  	s0 =	simm.s32 @!p0 $0x1  }
0x94: {  	_ =	swait.ge @!p0 [sflag:s0], s1  }
0x95: {  	s1 =	ssub.s32 @!p0 $0x0, s1;
	[sflag:s0] =	ssyncset.done @!p0 $0x0  }
0x96: {  	[sflag:s0] =	ssyncadd.s32 @!p0 s1  }
0x97: {  	[bflag:$0x3] =	sbarrier.arrive $0xFFFF  }
0x98: {  	_ =	shalt  }

// kernel: kernel.17.cloned.1.call-start
scs
__scs_entry_jumppad:
0x0: {  	(pc) =	sbr.rel $0x88, $3  }
0x1: {  	(tag) =	ssettag $0x0;
	lr =	simm.s32 $0x1  }
0x2: {  	[smem:$0x3F95] =	sst lr;
	_ =	strace $0xD0000000  }
0x3: {  	_ = 	snop  }
0x4: {  	_ = 	snop  }
0x5: {  	_ = 	snop  }
0x6: {  	_ = 	snop  }
0x7: {  	_ = 	snop  }
__scs_overlays_trampoline_lowered:
0x8: {  	[smem:$0x3FA4] =	sst s0  }
0x9: {  	[smem:$0x3FA5] =	sst s1  }
0xa: {  	[smem:$0x3FA6] =	sst s2  }
0xb: {  	[smem:$0x3FA7] =	sst s3  }
0xc: {  	[smem:$0x3FA8] =	sst s4  }
0xd: {  	[smem:$0x3FA9] =	sst s5  }
0xe: {  	[smem:$0x3FAA] =	sst s6  }
0xf: {  	[smem:$0x3FAB] =	sst s7  }
0x10: {  	[smem:$0x3FAC] =	sst s8  }
0x11: {  	[smem:$0x3FAD] =	sst s9;
	s0 =	simm.s32 @!p0 $0x0  }
0x12: {  	s1 =	sld [smem:$0x3F93];
	s0 =	simm.s32 @p0 $0x1  }
0x13: {  	[smem:$0x3FAE] =	sst s0;
	s0 =	simm.s32 @!p1 $0x0  }
0x14: {  	s2 =	sld [smem:$0x3F92];
	s0 =	simm.s32 @p1 $0x1  }
0x15: {  	[smem:$0x3FAF] =	sst s0;
	s0 =	simm.s32 @!p2 $0x0  }
0x16: {  	s3 =	sld [smem:$0x3FDB];
	s0 =	simm.s32 @p2 $0x1  }
0x17: {  	s4 =	simm.s32 $0x1BF5;
	[smem:$0x3FB1] =	sst s0  }
0x18: {  	s0 =	sld [smem:$0x3F94];
	_ =	swait.ge [sflag:s4], $0x0  }
0x19: {  	s7 =	sld [smem:$0x3F95]  }
0x1a: {  	s8 =	sadd.s32 $0xFFFFE003, lr  }
0x1b: {  	s9 =	sadd.s32 $0xFFFFFEF7, lr;
	s5 =	simm.s32 $0xFFFFFFFF;
	p2 =	slt.u32 s8, $0xFFFFF086  }
0x1c: {  	p1 =	slt.u32 s9, $0xF7A;
	s5 =	simm.s32 @!p2 $0x0  }
0x1d: {  	s5 =	simm.s32 @p1 $0x1;
	p0 =	seq.s32 s7, s2  }
0x1e: {  	s7 =	smul.u32 @!p0 $0xF7A, s2;
	p2 =	seq.s32 @!p0 s5, $0x0  }
0x1f: {  	s9 =	smul.u32 $0xF7A, s1;
	s8 =	simm.s32 @!p0 $0x1BF5;
	p2 =	por !p2, p0  }
0x20: {  	[sflag:s8] =	ssyncset.s32 @!p0 $0xFFFFF086;
	s6 =	sadd.s32 @!p0 s3, s7;
	s7 =	simm.s32 @!p0 $0x108  }
0x21: {  	s3 =	sadd.s32 s3, s9;
	s6 =	sadd.s32 @!p0 $0x88, s6;
	s7 =	simm.s32 @p2 $0x1082  }
0x22: {  	[simem:s7], [sflag:s8] =	dma.local @!p0 [hbm:s6], $0xF7A  }
0x23: {  	s9 =	sor.u32 $0xD0000000, s2;
	s6 =	simm.s32 $0x108;
	_ =	swait.ge @!p0 [sflag:s8], $0x0  }
0x24: {  	s3 =	sadd.s32 $0x88, s3;
	s6 =	simm.s32 @!p1 $0x1082;
	[sflag:s4] =	ssyncset.s32 $0xFFFFF086  }
0x25: {  	[simem:s6], [sflag:s4] =	dma.local [hbm:s3], $0xF7A  }
0x26: {  	[smem:$0x3F95] =	sst s1;
	(tag) =	ssettag s2;
	_ =	strace s9  }
0x27: {  	s1 =	sld [smem:$0x3FA5]  }
0x28: {  	s2 =	sld [smem:$0x3FA6]  }
0x29: {  	s4 =	sld [smem:$0x3FA8]  }
0x2a: {  	p0 =	seq.s32 s5, $0x0;
	s5 =	sld [smem:$0x3FA9]  }
0x2b: {  	s6 =	sld [smem:$0x3FAA]  }
0x2c: {  	s7 =	sld [smem:$0x3FAB]  }
0x2d: {  	s3 =	simm.s32 $0x108;
	s8 =	sld [smem:$0x3FAC]  }
0x2e: {  	s3 =	simm.s32 @!p0 $0x1082;
	s9 =	sld [smem:$0x3FAD]  }
0x2f: {  	lr =	sadd.s32 s0, s3;
	s0 =	sld [smem:$0x3FA4]  }
0x30: {  	s3 =	sld [smem:$0x3FA7]  }
0x31: {  	[smem:$0x3FB0] =	sst s10  }
0x32: {  	s10 =	sld [smem:$0x3FAE];
	_ =	sdelay $0x3  }
0x33: {  	p0 =	seq.s32 s10, $0x1;
	s10 =	sld [smem:$0x3FB0];
	_ =	sdelay $0x3  }
0x34: {  	[smem:$0x3FB0] =	sst s10  }
0x35: {  	s10 =	sld [smem:$0x3FAF];
	_ =	sdelay $0x3  }
0x36: {  	p1 =	seq.s32 s10, $0x1;
	s10 =	sld [smem:$0x3FB0];
	_ =	sdelay $0x3  }
0x37: {  	[smem:$0x3FB0] =	sst s10  }
0x38: {  	s10 =	sld [smem:$0x3FB1]  }
0x39: {  	_ = 	snop;
	(pc) =	sbr.ind lr, $3  }
0x3a: {  	_ = 	snop  }
0x3b: {  	_ = 	snop  }
0x3c: {  	p2 =	seq.s32 s10, $0x1;
	s10 =	sld [smem:$0x3FB0]  }
0x3d: {  	_ =	shalt  }
0x3e: {  	_ =	shalt  }
0x3f: {  	_ =	shalt  }
0x40: {  	_ =	shalt  }
0x41: {  	_ =	shalt  }
0x42: {  	_ =	shalt  }
0x43: {  	_ =	shalt  }
0x44: {  	_ =	shalt  }
0x45: {  	_ =	shalt  }
0x46: {  	_ =	shalt  }
0x47: {  	_ =	shalt  }
0x48: {  	_ =	shalt  }
0x49: {  	_ =	shalt  }
0x4a: {  	_ =	shalt  }
0x4b: {  	_ =	shalt  }
0x4c: {  	_ =	shalt  }
0x4d: {  	_ =	shalt  }
0x4e: {  	_ =	shalt  }
0x4f: {  	_ =	shalt  }
0x50: {  	_ =	shalt  }
0x51: {  	_ =	shalt  }
0x52: {  	_ =	shalt  }
0x53: {  	_ =	shalt  }
0x54: {  	_ =	shalt  }
0x55: {  	_ =	shalt  }
0x56: {  	_ =	shalt  }
0x57: {  	_ =	shalt  }
0x58: {  	_ =	shalt  }
0x59: {  	_ =	shalt  }
0x5a: {  	_ =	shalt  }
0x5b: {  	_ =	shalt  }
0x5c: {  	_ =	shalt  }
0x5d: {  	_ =	shalt  }
0x5e: {  	_ =	shalt  }
0x5f: {  	_ =	shalt  }
0x60: {  	_ =	shalt  }
0x61: {  	_ =	shalt  }
0x62: {  	_ =	shalt  }
0x63: {  	_ =	shalt  }
0x64: {  	_ =	shalt  }
0x65: {  	_ =	shalt  }
0x66: {  	_ =	shalt  }
0x67: {  	_ =	shalt  }
0x68: {  	_ =	shalt  }
0x69: {  	_ =	shalt  }
0x6a: {  	_ =	shalt  }
0x6b: {  	_ =	shalt  }
0x6c: {  	_ =	shalt  }
0x6d: {  	_ =	shalt  }
0x6e: {  	_ =	shalt  }
0x6f: {  	_ =	shalt  }
0x70: {  	_ =	shalt  }
0x71: {  	_ =	shalt  }
0x72: {  	_ =	shalt  }
0x73: {  	_ =	shalt  }
0x74: {  	_ =	shalt  }
0x75: {  	_ =	shalt  }
0x76: {  	_ =	shalt  }
0x77: {  	_ =	shalt  }
0x78: {  	_ =	shalt  }
0x79: {  	_ =	shalt  }
0x7a: {  	_ =	shalt  }
0x7b: {  	_ =	shalt  }
0x7c: {  	_ =	shalt  }
0x7d: {  	_ =	shalt  }
0x7e: {  	_ =	shalt  }
0x7f: {  	_ =	shalt  }
0x80: {  	_ =	shalt  }
0x81: {  	_ =	shalt  }
0x82: {  	_ =	shalt  }
0x83: {  	_ =	shalt  }
0x84: {  	_ =	shalt  }
0x85: {  	_ =	shalt  }
0x86: {  	_ =	shalt  }
0x87: {  	_ =	shalt  }
.Lfunc_end0:
.L_simem_size_0:
called_computation.1_lowered:
.L_overlay_start_0:
0x88: {  	s2 =	sld [smem:$0x3FD9]  }
0x89: {  	s3 =	sld [smem:$0x3FFE];
	_ =	sdelay $0x1  }
0x8a: {  	s1 =	srdreg.scid  }
0x8b: {  	s0 =	sand.u32 $0x1, s1  }
0x8c: {  	s16 =	sshll.u32 s0, $0xA;
	s2 =	sadd.s32 s3, s2  }
0x8d: {  	s2 =	sadd.s32 s2, s16  }
0x8e: {  	[smem:$0x3FBC] =	sst s2  }
0x8f: {  	_ = 	snop  }
0x90: {  	(tm) =	ssettm $0x1  }
0x91: {  	s17 =	sld [smem:$0x3FFB];
	_ =	sdelay $0x3  }
0x92: {  	_ =	strace s17  }
0x93: {  	s2 =	sld [smem:$0x3FFC];
	_ =	sdelay $0x3  }
0x94: {  	_ =	strace s2  }
0x95: {  	s2 =	sld [smem:$0x3FFD];
	_ =	sdelay $0x3  }
0x96: {  	_ =	strace s2  }
0x97: {  	_ =	strace $0x8FFFFFFF  }
0x98: {  	s18 =	sld [smem:$0x3FDB];
	_ =	sdelay $0x1  }
0x99: {  	s19 =	simm.s32 $_scs_section_size  }
0x9a: {  	s4 =	simm.s32 $_size__tile_overlayer_lowered;
	s5 =	simm.s32 $_tile_overlayer_lowered  }
0x9b: {  	s22 =	simm.s32 $0x1BFF;
	s21 =	sshll.u32 s5, $0x1;
	s2 =	sadd.s32 s19, s18  }
0x9c: {  	s6 =	simm.s32 $0x0;
	s20 =	sshll.u32 s4, $0x1;
	s4 =	sadd.s32 s21, s2  }
0x9d: {  	[timem:s6], [sflag:s22] =	dma.local [hbm:s4], s20  }
0x9e: {  	_ =	swait.ge [sflag:s22], s20  }
0x9f: {  	s3 =	ssub.s32 $0x0, s20;
	[sflag:s22] =	ssyncset.done $0x0  }
0xa0: {  	[sflag:s22] =	ssyncadd.s32 s3;
	_ =	sdelay $0x1  }
0xa1: {  	s23 =	simm.s32 $0x1B8B  }
0xa2: {  	_ =	swait.ge [sflag:s23], $0x1  }
0xa3: {  	[sflag:s23] =	ssyncset.done $0x0  }
0xa4: {  	s25 =	simm.s32 $0x1B8E;
	s24 =	sld [smem:$0x3FFE];
	[sflag:s23] =	ssyncadd.s32 $0xFFFFFFFF  }
0xa5: {  	s26 =	simm.s32 $execute0_lowered;
	[smem:$0x3FD2] =	sst s25  }
0xa6: {  	s4 =	sshll.u32 s26, $0x1;
	_ =	strace $0x80000049;
	[dreg:$0x1] =	wrdreg $0xFFFFFFFF  }
0xa7: {  	s28 =	simm.s32 $_size_execute0_lowered;
	s2 =	sadd.s32 s2, s4;
	[dreg:$0x0] =	wrdreg $0x0  }
0xa8: {  	s4 =	sshll.u32 s28, $0x1;
	[dreg:$0x2] =	wrdreg s2  }
0xa9: {  	[dreg:$0x3] =	wrdreg s4  }
0xaa: {  	[dreg:$0x4] =	wrdreg $0xC0  }
0xab: {  	_ =	task [dreg:s6], $0x5FFFF  }
0xac: {  	[dreg:$0x1] =	wrdreg $0xFFFFFFFF  }
0xad: {  	[dreg:$0x0] =	wrdreg $0x60  }
0xae: {  	[dreg:$0x2] =	wrdreg s24  }
0xaf: {  	[dreg:$0x3] =	wrdreg $0x9  }
0xb0: {  	_ =	task.clear_ibuf [dreg:s6], $0x4FFFF;
	_ =	strace $0x90000049  }
0xb1: {  	s29 =	simm.s32 $0x9;
	_ =	strace $0x8000004B  }
0xb2: {  	_ =	swait.ge [sflag:s29], $0x1  }
0xb3: {  	[sflag:s29] =	ssyncadd.s32 $0xFFFFFFFF  }
0xb4: {  	_ =	strace $0x9000004B  }
0xb5: {  	_ =	sfence  }
0xb6: {  	s30 =	sld [smem:$0x0];
	_ =	sdelay $0x2  }
0xb7: {  	s31 =	sshll.u32 s1, $0xD;
	s1 =	sshrl.u32 s1, $0x2  }
0xb8: {  	s3 =	sand.u32 $0x4000, s31;
	s1 =	sadd.s32 s1, s30  }
0xb9: {  	s0 =	sor.u32 s3, s0;
	s1 =	sshll.u32 s1, $0x11  }
0xba: {  	s0 =	sor.u32 s1, s0  }
0xbb: {  	s0 =	sadd.s32 $0x8F2B, s0  }
0xbc: {  	[sflag:s0] =	ssyncadd.remote.s32 $0x1  }
0xbd: {  	_ =	sfence.sel $0xFFFF  }
0xbe: {  	[dreg:$0x0] =	wrdreg $0xFFFFFFFF;
	(pc) =	sbr.abs _section_cstart, $3  }
0xbf: {  	[dreg:$0x1] =	wrdreg $0xFFFFFFFF  }
0xc0: {  	_ =	task.clear_ibuf [dreg:s6], $0x2FFFF;
	_ =	strace $0x9FFFFFFF  }
0xc1: {  	(tm) =	ssettm $0x7FFFFFFF  }
tec
execute0_lowered:
.L_overlay_start_1:
0x0: {  	(tag) =	ssettag $0x1  }
0x1: {  	s1 =	srdreg.scid  }
0x2: {  	s0 =	stileid.u32;
	s4 =	rddreg [dreg:$0x0];
	s2 =	simm.s32 $0x0  }
0x3: {  	s9 =	simm.s32 $0x2780;
	s3 =	sand.u32 $0x1, s1;
	s5 =	sshll.u32 s0, $0x1  }
0x4: {  	s10 =	simm.s32 $0x4F00;
	s11 =	simm.s32 $0x7700;
	s5 =	sor.u32 s3, s5  }
0x5: {  	s1 =	rddreg [dreg:$0x1];
	s6 =	ssub.s32 $0x2, s3;
	s5 =	smul.u32 $0x4E2, s5  }
0x6: {  	s12 =	simm.s32 $0x0;
	[smem:$0x7FF] =	sst s2;
	s7 =	sshrl.u32 s6, $0x1  }
0x7: {  	_ =	strace $0x8000004A;
	s7 =	ssub.s32 s6, s7;
	s8 =	sadd.s32 s5, s4  }
0x8: {  	s3 =	sadd.s32 $0x40E00, s4;
	s7 =	smax.u32 s7, $0x1;
	s4 =	sadd.s32 $0xFE00, s8  }
0x9: {  	s5 =	sadd.s32 $0x6000, s8;
	s6 =	sadd.s32 $0x41400, s8;
	s8 =	simm.s32 $0x1  }
.LBB2_1:
0xa: {  	[tilespmem:s2], [sflag:$0x1] =	stream.linear.gather [hbm4b:s4+s2], $0x2710, $0x38;
	[tilespmem:$0x9E80] =	vst v63  }
0xb: {  	_ =	swait.ge [sflag:s8], $0x2710  }
0xc: {  	[sflag:s8] =	ssyncset.done $0x0  }
0xd: {  	[sflag:s8] =	ssyncadd.s32 $0xFFFFD8F0  }
0xe: {  	[tilespmem:s9], [sflag:$0x1] =	stream.linear.gather [hbm4b:s5+s2], $0x2710, $0x38;
	[tilespmem:$0x9E80] =	vst v63  }
0xf: {  	_ =	swait.ge [sflag:s8], $0x2710  }
0x10: {  	[sflag:s8] =	ssyncset.done $0x0  }
0x11: {  	[sflag:s8] =	ssyncadd.s32 $0xFFFFD8F0  }
0x12: {  	[tilespmem:s10], [sflag:$0x1] =	stream.linear.gather [hbm4b:s3+s2], $0x2800, $0x38;
	[tilespmem:$0x9E80] =	vst v63  }
0x13: {  	_ =	swait.ge [sflag:s8], $0x2800  }
0x14: {  	[sflag:s8] =	ssyncset.done $0x0  }
0x15: {  	s13 =	simm.s32 $0x0;
	[sflag:s8] =	ssyncadd.s32 $0xFFFFD800  }
0x16: {  	v0 =	vld [tilespmem:s13+$0x2780]  }
0x17: {  	v1 =	vld [tilespmem:s13+$0x0];
	_ =	sdelay $0x6  }
0x18: {  	v0 =	vld.idx.msk [tilespmem:v0+s10+$0x0], $0xffff  }
0x19: {  	s14 =	simm.s32 $0x10;
	v2 =	vld.idx.msk [tilespmem:v1+s10+$0x0], $0xffff  }
0x1a: {  	s15 =	simm.s32 $0x80;
	v1 =	vld [tilespmem:s14+$0x2780]  }
.LBB2_2:
0x1b: {  	p0 =	sne.s32 s15, $0x9C00;
	v3 =	vld [tilespmem:s14+$0x0];
	_ =	sdelay $0x3  }
0x1c: {  	v0 =	vmul.f32 v0, v2  }
.Ltmp0:
0x1d: {  	(pc) =	sbr.rel @p0 .LBB2_2-.Ltmp0, $4  }
0x1e: {  	[tilespmem:s13+$0x7700] =	vst v0;
	s13 =	smov.u32 s14  }
0x1f: {  	v0 =	vld.idx.msk [tilespmem:v1+s10+$0x0], $0xffff  }
0x20: {  	s14 =	sshra.s32 s15, $0x2;
	v2 =	vld.idx.msk [tilespmem:v3+s10+$0x0], $0xffff  }
0x21: {  	s15 =	sadd.s32 $0x40, s15;
	v1 =	vld [tilespmem:s14+$0x2780]  }
0x22: {  	_ = 	snop  }
0x23: {  	v3 =	vld [tilespmem:s14+$0x0];
	_ =	sdelay $0x3  }
0x24: {  	v0 =	vmul.f32 v0, v2;
	_ =	sdelay $0x1  }
0x25: {  	[tilespmem:s13+$0x7700] =	vst v0  }
0x26: {  	v0 =	vld.idx.msk [tilespmem:v1+s10+$0x0], $0xffff  }
0x27: {  	v63 =	vld.idx.msk [tilespmem:v3+s10+$0x0], $0xffff;
	_ =	sdelay $0x4  }
0x28: {  	s12 =	sadd.s32 $0x1, s12;
	v0 =	vmul.f32 v0, v63  }
0x29: {  	p0 =	sne.s32 s12, s7  }
.Ltmp1:
0x2a: {  	[tilespmem:s14+$0x7700] =	vst v0;
	(pc) =	sbr.rel @p0 .LBB2_1-.Ltmp1, $4  }
0x2b: {  	[hbm4b:s6+s2] =	stream.linear.scatter [tilespmem:s11], [sflag:$0x1], $0x2710, $0x38;
	[tilespmem:$0x9E80] =	vst v63  }
0x2c: {  	_ =	swait.ge [sflag:s8], $0x2710  }
0x2d: {  	[sflag:s8] =	ssyncset.done $0x0  }
0x2e: {  	[sflag:s8] =	ssyncadd.s32 $0xFFFFD8F0  }
0x2f: {  	_ =	sfence.sel $0x180000  }
0x30: {  	[bflag:$0x0] =	sbarrier.arrive $0xFFFF  }
0x31: {  	p0 =	sne.s32 s0, $0x0;
	_ =	strace $0x9000004A  }
0x32: {  	s0 =	sadd.s32 @!p0 $0x100000, s1;
	[bflag:$0x2] =	sbarrier.arrive $0xFFFF  }
0x33: {  	[sflag:s0] =	ssyncadd.tile.s32 @!p0 $0x1;
	_ =	shalt  }
.Lfunc_end2:
_tile_overlayer_lowered:
.L_overlay_start_2:
0x34: {  	(tag) =	ssettag $0x2  }
0x35: {  	s0 =	rddreg [dreg:$0x0];
	s2 =	stileid.u32  }
0x36: {  	s1 =	rddreg [dreg:$0x1];
	p0 =	sne.s32 s2, $0x0  }
0x37: {  	s3 =	rddreg [dreg:$0x2];
	[bflag:$0x3] =	sbarrier.arrive $0xFFFF;
	s2 =	simm.s32 @!p0 $0x1C01  }
0x38: {  	[timem:s3], [sflag:s2] =	dma.local @!p0 [hbm:s0], s1  }
0x39: {  	s0 =	simm.s32 @!p0 $0x1  }
0x3a: {  	_ =	swait.ge @!p0 [sflag:s0], s1  }
0x3b: {  	s1 =	ssub.s32 @!p0 $0x0, s1;
	[sflag:s0] =	ssyncset.done @!p0 $0x0  }
0x3c: {  	[sflag:s0] =	ssyncadd.s32 @!p0 s1  }
0x3d: {  	[bflag:$0x3] =	sbarrier.arrive $0xFFFF  }
0x3e: {  	_ =	shalt  }

// kernel: kernel.20.cloned.1.call-start
scs
__scs_entry_jumppad:
0x0: {  	(pc) =	sbr.rel $0x88, $3  }
0x1: {  	(tag) =	ssettag $0x0;
	lr =	simm.s32 $0x1  }
0x2: {  	[smem:$0x3F95] =	sst lr;
	_ =	strace $0xD0000000  }
0x3: {  	_ = 	snop  }
0x4: {  	_ = 	snop  }
0x5: {  	_ = 	snop  }
0x6: {  	_ = 	snop  }
0x7: {  	_ = 	snop  }
__scs_overlays_trampoline_lowered:
0x8: {  	[smem:$0x3FA4] =	sst s0  }
0x9: {  	[smem:$0x3FA5] =	sst s1  }
0xa: {  	[smem:$0x3FA6] =	sst s2  }
0xb: {  	[smem:$0x3FA7] =	sst s3  }
0xc: {  	[smem:$0x3FA8] =	sst s4  }
0xd: {  	[smem:$0x3FA9] =	sst s5  }
0xe: {  	[smem:$0x3FAA] =	sst s6  }
0xf: {  	[smem:$0x3FAB] =	sst s7  }
0x10: {  	[smem:$0x3FAC] =	sst s8  }
0x11: {  	[smem:$0x3FAD] =	sst s9;
	s0 =	simm.s32 @!p0 $0x0  }
0x12: {  	s1 =	sld [smem:$0x3F93];
	s0 =	simm.s32 @p0 $0x1  }
0x13: {  	[smem:$0x3FAE] =	sst s0;
	s0 =	simm.s32 @!p1 $0x0  }
0x14: {  	s2 =	sld [smem:$0x3F92];
	s0 =	simm.s32 @p1 $0x1  }
0x15: {  	[smem:$0x3FAF] =	sst s0;
	s0 =	simm.s32 @!p2 $0x0  }
0x16: {  	s3 =	sld [smem:$0x3FDB];
	s0 =	simm.s32 @p2 $0x1  }
0x17: {  	s4 =	simm.s32 $0x1BF5;
	[smem:$0x3FB1] =	sst s0  }
0x18: {  	s0 =	sld [smem:$0x3F94];
	_ =	swait.ge [sflag:s4], $0x0  }
0x19: {  	s7 =	sld [smem:$0x3F95]  }
0x1a: {  	s8 =	sadd.s32 $0xFFFFE003, lr  }
0x1b: {  	s9 =	sadd.s32 $0xFFFFFEF7, lr;
	s5 =	simm.s32 $0xFFFFFFFF;
	p2 =	slt.u32 s8, $0xFFFFF086  }
0x1c: {  	p1 =	slt.u32 s9, $0xF7A;
	s5 =	simm.s32 @!p2 $0x0  }
0x1d: {  	s5 =	simm.s32 @p1 $0x1;
	p0 =	seq.s32 s7, s2  }
0x1e: {  	s7 =	smul.u32 @!p0 $0xF7A, s2;
	p2 =	seq.s32 @!p0 s5, $0x0  }
0x1f: {  	s9 =	smul.u32 $0xF7A, s1;
	s8 =	simm.s32 @!p0 $0x1BF5;
	p2 =	por !p2, p0  }
0x20: {  	[sflag:s8] =	ssyncset.s32 @!p0 $0xFFFFF086;
	s6 =	sadd.s32 @!p0 s3, s7;
	s7 =	simm.s32 @!p0 $0x108  }
0x21: {  	s3 =	sadd.s32 s3, s9;
	s6 =	sadd.s32 @!p0 $0x88, s6;
	s7 =	simm.s32 @p2 $0x1082  }
0x22: {  	[simem:s7], [sflag:s8] =	dma.local @!p0 [hbm:s6], $0xF7A  }
0x23: {  	s9 =	sor.u32 $0xD0000000, s2;
	s6 =	simm.s32 $0x108;
	_ =	swait.ge @!p0 [sflag:s8], $0x0  }
0x24: {  	s3 =	sadd.s32 $0x88, s3;
	s6 =	simm.s32 @!p1 $0x1082;
	[sflag:s4] =	ssyncset.s32 $0xFFFFF086  }
0x25: {  	[simem:s6], [sflag:s4] =	dma.local [hbm:s3], $0xF7A  }
0x26: {  	[smem:$0x3F95] =	sst s1;
	(tag) =	ssettag s2;
	_ =	strace s9  }
0x27: {  	s1 =	sld [smem:$0x3FA5]  }
0x28: {  	s2 =	sld [smem:$0x3FA6]  }
0x29: {  	s4 =	sld [smem:$0x3FA8]  }
0x2a: {  	p0 =	seq.s32 s5, $0x0;
	s5 =	sld [smem:$0x3FA9]  }
0x2b: {  	s6 =	sld [smem:$0x3FAA]  }
0x2c: {  	s7 =	sld [smem:$0x3FAB]  }
0x2d: {  	s3 =	simm.s32 $0x108;
	s8 =	sld [smem:$0x3FAC]  }
0x2e: {  	s3 =	simm.s32 @!p0 $0x1082;
	s9 =	sld [smem:$0x3FAD]  }
0x2f: {  	lr =	sadd.s32 s0, s3;
	s0 =	sld [smem:$0x3FA4]  }
0x30: {  	s3 =	sld [smem:$0x3FA7]  }
0x31: {  	[smem:$0x3FB0] =	sst s10  }
0x32: {  	s10 =	sld [smem:$0x3FAE];
	_ =	sdelay $0x3  }
0x33: {  	p0 =	seq.s32 s10, $0x1;
	s10 =	sld [smem:$0x3FB0];
	_ =	sdelay $0x3  }
0x34: {  	[smem:$0x3FB0] =	sst s10  }
0x35: {  	s10 =	sld [smem:$0x3FAF];
	_ =	sdelay $0x3  }
0x36: {  	p1 =	seq.s32 s10, $0x1;
	s10 =	sld [smem:$0x3FB0];
	_ =	sdelay $0x3  }
0x37: {  	[smem:$0x3FB0] =	sst s10  }
0x38: {  	s10 =	sld [smem:$0x3FB1]  }
0x39: {  	_ = 	snop;
	(pc) =	sbr.ind lr, $3  }
0x3a: {  	_ = 	snop  }
0x3b: {  	_ = 	snop  }
0x3c: {  	p2 =	seq.s32 s10, $0x1;
	s10 =	sld [smem:$0x3FB0]  }
0x3d: {  	_ =	shalt  }
0x3e: {  	_ =	shalt  }
0x3f: {  	_ =	shalt  }
0x40: {  	_ =	shalt  }
0x41: {  	_ =	shalt  }
0x42: {  	_ =	shalt  }
0x43: {  	_ =	shalt  }
0x44: {  	_ =	shalt  }
0x45: {  	_ =	shalt  }
0x46: {  	_ =	shalt  }
0x47: {  	_ =	shalt  }
0x48: {  	_ =	shalt  }
0x49: {  	_ =	shalt  }
0x4a: {  	_ =	shalt  }
0x4b: {  	_ =	shalt  }
0x4c: {  	_ =	shalt  }
0x4d: {  	_ =	shalt  }
0x4e: {  	_ =	shalt  }
0x4f: {  	_ =	shalt  }
0x50: {  	_ =	shalt  }
0x51: {  	_ =	shalt  }
0x52: {  	_ =	shalt  }
0x53: {  	_ =	shalt  }
0x54: {  	_ =	shalt  }
0x55: {  	_ =	shalt  }
0x56: {  	_ =	shalt  }
0x57: {  	_ =	shalt  }
0x58: {  	_ =	shalt  }
0x59: {  	_ =	shalt  }
0x5a: {  	_ =	shalt  }
0x5b: {  	_ =	shalt  }
0x5c: {  	_ =	shalt  }
0x5d: {  	_ =	shalt  }
0x5e: {  	_ =	shalt  }
0x5f: {  	_ =	shalt  }
0x60: {  	_ =	shalt  }
0x61: {  	_ =	shalt  }
0x62: {  	_ =	shalt  }
0x63: {  	_ =	shalt  }
0x64: {  	_ =	shalt  }
0x65: {  	_ =	shalt  }
0x66: {  	_ =	shalt  }
0x67: {  	_ =	shalt  }
0x68: {  	_ =	shalt  }
0x69: {  	_ =	shalt  }
0x6a: {  	_ =	shalt  }
0x6b: {  	_ =	shalt  }
0x6c: {  	_ =	shalt  }
0x6d: {  	_ =	shalt  }
0x6e: {  	_ =	shalt  }
0x6f: {  	_ =	shalt  }
0x70: {  	_ =	shalt  }
0x71: {  	_ =	shalt  }
0x72: {  	_ =	shalt  }
0x73: {  	_ =	shalt  }
0x74: {  	_ =	shalt  }
0x75: {  	_ =	shalt  }
0x76: {  	_ =	shalt  }
0x77: {  	_ =	shalt  }
0x78: {  	_ =	shalt  }
0x79: {  	_ =	shalt  }
0x7a: {  	_ =	shalt  }
0x7b: {  	_ =	shalt  }
0x7c: {  	_ =	shalt  }
0x7d: {  	_ =	shalt  }
0x7e: {  	_ =	shalt  }
0x7f: {  	_ =	shalt  }
0x80: {  	_ =	shalt  }
0x81: {  	_ =	shalt  }
0x82: {  	_ =	shalt  }
0x83: {  	_ =	shalt  }
0x84: {  	_ =	shalt  }
0x85: {  	_ =	shalt  }
0x86: {  	_ =	shalt  }
0x87: {  	_ =	shalt  }
.Lfunc_end0:
.L_simem_size_0:
called_computation.2_lowered:
.L_overlay_start_0:
0x88: {  	s2 =	sld [smem:$0x3FD9]  }
0x89: {  	s3 =	sld [smem:$0x3FFE];
	_ =	sdelay $0x1  }
0x8a: {  	s1 =	srdreg.scid  }
0x8b: {  	s0 =	sand.u32 $0x1, s1  }
0x8c: {  	s17 =	sshll.u32 s0, $0xA;
	s2 =	sadd.s32 s3, s2  }
0x8d: {  	s2 =	sadd.s32 s2, s17  }
0x8e: {  	[smem:$0x3FBC] =	sst s2  }
0x8f: {  	_ = 	snop  }
0x90: {  	s2 =	sld [smem:$0x3FD0];
	(tm) =	ssettm $0x1  }
0x91: {  	s18 =	sld [smem:$0x3FFB];
	_ =	sdelay $0x3  }
0x92: {  	_ =	strace s18  }
0x93: {  	s3 =	sld [smem:$0x3FFC];
	_ =	sdelay $0x3  }
0x94: {  	_ =	strace s3  }
0x95: {  	s3 =	sld [smem:$0x3FFD];
	_ =	sdelay $0x3  }
0x96: {  	_ =	strace s3  }
0x97: {  	_ =	strace $0x8FFFFFFF  }
0x98: {  	s19 =	sld [smem:$0x3FDB];
	_ =	sdelay $0x1  }
0x99: {  	s4 =	simm.s32 $_scs_section_size  }
0x9a: {  	s5 =	simm.s32 $_size__tile_overlayer_lowered;
	s6 =	simm.s32 $_tile_overlayer_lowered  }
0x9b: {  	s22 =	simm.s32 $0x1BFF;
	s21 =	sshll.u32 s6, $0x1;
	s3 =	sadd.s32 s4, s19  }
0x9c: {  	s7 =	simm.s32 $0x0;
	s20 =	sshll.u32 s5, $0x1;
	s5 =	sadd.s32 s21, s3  }
0x9d: {  	[timem:s7], [sflag:s22] =	dma.local [hbm:s5], s20  }
0x9e: {  	_ =	swait.ge [sflag:s22], s20  }
0x9f: {  	s4 =	ssub.s32 $0x0, s20;
	[sflag:s22] =	ssyncset.done $0x0  }
0xa0: {  	[sflag:s22] =	ssyncadd.s32 s4;
	_ =	sdelay $0x1  }
0xa1: {  	s23 =	simm.s32 $0x1B8B  }
0xa2: {  	_ =	swait.ge [sflag:s23], $0x1  }
0xa3: {  	[sflag:s23] =	ssyncset.done $0x0  }
0xa4: {  	s25 =	simm.s32 $0x1B8E;
	s24 =	sld [smem:$0x3FFE];
	[sflag:s23] =	ssyncadd.s32 $0xFFFFFFFF  }
0xa5: {  	s26 =	simm.s32 $execute0_lowered;
	[smem:$0x3FD2] =	sst s25  }
0xa6: {  	s5 =	sshll.u32 s26, $0x1;
	_ =	strace $0x8000004C;
	[dreg:$0x1] =	wrdreg $0xFFFFFFFF  }
0xa7: {  	s28 =	simm.s32 $_size_execute0_lowered;
	s3 =	sadd.s32 s3, s5;
	[dreg:$0x0] =	wrdreg $0x0  }
0xa8: {  	s5 =	sshll.u32 s28, $0x1;
	[dreg:$0x2] =	wrdreg s3  }
0xa9: {  	[dreg:$0x3] =	wrdreg s5  }
0xaa: {  	[dreg:$0x4] =	wrdreg $0xC0  }
0xab: {  	_ =	task [dreg:s7], $0x5FFFF  }
0xac: {  	[dreg:$0x1] =	wrdreg $0xFFFFFFFF  }
0xad: {  	[dreg:$0x0] =	wrdreg $0x60  }
0xae: {  	[dreg:$0x2] =	wrdreg s2  }
0xaf: {  	[dreg:$0x3] =	wrdreg s24  }
0xb0: {  	[dreg:$0x4] =	wrdreg $0xA3800  }
0xb1: {  	[dreg:$0x5] =	wrdreg $0x9  }
0xb2: {  	_ =	task.clear_ibuf [dreg:s7], $0x6FFFF;
	_ =	strace $0x9000004C  }
0xb3: {  	s29 =	simm.s32 $0x9;
	_ =	strace $0x8000004E  }
0xb4: {  	_ =	swait.ge [sflag:s29], $0x1  }
0xb5: {  	[sflag:s29] =	ssyncadd.s32 $0xFFFFFFFF  }
0xb6: {  	_ =	strace $0x9000004E  }
0xb7: {  	_ =	sfence  }
0xb8: {  	s30 =	sld [smem:$0x0];
	_ =	sdelay $0x2  }
0xb9: {  	s31 =	sshll.u32 s1, $0xD;
	s1 =	sshrl.u32 s1, $0x2  }
0xba: {  	s3 =	sand.u32 $0x4000, s31;
	s1 =	sadd.s32 s1, s30  }
0xbb: {  	s0 =	sor.u32 s3, s0;
	s1 =	sshll.u32 s1, $0x11  }
0xbc: {  	s0 =	sor.u32 s1, s0  }
0xbd: {  	s0 =	sadd.s32 $0x8F2B, s0  }
0xbe: {  	[sflag:s0] =	ssyncadd.remote.s32 $0x1  }
0xbf: {  	_ =	sfence.sel $0xFFFF  }
0xc0: {  	[dreg:$0x0] =	wrdreg $0xFFFFFFFF;
	(pc) =	sbr.abs _section_cstart, $3  }
0xc1: {  	[dreg:$0x1] =	wrdreg $0xFFFFFFFF  }
0xc2: {  	_ =	task.clear_ibuf [dreg:s7], $0x2FFFF;
	_ =	strace $0x9FFFFFFF  }
0xc3: {  	(tm) =	ssettm $0x7FFFFFFF  }
tec
execute0_lowered:
.L_overlay_start_1:
0x0: {  	(tag) =	ssettag $0x1  }
0x1: {  	s25 =	rddreg [dreg:$0x0]  }
0x2: {  	s0 =	rddreg [dreg:$0x1]  }
0x3: {  	s1 =	srdreg.scid;
	s12 =	stileid.u32  }
0x4: {  	s4 =	simm.s32 $0x0;
	s1 =	sand.u32 $0x1, s1;
	s18 =	sshll.u32 s12, $0x1  }
0x5: {  	[smem:$0x7FF] =	sst s4;
	s5 =	smul.u32 $0x280, s12;
	s4 =	sor.u32 s1, s18  }
0x6: {  	s2 =	rddreg [dreg:$0x2];
	s6 =	sadd.s32 $0x54D600, s0;
	s10 =	smul.u32 $0x2710, s4  }
0x7: {  	s7 =	sadd.s32 $0xFE00, s0;
	s8 =	sadd.s32 $0x6000, s0;
	s4 =	smul.u32 $0x27100, s4  }
0x8: {  	s9 =	sadd.s32 $0x41400, s0;
	s3 =	smul.u32 $0x2800, s1;
	s1 =	ssub.s32 $0x2, s1  }
0x9: {  	_ =	strace $0x8000004D;
	s19 =	sshrl.u32 s1, $0x1;
	s23 =	sadd.s32 s6, s4  }
0xa: {  	s1 =	ssub.s32 s1, s19;
	s26 =	sadd.s32 $0x50, s10;
	[dreg:$0x7] =	wrdreg s23  }
0xb: {  	s11 =	sshrl.u32 s10, $0x3;
	s1 =	smax.u32 s1, $0x1;
	[dreg:$0x8] =	wrdreg s26  }
0xc: {  	s3 =	sadd.s32 s5, s3;
	s20 =	sadd.s32 s7, s11;
	[dreg:$0xf] =	wrdreg s1  }
0xd: {  	s3 =	sshll.u32 s3, $0x4;
	s21 =	sadd.s32 s8, s11;
	[dreg:$0x4] =	wrdreg s20  }
0xe: {  	s0 =	sadd.s32 s3, s0;
	s22 =	sadd.s32 s9, s11;
	[dreg:$0x5] =	wrdreg s21  }
0xf: {  	[dreg:$0x6] =	wrdreg s22;
	s11 =	sadd.s32 $0xA2F600, s0  }
0x10: {  	s24 =	smul.u32 $0x50000, s12;
	s12 =	sadd.s32 $0xA2FB00, s0;
	[dreg:$0x9] =	wrdreg s11  }
0x11: {  	s28 =	simm.s32 $0x1;
	s13 =	sadd.s32 $0xA30000, s0;
	[dreg:$0xa] =	wrdreg s12  }
0x12: {  	s29 =	simm.s32 $0x2;
	s14 =	sadd.s32 $0xA30500, s0;
	[dreg:$0xb] =	wrdreg s13  }
0x13: {  	s30 =	simm.s32 $0x3;
	s16 =	sadd.s32 $0xA30A00, s0;
	[dreg:$0xd] =	wrdreg s14  }
0x14: {  	s31 =	simm.s32 $0x4;
	s17 =	sadd.s32 $0xA30F00, s0;
	[dreg:$0xe] =	wrdreg s16  }
0x15: {  	s15 =	sadd.s32 $0xA0, s10;
	s18 =	sadd.s32 $0xA31400, s0;
	[dreg:$0x10] =	wrdreg s17  }
0x16: {  	s3 =	sshrl.u32 s24, $0x2;
	s0 =	sadd.s32 $0xA31900, s0;
	[dreg:$0x11] =	wrdreg s18  }
0x17: {  	s10 =	simm.s32 $0x50;
	s3 =	sadd.s32 s3, s2;
	[dreg:$0x12] =	wrdreg s0  }
0x18: {  	s1 =	simm.s32 $0x0;
	s19 =	sadd.s32 $0x2800, s3;
	[dreg:$0xc] =	wrdreg s3  }
0x19: {  	s20 =	sadd.s32 $0x5000, s3;
	s21 =	sadd.s32 $0x7800, s3;
	[dreg:$0x13] =	wrdreg s19  }
0x1a: {  	s22 =	sadd.s32 $0xA000, s3;
	s23 =	sadd.s32 $0xC800, s3;
	[dreg:$0x14] =	wrdreg s20  }
0x1b: {  	s24 =	sadd.s32 $0xF000, s3;
	s26 =	sadd.s32 $0x11800, s3;
	[dreg:$0x15] =	wrdreg s21  }
0x1c: {  	s11 =	simm.s32 $0x300;
	s12 =	simm.s32 $0x2B80;
	[dreg:$0x16] =	wrdreg s22  }
0x1d: {  	s13 =	simm.s32 $0x7;
	s16 =	simm.s32 $0x80;
	[dreg:$0x17] =	wrdreg s23  }
0x1e: {  	v0 =	vlaneseq.u32;
	s17 =	simm.s32 $0x100;
	s18 =	simm.s32 $0x5;
	[dreg:$0x18] =	wrdreg s24  }
0x1f: {  	v1 =	vimm.f32 $0.0e+00;
	v2 =	vor.u32 $0x10, v0;
	[dreg:$0x19] =	wrdreg s26;
	s21 =	simm.s32 $0x180;
	s22 =	simm.s32 $0x200  }
0x20: {  	v3 =	vor.u32 $0x20, v0;
	v4 =	vor.u32 $0x30, v0;
	v5 =	vor.u32 $0x40, v0;
	s23 =	simm.s32 $0x280;
	s24 =	simm.s32 $0x6;
	s26 =	simm.s32 $0x7B80  }
.LBB2_1:
0x21: {  	[dreg:$0x1a] =	wrdreg s1;
	s0 =	simm.s32 $0x0;
	s1 =	simm.s32 $0x200  }
.LBB2_2:
0x22: {  	p0 =	sne.s32 s1, $0x9E00;
	[tilespmem:s0+$0x2BF0] =	vst v1  }
0x23: {  	[tilespmem:s0+$0x2B80] =	vst v1  }
0x24: {  	[tilespmem:s0+$0x2B90] =	vst v1  }
.Ltmp0:
0x25: {  	[tilespmem:s0+$0x2BA0] =	vst v1;
	(pc) =	sbr.rel @p0 .LBB2_2-.Ltmp0, $4  }
0x26: {  	[tilespmem:s0+$0x2BB0] =	vst v1  }
0x27: {  	[tilespmem:s0+$0x2BC0] =	vst v1  }
0x28: {  	[tilespmem:s0+$0x2BD0] =	vst v1  }
0x29: {  	[tilespmem:s0+$0x2BE0] =	vst v1;
	s0 =	sshra.s32 s1, $0x2;
	s1 =	sadd.s32 $0x200, s1  }
0x2a: {  	[tilespmem:s0+$0x2BF0] =	vst v1  }
0x2b: {  	[tilespmem:s0+$0x2B80] =	vst v1  }
0x2c: {  	[tilespmem:s0+$0x2B90] =	vst v1  }
0x2d: {  	[tilespmem:s0+$0x2BA0] =	vst v1  }
0x2e: {  	[tilespmem:s0+$0x2BB0] =	vst v1  }
0x2f: {  	[tilespmem:s0+$0x2BC0] =	vst v1  }
0x30: {  	[tilespmem:s0+$0x2BD0] =	vst v1;
	s1 =	sadd.s32 $0x0, s5  }
0x31: {  	[tilespmem:s0+$0x2BE0] =	vst v1;
	v6 =	vadd.s32 s1, v5  }
0x32: {  	v7 =	vor.u32 s1, v0;
	[tilespmem:$0x340] =	vst v6  }
0x33: {  	v6 =	vadd.s32 s1, v2;
	[tilespmem:$0x300] =	vst v7  }
0x34: {  	v7 =	vadd.s32 s1, v3;
	[tilespmem:$0x310] =	vst v6  }
0x35: {  	s0 =	simm.s32 $0x50;
	v6 =	vadd.s32 s1, v4;
	[tilespmem:$0x320] =	vst v7  }
.LBB2_4:
0x36: {  	p0 =	sne.s32 s0, $0x230;
	[tilespmem:$0x330] =	vst v6;
	s1 =	smov.u32 s0;
	s0 =	sadd.s32 $0x50, s0  }
0x37: {  	[spmem:s2] =	stream.indirect.scatter [tilespmem:s12], [sflag:$0x7], $0x80, s11, s10, $0xb8;
	[tilespmem:$0x1E380] =	vst v63  }
0x38: {  	_ =	swait.ge [sflag:s13], $0x2800  }
0x39: {  	s1 =	sadd.s32 s1, s5;
	[sflag:s13] =	ssyncset.done $0x0  }
.Ltmp1:
0x3a: {  	v7 =	vor.u32 s1, v0;
	v8 =	vadd.s32 s1, v2;
	v9 =	vadd.s32 s1, v5;
	[sflag:s13] =	ssyncadd.s32 $0xFFFFD800;
	(pc) =	sbr.rel @p0 .LBB2_4-.Ltmp1, $4  }
0x3b: {  	v10 =	vadd.s32 s1, v3;
	v6 =	vadd.s32 s1, v4;
	[tilespmem:$0x340] =	vst v9  }
0x3c: {  	[tilespmem:$0x300] =	vst v7  }
0x3d: {  	[tilespmem:$0x310] =	vst v8  }
0x3e: {  	[tilespmem:$0x320] =	vst v10  }
0x3f: {  	[tilespmem:$0x330] =	vst v6  }
0x40: {  	[spmem:s2] =	stream.indirect.scatter [tilespmem:s12], [sflag:$0x7], $0x80, s11, s10, $0xb8;
	[tilespmem:$0x1E380] =	vst v63  }
0x41: {  	_ =	swait.ge [sflag:s13], $0x2800  }
0x42: {  	[sflag:s13] =	ssyncset.done $0x0  }
0x43: {  	[sflag:s13] =	ssyncadd.s32 $0xFFFFD800  }
0x44: {  	[bflag:$0x0] =	sbarrier.arrive $0xFFFF  }
0x45: {  	s3 =	simm.s32 $0x0;
	s0 =	rddreg [dreg:$0x4]  }
0x46: {  	[tilespmem:s3], [sflag:$0x5] =	stream.linear.gather [hbm4b:s0+s3], $0x50, $0x38;
	[tilespmem:$0x1E380] =	vst v63  }
0x47: {  	s4 =	rddreg [dreg:$0x5]  }
0x48: {  	[tilespmem:s16], [sflag:$0x5] =	stream.linear.gather [hbm4b:s4+s3], $0x50, $0x38;
	[tilespmem:$0x1E380] =	vst v63  }
0x49: {  	s14 =	rddreg [dreg:$0x6]  }
0x4a: {  	[tilespmem:s17], [sflag:$0x5] =	stream.linear.gather [hbm4b:s14+s3], $0x50, $0x38;
	[tilespmem:$0x1E380] =	vst v63  }
0x4b: {  	_ =	swait.ge [sflag:s18], $0x50  }
0x4c: {  	[sflag:s18] =	ssyncset.done $0x0  }
0x4d: {  	[sflag:s18] =	ssyncadd.s32 $0xFFFFFFB0  }
0x4e: {  	_ =	swait.ge [sflag:s18], $0x50  }
0x4f: {  	[sflag:s18] =	ssyncset.done $0x0  }
0x50: {  	[sflag:s18] =	ssyncadd.s32 $0xFFFFFFB0  }
0x51: {  	_ =	swait.ge [sflag:s18], $0x50  }
0x52: {  	[sflag:s18] =	ssyncset.done $0x0  }
0x53: {  	s19 =	simm.s32 $0x380;
	[sflag:s18] =	ssyncadd.s32 $0xFFFFFFB0  }
0x54: {  	[tilespmem:s19], [sflag:$0x1] =	stream.indirect.gather [hbm4b:s25+s10], $0x80, s3, s10, $0xb8;
	[tilespmem:$0x1E380] =	vst v63  }
0x55: {  	s20 =	rddreg [dreg:$0x7];
	s19 =	simm.s32 $0x0  }
0x56: {  	[tilespmem:s12], [sflag:$0x2] =	stream.linear.gather [hbm4b:s20+s3], $0x2800, $0x38;
	[tilespmem:$0x1E380] =	vst v63  }
.LBB2_6:
0x57: {  	s4 =	smul.u32 $0xA0, s19  }
0x58: {  	s0 =	rddreg [dreg:$0x8]  }
0x59: {  	s0 =	sadd.s32 s4, s0  }
0x5a: {  	s1 =	sshrl.u32 s0, $0x3  }
0x5b: {  	s20 =	sadd.s32 s7, s1  }
0x5c: {  	[tilespmem:s21], [sflag:$0x6] =	stream.linear.gather [hbm4b:s20+s3], $0x50, $0x38;
	[tilespmem:$0x1E380] =	vst v63  }
0x5d: {  	s14 =	sadd.s32 s8, s1  }
0x5e: {  	[tilespmem:s22], [sflag:$0x6] =	stream.linear.gather [hbm4b:s14+s3], $0x50, $0x38;
	[tilespmem:$0x1E380] =	vst v63  }
0x5f: {  	s1 =	sadd.s32 s9, s1  }
0x60: {  	[tilespmem:s23], [sflag:$0x6] =	stream.linear.gather [hbm4b:s1+s3], $0x50, $0x38;
	[tilespmem:$0x1E380] =	vst v63  }
0x61: {  	_ =	swait.ge [sflag:s24], $0x50  }
0x62: {  	[sflag:s24] =	ssyncset.done $0x0  }
0x63: {  	[sflag:s24] =	ssyncadd.s32 $0xFFFFFFB0  }
0x64: {  	_ =	swait.ge [sflag:s24], $0x50  }
0x65: {  	[sflag:s24] =	ssyncset.done $0x0  }
0x66: {  	[sflag:s24] =	ssyncadd.s32 $0xFFFFFFB0  }
0x67: {  	_ =	swait.ge [sflag:s24], $0x50  }
0x68: {  	[sflag:s24] =	ssyncset.done $0x0  }
0x69: {  	s0 =	sshll.u32 s0, $0x4;
	s20 =	simm.s32 $0x5380;
	[sflag:s24] =	ssyncadd.s32 $0xFFFFFFB0  }
0x6a: {  	[tilespmem:s20], [sflag:$0x3] =	stream.indirect.gather [hbm4b:s25+s10], $0x80, s21, s10, $0xb8;
	[tilespmem:$0x1E380] =	vst v63  }
0x6b: {  	s0 =	sadd.s32 s6, s0  }
0x6c: {  	[tilespmem:s26], [sflag:$0x4] =	stream.linear.gather [hbm4b:s0+s3], $0x2800, $0x38;
	[tilespmem:$0x1E380] =	vst v63  }
0x6d: {  	_ =	swait.ge [sflag:s28], $0x2800  }
0x6e: {  	[sflag:s28] =	ssyncset.done $0x0  }
0x6f: {  	[sflag:s28] =	ssyncadd.s32 $0xFFFFD800  }
0x70: {  	_ =	swait.ge [sflag:s29], $0x2800  }
0x71: {  	[sflag:s29] =	ssyncset.done $0x0  }
0x72: {  	v6 =	vmov s3;
	s14 =	smov.u32 s25;
	s25 =	simm.s32 $0x2BC0;
	[sflag:s29] =	ssyncadd.s32 $0xFFFFD800  }
0x73: {  	s0 =	simm.s32 $0x3C0;
	v7 =	vld [tilespmem:s25+$0xFFFFFFC0]  }
0x74: {  	v8 =	vld [tilespmem:s0+$0xFFFFFFC0];
	_ =	sdelay $0x2  }
0x75: {  	v6 =	vld.idx.msk [tilespmem:v6+s17+$0x0], $0xffff;
	_ =	sdelay $0x1  }
0x76: {  	v7 =	vadd.f32 v7, v8;
	_ =	sdelay $0x1  }
0x77: {  	v7 =	vmax.f32 v7, $0.0e+00  }
0x78: {  	v7 =	vmul.f32 v7, v6;
	_ =	sdelay $0x1  }
0x79: {  	[tilespmem:s25+$0xFFFFFFC0] =	vst v7;
	v7 =	vld [tilespmem:s25+$0xFFFFFFD0]  }
0x7a: {  	v8 =	vld [tilespmem:s0+$0xFFFFFFD0];
	_ =	sdelay $0x4  }
0x7b: {  	v7 =	vadd.f32 v7, v8;
	_ =	sdelay $0x1  }
0x7c: {  	v7 =	vmax.f32 v7, $0.0e+00  }
0x7d: {  	v7 =	vmul.f32 v7, v6;
	_ =	sdelay $0x1  }
0x7e: {  	[tilespmem:s25+$0xFFFFFFD0] =	vst v7;
	v7 =	vld [tilespmem:s25+$0xFFFFFFE0]  }
0x7f: {  	v8 =	vld [tilespmem:s0+$0xFFFFFFE0];
	_ =	sdelay $0x4  }
0x80: {  	v7 =	vadd.f32 v7, v8;
	_ =	sdelay $0x1  }
0x81: {  	v7 =	vmax.f32 v7, $0.0e+00  }
0x82: {  	v7 =	vmul.f32 v7, v6;
	_ =	sdelay $0x1  }
0x83: {  	[tilespmem:s25+$0xFFFFFFE0] =	vst v7;
	v7 =	vld [tilespmem:s25+$0xFFFFFFF0]  }
0x84: {  	v8 =	vld [tilespmem:s0+$0xFFFFFFF0];
	_ =	sdelay $0x4  }
0x85: {  	v7 =	vadd.f32 v7, v8;
	_ =	sdelay $0x1  }
0x86: {  	v7 =	vmax.f32 v7, $0.0e+00  }
0x87: {  	v7 =	vmul.f32 v7, v6;
	_ =	sdelay $0x1  }
0x88: {  	[tilespmem:s25+$0xFFFFFFF0] =	vst v7;
	v7 =	vld [tilespmem:s25+$0x0]  }
0x89: {  	v8 =	vld [tilespmem:s0+$0x0];
	_ =	sdelay $0x4  }
0x8a: {  	v7 =	vadd.f32 v7, v8;
	_ =	sdelay $0x1  }
0x8b: {  	v7 =	vmax.f32 v7, $0.0e+00  }
0x8c: {  	v7 =	vmul.f32 v7, v6;
	_ =	sdelay $0x1  }
0x8d: {  	[tilespmem:s25+$0x0] =	vst v7;
	v7 =	vld [tilespmem:s25+$0x10]  }
0x8e: {  	v8 =	vld [tilespmem:s0+$0x10];
	_ =	sdelay $0x4  }
0x8f: {  	v7 =	vadd.f32 v7, v8;
	_ =	sdelay $0x1  }
0x90: {  	v7 =	vmax.f32 v7, $0.0e+00  }
0x91: {  	v7 =	vmul.f32 v7, v6;
	_ =	sdelay $0x1  }
0x92: {  	[tilespmem:s25+$0x10] =	vst v7;
	v7 =	vld [tilespmem:s25+$0x20]  }
0x93: {  	v8 =	vld [tilespmem:s0+$0x20];
	_ =	sdelay $0x4  }
0x94: {  	v7 =	vadd.f32 v7, v8;
	_ =	sdelay $0x1  }
0x95: {  	v7 =	vmax.f32 v7, $0.0e+00  }
0x96: {  	v7 =	vmul.f32 v7, v6;
	_ =	sdelay $0x1  }
0x97: {  	[tilespmem:s25+$0x20] =	vst v7;
	v7 =	vld [tilespmem:s25+$0x30]  }
0x98: {  	v8 =	vld [tilespmem:s0+$0x30];
	_ =	sdelay $0x4  }
0x99: {  	v7 =	vadd.f32 v7, v8  }
0x9a: {  	s20 =	simm.s32 $0x1  }
0x9b: {  	v8 =	vmax.f32 v7, $0.0e+00;
	v7 =	vmov s20  }
0x9c: {  	s1 =	simm.s32 $0x2BC0;
	s20 =	simm.s32 $0x2;
	v6 =	vmul.f32 v8, v6  }
.LBB2_7:
0x9d: {  	p0 =	sne.s32 s20, $0x4F;
	s25 =	sadd.s32 $0x80, s25  }
0x9e: {  	s0 =	sadd.s32 $0x80, s0;
	v8 =	vld [tilespmem:s25+$0xFFFFFFC0];
	[tilespmem:s1+$0x30] =	vst v6;
	s1 =	smov.u32 s25  }
0x9f: {  	v9 =	vld [tilespmem:s0+$0xFFFFFFC0]  }
0xa0: {  	v6 =	vld.idx.msk [tilespmem:v7+s17+$0x0], $0xffff;
	_ =	sdelay $0x3  }
0xa1: {  	v7 =	vadd.f32 v8, v9;
	_ =	sdelay $0x1  }
0xa2: {  	v7 =	vmax.f32 v7, $0.0e+00  }
0xa3: {  	v7 =	vmul.f32 v7, v6;
	_ =	sdelay $0x1  }
0xa4: {  	[tilespmem:s25+$0xFFFFFFC0] =	vst v7;
	v7 =	vld [tilespmem:s25+$0xFFFFFFD0]  }
0xa5: {  	v8 =	vld [tilespmem:s0+$0xFFFFFFD0];
	_ =	sdelay $0x4  }
0xa6: {  	v7 =	vadd.f32 v7, v8;
	_ =	sdelay $0x1  }
0xa7: {  	v7 =	vmax.f32 v7, $0.0e+00  }
0xa8: {  	v7 =	vmul.f32 v7, v6;
	_ =	sdelay $0x1  }
0xa9: {  	[tilespmem:s25+$0xFFFFFFD0] =	vst v7;
	v7 =	vld [tilespmem:s25+$0xFFFFFFE0]  }
0xaa: {  	v8 =	vld [tilespmem:s0+$0xFFFFFFE0];
	_ =	sdelay $0x4  }
0xab: {  	v7 =	vadd.f32 v7, v8;
	_ =	sdelay $0x1  }
0xac: {  	v7 =	vmax.f32 v7, $0.0e+00  }
0xad: {  	v7 =	vmul.f32 v7, v6;
	_ =	sdelay $0x1  }
0xae: {  	[tilespmem:s25+$0xFFFFFFE0] =	vst v7;
	v7 =	vld [tilespmem:s25+$0xFFFFFFF0]  }
0xaf: {  	v8 =	vld [tilespmem:s0+$0xFFFFFFF0];
	_ =	sdelay $0x4  }
0xb0: {  	v7 =	vadd.f32 v7, v8;
	_ =	sdelay $0x1  }
0xb1: {  	v7 =	vmax.f32 v7, $0.0e+00  }
0xb2: {  	v7 =	vmul.f32 v7, v6;
	_ =	sdelay $0x1  }
0xb3: {  	[tilespmem:s25+$0xFFFFFFF0] =	vst v7;
	v7 =	vld [tilespmem:s25+$0x0]  }
0xb4: {  	v8 =	vld [tilespmem:s0+$0x0];
	_ =	sdelay $0x4  }
0xb5: {  	v7 =	vadd.f32 v7, v8;
	_ =	sdelay $0x1  }
0xb6: {  	v7 =	vmax.f32 v7, $0.0e+00  }
0xb7: {  	v7 =	vmul.f32 v7, v6;
	_ =	sdelay $0x1  }
0xb8: {  	[tilespmem:s25+$0x0] =	vst v7;
	v7 =	vld [tilespmem:s25+$0x10]  }
0xb9: {  	v8 =	vld [tilespmem:s0+$0x10];
	_ =	sdelay $0x4  }
0xba: {  	v7 =	vadd.f32 v7, v8;
	_ =	sdelay $0x1  }
0xbb: {  	v7 =	vmax.f32 v7, $0.0e+00  }
0xbc: {  	v7 =	vmul.f32 v7, v6;
	_ =	sdelay $0x1  }
0xbd: {  	[tilespmem:s25+$0x10] =	vst v7;
	v7 =	vld [tilespmem:s25+$0x20]  }
0xbe: {  	v8 =	vld [tilespmem:s0+$0x20];
	_ =	sdelay $0x4  }
0xbf: {  	v7 =	vadd.f32 v7, v8;
	_ =	sdelay $0x1  }
0xc0: {  	v7 =	vmax.f32 v7, $0.0e+00  }
0xc1: {  	v7 =	vmul.f32 v7, v6;
	_ =	sdelay $0x1  }
0xc2: {  	[tilespmem:s25+$0x20] =	vst v7;
	v7 =	vld [tilespmem:s25+$0x30]  }
0xc3: {  	v8 =	vld [tilespmem:s0+$0x30];
	_ =	sdelay $0x3  }
.Ltmp2:
0xc4: {  	(pc) =	sbr.rel @p0 .LBB2_7-.Ltmp2, $3  }
0xc5: {  	v8 =	vadd.f32 v7, v8;
	_ =	sdelay $0x1  }
0xc6: {  	v7 =	vmov s20;
	v8 =	vmax.f32 v8, $0.0e+00  }
0xc7: {  	s20 =	sadd.s32 $0x1, s20;
	v6 =	vmul.f32 v8, v6  }
0xc8: {  	s20 =	sadd.s32 $0x80, s25  }
0xc9: {  	s0 =	sadd.s32 $0x80, s0;
	v8 =	vld [tilespmem:s20+$0xFFFFFFC0];
	[tilespmem:s1+$0x30] =	vst v6  }
0xca: {  	v6 =	vld [tilespmem:s0+$0xFFFFFFC0];
	_ =	sdelay $0x2  }
0xcb: {  	v7 =	vld.idx.msk [tilespmem:v7+s17+$0x0], $0xffff;
	_ =	sdelay $0x1  }
0xcc: {  	v6 =	vadd.f32 v8, v6;
	_ =	sdelay $0x1  }
0xcd: {  	v6 =	vmax.f32 v6, $0.0e+00  }
0xce: {  	v6 =	vmul.f32 v6, v7;
	_ =	sdelay $0x1  }
0xcf: {  	[tilespmem:s20+$0xFFFFFFC0] =	vst v6;
	v6 =	vld [tilespmem:s20+$0xFFFFFFD0]  }
0xd0: {  	v8 =	vld [tilespmem:s0+$0xFFFFFFD0];
	_ =	sdelay $0x4  }
0xd1: {  	v6 =	vadd.f32 v6, v8;
	_ =	sdelay $0x1  }
0xd2: {  	v6 =	vmax.f32 v6, $0.0e+00  }
0xd3: {  	v6 =	vmul.f32 v6, v7;
	_ =	sdelay $0x1  }
0xd4: {  	[tilespmem:s20+$0xFFFFFFD0] =	vst v6;
	v6 =	vld [tilespmem:s20+$0xFFFFFFE0]  }
0xd5: {  	v8 =	vld [tilespmem:s0+$0xFFFFFFE0];
	_ =	sdelay $0x4  }
0xd6: {  	v6 =	vadd.f32 v6, v8;
	_ =	sdelay $0x1  }
0xd7: {  	v6 =	vmax.f32 v6, $0.0e+00  }
0xd8: {  	v6 =	vmul.f32 v6, v7;
	_ =	sdelay $0x1  }
0xd9: {  	[tilespmem:s20+$0xFFFFFFE0] =	vst v6;
	v6 =	vld [tilespmem:s20+$0xFFFFFFF0]  }
0xda: {  	v8 =	vld [tilespmem:s0+$0xFFFFFFF0];
	_ =	sdelay $0x4  }
0xdb: {  	v6 =	vadd.f32 v6, v8;
	_ =	sdelay $0x1  }
0xdc: {  	v6 =	vmax.f32 v6, $0.0e+00  }
0xdd: {  	v6 =	vmul.f32 v6, v7;
	_ =	sdelay $0x1  }
0xde: {  	[tilespmem:s20+$0xFFFFFFF0] =	vst v6;
	v6 =	vld [tilespmem:s20+$0x0]  }
0xdf: {  	v8 =	vld [tilespmem:s0+$0x0];
	_ =	sdelay $0x4  }
0xe0: {  	v6 =	vadd.f32 v6, v8;
	_ =	sdelay $0x1  }
0xe1: {  	v6 =	vmax.f32 v6, $0.0e+00  }
0xe2: {  	v6 =	vmul.f32 v6, v7;
	_ =	sdelay $0x1  }
0xe3: {  	[tilespmem:s20+$0x0] =	vst v6;
	v6 =	vld [tilespmem:s20+$0x10]  }
0xe4: {  	v8 =	vld [tilespmem:s0+$0x10];
	_ =	sdelay $0x4  }
0xe5: {  	v6 =	vadd.f32 v6, v8;
	_ =	sdelay $0x1  }
0xe6: {  	v6 =	vmax.f32 v6, $0.0e+00  }
0xe7: {  	v6 =	vmul.f32 v6, v7;
	_ =	sdelay $0x1  }
0xe8: {  	[tilespmem:s20+$0x10] =	vst v6;
	v6 =	vld [tilespmem:s20+$0x20]  }
0xe9: {  	v8 =	vld [tilespmem:s0+$0x20];
	_ =	sdelay $0x4  }
0xea: {  	v6 =	vadd.f32 v6, v8;
	_ =	sdelay $0x1  }
0xeb: {  	v6 =	vmax.f32 v6, $0.0e+00  }
0xec: {  	v6 =	vmul.f32 v6, v7;
	_ =	sdelay $0x1  }
0xed: {  	[tilespmem:s20+$0x20] =	vst v6;
	v6 =	vld [tilespmem:s20+$0x30]  }
0xee: {  	v8 =	vld [tilespmem:s0+$0x30];
	_ =	sdelay $0x4  }
0xef: {  	v6 =	vadd.f32 v6, v8;
	_ =	sdelay $0x1  }
0xf0: {  	v6 =	vmax.f32 v6, $0.0e+00  }
0xf1: {  	v6 =	vmul.f32 v6, v7;
	_ =	sdelay $0x1  }
0xf2: {  	[tilespmem:s20+$0x30] =	vst v6  }
0xf3: {  	[spmem:s2] =	stream.indirect.scatter.add.f32 [tilespmem:s12], [sflag:$0x7], $0x80, s16, s10, $0xb8;
	[tilespmem:$0x1E380] =	vst v63  }
0xf4: {  	s0 =	sadd.s32 s4, s15;
	_ =	swait.ge [sflag:s13], $0x2800  }
0xf5: {  	s1 =	sshrl.u32 s0, $0x3;
	[sflag:s13] =	ssyncset.done $0x0  }
0xf6: {  	s25 =	sadd.s32 s7, s1;
	s20 =	simm.s32 $0x0;
	[sflag:s13] =	ssyncadd.s32 $0xFFFFD800  }
0xf7: {  	[tilespmem:s20], [sflag:$0x5] =	stream.linear.gather [hbm4b:s25+s20], $0x50, $0x38;
	[tilespmem:$0x1E380] =	vst v63  }
0xf8: {  	s25 =	sadd.s32 s8, s1  }
0xf9: {  	[tilespmem:s16], [sflag:$0x5] =	stream.linear.gather [hbm4b:s25+s20], $0x50, $0x38;
	[tilespmem:$0x1E380] =	vst v63  }
0xfa: {  	s1 =	sadd.s32 s9, s1  }
0xfb: {  	[tilespmem:s17], [sflag:$0x5] =	stream.linear.gather [hbm4b:s1+s20], $0x50, $0x38;
	[tilespmem:$0x1E380] =	vst v63  }
0xfc: {  	_ =	swait.ge [sflag:s18], $0x50  }
0xfd: {  	[sflag:s18] =	ssyncset.done $0x0  }
0xfe: {  	[sflag:s18] =	ssyncadd.s32 $0xFFFFFFB0  }
0xff: {  	_ =	swait.ge [sflag:s18], $0x50  }
0x100: {  	[sflag:s18] =	ssyncset.done $0x0  }
0x101: {  	[sflag:s18] =	ssyncadd.s32 $0xFFFFFFB0  }
0x102: {  	_ =	swait.ge [sflag:s18], $0x50  }
0x103: {  	[sflag:s18] =	ssyncset.done $0x0  }
0x104: {  	s4 =	simm.s32 $0x380;
	s0 =	sshll.u32 s0, $0x4;
	[sflag:s18] =	ssyncadd.s32 $0xFFFFFFB0  }
0x105: {  	[tilespmem:s4], [sflag:$0x1] =	stream.indirect.gather [hbm4b:s14+s10], $0x80, s20, s10, $0xb8;
	[tilespmem:$0x1E380] =	vst v63  }
0x106: {  	s0 =	sadd.s32 s6, s0  }
0x107: {  	[tilespmem:s12], [sflag:$0x2] =	stream.linear.gather [hbm4b:s0+s20], $0x2800, $0x38;
	[tilespmem:$0x1E380] =	vst v63  }
0x108: {  	_ =	swait.ge [sflag:s30], $0x2800  }
0x109: {  	[sflag:s30] =	ssyncset.done $0x0  }
0x10a: {  	[sflag:s30] =	ssyncadd.s32 $0xFFFFD800  }
0x10b: {  	_ =	swait.ge [sflag:s31], $0x2800  }
0x10c: {  	[sflag:s31] =	ssyncset.done $0x0  }
0x10d: {  	v6 =	vmov s20;
	s4 =	simm.s32 $0x7BC0;
	[sflag:s31] =	ssyncadd.s32 $0xFFFFD800  }
0x10e: {  	s0 =	simm.s32 $0x53C0;
	v7 =	vld [tilespmem:s4+$0xFFFFFFC0]  }
0x10f: {  	v8 =	vld [tilespmem:s0+$0xFFFFFFC0];
	_ =	sdelay $0x2  }
0x110: {  	v6 =	vld.idx.msk [tilespmem:v6+s23+$0x0], $0xffff;
	_ =	sdelay $0x1  }
0x111: {  	v7 =	vadd.f32 v7, v8;
	_ =	sdelay $0x1  }
0x112: {  	v7 =	vmax.f32 v7, $0.0e+00  }
0x113: {  	v7 =	vmul.f32 v7, v6;
	_ =	sdelay $0x1  }
0x114: {  	[tilespmem:s4+$0xFFFFFFC0] =	vst v7;
	v7 =	vld [tilespmem:s4+$0xFFFFFFD0]  }
0x115: {  	v8 =	vld [tilespmem:s0+$0xFFFFFFD0];
	_ =	sdelay $0x4  }
0x116: {  	v7 =	vadd.f32 v7, v8;
	_ =	sdelay $0x1  }
0x117: {  	v7 =	vmax.f32 v7, $0.0e+00  }
0x118: {  	v7 =	vmul.f32 v7, v6;
	_ =	sdelay $0x1  }
0x119: {  	[tilespmem:s4+$0xFFFFFFD0] =	vst v7;
	v7 =	vld [tilespmem:s4+$0xFFFFFFE0]  }
0x11a: {  	v8 =	vld [tilespmem:s0+$0xFFFFFFE0];
	_ =	sdelay $0x4  }
0x11b: {  	v7 =	vadd.f32 v7, v8;
	_ =	sdelay $0x1  }
0x11c: {  	v7 =	vmax.f32 v7, $0.0e+00  }
0x11d: {  	v7 =	vmul.f32 v7, v6;
	_ =	sdelay $0x1  }
0x11e: {  	[tilespmem:s4+$0xFFFFFFE0] =	vst v7;
	v7 =	vld [tilespmem:s4+$0xFFFFFFF0]  }
0x11f: {  	v8 =	vld [tilespmem:s0+$0xFFFFFFF0];
	_ =	sdelay $0x4  }
0x120: {  	v7 =	vadd.f32 v7, v8;
	_ =	sdelay $0x1  }
0x121: {  	v7 =	vmax.f32 v7, $0.0e+00  }
0x122: {  	v7 =	vmul.f32 v7, v6;
	_ =	sdelay $0x1  }
0x123: {  	[tilespmem:s4+$0xFFFFFFF0] =	vst v7;
	v7 =	vld [tilespmem:s4+$0x0]  }
0x124: {  	v8 =	vld [tilespmem:s0+$0x0];
	_ =	sdelay $0x4  }
0x125: {  	v7 =	vadd.f32 v7, v8;
	_ =	sdelay $0x1  }
0x126: {  	v7 =	vmax.f32 v7, $0.0e+00  }
0x127: {  	v7 =	vmul.f32 v7, v6;
	_ =	sdelay $0x1  }
0x128: {  	[tilespmem:s4+$0x0] =	vst v7;
	v7 =	vld [tilespmem:s4+$0x10]  }
0x129: {  	v8 =	vld [tilespmem:s0+$0x10];
	_ =	sdelay $0x4  }
0x12a: {  	v7 =	vadd.f32 v7, v8;
	_ =	sdelay $0x1  }
0x12b: {  	v7 =	vmax.f32 v7, $0.0e+00  }
0x12c: {  	v7 =	vmul.f32 v7, v6;
	_ =	sdelay $0x1  }
0x12d: {  	[tilespmem:s4+$0x10] =	vst v7;
	v7 =	vld [tilespmem:s4+$0x20]  }
0x12e: {  	v8 =	vld [tilespmem:s0+$0x20];
	_ =	sdelay $0x4  }
0x12f: {  	v7 =	vadd.f32 v7, v8;
	_ =	sdelay $0x1  }
0x130: {  	v7 =	vmax.f32 v7, $0.0e+00  }
0x131: {  	v7 =	vmul.f32 v7, v6;
	_ =	sdelay $0x1  }
0x132: {  	[tilespmem:s4+$0x20] =	vst v7;
	v7 =	vld [tilespmem:s4+$0x30]  }
0x133: {  	v8 =	vld [tilespmem:s0+$0x30];
	_ =	sdelay $0x4  }
0x134: {  	v7 =	vadd.f32 v7, v8  }
0x135: {  	s20 =	simm.s32 $0x1  }
0x136: {  	v8 =	vmax.f32 v7, $0.0e+00;
	v7 =	vmov s20  }
0x137: {  	s25 =	smov.u32 s14;
	s1 =	simm.s32 $0x7BC0;
	s20 =	simm.s32 $0x2;
	v6 =	vmul.f32 v8, v6  }
.LBB2_9:
0x138: {  	p0 =	sne.s32 s20, $0x4F;
	s4 =	sadd.s32 $0x80, s4  }
0x139: {  	s0 =	sadd.s32 $0x80, s0;
	v8 =	vld [tilespmem:s4+$0xFFFFFFC0];
	[tilespmem:s1+$0x30] =	vst v6;
	s1 =	smov.u32 s4  }
0x13a: {  	v9 =	vld [tilespmem:s0+$0xFFFFFFC0]  }
0x13b: {  	v6 =	vld.idx.msk [tilespmem:v7+s23+$0x0], $0xffff;
	_ =	sdelay $0x3  }
0x13c: {  	v7 =	vadd.f32 v8, v9;
	_ =	sdelay $0x1  }
0x13d: {  	v7 =	vmax.f32 v7, $0.0e+00  }
0x13e: {  	v7 =	vmul.f32 v7, v6;
	_ =	sdelay $0x1  }
0x13f: {  	[tilespmem:s4+$0xFFFFFFC0] =	vst v7;
	v7 =	vld [tilespmem:s4+$0xFFFFFFD0]  }
0x140: {  	v8 =	vld [tilespmem:s0+$0xFFFFFFD0];
	_ =	sdelay $0x4  }
0x141: {  	v7 =	vadd.f32 v7, v8;
	_ =	sdelay $0x1  }
0x142: {  	v7 =	vmax.f32 v7, $0.0e+00  }
0x143: {  	v7 =	vmul.f32 v7, v6;
	_ =	sdelay $0x1  }
0x144: {  	[tilespmem:s4+$0xFFFFFFD0] =	vst v7;
	v7 =	vld [tilespmem:s4+$0xFFFFFFE0]  }
0x145: {  	v8 =	vld [tilespmem:s0+$0xFFFFFFE0];
	_ =	sdelay $0x4  }
0x146: {  	v7 =	vadd.f32 v7, v8;
	_ =	sdelay $0x1  }
0x147: {  	v7 =	vmax.f32 v7, $0.0e+00  }
0x148: {  	v7 =	vmul.f32 v7, v6;
	_ =	sdelay $0x1  }
0x149: {  	[tilespmem:s4+$0xFFFFFFE0] =	vst v7;
	v7 =	vld [tilespmem:s4+$0xFFFFFFF0]  }
0x14a: {  	v8 =	vld [tilespmem:s0+$0xFFFFFFF0];
	_ =	sdelay $0x4  }
0x14b: {  	v7 =	vadd.f32 v7, v8;
	_ =	sdelay $0x1  }
0x14c: {  	v7 =	vmax.f32 v7, $0.0e+00  }
0x14d: {  	v7 =	vmul.f32 v7, v6;
	_ =	sdelay $0x1  }
0x14e: {  	[tilespmem:s4+$0xFFFFFFF0] =	vst v7;
	v7 =	vld [tilespmem:s4+$0x0]  }
0x14f: {  	v8 =	vld [tilespmem:s0+$0x0];
	_ =	sdelay $0x4  }
0x150: {  	v7 =	vadd.f32 v7, v8;
	_ =	sdelay $0x1  }
0x151: {  	v7 =	vmax.f32 v7, $0.0e+00  }
0x152: {  	v7 =	vmul.f32 v7, v6;
	_ =	sdelay $0x1  }
0x153: {  	[tilespmem:s4+$0x0] =	vst v7;
	v7 =	vld [tilespmem:s4+$0x10]  }
0x154: {  	v8 =	vld [tilespmem:s0+$0x10];
	_ =	sdelay $0x4  }
0x155: {  	v7 =	vadd.f32 v7, v8;
	_ =	sdelay $0x1  }
0x156: {  	v7 =	vmax.f32 v7, $0.0e+00  }
0x157: {  	v7 =	vmul.f32 v7, v6;
	_ =	sdelay $0x1  }
0x158: {  	[tilespmem:s4+$0x10] =	vst v7;
	v7 =	vld [tilespmem:s4+$0x20]  }
0x159: {  	v8 =	vld [tilespmem:s0+$0x20];
	_ =	sdelay $0x4  }
0x15a: {  	v7 =	vadd.f32 v7, v8;
	_ =	sdelay $0x1  }
0x15b: {  	v7 =	vmax.f32 v7, $0.0e+00  }
0x15c: {  	v7 =	vmul.f32 v7, v6;
	_ =	sdelay $0x1  }
0x15d: {  	[tilespmem:s4+$0x20] =	vst v7;
	v7 =	vld [tilespmem:s4+$0x30]  }
0x15e: {  	v8 =	vld [tilespmem:s0+$0x30];
	_ =	sdelay $0x3  }
.Ltmp3:
0x15f: {  	(pc) =	sbr.rel @p0 .LBB2_9-.Ltmp3, $3  }
0x160: {  	v8 =	vadd.f32 v7, v8;
	_ =	sdelay $0x1  }
0x161: {  	v7 =	vmov s20;
	v8 =	vmax.f32 v8, $0.0e+00  }
0x162: {  	s20 =	sadd.s32 $0x1, s20;
	v6 =	vmul.f32 v8, v6  }
0x163: {  	s4 =	sadd.s32 $0x80, s4  }
0x164: {  	s0 =	sadd.s32 $0x80, s0;
	v8 =	vld [tilespmem:s4+$0xFFFFFFC0];
	[tilespmem:s1+$0x30] =	vst v6  }
0x165: {  	v6 =	vld [tilespmem:s0+$0xFFFFFFC0];
	_ =	sdelay $0x2  }
0x166: {  	v7 =	vld.idx.msk [tilespmem:v7+s23+$0x0], $0xffff;
	_ =	sdelay $0x1  }
0x167: {  	v6 =	vadd.f32 v8, v6;
	_ =	sdelay $0x1  }
0x168: {  	v6 =	vmax.f32 v6, $0.0e+00  }
0x169: {  	v6 =	vmul.f32 v6, v7;
	_ =	sdelay $0x1  }
0x16a: {  	[tilespmem:s4+$0xFFFFFFC0] =	vst v6;
	v6 =	vld [tilespmem:s4+$0xFFFFFFD0]  }
0x16b: {  	v57 =	vld [tilespmem:s0+$0xFFFFFFD0];
	_ =	sdelay $0x4  }
0x16c: {  	v6 =	vadd.f32 v6, v57;
	_ =	sdelay $0x1  }
0x16d: {  	v6 =	vmax.f32 v6, $0.0e+00  }
0x16e: {  	v6 =	vmul.f32 v6, v7;
	_ =	sdelay $0x1  }
0x16f: {  	[tilespmem:s4+$0xFFFFFFD0] =	vst v6;
	v6 =	vld [tilespmem:s4+$0xFFFFFFE0]  }
0x170: {  	v58 =	vld [tilespmem:s0+$0xFFFFFFE0];
	_ =	sdelay $0x4  }
0x171: {  	v6 =	vadd.f32 v6, v58;
	_ =	sdelay $0x1  }
0x172: {  	v6 =	vmax.f32 v6, $0.0e+00  }
0x173: {  	v6 =	vmul.f32 v6, v7;
	_ =	sdelay $0x1  }
0x174: {  	[tilespmem:s4+$0xFFFFFFE0] =	vst v6;
	v6 =	vld [tilespmem:s4+$0xFFFFFFF0]  }
0x175: {  	v59 =	vld [tilespmem:s0+$0xFFFFFFF0];
	_ =	sdelay $0x4  }
0x176: {  	v6 =	vadd.f32 v6, v59;
	_ =	sdelay $0x1  }
0x177: {  	v6 =	vmax.f32 v6, $0.0e+00  }
0x178: {  	v6 =	vmul.f32 v6, v7;
	_ =	sdelay $0x1  }
0x179: {  	[tilespmem:s4+$0xFFFFFFF0] =	vst v6;
	v6 =	vld [tilespmem:s4+$0x0]  }
0x17a: {  	v60 =	vld [tilespmem:s0+$0x0];
	_ =	sdelay $0x4  }
0x17b: {  	v6 =	vadd.f32 v6, v60;
	_ =	sdelay $0x1  }
0x17c: {  	v6 =	vmax.f32 v6, $0.0e+00  }
0x17d: {  	v6 =	vmul.f32 v6, v7;
	_ =	sdelay $0x1  }
0x17e: {  	[tilespmem:s4+$0x0] =	vst v6;
	v6 =	vld [tilespmem:s4+$0x10]  }
0x17f: {  	v61 =	vld [tilespmem:s0+$0x10];
	_ =	sdelay $0x4  }
0x180: {  	v6 =	vadd.f32 v6, v61;
	_ =	sdelay $0x1  }
0x181: {  	v6 =	vmax.f32 v6, $0.0e+00  }
0x182: {  	v6 =	vmul.f32 v6, v7;
	_ =	sdelay $0x1  }
0x183: {  	[tilespmem:s4+$0x10] =	vst v6;
	v6 =	vld [tilespmem:s4+$0x20]  }
0x184: {  	v62 =	vld [tilespmem:s0+$0x20];
	_ =	sdelay $0x4  }
0x185: {  	v6 =	vadd.f32 v6, v62;
	_ =	sdelay $0x1  }
0x186: {  	v6 =	vmax.f32 v6, $0.0e+00  }
0x187: {  	v6 =	vmul.f32 v6, v7;
	_ =	sdelay $0x1  }
0x188: {  	[tilespmem:s4+$0x20] =	vst v6;
	v6 =	vld [tilespmem:s4+$0x30]  }
0x189: {  	v63 =	vld [tilespmem:s0+$0x30];
	_ =	sdelay $0x4  }
0x18a: {  	v6 =	vadd.f32 v6, v63;
	_ =	sdelay $0x1  }
0x18b: {  	v6 =	vmax.f32 v6, $0.0e+00  }
0x18c: {  	s19 =	sadd.s32 $0x1, s19;
	v6 =	vmul.f32 v6, v7  }
0x18d: {  	p0 =	sne.s32 s19, $0x3E  }
.Ltmp4:
0x18e: {  	[tilespmem:s4+$0x30] =	vst v6;
	(pc) =	sbr.rel @p0 .LBB2_6-.Ltmp4, $4  }
0x18f: {  	[spmem:s2] =	stream.indirect.scatter.add.f32 [tilespmem:s26], [sflag:$0x7], $0x80, s22, s10, $0xb8;
	[tilespmem:$0x1E380] =	vst v63  }
0x190: {  	_ =	swait.ge [sflag:s13], $0x2800  }
0x191: {  	[sflag:s13] =	ssyncset.done $0x0  }
0x192: {  	[sflag:s13] =	ssyncadd.s32 $0xFFFFD800  }
0x193: {  	_ =	swait.ge [sflag:s28], $0x2800  }
0x194: {  	[sflag:s28] =	ssyncset.done $0x0  }
0x195: {  	[sflag:s28] =	ssyncadd.s32 $0xFFFFD800  }
0x196: {  	_ =	swait.ge [sflag:s29], $0x2800  }
0x197: {  	s0 =	simm.s32 $0x0;
	[sflag:s29] =	ssyncset.done $0x0  }
0x198: {  	s3 =	simm.s32 $0x2BC0;
	v6 =	vmov s0;
	[sflag:s29] =	ssyncadd.s32 $0xFFFFD800  }
0x199: {  	s0 =	simm.s32 $0x3C0;
	v7 =	vld [tilespmem:s3+$0xFFFFFFC0]  }
0x19a: {  	v8 =	vld [tilespmem:s0+$0xFFFFFFC0];
	_ =	sdelay $0x2  }
0x19b: {  	v6 =	vld.idx.msk [tilespmem:v6+s17+$0x0], $0xffff;
	_ =	sdelay $0x1  }
0x19c: {  	v7 =	vadd.f32 v7, v8;
	_ =	sdelay $0x1  }
0x19d: {  	v7 =	vmax.f32 v7, $0.0e+00  }
0x19e: {  	v7 =	vmul.f32 v7, v6;
	_ =	sdelay $0x1  }
0x19f: {  	[tilespmem:s3+$0xFFFFFFC0] =	vst v7;
	v7 =	vld [tilespmem:s3+$0xFFFFFFD0]  }
0x1a0: {  	v8 =	vld [tilespmem:s0+$0xFFFFFFD0];
	_ =	sdelay $0x4  }
0x1a1: {  	v7 =	vadd.f32 v7, v8;
	_ =	sdelay $0x1  }
0x1a2: {  	v7 =	vmax.f32 v7, $0.0e+00  }
0x1a3: {  	v7 =	vmul.f32 v7, v6;
	_ =	sdelay $0x1  }
0x1a4: {  	[tilespmem:s3+$0xFFFFFFD0] =	vst v7;
	v7 =	vld [tilespmem:s3+$0xFFFFFFE0]  }
0x1a5: {  	v8 =	vld [tilespmem:s0+$0xFFFFFFE0];
	_ =	sdelay $0x4  }
0x1a6: {  	v7 =	vadd.f32 v7, v8;
	_ =	sdelay $0x1  }
0x1a7: {  	v7 =	vmax.f32 v7, $0.0e+00  }
0x1a8: {  	v7 =	vmul.f32 v7, v6;
	_ =	sdelay $0x1  }
0x1a9: {  	[tilespmem:s3+$0xFFFFFFE0] =	vst v7;
	v7 =	vld [tilespmem:s3+$0xFFFFFFF0]  }
0x1aa: {  	v8 =	vld [tilespmem:s0+$0xFFFFFFF0];
	_ =	sdelay $0x4  }
0x1ab: {  	v7 =	vadd.f32 v7, v8;
	_ =	sdelay $0x1  }
0x1ac: {  	v7 =	vmax.f32 v7, $0.0e+00  }
0x1ad: {  	v7 =	vmul.f32 v7, v6;
	_ =	sdelay $0x1  }
0x1ae: {  	[tilespmem:s3+$0xFFFFFFF0] =	vst v7;
	v7 =	vld [tilespmem:s3+$0x0]  }
0x1af: {  	v8 =	vld [tilespmem:s0+$0x0];
	_ =	sdelay $0x4  }
0x1b0: {  	v7 =	vadd.f32 v7, v8;
	_ =	sdelay $0x1  }
0x1b1: {  	v7 =	vmax.f32 v7, $0.0e+00  }
0x1b2: {  	v7 =	vmul.f32 v7, v6;
	_ =	sdelay $0x1  }
0x1b3: {  	[tilespmem:s3+$0x0] =	vst v7;
	v7 =	vld [tilespmem:s3+$0x10]  }
0x1b4: {  	v8 =	vld [tilespmem:s0+$0x10];
	_ =	sdelay $0x4  }
0x1b5: {  	v7 =	vadd.f32 v7, v8;
	_ =	sdelay $0x1  }
0x1b6: {  	v7 =	vmax.f32 v7, $0.0e+00  }
0x1b7: {  	v7 =	vmul.f32 v7, v6;
	_ =	sdelay $0x1  }
0x1b8: {  	[tilespmem:s3+$0x10] =	vst v7;
	v7 =	vld [tilespmem:s3+$0x20]  }
0x1b9: {  	v8 =	vld [tilespmem:s0+$0x20];
	_ =	sdelay $0x4  }
0x1ba: {  	v7 =	vadd.f32 v7, v8;
	_ =	sdelay $0x1  }
0x1bb: {  	v7 =	vmax.f32 v7, $0.0e+00  }
0x1bc: {  	v7 =	vmul.f32 v7, v6;
	_ =	sdelay $0x1  }
0x1bd: {  	[tilespmem:s3+$0x20] =	vst v7;
	v7 =	vld [tilespmem:s3+$0x30]  }
0x1be: {  	v8 =	vld [tilespmem:s0+$0x30];
	_ =	sdelay $0x4  }
0x1bf: {  	v7 =	vadd.f32 v7, v8  }
0x1c0: {  	s1 =	simm.s32 $0x1  }
0x1c1: {  	v8 =	vmax.f32 v7, $0.0e+00;
	v7 =	vmov s1  }
0x1c2: {  	s4 =	simm.s32 $0x2;
	s1 =	simm.s32 $0x2BC0;
	v6 =	vmul.f32 v8, v6  }
.LBB2_12:
0x1c3: {  	p0 =	sne.s32 s4, $0x4F;
	s3 =	sadd.s32 $0x80, s3  }
0x1c4: {  	s0 =	sadd.s32 $0x80, s0;
	v8 =	vld [tilespmem:s3+$0xFFFFFFC0];
	[tilespmem:s1+$0x30] =	vst v6;
	s1 =	smov.u32 s3  }
0x1c5: {  	v9 =	vld [tilespmem:s0+$0xFFFFFFC0]  }
0x1c6: {  	v6 =	vld.idx.msk [tilespmem:v7+s17+$0x0], $0xffff;
	_ =	sdelay $0x3  }
0x1c7: {  	v7 =	vadd.f32 v8, v9;
	_ =	sdelay $0x1  }
0x1c8: {  	v7 =	vmax.f32 v7, $0.0e+00  }
0x1c9: {  	v7 =	vmul.f32 v7, v6;
	_ =	sdelay $0x1  }
0x1ca: {  	[tilespmem:s3+$0xFFFFFFC0] =	vst v7;
	v7 =	vld [tilespmem:s3+$0xFFFFFFD0]  }
0x1cb: {  	v8 =	vld [tilespmem:s0+$0xFFFFFFD0];
	_ =	sdelay $0x4  }
0x1cc: {  	v7 =	vadd.f32 v7, v8;
	_ =	sdelay $0x1  }
0x1cd: {  	v7 =	vmax.f32 v7, $0.0e+00  }
0x1ce: {  	v7 =	vmul.f32 v7, v6;
	_ =	sdelay $0x1  }
0x1cf: {  	[tilespmem:s3+$0xFFFFFFD0] =	vst v7;
	v7 =	vld [tilespmem:s3+$0xFFFFFFE0]  }
0x1d0: {  	v8 =	vld [tilespmem:s0+$0xFFFFFFE0];
	_ =	sdelay $0x4  }
0x1d1: {  	v7 =	vadd.f32 v7, v8;
	_ =	sdelay $0x1  }
0x1d2: {  	v7 =	vmax.f32 v7, $0.0e+00  }
0x1d3: {  	v7 =	vmul.f32 v7, v6;
	_ =	sdelay $0x1  }
0x1d4: {  	[tilespmem:s3+$0xFFFFFFE0] =	vst v7;
	v7 =	vld [tilespmem:s3+$0xFFFFFFF0]  }
0x1d5: {  	v8 =	vld [tilespmem:s0+$0xFFFFFFF0];
	_ =	sdelay $0x4  }
0x1d6: {  	v7 =	vadd.f32 v7, v8;
	_ =	sdelay $0x1  }
0x1d7: {  	v7 =	vmax.f32 v7, $0.0e+00  }
0x1d8: {  	v7 =	vmul.f32 v7, v6;
	_ =	sdelay $0x1  }
0x1d9: {  	[tilespmem:s3+$0xFFFFFFF0] =	vst v7;
	v7 =	vld [tilespmem:s3+$0x0]  }
0x1da: {  	v8 =	vld [tilespmem:s0+$0x0];
	_ =	sdelay $0x4  }
0x1db: {  	v7 =	vadd.f32 v7, v8;
	_ =	sdelay $0x1  }
0x1dc: {  	v7 =	vmax.f32 v7, $0.0e+00  }
0x1dd: {  	v7 =	vmul.f32 v7, v6;
	_ =	sdelay $0x1  }
0x1de: {  	[tilespmem:s3+$0x0] =	vst v7;
	v7 =	vld [tilespmem:s3+$0x10]  }
0x1df: {  	v8 =	vld [tilespmem:s0+$0x10];
	_ =	sdelay $0x4  }
0x1e0: {  	v7 =	vadd.f32 v7, v8;
	_ =	sdelay $0x1  }
0x1e1: {  	v7 =	vmax.f32 v7, $0.0e+00  }
0x1e2: {  	v7 =	vmul.f32 v7, v6;
	_ =	sdelay $0x1  }
0x1e3: {  	[tilespmem:s3+$0x10] =	vst v7;
	v7 =	vld [tilespmem:s3+$0x20]  }
0x1e4: {  	v8 =	vld [tilespmem:s0+$0x20];
	_ =	sdelay $0x4  }
0x1e5: {  	v7 =	vadd.f32 v7, v8;
	_ =	sdelay $0x1  }
0x1e6: {  	v7 =	vmax.f32 v7, $0.0e+00  }
0x1e7: {  	v7 =	vmul.f32 v7, v6;
	_ =	sdelay $0x1  }
0x1e8: {  	[tilespmem:s3+$0x20] =	vst v7;
	v7 =	vld [tilespmem:s3+$0x30]  }
0x1e9: {  	v8 =	vld [tilespmem:s0+$0x30];
	_ =	sdelay $0x3  }
.Ltmp5:
0x1ea: {  	(pc) =	sbr.rel @p0 .LBB2_12-.Ltmp5, $3  }
0x1eb: {  	v8 =	vadd.f32 v7, v8;
	_ =	sdelay $0x1  }
0x1ec: {  	v7 =	vmov s4;
	v8 =	vmax.f32 v8, $0.0e+00  }
0x1ed: {  	s4 =	sadd.s32 $0x1, s4;
	v6 =	vmul.f32 v8, v6  }
0x1ee: {  	s3 =	sadd.s32 $0x80, s3  }
0x1ef: {  	s0 =	sadd.s32 $0x80, s0;
	[tilespmem:s1+$0x30] =	vst v6;
	v6 =	vld [tilespmem:s3+$0xFFFFFFC0]  }
0x1f0: {  	v8 =	vld [tilespmem:s0+$0xFFFFFFC0];
	_ =	sdelay $0x2  }
0x1f1: {  	v7 =	vld.idx.msk [tilespmem:v7+s17+$0x0], $0xffff;
	_ =	sdelay $0x1  }
0x1f2: {  	v6 =	vadd.f32 v6, v8;
	_ =	sdelay $0x1  }
0x1f3: {  	v6 =	vmax.f32 v6, $0.0e+00  }
0x1f4: {  	v6 =	vmul.f32 v6, v7;
	_ =	sdelay $0x1  }
0x1f5: {  	[tilespmem:s3+$0xFFFFFFC0] =	vst v6;
	v6 =	vld [tilespmem:s3+$0xFFFFFFD0]  }
0x1f6: {  	v57 =	vld [tilespmem:s0+$0xFFFFFFD0];
	_ =	sdelay $0x4  }
0x1f7: {  	v6 =	vadd.f32 v6, v57;
	_ =	sdelay $0x1  }
0x1f8: {  	v6 =	vmax.f32 v6, $0.0e+00  }
0x1f9: {  	v6 =	vmul.f32 v6, v7;
	_ =	sdelay $0x1  }
0x1fa: {  	[tilespmem:s3+$0xFFFFFFD0] =	vst v6;
	v6 =	vld [tilespmem:s3+$0xFFFFFFE0]  }
0x1fb: {  	v58 =	vld [tilespmem:s0+$0xFFFFFFE0];
	_ =	sdelay $0x4  }
0x1fc: {  	v6 =	vadd.f32 v6, v58;
	_ =	sdelay $0x1  }
0x1fd: {  	v6 =	vmax.f32 v6, $0.0e+00  }
0x1fe: {  	v6 =	vmul.f32 v6, v7;
	_ =	sdelay $0x1  }
0x1ff: {  	[tilespmem:s3+$0xFFFFFFE0] =	vst v6;
	v6 =	vld [tilespmem:s3+$0xFFFFFFF0]  }
0x200: {  	v59 =	vld [tilespmem:s0+$0xFFFFFFF0];
	_ =	sdelay $0x4  }
0x201: {  	v6 =	vadd.f32 v6, v59;
	_ =	sdelay $0x1  }
0x202: {  	v6 =	vmax.f32 v6, $0.0e+00  }
0x203: {  	v6 =	vmul.f32 v6, v7;
	_ =	sdelay $0x1  }
0x204: {  	[tilespmem:s3+$0xFFFFFFF0] =	vst v6;
	v6 =	vld [tilespmem:s3+$0x0]  }
0x205: {  	v60 =	vld [tilespmem:s0+$0x0];
	_ =	sdelay $0x4  }
0x206: {  	v6 =	vadd.f32 v6, v60;
	_ =	sdelay $0x1  }
0x207: {  	v6 =	vmax.f32 v6, $0.0e+00  }
0x208: {  	v6 =	vmul.f32 v6, v7;
	_ =	sdelay $0x1  }
0x209: {  	[tilespmem:s3+$0x0] =	vst v6;
	v6 =	vld [tilespmem:s3+$0x10]  }
0x20a: {  	v61 =	vld [tilespmem:s0+$0x10];
	_ =	sdelay $0x4  }
0x20b: {  	v6 =	vadd.f32 v6, v61;
	_ =	sdelay $0x1  }
0x20c: {  	v6 =	vmax.f32 v6, $0.0e+00  }
0x20d: {  	v6 =	vmul.f32 v6, v7;
	_ =	sdelay $0x1  }
0x20e: {  	[tilespmem:s3+$0x10] =	vst v6;
	v6 =	vld [tilespmem:s3+$0x20]  }
0x20f: {  	v62 =	vld [tilespmem:s0+$0x20];
	_ =	sdelay $0x4  }
0x210: {  	v6 =	vadd.f32 v6, v62;
	_ =	sdelay $0x1  }
0x211: {  	v6 =	vmax.f32 v6, $0.0e+00  }
0x212: {  	v6 =	vmul.f32 v6, v7;
	_ =	sdelay $0x1  }
0x213: {  	v63 =	vld [tilespmem:s3+$0x30];
	[tilespmem:s3+$0x20] =	vst v6  }
0x214: {  	v6 =	vld [tilespmem:s0+$0x30];
	_ =	sdelay $0x4  }
0x215: {  	v6 =	vadd.f32 v63, v6;
	_ =	sdelay $0x1  }
0x216: {  	v6 =	vmax.f32 v6, $0.0e+00  }
0x217: {  	v6 =	vmul.f32 v6, v7;
	_ =	sdelay $0x1  }
0x218: {  	[tilespmem:s3+$0x30] =	vst v6  }
0x219: {  	[spmem:s2] =	stream.indirect.scatter.add.f32 [tilespmem:s12], [sflag:$0x7], $0x80, s16, s10, $0xb8;
	[tilespmem:$0x1E380] =	vst v63  }
0x21a: {  	_ =	swait.ge [sflag:s13], $0x2800  }
0x21b: {  	[sflag:s13] =	ssyncset.done $0x0  }
0x21c: {  	[sflag:s13] =	ssyncadd.s32 $0xFFFFD800  }
0x21d: {  	[bflag:$0x0] =	sbarrier.arrive $0xFFFF  }
0x21e: {  	s14 =	rddreg [dreg:$0xc]  }
0x21f: {  	[tilespmem:s12], [sflag:$0x7] =	stream.linear.gather [spmem:s14], $0x2800, $0x38;
	[tilespmem:$0x1E380] =	vst v63  }
0x220: {  	_ =	swait.ge [sflag:s13], $0x2800  }
0x221: {  	[sflag:s13] =	ssyncset.done $0x0  }
0x222: {  	s0 =	simm.s32 $0x0;
	s19 =	rddreg [dreg:$0x9];
	[sflag:s13] =	ssyncadd.s32 $0xFFFFD800  }
0x223: {  	[hbm4b:s19+s0] =	stream.linear.scatter [tilespmem:s12], [sflag:$0x7], $0x2800, $0x38;
	[tilespmem:$0x1E380] =	vst v63  }
0x224: {  	_ =	swait.ge [sflag:s13], $0x2800  }
0x225: {  	[sflag:s13] =	ssyncset.done $0x0  }
0x226: {  	s20 =	rddreg [dreg:$0x13];
	[sflag:s13] =	ssyncadd.s32 $0xFFFFD800  }
0x227: {  	[tilespmem:s12], [sflag:$0x7] =	stream.linear.gather [spmem:s20], $0x2800, $0x38;
	[tilespmem:$0x1E380] =	vst v63  }
0x228: {  	_ =	swait.ge [sflag:s13], $0x2800  }
0x229: {  	[sflag:s13] =	ssyncset.done $0x0  }
0x22a: {  	s3 =	rddreg [dreg:$0xa];
	[sflag:s13] =	ssyncadd.s32 $0xFFFFD800  }
0x22b: {  	[hbm4b:s3+s0] =	stream.linear.scatter [tilespmem:s12], [sflag:$0x7], $0x2800, $0x38;
	[tilespmem:$0x1E380] =	vst v63  }
0x22c: {  	_ =	swait.ge [sflag:s13], $0x2800  }
0x22d: {  	[sflag:s13] =	ssyncset.done $0x0  }
0x22e: {  	s4 =	rddreg [dreg:$0x14];
	[sflag:s13] =	ssyncadd.s32 $0xFFFFD800  }
0x22f: {  	[tilespmem:s12], [sflag:$0x7] =	stream.linear.gather [spmem:s4], $0x2800, $0x38;
	[tilespmem:$0x1E380] =	vst v63  }
0x230: {  	_ =	swait.ge [sflag:s13], $0x2800  }
0x231: {  	[sflag:s13] =	ssyncset.done $0x0  }
0x232: {  	s14 =	rddreg [dreg:$0xb];
	[sflag:s13] =	ssyncadd.s32 $0xFFFFD800  }
0x233: {  	[hbm4b:s14+s0] =	stream.linear.scatter [tilespmem:s12], [sflag:$0x7], $0x2800, $0x38;
	[tilespmem:$0x1E380] =	vst v63  }
0x234: {  	_ =	swait.ge [sflag:s13], $0x2800  }
0x235: {  	[sflag:s13] =	ssyncset.done $0x0  }
0x236: {  	s19 =	rddreg [dreg:$0x15];
	[sflag:s13] =	ssyncadd.s32 $0xFFFFD800  }
0x237: {  	[tilespmem:s12], [sflag:$0x7] =	stream.linear.gather [spmem:s19], $0x2800, $0x38;
	[tilespmem:$0x1E380] =	vst v63  }
0x238: {  	_ =	swait.ge [sflag:s13], $0x2800  }
0x239: {  	[sflag:s13] =	ssyncset.done $0x0  }
0x23a: {  	s20 =	rddreg [dreg:$0xd];
	[sflag:s13] =	ssyncadd.s32 $0xFFFFD800  }
0x23b: {  	[hbm4b:s20+s0] =	stream.linear.scatter [tilespmem:s12], [sflag:$0x7], $0x2800, $0x38;
	[tilespmem:$0x1E380] =	vst v63  }
0x23c: {  	_ =	swait.ge [sflag:s13], $0x2800  }
0x23d: {  	[sflag:s13] =	ssyncset.done $0x0  }
0x23e: {  	s3 =	rddreg [dreg:$0x16];
	[sflag:s13] =	ssyncadd.s32 $0xFFFFD800  }
0x23f: {  	[tilespmem:s12], [sflag:$0x7] =	stream.linear.gather [spmem:s3], $0x2800, $0x38;
	[tilespmem:$0x1E380] =	vst v63  }
0x240: {  	_ =	swait.ge [sflag:s13], $0x2800  }
0x241: {  	[sflag:s13] =	ssyncset.done $0x0  }
0x242: {  	s4 =	rddreg [dreg:$0xe];
	[sflag:s13] =	ssyncadd.s32 $0xFFFFD800  }
0x243: {  	[hbm4b:s4+s0] =	stream.linear.scatter [tilespmem:s12], [sflag:$0x7], $0x2800, $0x38;
	[tilespmem:$0x1E380] =	vst v63  }
0x244: {  	_ =	swait.ge [sflag:s13], $0x2800  }
0x245: {  	[sflag:s13] =	ssyncset.done $0x0  }
0x246: {  	s14 =	rddreg [dreg:$0x17];
	[sflag:s13] =	ssyncadd.s32 $0xFFFFD800  }
0x247: {  	[tilespmem:s12], [sflag:$0x7] =	stream.linear.gather [spmem:s14], $0x2800, $0x38;
	[tilespmem:$0x1E380] =	vst v63  }
0x248: {  	_ =	swait.ge [sflag:s13], $0x2800  }
0x249: {  	[sflag:s13] =	ssyncset.done $0x0  }
0x24a: {  	s19 =	rddreg [dreg:$0x10];
	[sflag:s13] =	ssyncadd.s32 $0xFFFFD800  }
0x24b: {  	[hbm4b:s19+s0] =	stream.linear.scatter [tilespmem:s12], [sflag:$0x7], $0x2800, $0x38;
	[tilespmem:$0x1E380] =	vst v63  }
0x24c: {  	_ =	swait.ge [sflag:s13], $0x2800  }
0x24d: {  	[sflag:s13] =	ssyncset.done $0x0  }
0x24e: {  	s20 =	rddreg [dreg:$0x18];
	[sflag:s13] =	ssyncadd.s32 $0xFFFFD800  }
0x24f: {  	[tilespmem:s12], [sflag:$0x7] =	stream.linear.gather [spmem:s20], $0x2800, $0x38;
	[tilespmem:$0x1E380] =	vst v63  }
0x250: {  	_ =	swait.ge [sflag:s13], $0x2800  }
0x251: {  	[sflag:s13] =	ssyncset.done $0x0  }
0x252: {  	s3 =	rddreg [dreg:$0x11];
	[sflag:s13] =	ssyncadd.s32 $0xFFFFD800  }
0x253: {  	[hbm4b:s3+s0] =	stream.linear.scatter [tilespmem:s12], [sflag:$0x7], $0x2800, $0x38;
	[tilespmem:$0x1E380] =	vst v63  }
0x254: {  	_ =	swait.ge [sflag:s13], $0x2800  }
0x255: {  	[sflag:s13] =	ssyncset.done $0x0  }
0x256: {  	s4 =	rddreg [dreg:$0x19];
	[sflag:s13] =	ssyncadd.s32 $0xFFFFD800  }
0x257: {  	[tilespmem:s12], [sflag:$0x7] =	stream.linear.gather [spmem:s4], $0x2800, $0x38;
	[tilespmem:$0x1E380] =	vst v63  }
0x258: {  	_ =	swait.ge [sflag:s13], $0x2800  }
0x259: {  	[sflag:s13] =	ssyncset.done $0x0  }
0x25a: {  	s14 =	rddreg [dreg:$0x12];
	[sflag:s13] =	ssyncadd.s32 $0xFFFFD800  }
0x25b: {  	[hbm4b:s14+s0] =	stream.linear.scatter [tilespmem:s12], [sflag:$0x7], $0x2800, $0x38;
	[tilespmem:$0x1E380] =	vst v63  }
0x25c: {  	_ =	swait.ge [sflag:s13], $0x2800  }
0x25d: {  	s19 =	rddreg [dreg:$0x1a]  }
0x25e: {  	s20 =	rddreg [dreg:$0xf];
	s1 =	sadd.s32 $0x1, s19  }
0x25f: {  	p0 =	sne.s32 s1, s20  }
.Ltmp6:
0x260: {  	_ = 	snop;
	(pc) =	sbr.rel @p0 .LBB2_1-.Ltmp6, $3  }
0x261: {  	_ =	sdelay $0x1  }
0x262: {  	[sflag:s13] =	ssyncset.done $0x0  }
0x263: {  	[sflag:s13] =	ssyncadd.s32 $0xFFFFD800  }
0x264: {  	_ =	sfence.sel $0x180000  }
0x265: {  	[bflag:$0x0] =	sbarrier.arrive $0xFFFF  }
0x266: {  	_ =	strace $0x9000004D  }
0x267: {  	s0 =	stileid.u32;
	[bflag:$0x2] =	sbarrier.arrive $0xFFFF  }
0x268: {  	p0 =	sne.s32 s0, $0x0;
	s0 =	rddreg [dreg:$0x3]  }
0x269: {  	s0 =	sadd.s32 @!p0 $0x100000, s0  }
0x26a: {  	[sflag:s0] =	ssyncadd.tile.s32 @!p0 $0x1;
	_ =	shalt  }
.Lfunc_end2:
_tile_overlayer_lowered:
.L_overlay_start_2:
0x26b: {  	(tag) =	ssettag $0x2  }
0x26c: {  	s0 =	rddreg [dreg:$0x0];
	s2 =	stileid.u32  }
0x26d: {  	s1 =	rddreg [dreg:$0x1];
	p0 =	sne.s32 s2, $0x0  }
0x26e: {  	s3 =	rddreg [dreg:$0x2];
	[bflag:$0x3] =	sbarrier.arrive $0xFFFF;
	s2 =	simm.s32 @!p0 $0x1C07  }
0x26f: {  	[timem:s3], [sflag:s2] =	dma.local @!p0 [hbm:s0], s1  }
0x270: {  	s0 =	simm.s32 @!p0 $0x7  }
0x271: {  	_ =	swait.ge @!p0 [sflag:s0], s1  }
0x272: {  	s1 =	ssub.s32 @!p0 $0x0, s1;
	[sflag:s0] =	ssyncset.done @!p0 $0x0  }
0x273: {  	[sflag:s0] =	ssyncadd.s32 @!p0 s1  }
0x274: {  	[bflag:$0x3] =	sbarrier.arrive $0xFFFF  }
0x275: {  	_ =	shalt  }

// kernel: kernel.23.cloned.1.call-start
scs
__scs_entry_jumppad:
0x0: {  	(pc) =	sbr.rel $0x88, $3  }
0x1: {  	(tag) =	ssettag $0x0;
	lr =	simm.s32 $0x1  }
0x2: {  	[smem:$0x3F95] =	sst lr;
	_ =	strace $0xD0000000  }
0x3: {  	_ = 	snop  }
0x4: {  	_ = 	snop  }
0x5: {  	_ = 	snop  }
0x6: {  	_ = 	snop  }
0x7: {  	_ = 	snop  }
__scs_overlays_trampoline_lowered:
0x8: {  	[smem:$0x3FA4] =	sst s0  }
0x9: {  	[smem:$0x3FA5] =	sst s1  }
0xa: {  	[smem:$0x3FA6] =	sst s2  }
0xb: {  	[smem:$0x3FA7] =	sst s3  }
0xc: {  	[smem:$0x3FA8] =	sst s4  }
0xd: {  	[smem:$0x3FA9] =	sst s5  }
0xe: {  	[smem:$0x3FAA] =	sst s6  }
0xf: {  	[smem:$0x3FAB] =	sst s7  }
0x10: {  	[smem:$0x3FAC] =	sst s8  }
0x11: {  	[smem:$0x3FAD] =	sst s9;
	s0 =	simm.s32 @!p0 $0x0  }
0x12: {  	s1 =	sld [smem:$0x3F93];
	s0 =	simm.s32 @p0 $0x1  }
0x13: {  	[smem:$0x3FAE] =	sst s0;
	s0 =	simm.s32 @!p1 $0x0  }
0x14: {  	s2 =	sld [smem:$0x3F92];
	s0 =	simm.s32 @p1 $0x1  }
0x15: {  	[smem:$0x3FAF] =	sst s0;
	s0 =	simm.s32 @!p2 $0x0  }
0x16: {  	s3 =	sld [smem:$0x3FDB];
	s0 =	simm.s32 @p2 $0x1  }
0x17: {  	s4 =	simm.s32 $0x1BF5;
	[smem:$0x3FB1] =	sst s0  }
0x18: {  	s0 =	sld [smem:$0x3F94];
	_ =	swait.ge [sflag:s4], $0x0  }
0x19: {  	s7 =	sld [smem:$0x3F95]  }
0x1a: {  	s8 =	sadd.s32 $0xFFFFE003, lr  }
0x1b: {  	s9 =	sadd.s32 $0xFFFFFEF7, lr;
	s5 =	simm.s32 $0xFFFFFFFF;
	p2 =	slt.u32 s8, $0xFFFFF086  }
0x1c: {  	p1 =	slt.u32 s9, $0xF7A;
	s5 =	simm.s32 @!p2 $0x0  }
0x1d: {  	s5 =	simm.s32 @p1 $0x1;
	p0 =	seq.s32 s7, s2  }
0x1e: {  	s7 =	smul.u32 @!p0 $0xF7A, s2;
	p2 =	seq.s32 @!p0 s5, $0x0  }
0x1f: {  	s9 =	smul.u32 $0xF7A, s1;
	s8 =	simm.s32 @!p0 $0x1BF5;
	p2 =	por !p2, p0  }
0x20: {  	[sflag:s8] =	ssyncset.s32 @!p0 $0xFFFFF086;
	s6 =	sadd.s32 @!p0 s3, s7;
	s7 =	simm.s32 @!p0 $0x108  }
0x21: {  	s3 =	sadd.s32 s3, s9;
	s6 =	sadd.s32 @!p0 $0x88, s6;
	s7 =	simm.s32 @p2 $0x1082  }
0x22: {  	[simem:s7], [sflag:s8] =	dma.local @!p0 [hbm:s6], $0xF7A  }
0x23: {  	s9 =	sor.u32 $0xD0000000, s2;
	s6 =	simm.s32 $0x108;
	_ =	swait.ge @!p0 [sflag:s8], $0x0  }
0x24: {  	s3 =	sadd.s32 $0x88, s3;
	s6 =	simm.s32 @!p1 $0x1082;
	[sflag:s4] =	ssyncset.s32 $0xFFFFF086  }
0x25: {  	[simem:s6], [sflag:s4] =	dma.local [hbm:s3], $0xF7A  }
0x26: {  	[smem:$0x3F95] =	sst s1;
	(tag) =	ssettag s2;
	_ =	strace s9  }
0x27: {  	s1 =	sld [smem:$0x3FA5]  }
0x28: {  	s2 =	sld [smem:$0x3FA6]  }
0x29: {  	s4 =	sld [smem:$0x3FA8]  }
0x2a: {  	p0 =	seq.s32 s5, $0x0;
	s5 =	sld [smem:$0x3FA9]  }
0x2b: {  	s6 =	sld [smem:$0x3FAA]  }
0x2c: {  	s7 =	sld [smem:$0x3FAB]  }
0x2d: {  	s3 =	simm.s32 $0x108;
	s8 =	sld [smem:$0x3FAC]  }
0x2e: {  	s3 =	simm.s32 @!p0 $0x1082;
	s9 =	sld [smem:$0x3FAD]  }
0x2f: {  	lr =	sadd.s32 s0, s3;
	s0 =	sld [smem:$0x3FA4]  }
0x30: {  	s3 =	sld [smem:$0x3FA7]  }
0x31: {  	[smem:$0x3FB0] =	sst s10  }
0x32: {  	s10 =	sld [smem:$0x3FAE];
	_ =	sdelay $0x3  }
0x33: {  	p0 =	seq.s32 s10, $0x1;
	s10 =	sld [smem:$0x3FB0];
	_ =	sdelay $0x3  }
0x34: {  	[smem:$0x3FB0] =	sst s10  }
0x35: {  	s10 =	sld [smem:$0x3FAF];
	_ =	sdelay $0x3  }
0x36: {  	p1 =	seq.s32 s10, $0x1;
	s10 =	sld [smem:$0x3FB0];
	_ =	sdelay $0x3  }
0x37: {  	[smem:$0x3FB0] =	sst s10  }
0x38: {  	s10 =	sld [smem:$0x3FB1]  }
0x39: {  	_ = 	snop;
	(pc) =	sbr.ind lr, $3  }
0x3a: {  	_ = 	snop  }
0x3b: {  	_ = 	snop  }
0x3c: {  	p2 =	seq.s32 s10, $0x1;
	s10 =	sld [smem:$0x3FB0]  }
0x3d: {  	_ =	shalt  }
0x3e: {  	_ =	shalt  }
0x3f: {  	_ =	shalt  }
0x40: {  	_ =	shalt  }
0x41: {  	_ =	shalt  }
0x42: {  	_ =	shalt  }
0x43: {  	_ =	shalt  }
0x44: {  	_ =	shalt  }
0x45: {  	_ =	shalt  }
0x46: {  	_ =	shalt  }
0x47: {  	_ =	shalt  }
0x48: {  	_ =	shalt  }
0x49: {  	_ =	shalt  }
0x4a: {  	_ =	shalt  }
0x4b: {  	_ =	shalt  }
0x4c: {  	_ =	shalt  }
0x4d: {  	_ =	shalt  }
0x4e: {  	_ =	shalt  }
0x4f: {  	_ =	shalt  }
0x50: {  	_ =	shalt  }
0x51: {  	_ =	shalt  }
0x52: {  	_ =	shalt  }
0x53: {  	_ =	shalt  }
0x54: {  	_ =	shalt  }
0x55: {  	_ =	shalt  }
0x56: {  	_ =	shalt  }
0x57: {  	_ =	shalt  }
0x58: {  	_ =	shalt  }
0x59: {  	_ =	shalt  }
0x5a: {  	_ =	shalt  }
0x5b: {  	_ =	shalt  }
0x5c: {  	_ =	shalt  }
0x5d: {  	_ =	shalt  }
0x5e: {  	_ =	shalt  }
0x5f: {  	_ =	shalt  }
0x60: {  	_ =	shalt  }
0x61: {  	_ =	shalt  }
0x62: {  	_ =	shalt  }
0x63: {  	_ =	shalt  }
0x64: {  	_ =	shalt  }
0x65: {  	_ =	shalt  }
0x66: {  	_ =	shalt  }
0x67: {  	_ =	shalt  }
0x68: {  	_ =	shalt  }
0x69: {  	_ =	shalt  }
0x6a: {  	_ =	shalt  }
0x6b: {  	_ =	shalt  }
0x6c: {  	_ =	shalt  }
0x6d: {  	_ =	shalt  }
0x6e: {  	_ =	shalt  }
0x6f: {  	_ =	shalt  }
0x70: {  	_ =	shalt  }
0x71: {  	_ =	shalt  }
0x72: {  	_ =	shalt  }
0x73: {  	_ =	shalt  }
0x74: {  	_ =	shalt  }
0x75: {  	_ =	shalt  }
0x76: {  	_ =	shalt  }
0x77: {  	_ =	shalt  }
0x78: {  	_ =	shalt  }
0x79: {  	_ =	shalt  }
0x7a: {  	_ =	shalt  }
0x7b: {  	_ =	shalt  }
0x7c: {  	_ =	shalt  }
0x7d: {  	_ =	shalt  }
0x7e: {  	_ =	shalt  }
0x7f: {  	_ =	shalt  }
0x80: {  	_ =	shalt  }
0x81: {  	_ =	shalt  }
0x82: {  	_ =	shalt  }
0x83: {  	_ =	shalt  }
0x84: {  	_ =	shalt  }
0x85: {  	_ =	shalt  }
0x86: {  	_ =	shalt  }
0x87: {  	_ =	shalt  }
.Lfunc_end0:
.L_simem_size_0:
called_computation.3_lowered:
.L_overlay_start_0:
0x88: {  	s2 =	sld [smem:$0x3FD9]  }
0x89: {  	s3 =	sld [smem:$0x3FFE];
	_ =	sdelay $0x1  }
0x8a: {  	s1 =	srdreg.scid  }
0x8b: {  	s0 =	sand.u32 $0x1, s1  }
0x8c: {  	s17 =	sshll.u32 s0, $0xA;
	s2 =	sadd.s32 s3, s2  }
0x8d: {  	s2 =	sadd.s32 s2, s17  }
0x8e: {  	[smem:$0x3FBC] =	sst s2  }
0x8f: {  	_ = 	snop  }
0x90: {  	s2 =	sld [smem:$0x3FD0];
	(tm) =	ssettm $0x1  }
0x91: {  	s18 =	sld [smem:$0x3FFB];
	_ =	sdelay $0x3  }
0x92: {  	_ =	strace s18  }
0x93: {  	s3 =	sld [smem:$0x3FFC];
	_ =	sdelay $0x3  }
0x94: {  	_ =	strace s3  }
0x95: {  	s3 =	sld [smem:$0x3FFD];
	_ =	sdelay $0x3  }
0x96: {  	_ =	strace s3  }
0x97: {  	_ =	strace $0x8FFFFFFF  }
0x98: {  	s19 =	sld [smem:$0x3FDB];
	_ =	sdelay $0x1  }
0x99: {  	s4 =	simm.s32 $_scs_section_size  }
0x9a: {  	s5 =	simm.s32 $_size__tile_overlayer_lowered;
	s6 =	simm.s32 $_tile_overlayer_lowered  }
0x9b: {  	s22 =	simm.s32 $0x1BFF;
	s21 =	sshll.u32 s6, $0x1;
	s3 =	sadd.s32 s4, s19  }
0x9c: {  	s7 =	simm.s32 $0x0;
	s20 =	sshll.u32 s5, $0x1;
	s5 =	sadd.s32 s21, s3  }
0x9d: {  	[timem:s7], [sflag:s22] =	dma.local [hbm:s5], s20  }
0x9e: {  	_ =	swait.ge [sflag:s22], s20  }
0x9f: {  	s4 =	ssub.s32 $0x0, s20;
	[sflag:s22] =	ssyncset.done $0x0  }
0xa0: {  	[sflag:s22] =	ssyncadd.s32 s4;
	_ =	sdelay $0x1  }
0xa1: {  	s23 =	simm.s32 $0x1B8B  }
0xa2: {  	_ =	swait.ge [sflag:s23], $0x1  }
0xa3: {  	[sflag:s23] =	ssyncset.done $0x0  }
0xa4: {  	s25 =	simm.s32 $0x1B8E;
	s24 =	sld [smem:$0x3FFE];
	[sflag:s23] =	ssyncadd.s32 $0xFFFFFFFF  }
0xa5: {  	s26 =	simm.s32 $execute0_lowered;
	[smem:$0x3FD2] =	sst s25  }
0xa6: {  	s5 =	sshll.u32 s26, $0x1;
	_ =	strace $0x8000004F;
	[dreg:$0x1] =	wrdreg $0xFFFFFFFF  }
0xa7: {  	s28 =	simm.s32 $_size_execute0_lowered;
	s3 =	sadd.s32 s3, s5;
	[dreg:$0x0] =	wrdreg $0x0  }
0xa8: {  	s5 =	sshll.u32 s28, $0x1;
	[dreg:$0x2] =	wrdreg s3  }
0xa9: {  	[dreg:$0x3] =	wrdreg s5  }
0xaa: {  	[dreg:$0x4] =	wrdreg $0xC0  }
0xab: {  	_ =	task [dreg:s7], $0x5FFFF  }
0xac: {  	[dreg:$0x1] =	wrdreg $0xFFFFFFFF  }
0xad: {  	[dreg:$0x0] =	wrdreg $0x60  }
0xae: {  	[dreg:$0x2] =	wrdreg s2  }
0xaf: {  	[dreg:$0x3] =	wrdreg s24  }
0xb0: {  	[dreg:$0x4] =	wrdreg $0xA3800  }
0xb1: {  	[dreg:$0x5] =	wrdreg $0x9  }
0xb2: {  	_ =	task.clear_ibuf [dreg:s7], $0x6FFFF;
	_ =	strace $0x9000004F  }
0xb3: {  	s29 =	simm.s32 $0x9;
	_ =	strace $0x80000051  }
0xb4: {  	_ =	swait.ge [sflag:s29], $0x1  }
0xb5: {  	[sflag:s29] =	ssyncadd.s32 $0xFFFFFFFF  }
0xb6: {  	_ =	strace $0x90000051  }
0xb7: {  	_ =	sfence  }
0xb8: {  	s30 =	sld [smem:$0x0];
	_ =	sdelay $0x2  }
0xb9: {  	s31 =	sshll.u32 s1, $0xD;
	s1 =	sshrl.u32 s1, $0x2  }
0xba: {  	s3 =	sand.u32 $0x4000, s31;
	s1 =	sadd.s32 s1, s30  }
0xbb: {  	s0 =	sor.u32 s3, s0;
	s1 =	sshll.u32 s1, $0x11  }
0xbc: {  	s0 =	sor.u32 s1, s0  }
0xbd: {  	s0 =	sadd.s32 $0x8F2B, s0  }
0xbe: {  	[sflag:s0] =	ssyncadd.remote.s32 $0x1  }
0xbf: {  	_ =	sfence.sel $0xFFFF  }
0xc0: {  	[dreg:$0x0] =	wrdreg $0xFFFFFFFF;
	(pc) =	sbr.abs _section_cstart, $3  }
0xc1: {  	[dreg:$0x1] =	wrdreg $0xFFFFFFFF  }
0xc2: {  	_ =	task.clear_ibuf [dreg:s7], $0x2FFFF;
	_ =	strace $0x9FFFFFFF  }
0xc3: {  	(tm) =	ssettm $0x7FFFFFFF  }
tec
execute0_lowered:
.L_overlay_start_1:
0x0: {  	(tag) =	ssettag $0x1  }
0x1: {  	s25 =	rddreg [dreg:$0x0]  }
0x2: {  	s0 =	rddreg [dreg:$0x1]  }
0x3: {  	s1 =	srdreg.scid;
	s12 =	stileid.u32  }
0x4: {  	s4 =	simm.s32 $0x0;
	s1 =	sand.u32 $0x1, s1;
	s18 =	sshll.u32 s12, $0x1  }
0x5: {  	[smem:$0x7FF] =	sst s4;
	s5 =	smul.u32 $0x280, s12;
	s4 =	sor.u32 s1, s18  }
0x6: {  	s2 =	rddreg [dreg:$0x2];
	s6 =	sadd.s32 $0xA7F600, s0;
	s10 =	smul.u32 $0x2710, s4  }
0x7: {  	s7 =	sadd.s32 $0xFE00, s0;
	s8 =	sadd.s32 $0x6000, s0;
	s4 =	smul.u32 $0x27100, s4  }
0x8: {  	s9 =	sadd.s32 $0x41400, s0;
	s3 =	smul.u32 $0x2800, s1;
	s1 =	ssub.s32 $0x2, s1  }
0x9: {  	_ =	strace $0x80000050;
	s19 =	sshrl.u32 s1, $0x1;
	s23 =	sadd.s32 s6, s4  }
0xa: {  	s1 =	ssub.s32 s1, s19;
	s26 =	sadd.s32 $0x50, s10;
	[dreg:$0x7] =	wrdreg s23  }
0xb: {  	s11 =	sshrl.u32 s10, $0x3;
	s1 =	smax.u32 s1, $0x1;
	[dreg:$0x8] =	wrdreg s26  }
0xc: {  	s3 =	sadd.s32 s5, s3;
	s20 =	sadd.s32 s7, s11;
	[dreg:$0xf] =	wrdreg s1  }
0xd: {  	s3 =	sshll.u32 s3, $0x4;
	s21 =	sadd.s32 s8, s11;
	[dreg:$0x4] =	wrdreg s20  }
0xe: {  	s0 =	sadd.s32 s3, s0;
	s22 =	sadd.s32 s9, s11;
	[dreg:$0x5] =	wrdreg s21  }
0xf: {  	[dreg:$0x6] =	wrdreg s22;
	s11 =	sadd.s32 $0x54D600, s0  }
0x10: {  	s24 =	smul.u32 $0x50000, s12;
	s12 =	sadd.s32 $0x54DB00, s0;
	[dreg:$0x9] =	wrdreg s11  }
0x11: {  	s28 =	simm.s32 $0x1;
	s13 =	sadd.s32 $0x54E000, s0;
	[dreg:$0xa] =	wrdreg s12  }
0x12: {  	s29 =	simm.s32 $0x2;
	s14 =	sadd.s32 $0x54E500, s0;
	[dreg:$0xb] =	wrdreg s13  }
0x13: {  	s30 =	simm.s32 $0x3;
	s16 =	sadd.s32 $0x54EA00, s0;
	[dreg:$0xd] =	wrdreg s14  }
0x14: {  	s31 =	simm.s32 $0x4;
	s17 =	sadd.s32 $0x54EF00, s0;
	[dreg:$0xe] =	wrdreg s16  }
0x15: {  	s15 =	sadd.s32 $0xA0, s10;
	s18 =	sadd.s32 $0x54F400, s0;
	[dreg:$0x10] =	wrdreg s17  }
0x16: {  	s3 =	sshrl.u32 s24, $0x2;
	s0 =	sadd.s32 $0x54F900, s0;
	[dreg:$0x11] =	wrdreg s18  }
0x17: {  	s10 =	simm.s32 $0x50;
	s3 =	sadd.s32 s3, s2;
	[dreg:$0x12] =	wrdreg s0  }
0x18: {  	s1 =	simm.s32 $0x0;
	s19 =	sadd.s32 $0x2800, s3;
	[dreg:$0xc] =	wrdreg s3  }
0x19: {  	s20 =	sadd.s32 $0x5000, s3;
	s21 =	sadd.s32 $0x7800, s3;
	[dreg:$0x13] =	wrdreg s19  }
0x1a: {  	s22 =	sadd.s32 $0xA000, s3;
	s23 =	sadd.s32 $0xC800, s3;
	[dreg:$0x14] =	wrdreg s20  }
0x1b: {  	s24 =	sadd.s32 $0xF000, s3;
	s26 =	sadd.s32 $0x11800, s3;
	[dreg:$0x15] =	wrdreg s21  }
0x1c: {  	s11 =	simm.s32 $0x300;
	s12 =	simm.s32 $0x2B80;
	[dreg:$0x16] =	wrdreg s22  }
0x1d: {  	s13 =	simm.s32 $0x7;
	s16 =	simm.s32 $0x80;
	[dreg:$0x17] =	wrdreg s23  }
0x1e: {  	v0 =	vlaneseq.u32;
	s17 =	simm.s32 $0x100;
	s18 =	simm.s32 $0x5;
	[dreg:$0x18] =	wrdreg s24  }
0x1f: {  	v1 =	vimm.f32 $0.0e+00;
	v2 =	vor.u32 $0x10, v0;
	[dreg:$0x19] =	wrdreg s26;
	s21 =	simm.s32 $0x180;
	s22 =	simm.s32 $0x200  }
0x20: {  	v3 =	vor.u32 $0x20, v0;
	v4 =	vor.u32 $0x30, v0;
	v5 =	vor.u32 $0x40, v0;
	s23 =	simm.s32 $0x280;
	s24 =	simm.s32 $0x6;
	s26 =	simm.s32 $0x7B80  }
.LBB2_1:
0x21: {  	[dreg:$0x1a] =	wrdreg s1;
	s0 =	simm.s32 $0x0;
	s1 =	simm.s32 $0x200  }
.LBB2_2:
0x22: {  	p0 =	sne.s32 s1, $0x9E00;
	[tilespmem:s0+$0x2BF0] =	vst v1  }
0x23: {  	[tilespmem:s0+$0x2B80] =	vst v1  }
0x24: {  	[tilespmem:s0+$0x2B90] =	vst v1  }
.Ltmp0:
0x25: {  	[tilespmem:s0+$0x2BA0] =	vst v1;
	(pc) =	sbr.rel @p0 .LBB2_2-.Ltmp0, $4  }
0x26: {  	[tilespmem:s0+$0x2BB0] =	vst v1  }
0x27: {  	[tilespmem:s0+$0x2BC0] =	vst v1  }
0x28: {  	[tilespmem:s0+$0x2BD0] =	vst v1  }
0x29: {  	[tilespmem:s0+$0x2BE0] =	vst v1;
	s0 =	sshra.s32 s1, $0x2;
	s1 =	sadd.s32 $0x200, s1  }
0x2a: {  	[tilespmem:s0+$0x2BF0] =	vst v1  }
0x2b: {  	[tilespmem:s0+$0x2B80] =	vst v1  }
0x2c: {  	[tilespmem:s0+$0x2B90] =	vst v1  }
0x2d: {  	[tilespmem:s0+$0x2BA0] =	vst v1  }
0x2e: {  	[tilespmem:s0+$0x2BB0] =	vst v1  }
0x2f: {  	[tilespmem:s0+$0x2BC0] =	vst v1  }
0x30: {  	[tilespmem:s0+$0x2BD0] =	vst v1;
	s1 =	sadd.s32 $0x0, s5  }
0x31: {  	[tilespmem:s0+$0x2BE0] =	vst v1;
	v6 =	vadd.s32 s1, v5  }
0x32: {  	v7 =	vor.u32 s1, v0;
	[tilespmem:$0x340] =	vst v6  }
0x33: {  	v6 =	vadd.s32 s1, v2;
	[tilespmem:$0x300] =	vst v7  }
0x34: {  	v7 =	vadd.s32 s1, v3;
	[tilespmem:$0x310] =	vst v6  }
0x35: {  	s0 =	simm.s32 $0x50;
	v6 =	vadd.s32 s1, v4;
	[tilespmem:$0x320] =	vst v7  }
.LBB2_4:
0x36: {  	p0 =	sne.s32 s0, $0x230;
	[tilespmem:$0x330] =	vst v6;
	s1 =	smov.u32 s0;
	s0 =	sadd.s32 $0x50, s0  }
0x37: {  	[spmem:s2] =	stream.indirect.scatter [tilespmem:s12], [sflag:$0x7], $0x80, s11, s10, $0xb8;
	[tilespmem:$0x1E380] =	vst v63  }
0x38: {  	_ =	swait.ge [sflag:s13], $0x2800  }
0x39: {  	s1 =	sadd.s32 s1, s5;
	[sflag:s13] =	ssyncset.done $0x0  }
.Ltmp1:
0x3a: {  	v7 =	vor.u32 s1, v0;
	v8 =	vadd.s32 s1, v2;
	v9 =	vadd.s32 s1, v5;
	[sflag:s13] =	ssyncadd.s32 $0xFFFFD800;
	(pc) =	sbr.rel @p0 .LBB2_4-.Ltmp1, $4  }
0x3b: {  	v10 =	vadd.s32 s1, v3;
	v6 =	vadd.s32 s1, v4;
	[tilespmem:$0x340] =	vst v9  }
0x3c: {  	[tilespmem:$0x300] =	vst v7  }
0x3d: {  	[tilespmem:$0x310] =	vst v8  }
0x3e: {  	[tilespmem:$0x320] =	vst v10  }
0x3f: {  	[tilespmem:$0x330] =	vst v6  }
0x40: {  	[spmem:s2] =	stream.indirect.scatter [tilespmem:s12], [sflag:$0x7], $0x80, s11, s10, $0xb8;
	[tilespmem:$0x1E380] =	vst v63  }
0x41: {  	_ =	swait.ge [sflag:s13], $0x2800  }
0x42: {  	[sflag:s13] =	ssyncset.done $0x0  }
0x43: {  	[sflag:s13] =	ssyncadd.s32 $0xFFFFD800  }
0x44: {  	[bflag:$0x0] =	sbarrier.arrive $0xFFFF  }
0x45: {  	s3 =	simm.s32 $0x0;
	s0 =	rddreg [dreg:$0x4]  }
0x46: {  	[tilespmem:s3], [sflag:$0x5] =	stream.linear.gather [hbm4b:s0+s3], $0x50, $0x38;
	[tilespmem:$0x1E380] =	vst v63  }
0x47: {  	s4 =	rddreg [dreg:$0x5]  }
0x48: {  	[tilespmem:s16], [sflag:$0x5] =	stream.linear.gather [hbm4b:s4+s3], $0x50, $0x38;
	[tilespmem:$0x1E380] =	vst v63  }
0x49: {  	s14 =	rddreg [dreg:$0x6]  }
0x4a: {  	[tilespmem:s17], [sflag:$0x5] =	stream.linear.gather [hbm4b:s14+s3], $0x50, $0x38;
	[tilespmem:$0x1E380] =	vst v63  }
0x4b: {  	_ =	swait.ge [sflag:s18], $0x50  }
0x4c: {  	[sflag:s18] =	ssyncset.done $0x0  }
0x4d: {  	[sflag:s18] =	ssyncadd.s32 $0xFFFFFFB0  }
0x4e: {  	_ =	swait.ge [sflag:s18], $0x50  }
0x4f: {  	[sflag:s18] =	ssyncset.done $0x0  }
0x50: {  	[sflag:s18] =	ssyncadd.s32 $0xFFFFFFB0  }
0x51: {  	_ =	swait.ge [sflag:s18], $0x50  }
0x52: {  	[sflag:s18] =	ssyncset.done $0x0  }
0x53: {  	s19 =	simm.s32 $0x380;
	[sflag:s18] =	ssyncadd.s32 $0xFFFFFFB0  }
0x54: {  	[tilespmem:s19], [sflag:$0x1] =	stream.indirect.gather [hbm4b:s25+s10], $0x80, s3, s10, $0xb8;
	[tilespmem:$0x1E380] =	vst v63  }
0x55: {  	s20 =	rddreg [dreg:$0x7];
	s19 =	simm.s32 $0x0  }
0x56: {  	[tilespmem:s12], [sflag:$0x2] =	stream.linear.gather [hbm4b:s20+s3], $0x2800, $0x38;
	[tilespmem:$0x1E380] =	vst v63  }
.LBB2_6:
0x57: {  	s4 =	smul.u32 $0xA0, s19  }
0x58: {  	s0 =	rddreg [dreg:$0x8]  }
0x59: {  	s0 =	sadd.s32 s4, s0  }
0x5a: {  	s1 =	sshrl.u32 s0, $0x3  }
0x5b: {  	s20 =	sadd.s32 s7, s1  }
0x5c: {  	[tilespmem:s21], [sflag:$0x6] =	stream.linear.gather [hbm4b:s20+s3], $0x50, $0x38;
	[tilespmem:$0x1E380] =	vst v63  }
0x5d: {  	s14 =	sadd.s32 s8, s1  }
0x5e: {  	[tilespmem:s22], [sflag:$0x6] =	stream.linear.gather [hbm4b:s14+s3], $0x50, $0x38;
	[tilespmem:$0x1E380] =	vst v63  }
0x5f: {  	s1 =	sadd.s32 s9, s1  }
0x60: {  	[tilespmem:s23], [sflag:$0x6] =	stream.linear.gather [hbm4b:s1+s3], $0x50, $0x38;
	[tilespmem:$0x1E380] =	vst v63  }
0x61: {  	_ =	swait.ge [sflag:s24], $0x50  }
0x62: {  	[sflag:s24] =	ssyncset.done $0x0  }
0x63: {  	[sflag:s24] =	ssyncadd.s32 $0xFFFFFFB0  }
0x64: {  	_ =	swait.ge [sflag:s24], $0x50  }
0x65: {  	[sflag:s24] =	ssyncset.done $0x0  }
0x66: {  	[sflag:s24] =	ssyncadd.s32 $0xFFFFFFB0  }
0x67: {  	_ =	swait.ge [sflag:s24], $0x50  }
0x68: {  	[sflag:s24] =	ssyncset.done $0x0  }
0x69: {  	s0 =	sshll.u32 s0, $0x4;
	s20 =	simm.s32 $0x5380;
	[sflag:s24] =	ssyncadd.s32 $0xFFFFFFB0  }
0x6a: {  	[tilespmem:s20], [sflag:$0x3] =	stream.indirect.gather [hbm4b:s25+s10], $0x80, s21, s10, $0xb8;
	[tilespmem:$0x1E380] =	vst v63  }
0x6b: {  	s0 =	sadd.s32 s6, s0  }
0x6c: {  	[tilespmem:s26], [sflag:$0x4] =	stream.linear.gather [hbm4b:s0+s3], $0x2800, $0x38;
	[tilespmem:$0x1E380] =	vst v63  }
0x6d: {  	_ =	swait.ge [sflag:s28], $0x2800  }
0x6e: {  	[sflag:s28] =	ssyncset.done $0x0  }
0x6f: {  	[sflag:s28] =	ssyncadd.s32 $0xFFFFD800  }
0x70: {  	_ =	swait.ge [sflag:s29], $0x2800  }
0x71: {  	[sflag:s29] =	ssyncset.done $0x0  }
0x72: {  	v6 =	vmov s3;
	s14 =	smov.u32 s25;
	s25 =	simm.s32 $0x2BC0;
	[sflag:s29] =	ssyncadd.s32 $0xFFFFD800  }
0x73: {  	s0 =	simm.s32 $0x3C0;
	v7 =	vld [tilespmem:s25+$0xFFFFFFC0]  }
0x74: {  	v8 =	vld [tilespmem:s0+$0xFFFFFFC0];
	_ =	sdelay $0x2  }
0x75: {  	v6 =	vld.idx.msk [tilespmem:v6+s17+$0x0], $0xffff;
	_ =	sdelay $0x1  }
0x76: {  	v7 =	vadd.f32 v7, v8;
	_ =	sdelay $0x1  }
0x77: {  	v7 =	vmax.f32 v7, $0.0e+00  }
0x78: {  	v7 =	vmul.f32 v7, v6;
	_ =	sdelay $0x1  }
0x79: {  	[tilespmem:s25+$0xFFFFFFC0] =	vst v7;
	v7 =	vld [tilespmem:s25+$0xFFFFFFD0]  }
0x7a: {  	v8 =	vld [tilespmem:s0+$0xFFFFFFD0];
	_ =	sdelay $0x4  }
0x7b: {  	v7 =	vadd.f32 v7, v8;
	_ =	sdelay $0x1  }
0x7c: {  	v7 =	vmax.f32 v7, $0.0e+00  }
0x7d: {  	v7 =	vmul.f32 v7, v6;
	_ =	sdelay $0x1  }
0x7e: {  	[tilespmem:s25+$0xFFFFFFD0] =	vst v7;
	v7 =	vld [tilespmem:s25+$0xFFFFFFE0]  }
0x7f: {  	v8 =	vld [tilespmem:s0+$0xFFFFFFE0];
	_ =	sdelay $0x4  }
0x80: {  	v7 =	vadd.f32 v7, v8;
	_ =	sdelay $0x1  }
0x81: {  	v7 =	vmax.f32 v7, $0.0e+00  }
0x82: {  	v7 =	vmul.f32 v7, v6;
	_ =	sdelay $0x1  }
0x83: {  	[tilespmem:s25+$0xFFFFFFE0] =	vst v7;
	v7 =	vld [tilespmem:s25+$0xFFFFFFF0]  }
0x84: {  	v8 =	vld [tilespmem:s0+$0xFFFFFFF0];
	_ =	sdelay $0x4  }
0x85: {  	v7 =	vadd.f32 v7, v8;
	_ =	sdelay $0x1  }
0x86: {  	v7 =	vmax.f32 v7, $0.0e+00  }
0x87: {  	v7 =	vmul.f32 v7, v6;
	_ =	sdelay $0x1  }
0x88: {  	[tilespmem:s25+$0xFFFFFFF0] =	vst v7;
	v7 =	vld [tilespmem:s25+$0x0]  }
0x89: {  	v8 =	vld [tilespmem:s0+$0x0];
	_ =	sdelay $0x4  }
0x8a: {  	v7 =	vadd.f32 v7, v8;
	_ =	sdelay $0x1  }
0x8b: {  	v7 =	vmax.f32 v7, $0.0e+00  }
0x8c: {  	v7 =	vmul.f32 v7, v6;
	_ =	sdelay $0x1  }
0x8d: {  	[tilespmem:s25+$0x0] =	vst v7;
	v7 =	vld [tilespmem:s25+$0x10]  }
0x8e: {  	v8 =	vld [tilespmem:s0+$0x10];
	_ =	sdelay $0x4  }
0x8f: {  	v7 =	vadd.f32 v7, v8;
	_ =	sdelay $0x1  }
0x90: {  	v7 =	vmax.f32 v7, $0.0e+00  }
0x91: {  	v7 =	vmul.f32 v7, v6;
	_ =	sdelay $0x1  }
0x92: {  	[tilespmem:s25+$0x10] =	vst v7;
	v7 =	vld [tilespmem:s25+$0x20]  }
0x93: {  	v8 =	vld [tilespmem:s0+$0x20];
	_ =	sdelay $0x4  }
0x94: {  	v7 =	vadd.f32 v7, v8;
	_ =	sdelay $0x1  }
0x95: {  	v7 =	vmax.f32 v7, $0.0e+00  }
0x96: {  	v7 =	vmul.f32 v7, v6;
	_ =	sdelay $0x1  }
0x97: {  	[tilespmem:s25+$0x20] =	vst v7;
	v7 =	vld [tilespmem:s25+$0x30]  }
0x98: {  	v8 =	vld [tilespmem:s0+$0x30];
	_ =	sdelay $0x4  }
0x99: {  	v7 =	vadd.f32 v7, v8  }
0x9a: {  	s20 =	simm.s32 $0x1  }
0x9b: {  	v8 =	vmax.f32 v7, $0.0e+00;
	v7 =	vmov s20  }
0x9c: {  	s1 =	simm.s32 $0x2BC0;
	s20 =	simm.s32 $0x2;
	v6 =	vmul.f32 v8, v6  }
.LBB2_7:
0x9d: {  	p0 =	sne.s32 s20, $0x4F;
	s25 =	sadd.s32 $0x80, s25  }
0x9e: {  	s0 =	sadd.s32 $0x80, s0;
	v8 =	vld [tilespmem:s25+$0xFFFFFFC0];
	[tilespmem:s1+$0x30] =	vst v6;
	s1 =	smov.u32 s25  }
0x9f: {  	v9 =	vld [tilespmem:s0+$0xFFFFFFC0]  }
0xa0: {  	v6 =	vld.idx.msk [tilespmem:v7+s17+$0x0], $0xffff;
	_ =	sdelay $0x3  }
0xa1: {  	v7 =	vadd.f32 v8, v9;
	_ =	sdelay $0x1  }
0xa2: {  	v7 =	vmax.f32 v7, $0.0e+00  }
0xa3: {  	v7 =	vmul.f32 v7, v6;
	_ =	sdelay $0x1  }
0xa4: {  	[tilespmem:s25+$0xFFFFFFC0] =	vst v7;
	v7 =	vld [tilespmem:s25+$0xFFFFFFD0]  }
0xa5: {  	v8 =	vld [tilespmem:s0+$0xFFFFFFD0];
	_ =	sdelay $0x4  }
0xa6: {  	v7 =	vadd.f32 v7, v8;
	_ =	sdelay $0x1  }
0xa7: {  	v7 =	vmax.f32 v7, $0.0e+00  }
0xa8: {  	v7 =	vmul.f32 v7, v6;
	_ =	sdelay $0x1  }
0xa9: {  	[tilespmem:s25+$0xFFFFFFD0] =	vst v7;
	v7 =	vld [tilespmem:s25+$0xFFFFFFE0]  }
0xaa: {  	v8 =	vld [tilespmem:s0+$0xFFFFFFE0];
	_ =	sdelay $0x4  }
0xab: {  	v7 =	vadd.f32 v7, v8;
	_ =	sdelay $0x1  }
0xac: {  	v7 =	vmax.f32 v7, $0.0e+00  }
0xad: {  	v7 =	vmul.f32 v7, v6;
	_ =	sdelay $0x1  }
0xae: {  	[tilespmem:s25+$0xFFFFFFE0] =	vst v7;
	v7 =	vld [tilespmem:s25+$0xFFFFFFF0]  }
0xaf: {  	v8 =	vld [tilespmem:s0+$0xFFFFFFF0];
	_ =	sdelay $0x4  }
0xb0: {  	v7 =	vadd.f32 v7, v8;
	_ =	sdelay $0x1  }
0xb1: {  	v7 =	vmax.f32 v7, $0.0e+00  }
0xb2: {  	v7 =	vmul.f32 v7, v6;
	_ =	sdelay $0x1  }
0xb3: {  	[tilespmem:s25+$0xFFFFFFF0] =	vst v7;
	v7 =	vld [tilespmem:s25+$0x0]  }
0xb4: {  	v8 =	vld [tilespmem:s0+$0x0];
	_ =	sdelay $0x4  }
0xb5: {  	v7 =	vadd.f32 v7, v8;
	_ =	sdelay $0x1  }
0xb6: {  	v7 =	vmax.f32 v7, $0.0e+00  }
0xb7: {  	v7 =	vmul.f32 v7, v6;
	_ =	sdelay $0x1  }
0xb8: {  	[tilespmem:s25+$0x0] =	vst v7;
	v7 =	vld [tilespmem:s25+$0x10]  }
0xb9: {  	v8 =	vld [tilespmem:s0+$0x10];
	_ =	sdelay $0x4  }
0xba: {  	v7 =	vadd.f32 v7, v8;
	_ =	sdelay $0x1  }
0xbb: {  	v7 =	vmax.f32 v7, $0.0e+00  }
0xbc: {  	v7 =	vmul.f32 v7, v6;
	_ =	sdelay $0x1  }
0xbd: {  	[tilespmem:s25+$0x10] =	vst v7;
	v7 =	vld [tilespmem:s25+$0x20]  }
0xbe: {  	v8 =	vld [tilespmem:s0+$0x20];
	_ =	sdelay $0x4  }
0xbf: {  	v7 =	vadd.f32 v7, v8;
	_ =	sdelay $0x1  }
0xc0: {  	v7 =	vmax.f32 v7, $0.0e+00  }
0xc1: {  	v7 =	vmul.f32 v7, v6;
	_ =	sdelay $0x1  }
0xc2: {  	[tilespmem:s25+$0x20] =	vst v7;
	v7 =	vld [tilespmem:s25+$0x30]  }
0xc3: {  	v8 =	vld [tilespmem:s0+$0x30];
	_ =	sdelay $0x3  }
.Ltmp2:
0xc4: {  	(pc) =	sbr.rel @p0 .LBB2_7-.Ltmp2, $3  }
0xc5: {  	v8 =	vadd.f32 v7, v8;
	_ =	sdelay $0x1  }
0xc6: {  	v7 =	vmov s20;
	v8 =	vmax.f32 v8, $0.0e+00  }
0xc7: {  	s20 =	sadd.s32 $0x1, s20;
	v6 =	vmul.f32 v8, v6  }
0xc8: {  	s20 =	sadd.s32 $0x80, s25  }
0xc9: {  	s0 =	sadd.s32 $0x80, s0;
	v8 =	vld [tilespmem:s20+$0xFFFFFFC0];
	[tilespmem:s1+$0x30] =	vst v6  }
0xca: {  	v6 =	vld [tilespmem:s0+$0xFFFFFFC0];
	_ =	sdelay $0x2  }
0xcb: {  	v7 =	vld.idx.msk [tilespmem:v7+s17+$0x0], $0xffff;
	_ =	sdelay $0x1  }
0xcc: {  	v6 =	vadd.f32 v8, v6;
	_ =	sdelay $0x1  }
0xcd: {  	v6 =	vmax.f32 v6, $0.0e+00  }
0xce: {  	v6 =	vmul.f32 v6, v7;
	_ =	sdelay $0x1  }
0xcf: {  	[tilespmem:s20+$0xFFFFFFC0] =	vst v6;
	v6 =	vld [tilespmem:s20+$0xFFFFFFD0]  }
0xd0: {  	v8 =	vld [tilespmem:s0+$0xFFFFFFD0];
	_ =	sdelay $0x4  }
0xd1: {  	v6 =	vadd.f32 v6, v8;
	_ =	sdelay $0x1  }
0xd2: {  	v6 =	vmax.f32 v6, $0.0e+00  }
0xd3: {  	v6 =	vmul.f32 v6, v7;
	_ =	sdelay $0x1  }
0xd4: {  	[tilespmem:s20+$0xFFFFFFD0] =	vst v6;
	v6 =	vld [tilespmem:s20+$0xFFFFFFE0]  }
0xd5: {  	v8 =	vld [tilespmem:s0+$0xFFFFFFE0];
	_ =	sdelay $0x4  }
0xd6: {  	v6 =	vadd.f32 v6, v8;
	_ =	sdelay $0x1  }
0xd7: {  	v6 =	vmax.f32 v6, $0.0e+00  }
0xd8: {  	v6 =	vmul.f32 v6, v7;
	_ =	sdelay $0x1  }
0xd9: {  	[tilespmem:s20+$0xFFFFFFE0] =	vst v6;
	v6 =	vld [tilespmem:s20+$0xFFFFFFF0]  }
0xda: {  	v8 =	vld [tilespmem:s0+$0xFFFFFFF0];
	_ =	sdelay $0x4  }
0xdb: {  	v6 =	vadd.f32 v6, v8;
	_ =	sdelay $0x1  }
0xdc: {  	v6 =	vmax.f32 v6, $0.0e+00  }
0xdd: {  	v6 =	vmul.f32 v6, v7;
	_ =	sdelay $0x1  }
0xde: {  	[tilespmem:s20+$0xFFFFFFF0] =	vst v6;
	v6 =	vld [tilespmem:s20+$0x0]  }
0xdf: {  	v8 =	vld [tilespmem:s0+$0x0];
	_ =	sdelay $0x4  }
0xe0: {  	v6 =	vadd.f32 v6, v8;
	_ =	sdelay $0x1  }
0xe1: {  	v6 =	vmax.f32 v6, $0.0e+00  }
0xe2: {  	v6 =	vmul.f32 v6, v7;
	_ =	sdelay $0x1  }
0xe3: {  	[tilespmem:s20+$0x0] =	vst v6;
	v6 =	vld [tilespmem:s20+$0x10]  }
0xe4: {  	v8 =	vld [tilespmem:s0+$0x10];
	_ =	sdelay $0x4  }
0xe5: {  	v6 =	vadd.f32 v6, v8;
	_ =	sdelay $0x1  }
0xe6: {  	v6 =	vmax.f32 v6, $0.0e+00  }
0xe7: {  	v6 =	vmul.f32 v6, v7;
	_ =	sdelay $0x1  }
0xe8: {  	[tilespmem:s20+$0x10] =	vst v6;
	v6 =	vld [tilespmem:s20+$0x20]  }
0xe9: {  	v8 =	vld [tilespmem:s0+$0x20];
	_ =	sdelay $0x4  }
0xea: {  	v6 =	vadd.f32 v6, v8;
	_ =	sdelay $0x1  }
0xeb: {  	v6 =	vmax.f32 v6, $0.0e+00  }
0xec: {  	v6 =	vmul.f32 v6, v7;
	_ =	sdelay $0x1  }
0xed: {  	[tilespmem:s20+$0x20] =	vst v6;
	v6 =	vld [tilespmem:s20+$0x30]  }
0xee: {  	v8 =	vld [tilespmem:s0+$0x30];
	_ =	sdelay $0x4  }
0xef: {  	v6 =	vadd.f32 v6, v8;
	_ =	sdelay $0x1  }
0xf0: {  	v6 =	vmax.f32 v6, $0.0e+00  }
0xf1: {  	v6 =	vmul.f32 v6, v7;
	_ =	sdelay $0x1  }
0xf2: {  	[tilespmem:s20+$0x30] =	vst v6  }
0xf3: {  	[spmem:s2] =	stream.indirect.scatter.add.f32 [tilespmem:s12], [sflag:$0x7], $0x80, s16, s10, $0xb8;
	[tilespmem:$0x1E380] =	vst v63  }
0xf4: {  	s0 =	sadd.s32 s4, s15;
	_ =	swait.ge [sflag:s13], $0x2800  }
0xf5: {  	s1 =	sshrl.u32 s0, $0x3;
	[sflag:s13] =	ssyncset.done $0x0  }
0xf6: {  	s25 =	sadd.s32 s7, s1;
	s20 =	simm.s32 $0x0;
	[sflag:s13] =	ssyncadd.s32 $0xFFFFD800  }
0xf7: {  	[tilespmem:s20], [sflag:$0x5] =	stream.linear.gather [hbm4b:s25+s20], $0x50, $0x38;
	[tilespmem:$0x1E380] =	vst v63  }
0xf8: {  	s25 =	sadd.s32 s8, s1  }
0xf9: {  	[tilespmem:s16], [sflag:$0x5] =	stream.linear.gather [hbm4b:s25+s20], $0x50, $0x38;
	[tilespmem:$0x1E380] =	vst v63  }
0xfa: {  	s1 =	sadd.s32 s9, s1  }
0xfb: {  	[tilespmem:s17], [sflag:$0x5] =	stream.linear.gather [hbm4b:s1+s20], $0x50, $0x38;
	[tilespmem:$0x1E380] =	vst v63  }
0xfc: {  	_ =	swait.ge [sflag:s18], $0x50  }
0xfd: {  	[sflag:s18] =	ssyncset.done $0x0  }
0xfe: {  	[sflag:s18] =	ssyncadd.s32 $0xFFFFFFB0  }
0xff: {  	_ =	swait.ge [sflag:s18], $0x50  }
0x100: {  	[sflag:s18] =	ssyncset.done $0x0  }
0x101: {  	[sflag:s18] =	ssyncadd.s32 $0xFFFFFFB0  }
0x102: {  	_ =	swait.ge [sflag:s18], $0x50  }
0x103: {  	[sflag:s18] =	ssyncset.done $0x0  }
0x104: {  	s4 =	simm.s32 $0x380;
	s0 =	sshll.u32 s0, $0x4;
	[sflag:s18] =	ssyncadd.s32 $0xFFFFFFB0  }
0x105: {  	[tilespmem:s4], [sflag:$0x1] =	stream.indirect.gather [hbm4b:s14+s10], $0x80, s20, s10, $0xb8;
	[tilespmem:$0x1E380] =	vst v63  }
0x106: {  	s0 =	sadd.s32 s6, s0  }
0x107: {  	[tilespmem:s12], [sflag:$0x2] =	stream.linear.gather [hbm4b:s0+s20], $0x2800, $0x38;
	[tilespmem:$0x1E380] =	vst v63  }
0x108: {  	_ =	swait.ge [sflag:s30], $0x2800  }
0x109: {  	[sflag:s30] =	ssyncset.done $0x0  }
0x10a: {  	[sflag:s30] =	ssyncadd.s32 $0xFFFFD800  }
0x10b: {  	_ =	swait.ge [sflag:s31], $0x2800  }
0x10c: {  	[sflag:s31] =	ssyncset.done $0x0  }
0x10d: {  	v6 =	vmov s20;
	s4 =	simm.s32 $0x7BC0;
	[sflag:s31] =	ssyncadd.s32 $0xFFFFD800  }
0x10e: {  	s0 =	simm.s32 $0x53C0;
	v7 =	vld [tilespmem:s4+$0xFFFFFFC0]  }
0x10f: {  	v8 =	vld [tilespmem:s0+$0xFFFFFFC0];
	_ =	sdelay $0x2  }
0x110: {  	v6 =	vld.idx.msk [tilespmem:v6+s23+$0x0], $0xffff;
	_ =	sdelay $0x1  }
0x111: {  	v7 =	vadd.f32 v7, v8;
	_ =	sdelay $0x1  }
0x112: {  	v7 =	vmax.f32 v7, $0.0e+00  }
0x113: {  	v7 =	vmul.f32 v7, v6;
	_ =	sdelay $0x1  }
0x114: {  	[tilespmem:s4+$0xFFFFFFC0] =	vst v7;
	v7 =	vld [tilespmem:s4+$0xFFFFFFD0]  }
0x115: {  	v8 =	vld [tilespmem:s0+$0xFFFFFFD0];
	_ =	sdelay $0x4  }
0x116: {  	v7 =	vadd.f32 v7, v8;
	_ =	sdelay $0x1  }
0x117: {  	v7 =	vmax.f32 v7, $0.0e+00  }
0x118: {  	v7 =	vmul.f32 v7, v6;
	_ =	sdelay $0x1  }
0x119: {  	[tilespmem:s4+$0xFFFFFFD0] =	vst v7;
	v7 =	vld [tilespmem:s4+$0xFFFFFFE0]  }
0x11a: {  	v8 =	vld [tilespmem:s0+$0xFFFFFFE0];
	_ =	sdelay $0x4  }
0x11b: {  	v7 =	vadd.f32 v7, v8;
	_ =	sdelay $0x1  }
0x11c: {  	v7 =	vmax.f32 v7, $0.0e+00  }
0x11d: {  	v7 =	vmul.f32 v7, v6;
	_ =	sdelay $0x1  }
0x11e: {  	[tilespmem:s4+$0xFFFFFFE0] =	vst v7;
	v7 =	vld [tilespmem:s4+$0xFFFFFFF0]  }
0x11f: {  	v8 =	vld [tilespmem:s0+$0xFFFFFFF0];
	_ =	sdelay $0x4  }
0x120: {  	v7 =	vadd.f32 v7, v8;
	_ =	sdelay $0x1  }
0x121: {  	v7 =	vmax.f32 v7, $0.0e+00  }
0x122: {  	v7 =	vmul.f32 v7, v6;
	_ =	sdelay $0x1  }
0x123: {  	[tilespmem:s4+$0xFFFFFFF0] =	vst v7;
	v7 =	vld [tilespmem:s4+$0x0]  }
0x124: {  	v8 =	vld [tilespmem:s0+$0x0];
	_ =	sdelay $0x4  }
0x125: {  	v7 =	vadd.f32 v7, v8;
	_ =	sdelay $0x1  }
0x126: {  	v7 =	vmax.f32 v7, $0.0e+00  }
0x127: {  	v7 =	vmul.f32 v7, v6;
	_ =	sdelay $0x1  }
0x128: {  	[tilespmem:s4+$0x0] =	vst v7;
	v7 =	vld [tilespmem:s4+$0x10]  }
0x129: {  	v8 =	vld [tilespmem:s0+$0x10];
	_ =	sdelay $0x4  }
0x12a: {  	v7 =	vadd.f32 v7, v8;
	_ =	sdelay $0x1  }
0x12b: {  	v7 =	vmax.f32 v7, $0.0e+00  }
0x12c: {  	v7 =	vmul.f32 v7, v6;
	_ =	sdelay $0x1  }
0x12d: {  	[tilespmem:s4+$0x10] =	vst v7;
	v7 =	vld [tilespmem:s4+$0x20]  }
0x12e: {  	v8 =	vld [tilespmem:s0+$0x20];
	_ =	sdelay $0x4  }
0x12f: {  	v7 =	vadd.f32 v7, v8;
	_ =	sdelay $0x1  }
0x130: {  	v7 =	vmax.f32 v7, $0.0e+00  }
0x131: {  	v7 =	vmul.f32 v7, v6;
	_ =	sdelay $0x1  }
0x132: {  	[tilespmem:s4+$0x20] =	vst v7;
	v7 =	vld [tilespmem:s4+$0x30]  }
0x133: {  	v8 =	vld [tilespmem:s0+$0x30];
	_ =	sdelay $0x4  }
0x134: {  	v7 =	vadd.f32 v7, v8  }
0x135: {  	s20 =	simm.s32 $0x1  }
0x136: {  	v8 =	vmax.f32 v7, $0.0e+00;
	v7 =	vmov s20  }
0x137: {  	s25 =	smov.u32 s14;
	s1 =	simm.s32 $0x7BC0;
	s20 =	simm.s32 $0x2;
	v6 =	vmul.f32 v8, v6  }
.LBB2_9:
0x138: {  	p0 =	sne.s32 s20, $0x4F;
	s4 =	sadd.s32 $0x80, s4  }
0x139: {  	s0 =	sadd.s32 $0x80, s0;
	v8 =	vld [tilespmem:s4+$0xFFFFFFC0];
	[tilespmem:s1+$0x30] =	vst v6;
	s1 =	smov.u32 s4  }
0x13a: {  	v9 =	vld [tilespmem:s0+$0xFFFFFFC0]  }
0x13b: {  	v6 =	vld.idx.msk [tilespmem:v7+s23+$0x0], $0xffff;
	_ =	sdelay $0x3  }
0x13c: {  	v7 =	vadd.f32 v8, v9;
	_ =	sdelay $0x1  }
0x13d: {  	v7 =	vmax.f32 v7, $0.0e+00  }
0x13e: {  	v7 =	vmul.f32 v7, v6;
	_ =	sdelay $0x1  }
0x13f: {  	[tilespmem:s4+$0xFFFFFFC0] =	vst v7;
	v7 =	vld [tilespmem:s4+$0xFFFFFFD0]  }
0x140: {  	v8 =	vld [tilespmem:s0+$0xFFFFFFD0];
	_ =	sdelay $0x4  }
0x141: {  	v7 =	vadd.f32 v7, v8;
	_ =	sdelay $0x1  }
0x142: {  	v7 =	vmax.f32 v7, $0.0e+00  }
0x143: {  	v7 =	vmul.f32 v7, v6;
	_ =	sdelay $0x1  }
0x144: {  	[tilespmem:s4+$0xFFFFFFD0] =	vst v7;
	v7 =	vld [tilespmem:s4+$0xFFFFFFE0]  }
0x145: {  	v8 =	vld [tilespmem:s0+$0xFFFFFFE0];
	_ =	sdelay $0x4  }
0x146: {  	v7 =	vadd.f32 v7, v8;
	_ =	sdelay $0x1  }
0x147: {  	v7 =	vmax.f32 v7, $0.0e+00  }
0x148: {  	v7 =	vmul.f32 v7, v6;
	_ =	sdelay $0x1  }
0x149: {  	[tilespmem:s4+$0xFFFFFFE0] =	vst v7;
	v7 =	vld [tilespmem:s4+$0xFFFFFFF0]  }
0x14a: {  	v8 =	vld [tilespmem:s0+$0xFFFFFFF0];
	_ =	sdelay $0x4  }
0x14b: {  	v7 =	vadd.f32 v7, v8;
	_ =	sdelay $0x1  }
0x14c: {  	v7 =	vmax.f32 v7, $0.0e+00  }
0x14d: {  	v7 =	vmul.f32 v7, v6;
	_ =	sdelay $0x1  }
0x14e: {  	[tilespmem:s4+$0xFFFFFFF0] =	vst v7;
	v7 =	vld [tilespmem:s4+$0x0]  }
0x14f: {  	v8 =	vld [tilespmem:s0+$0x0];
	_ =	sdelay $0x4  }
0x150: {  	v7 =	vadd.f32 v7, v8;
	_ =	sdelay $0x1  }
0x151: {  	v7 =	vmax.f32 v7, $0.0e+00  }
0x152: {  	v7 =	vmul.f32 v7, v6;
	_ =	sdelay $0x1  }
0x153: {  	[tilespmem:s4+$0x0] =	vst v7;
	v7 =	vld [tilespmem:s4+$0x10]  }
0x154: {  	v8 =	vld [tilespmem:s0+$0x10];
	_ =	sdelay $0x4  }
0x155: {  	v7 =	vadd.f32 v7, v8;
	_ =	sdelay $0x1  }
0x156: {  	v7 =	vmax.f32 v7, $0.0e+00  }
0x157: {  	v7 =	vmul.f32 v7, v6;
	_ =	sdelay $0x1  }
0x158: {  	[tilespmem:s4+$0x10] =	vst v7;
	v7 =	vld [tilespmem:s4+$0x20]  }
0x159: {  	v8 =	vld [tilespmem:s0+$0x20];
	_ =	sdelay $0x4  }
0x15a: {  	v7 =	vadd.f32 v7, v8;
	_ =	sdelay $0x1  }
0x15b: {  	v7 =	vmax.f32 v7, $0.0e+00  }
0x15c: {  	v7 =	vmul.f32 v7, v6;
	_ =	sdelay $0x1  }
0x15d: {  	[tilespmem:s4+$0x20] =	vst v7;
	v7 =	vld [tilespmem:s4+$0x30]  }
0x15e: {  	v8 =	vld [tilespmem:s0+$0x30];
	_ =	sdelay $0x3  }
.Ltmp3:
0x15f: {  	(pc) =	sbr.rel @p0 .LBB2_9-.Ltmp3, $3  }
0x160: {  	v8 =	vadd.f32 v7, v8;
	_ =	sdelay $0x1  }
0x161: {  	v7 =	vmov s20;
	v8 =	vmax.f32 v8, $0.0e+00  }
0x162: {  	s20 =	sadd.s32 $0x1, s20;
	v6 =	vmul.f32 v8, v6  }
0x163: {  	s4 =	sadd.s32 $0x80, s4  }
0x164: {  	s0 =	sadd.s32 $0x80, s0;
	v8 =	vld [tilespmem:s4+$0xFFFFFFC0];
	[tilespmem:s1+$0x30] =	vst v6  }
0x165: {  	v6 =	vld [tilespmem:s0+$0xFFFFFFC0];
	_ =	sdelay $0x2  }
0x166: {  	v7 =	vld.idx.msk [tilespmem:v7+s23+$0x0], $0xffff;
	_ =	sdelay $0x1  }
0x167: {  	v6 =	vadd.f32 v8, v6;
	_ =	sdelay $0x1  }
0x168: {  	v6 =	vmax.f32 v6, $0.0e+00  }
0x169: {  	v6 =	vmul.f32 v6, v7;
	_ =	sdelay $0x1  }
0x16a: {  	[tilespmem:s4+$0xFFFFFFC0] =	vst v6;
	v6 =	vld [tilespmem:s4+$0xFFFFFFD0]  }
0x16b: {  	v57 =	vld [tilespmem:s0+$0xFFFFFFD0];
	_ =	sdelay $0x4  }
0x16c: {  	v6 =	vadd.f32 v6, v57;
	_ =	sdelay $0x1  }
0x16d: {  	v6 =	vmax.f32 v6, $0.0e+00  }
0x16e: {  	v6 =	vmul.f32 v6, v7;
	_ =	sdelay $0x1  }
0x16f: {  	[tilespmem:s4+$0xFFFFFFD0] =	vst v6;
	v6 =	vld [tilespmem:s4+$0xFFFFFFE0]  }
0x170: {  	v58 =	vld [tilespmem:s0+$0xFFFFFFE0];
	_ =	sdelay $0x4  }
0x171: {  	v6 =	vadd.f32 v6, v58;
	_ =	sdelay $0x1  }
0x172: {  	v6 =	vmax.f32 v6, $0.0e+00  }
0x173: {  	v6 =	vmul.f32 v6, v7;
	_ =	sdelay $0x1  }
0x174: {  	[tilespmem:s4+$0xFFFFFFE0] =	vst v6;
	v6 =	vld [tilespmem:s4+$0xFFFFFFF0]  }
0x175: {  	v59 =	vld [tilespmem:s0+$0xFFFFFFF0];
	_ =	sdelay $0x4  }
0x176: {  	v6 =	vadd.f32 v6, v59;
	_ =	sdelay $0x1  }
0x177: {  	v6 =	vmax.f32 v6, $0.0e+00  }
0x178: {  	v6 =	vmul.f32 v6, v7;
	_ =	sdelay $0x1  }
0x179: {  	[tilespmem:s4+$0xFFFFFFF0] =	vst v6;
	v6 =	vld [tilespmem:s4+$0x0]  }
0x17a: {  	v60 =	vld [tilespmem:s0+$0x0];
	_ =	sdelay $0x4  }
0x17b: {  	v6 =	vadd.f32 v6, v60;
	_ =	sdelay $0x1  }
0x17c: {  	v6 =	vmax.f32 v6, $0.0e+00  }
0x17d: {  	v6 =	vmul.f32 v6, v7;
	_ =	sdelay $0x1  }
0x17e: {  	[tilespmem:s4+$0x0] =	vst v6;
	v6 =	vld [tilespmem:s4+$0x10]  }
0x17f: {  	v61 =	vld [tilespmem:s0+$0x10];
	_ =	sdelay $0x4  }
0x180: {  	v6 =	vadd.f32 v6, v61;
	_ =	sdelay $0x1  }
0x181: {  	v6 =	vmax.f32 v6, $0.0e+00  }
0x182: {  	v6 =	vmul.f32 v6, v7;
	_ =	sdelay $0x1  }
0x183: {  	[tilespmem:s4+$0x10] =	vst v6;
	v6 =	vld [tilespmem:s4+$0x20]  }
0x184: {  	v62 =	vld [tilespmem:s0+$0x20];
	_ =	sdelay $0x4  }
0x185: {  	v6 =	vadd.f32 v6, v62;
	_ =	sdelay $0x1  }
0x186: {  	v6 =	vmax.f32 v6, $0.0e+00  }
0x187: {  	v6 =	vmul.f32 v6, v7;
	_ =	sdelay $0x1  }
0x188: {  	[tilespmem:s4+$0x20] =	vst v6;
	v6 =	vld [tilespmem:s4+$0x30]  }
0x189: {  	v63 =	vld [tilespmem:s0+$0x30];
	_ =	sdelay $0x4  }
0x18a: {  	v6 =	vadd.f32 v6, v63;
	_ =	sdelay $0x1  }
0x18b: {  	v6 =	vmax.f32 v6, $0.0e+00  }
0x18c: {  	s19 =	sadd.s32 $0x1, s19;
	v6 =	vmul.f32 v6, v7  }
0x18d: {  	p0 =	sne.s32 s19, $0x3E  }
.Ltmp4:
0x18e: {  	[tilespmem:s4+$0x30] =	vst v6;
	(pc) =	sbr.rel @p0 .LBB2_6-.Ltmp4, $4  }
0x18f: {  	[spmem:s2] =	stream.indirect.scatter.add.f32 [tilespmem:s26], [sflag:$0x7], $0x80, s22, s10, $0xb8;
	[tilespmem:$0x1E380] =	vst v63  }
0x190: {  	_ =	swait.ge [sflag:s13], $0x2800  }
0x191: {  	[sflag:s13] =	ssyncset.done $0x0  }
0x192: {  	[sflag:s13] =	ssyncadd.s32 $0xFFFFD800  }
0x193: {  	_ =	swait.ge [sflag:s28], $0x2800  }
0x194: {  	[sflag:s28] =	ssyncset.done $0x0  }
0x195: {  	[sflag:s28] =	ssyncadd.s32 $0xFFFFD800  }
0x196: {  	_ =	swait.ge [sflag:s29], $0x2800  }
0x197: {  	s0 =	simm.s32 $0x0;
	[sflag:s29] =	ssyncset.done $0x0  }
0x198: {  	s3 =	simm.s32 $0x2BC0;
	v6 =	vmov s0;
	[sflag:s29] =	ssyncadd.s32 $0xFFFFD800  }
0x199: {  	s0 =	simm.s32 $0x3C0;
	v7 =	vld [tilespmem:s3+$0xFFFFFFC0]  }
0x19a: {  	v8 =	vld [tilespmem:s0+$0xFFFFFFC0];
	_ =	sdelay $0x2  }
0x19b: {  	v6 =	vld.idx.msk [tilespmem:v6+s17+$0x0], $0xffff;
	_ =	sdelay $0x1  }
0x19c: {  	v7 =	vadd.f32 v7, v8;
	_ =	sdelay $0x1  }
0x19d: {  	v7 =	vmax.f32 v7, $0.0e+00  }
0x19e: {  	v7 =	vmul.f32 v7, v6;
	_ =	sdelay $0x1  }
0x19f: {  	[tilespmem:s3+$0xFFFFFFC0] =	vst v7;
	v7 =	vld [tilespmem:s3+$0xFFFFFFD0]  }
0x1a0: {  	v8 =	vld [tilespmem:s0+$0xFFFFFFD0];
	_ =	sdelay $0x4  }
0x1a1: {  	v7 =	vadd.f32 v7, v8;
	_ =	sdelay $0x1  }
0x1a2: {  	v7 =	vmax.f32 v7, $0.0e+00  }
0x1a3: {  	v7 =	vmul.f32 v7, v6;
	_ =	sdelay $0x1  }
0x1a4: {  	[tilespmem:s3+$0xFFFFFFD0] =	vst v7;
	v7 =	vld [tilespmem:s3+$0xFFFFFFE0]  }
0x1a5: {  	v8 =	vld [tilespmem:s0+$0xFFFFFFE0];
	_ =	sdelay $0x4  }
0x1a6: {  	v7 =	vadd.f32 v7, v8;
	_ =	sdelay $0x1  }
0x1a7: {  	v7 =	vmax.f32 v7, $0.0e+00  }
0x1a8: {  	v7 =	vmul.f32 v7, v6;
	_ =	sdelay $0x1  }
0x1a9: {  	[tilespmem:s3+$0xFFFFFFE0] =	vst v7;
	v7 =	vld [tilespmem:s3+$0xFFFFFFF0]  }
0x1aa: {  	v8 =	vld [tilespmem:s0+$0xFFFFFFF0];
	_ =	sdelay $0x4  }
0x1ab: {  	v7 =	vadd.f32 v7, v8;
	_ =	sdelay $0x1  }
0x1ac: {  	v7 =	vmax.f32 v7, $0.0e+00  }
0x1ad: {  	v7 =	vmul.f32 v7, v6;
	_ =	sdelay $0x1  }
0x1ae: {  	[tilespmem:s3+$0xFFFFFFF0] =	vst v7;
	v7 =	vld [tilespmem:s3+$0x0]  }
0x1af: {  	v8 =	vld [tilespmem:s0+$0x0];
	_ =	sdelay $0x4  }
0x1b0: {  	v7 =	vadd.f32 v7, v8;
	_ =	sdelay $0x1  }
0x1b1: {  	v7 =	vmax.f32 v7, $0.0e+00  }
0x1b2: {  	v7 =	vmul.f32 v7, v6;
	_ =	sdelay $0x1  }
0x1b3: {  	[tilespmem:s3+$0x0] =	vst v7;
	v7 =	vld [tilespmem:s3+$0x10]  }
0x1b4: {  	v8 =	vld [tilespmem:s0+$0x10];
	_ =	sdelay $0x4  }
0x1b5: {  	v7 =	vadd.f32 v7, v8;
	_ =	sdelay $0x1  }
0x1b6: {  	v7 =	vmax.f32 v7, $0.0e+00  }
0x1b7: {  	v7 =	vmul.f32 v7, v6;
	_ =	sdelay $0x1  }
0x1b8: {  	[tilespmem:s3+$0x10] =	vst v7;
	v7 =	vld [tilespmem:s3+$0x20]  }
0x1b9: {  	v8 =	vld [tilespmem:s0+$0x20];
	_ =	sdelay $0x4  }
0x1ba: {  	v7 =	vadd.f32 v7, v8;
	_ =	sdelay $0x1  }
0x1bb: {  	v7 =	vmax.f32 v7, $0.0e+00  }
0x1bc: {  	v7 =	vmul.f32 v7, v6;
	_ =	sdelay $0x1  }
0x1bd: {  	[tilespmem:s3+$0x20] =	vst v7;
	v7 =	vld [tilespmem:s3+$0x30]  }
0x1be: {  	v8 =	vld [tilespmem:s0+$0x30];
	_ =	sdelay $0x4  }
0x1bf: {  	v7 =	vadd.f32 v7, v8  }
0x1c0: {  	s1 =	simm.s32 $0x1  }
0x1c1: {  	v8 =	vmax.f32 v7, $0.0e+00;
	v7 =	vmov s1  }
0x1c2: {  	s4 =	simm.s32 $0x2;
	s1 =	simm.s32 $0x2BC0;
	v6 =	vmul.f32 v8, v6  }
.LBB2_12:
0x1c3: {  	p0 =	sne.s32 s4, $0x4F;
	s3 =	sadd.s32 $0x80, s3  }
0x1c4: {  	s0 =	sadd.s32 $0x80, s0;
	v8 =	vld [tilespmem:s3+$0xFFFFFFC0];
	[tilespmem:s1+$0x30] =	vst v6;
	s1 =	smov.u32 s3  }
0x1c5: {  	v9 =	vld [tilespmem:s0+$0xFFFFFFC0]  }
0x1c6: {  	v6 =	vld.idx.msk [tilespmem:v7+s17+$0x0], $0xffff;
	_ =	sdelay $0x3  }
0x1c7: {  	v7 =	vadd.f32 v8, v9;
	_ =	sdelay $0x1  }
0x1c8: {  	v7 =	vmax.f32 v7, $0.0e+00  }
0x1c9: {  	v7 =	vmul.f32 v7, v6;
	_ =	sdelay $0x1  }
0x1ca: {  	[tilespmem:s3+$0xFFFFFFC0] =	vst v7;
	v7 =	vld [tilespmem:s3+$0xFFFFFFD0]  }
0x1cb: {  	v8 =	vld [tilespmem:s0+$0xFFFFFFD0];
	_ =	sdelay $0x4  }
0x1cc: {  	v7 =	vadd.f32 v7, v8;
	_ =	sdelay $0x1  }
0x1cd: {  	v7 =	vmax.f32 v7, $0.0e+00  }
0x1ce: {  	v7 =	vmul.f32 v7, v6;
	_ =	sdelay $0x1  }
0x1cf: {  	[tilespmem:s3+$0xFFFFFFD0] =	vst v7;
	v7 =	vld [tilespmem:s3+$0xFFFFFFE0]  }
0x1d0: {  	v8 =	vld [tilespmem:s0+$0xFFFFFFE0];
	_ =	sdelay $0x4  }
0x1d1: {  	v7 =	vadd.f32 v7, v8;
	_ =	sdelay $0x1  }
0x1d2: {  	v7 =	vmax.f32 v7, $0.0e+00  }
0x1d3: {  	v7 =	vmul.f32 v7, v6;
	_ =	sdelay $0x1  }
0x1d4: {  	[tilespmem:s3+$0xFFFFFFE0] =	vst v7;
	v7 =	vld [tilespmem:s3+$0xFFFFFFF0]  }
0x1d5: {  	v8 =	vld [tilespmem:s0+$0xFFFFFFF0];
	_ =	sdelay $0x4  }
0x1d6: {  	v7 =	vadd.f32 v7, v8;
	_ =	sdelay $0x1  }
0x1d7: {  	v7 =	vmax.f32 v7, $0.0e+00  }
0x1d8: {  	v7 =	vmul.f32 v7, v6;
	_ =	sdelay $0x1  }
0x1d9: {  	[tilespmem:s3+$0xFFFFFFF0] =	vst v7;
	v7 =	vld [tilespmem:s3+$0x0]  }
0x1da: {  	v8 =	vld [tilespmem:s0+$0x0];
	_ =	sdelay $0x4  }
0x1db: {  	v7 =	vadd.f32 v7, v8;
	_ =	sdelay $0x1  }
0x1dc: {  	v7 =	vmax.f32 v7, $0.0e+00  }
0x1dd: {  	v7 =	vmul.f32 v7, v6;
	_ =	sdelay $0x1  }
0x1de: {  	[tilespmem:s3+$0x0] =	vst v7;
	v7 =	vld [tilespmem:s3+$0x10]  }
0x1df: {  	v8 =	vld [tilespmem:s0+$0x10];
	_ =	sdelay $0x4  }
0x1e0: {  	v7 =	vadd.f32 v7, v8;
	_ =	sdelay $0x1  }
0x1e1: {  	v7 =	vmax.f32 v7, $0.0e+00  }
0x1e2: {  	v7 =	vmul.f32 v7, v6;
	_ =	sdelay $0x1  }
0x1e3: {  	[tilespmem:s3+$0x10] =	vst v7;
	v7 =	vld [tilespmem:s3+$0x20]  }
0x1e4: {  	v8 =	vld [tilespmem:s0+$0x20];
	_ =	sdelay $0x4  }
0x1e5: {  	v7 =	vadd.f32 v7, v8;
	_ =	sdelay $0x1  }
0x1e6: {  	v7 =	vmax.f32 v7, $0.0e+00  }
0x1e7: {  	v7 =	vmul.f32 v7, v6;
	_ =	sdelay $0x1  }
0x1e8: {  	[tilespmem:s3+$0x20] =	vst v7;
	v7 =	vld [tilespmem:s3+$0x30]  }
0x1e9: {  	v8 =	vld [tilespmem:s0+$0x30];
	_ =	sdelay $0x3  }
.Ltmp5:
0x1ea: {  	(pc) =	sbr.rel @p0 .LBB2_12-.Ltmp5, $3  }
0x1eb: {  	v8 =	vadd.f32 v7, v8;
	_ =	sdelay $0x1  }
0x1ec: {  	v7 =	vmov s4;
	v8 =	vmax.f32 v8, $0.0e+00  }
0x1ed: {  	s4 =	sadd.s32 $0x1, s4;
	v6 =	vmul.f32 v8, v6  }
0x1ee: {  	s3 =	sadd.s32 $0x80, s3  }
0x1ef: {  	s0 =	sadd.s32 $0x80, s0;
	[tilespmem:s1+$0x30] =	vst v6;
	v6 =	vld [tilespmem:s3+$0xFFFFFFC0]  }
0x1f0: {  	v8 =	vld [tilespmem:s0+$0xFFFFFFC0];
	_ =	sdelay $0x2  }
0x1f1: {  	v7 =	vld.idx.msk [tilespmem:v7+s17+$0x0], $0xffff;
	_ =	sdelay $0x1  }
0x1f2: {  	v6 =	vadd.f32 v6, v8;
	_ =	sdelay $0x1  }
0x1f3: {  	v6 =	vmax.f32 v6, $0.0e+00  }
0x1f4: {  	v6 =	vmul.f32 v6, v7;
	_ =	sdelay $0x1  }
0x1f5: {  	[tilespmem:s3+$0xFFFFFFC0] =	vst v6;
	v6 =	vld [tilespmem:s3+$0xFFFFFFD0]  }
0x1f6: {  	v57 =	vld [tilespmem:s0+$0xFFFFFFD0];
	_ =	sdelay $0x4  }
0x1f7: {  	v6 =	vadd.f32 v6, v57;
	_ =	sdelay $0x1  }
0x1f8: {  	v6 =	vmax.f32 v6, $0.0e+00  }
0x1f9: {  	v6 =	vmul.f32 v6, v7;
	_ =	sdelay $0x1  }
0x1fa: {  	[tilespmem:s3+$0xFFFFFFD0] =	vst v6;
	v6 =	vld [tilespmem:s3+$0xFFFFFFE0]  }
0x1fb: {  	v58 =	vld [tilespmem:s0+$0xFFFFFFE0];
	_ =	sdelay $0x4  }
0x1fc: {  	v6 =	vadd.f32 v6, v58;
	_ =	sdelay $0x1  }
0x1fd: {  	v6 =	vmax.f32 v6, $0.0e+00  }
0x1fe: {  	v6 =	vmul.f32 v6, v7;
	_ =	sdelay $0x1  }
0x1ff: {  	[tilespmem:s3+$0xFFFFFFE0] =	vst v6;
	v6 =	vld [tilespmem:s3+$0xFFFFFFF0]  }
0x200: {  	v59 =	vld [tilespmem:s0+$0xFFFFFFF0];
	_ =	sdelay $0x4  }
0x201: {  	v6 =	vadd.f32 v6, v59;
	_ =	sdelay $0x1  }
0x202: {  	v6 =	vmax.f32 v6, $0.0e+00  }
0x203: {  	v6 =	vmul.f32 v6, v7;
	_ =	sdelay $0x1  }
0x204: {  	[tilespmem:s3+$0xFFFFFFF0] =	vst v6;
	v6 =	vld [tilespmem:s3+$0x0]  }
0x205: {  	v60 =	vld [tilespmem:s0+$0x0];
	_ =	sdelay $0x4  }
0x206: {  	v6 =	vadd.f32 v6, v60;
	_ =	sdelay $0x1  }
0x207: {  	v6 =	vmax.f32 v6, $0.0e+00  }
0x208: {  	v6 =	vmul.f32 v6, v7;
	_ =	sdelay $0x1  }
0x209: {  	[tilespmem:s3+$0x0] =	vst v6;
	v6 =	vld [tilespmem:s3+$0x10]  }
0x20a: {  	v61 =	vld [tilespmem:s0+$0x10];
	_ =	sdelay $0x4  }
0x20b: {  	v6 =	vadd.f32 v6, v61;
	_ =	sdelay $0x1  }
0x20c: {  	v6 =	vmax.f32 v6, $0.0e+00  }
0x20d: {  	v6 =	vmul.f32 v6, v7;
	_ =	sdelay $0x1  }
0x20e: {  	[tilespmem:s3+$0x10] =	vst v6;
	v6 =	vld [tilespmem:s3+$0x20]  }
0x20f: {  	v62 =	vld [tilespmem:s0+$0x20];
	_ =	sdelay $0x4  }
0x210: {  	v6 =	vadd.f32 v6, v62;
	_ =	sdelay $0x1  }
0x211: {  	v6 =	vmax.f32 v6, $0.0e+00  }
0x212: {  	v6 =	vmul.f32 v6, v7;
	_ =	sdelay $0x1  }
0x213: {  	v63 =	vld [tilespmem:s3+$0x30];
	[tilespmem:s3+$0x20] =	vst v6  }
0x214: {  	v6 =	vld [tilespmem:s0+$0x30];
	_ =	sdelay $0x4  }
0x215: {  	v6 =	vadd.f32 v63, v6;
	_ =	sdelay $0x1  }
0x216: {  	v6 =	vmax.f32 v6, $0.0e+00  }
0x217: {  	v6 =	vmul.f32 v6, v7;
	_ =	sdelay $0x1  }
0x218: {  	[tilespmem:s3+$0x30] =	vst v6  }
0x219: {  	[spmem:s2] =	stream.indirect.scatter.add.f32 [tilespmem:s12], [sflag:$0x7], $0x80, s16, s10, $0xb8;
	[tilespmem:$0x1E380] =	vst v63  }
0x21a: {  	_ =	swait.ge [sflag:s13], $0x2800  }
0x21b: {  	[sflag:s13] =	ssyncset.done $0x0  }
0x21c: {  	[sflag:s13] =	ssyncadd.s32 $0xFFFFD800  }
0x21d: {  	[bflag:$0x0] =	sbarrier.arrive $0xFFFF  }
0x21e: {  	s14 =	rddreg [dreg:$0xc]  }
0x21f: {  	[tilespmem:s12], [sflag:$0x7] =	stream.linear.gather [spmem:s14], $0x2800, $0x38;
	[tilespmem:$0x1E380] =	vst v63  }
0x220: {  	_ =	swait.ge [sflag:s13], $0x2800  }
0x221: {  	[sflag:s13] =	ssyncset.done $0x0  }
0x222: {  	s0 =	simm.s32 $0x0;
	s19 =	rddreg [dreg:$0x9];
	[sflag:s13] =	ssyncadd.s32 $0xFFFFD800  }
0x223: {  	[hbm4b:s19+s0] =	stream.linear.scatter [tilespmem:s12], [sflag:$0x7], $0x2800, $0x38;
	[tilespmem:$0x1E380] =	vst v63  }
0x224: {  	_ =	swait.ge [sflag:s13], $0x2800  }
0x225: {  	[sflag:s13] =	ssyncset.done $0x0  }
0x226: {  	s20 =	rddreg [dreg:$0x13];
	[sflag:s13] =	ssyncadd.s32 $0xFFFFD800  }
0x227: {  	[tilespmem:s12], [sflag:$0x7] =	stream.linear.gather [spmem:s20], $0x2800, $0x38;
	[tilespmem:$0x1E380] =	vst v63  }
0x228: {  	_ =	swait.ge [sflag:s13], $0x2800  }
0x229: {  	[sflag:s13] =	ssyncset.done $0x0  }
0x22a: {  	s3 =	rddreg [dreg:$0xa];
	[sflag:s13] =	ssyncadd.s32 $0xFFFFD800  }
0x22b: {  	[hbm4b:s3+s0] =	stream.linear.scatter [tilespmem:s12], [sflag:$0x7], $0x2800, $0x38;
	[tilespmem:$0x1E380] =	vst v63  }
0x22c: {  	_ =	swait.ge [sflag:s13], $0x2800  }
0x22d: {  	[sflag:s13] =	ssyncset.done $0x0  }
0x22e: {  	s4 =	rddreg [dreg:$0x14];
	[sflag:s13] =	ssyncadd.s32 $0xFFFFD800  }
0x22f: {  	[tilespmem:s12], [sflag:$0x7] =	stream.linear.gather [spmem:s4], $0x2800, $0x38;
	[tilespmem:$0x1E380] =	vst v63  }
0x230: {  	_ =	swait.ge [sflag:s13], $0x2800  }
0x231: {  	[sflag:s13] =	ssyncset.done $0x0  }
0x232: {  	s14 =	rddreg [dreg:$0xb];
	[sflag:s13] =	ssyncadd.s32 $0xFFFFD800  }
0x233: {  	[hbm4b:s14+s0] =	stream.linear.scatter [tilespmem:s12], [sflag:$0x7], $0x2800, $0x38;
	[tilespmem:$0x1E380] =	vst v63  }
0x234: {  	_ =	swait.ge [sflag:s13], $0x2800  }
0x235: {  	[sflag:s13] =	ssyncset.done $0x0  }
0x236: {  	s19 =	rddreg [dreg:$0x15];
	[sflag:s13] =	ssyncadd.s32 $0xFFFFD800  }
0x237: {  	[tilespmem:s12], [sflag:$0x7] =	stream.linear.gather [spmem:s19], $0x2800, $0x38;
	[tilespmem:$0x1E380] =	vst v63  }
0x238: {  	_ =	swait.ge [sflag:s13], $0x2800  }
0x239: {  	[sflag:s13] =	ssyncset.done $0x0  }
0x23a: {  	s20 =	rddreg [dreg:$0xd];
	[sflag:s13] =	ssyncadd.s32 $0xFFFFD800  }
0x23b: {  	[hbm4b:s20+s0] =	stream.linear.scatter [tilespmem:s12], [sflag:$0x7], $0x2800, $0x38;
	[tilespmem:$0x1E380] =	vst v63  }
0x23c: {  	_ =	swait.ge [sflag:s13], $0x2800  }
0x23d: {  	[sflag:s13] =	ssyncset.done $0x0  }
0x23e: {  	s3 =	rddreg [dreg:$0x16];
	[sflag:s13] =	ssyncadd.s32 $0xFFFFD800  }
0x23f: {  	[tilespmem:s12], [sflag:$0x7] =	stream.linear.gather [spmem:s3], $0x2800, $0x38;
	[tilespmem:$0x1E380] =	vst v63  }
0x240: {  	_ =	swait.ge [sflag:s13], $0x2800  }
0x241: {  	[sflag:s13] =	ssyncset.done $0x0  }
0x242: {  	s4 =	rddreg [dreg:$0xe];
	[sflag:s13] =	ssyncadd.s32 $0xFFFFD800  }
0x243: {  	[hbm4b:s4+s0] =	stream.linear.scatter [tilespmem:s12], [sflag:$0x7], $0x2800, $0x38;
	[tilespmem:$0x1E380] =	vst v63  }
0x244: {  	_ =	swait.ge [sflag:s13], $0x2800  }
0x245: {  	[sflag:s13] =	ssyncset.done $0x0  }
0x246: {  	s14 =	rddreg [dreg:$0x17];
	[sflag:s13] =	ssyncadd.s32 $0xFFFFD800  }
0x247: {  	[tilespmem:s12], [sflag:$0x7] =	stream.linear.gather [spmem:s14], $0x2800, $0x38;
	[tilespmem:$0x1E380] =	vst v63  }
0x248: {  	_ =	swait.ge [sflag:s13], $0x2800  }
0x249: {  	[sflag:s13] =	ssyncset.done $0x0  }
0x24a: {  	s19 =	rddreg [dreg:$0x10];
	[sflag:s13] =	ssyncadd.s32 $0xFFFFD800  }
0x24b: {  	[hbm4b:s19+s0] =	stream.linear.scatter [tilespmem:s12], [sflag:$0x7], $0x2800, $0x38;
	[tilespmem:$0x1E380] =	vst v63  }
0x24c: {  	_ =	swait.ge [sflag:s13], $0x2800  }
0x24d: {  	[sflag:s13] =	ssyncset.done $0x0  }
0x24e: {  	s20 =	rddreg [dreg:$0x18];
	[sflag:s13] =	ssyncadd.s32 $0xFFFFD800  }
0x24f: {  	[tilespmem:s12], [sflag:$0x7] =	stream.linear.gather [spmem:s20], $0x2800, $0x38;
	[tilespmem:$0x1E380] =	vst v63  }
0x250: {  	_ =	swait.ge [sflag:s13], $0x2800  }
0x251: {  	[sflag:s13] =	ssyncset.done $0x0  }
0x252: {  	s3 =	rddreg [dreg:$0x11];
	[sflag:s13] =	ssyncadd.s32 $0xFFFFD800  }
0x253: {  	[hbm4b:s3+s0] =	stream.linear.scatter [tilespmem:s12], [sflag:$0x7], $0x2800, $0x38;
	[tilespmem:$0x1E380] =	vst v63  }
0x254: {  	_ =	swait.ge [sflag:s13], $0x2800  }
0x255: {  	[sflag:s13] =	ssyncset.done $0x0  }
0x256: {  	s4 =	rddreg [dreg:$0x19];
	[sflag:s13] =	ssyncadd.s32 $0xFFFFD800  }
0x257: {  	[tilespmem:s12], [sflag:$0x7] =	stream.linear.gather [spmem:s4], $0x2800, $0x38;
	[tilespmem:$0x1E380] =	vst v63  }
0x258: {  	_ =	swait.ge [sflag:s13], $0x2800  }
0x259: {  	[sflag:s13] =	ssyncset.done $0x0  }
0x25a: {  	s14 =	rddreg [dreg:$0x12];
	[sflag:s13] =	ssyncadd.s32 $0xFFFFD800  }
0x25b: {  	[hbm4b:s14+s0] =	stream.linear.scatter [tilespmem:s12], [sflag:$0x7], $0x2800, $0x38;
	[tilespmem:$0x1E380] =	vst v63  }
0x25c: {  	_ =	swait.ge [sflag:s13], $0x2800  }
0x25d: {  	s19 =	rddreg [dreg:$0x1a]  }
0x25e: {  	s20 =	rddreg [dreg:$0xf];
	s1 =	sadd.s32 $0x1, s19  }
0x25f: {  	p0 =	sne.s32 s1, s20  }
.Ltmp6:
0x260: {  	_ = 	snop;
	(pc) =	sbr.rel @p0 .LBB2_1-.Ltmp6, $3  }
0x261: {  	_ =	sdelay $0x1  }
0x262: {  	[sflag:s13] =	ssyncset.done $0x0  }
0x263: {  	[sflag:s13] =	ssyncadd.s32 $0xFFFFD800  }
0x264: {  	_ =	sfence.sel $0x180000  }
0x265: {  	[bflag:$0x0] =	sbarrier.arrive $0xFFFF  }
0x266: {  	_ =	strace $0x90000050  }
0x267: {  	s0 =	stileid.u32;
	[bflag:$0x2] =	sbarrier.arrive $0xFFFF  }
0x268: {  	p0 =	sne.s32 s0, $0x0;
	s0 =	rddreg [dreg:$0x3]  }
0x269: {  	s0 =	sadd.s32 @!p0 $0x100000, s0  }
0x26a: {  	[sflag:s0] =	ssyncadd.tile.s32 @!p0 $0x1;
	_ =	shalt  }
.Lfunc_end2:
_tile_overlayer_lowered:
.L_overlay_start_2:
0x26b: {  	(tag) =	ssettag $0x2  }
0x26c: {  	s0 =	rddreg [dreg:$0x0];
	s2 =	stileid.u32  }
0x26d: {  	s1 =	rddreg [dreg:$0x1];
	p0 =	sne.s32 s2, $0x0  }
0x26e: {  	s3 =	rddreg [dreg:$0x2];
	[bflag:$0x3] =	sbarrier.arrive $0xFFFF;
	s2 =	simm.s32 @!p0 $0x1C07  }
0x26f: {  	[timem:s3], [sflag:s2] =	dma.local @!p0 [hbm:s0], s1  }
0x270: {  	s0 =	simm.s32 @!p0 $0x7  }
0x271: {  	_ =	swait.ge @!p0 [sflag:s0], s1  }
0x272: {  	s1 =	ssub.s32 @!p0 $0x0, s1;
	[sflag:s0] =	ssyncset.done @!p0 $0x0  }
0x273: {  	[sflag:s0] =	ssyncadd.s32 @!p0 s1  }
0x274: {  	[bflag:$0x3] =	sbarrier.arrive $0xFFFF  }
0x275: {  	_ =	shalt  }

// kernel: kernel.26.cloned.1.call-start
scs
__scs_entry_jumppad:
0x0: {  	(pc) =	sbr.rel $0x88, $3  }
0x1: {  	(tag) =	ssettag $0x0;
	lr =	simm.s32 $0x1  }
0x2: {  	[smem:$0x3F95] =	sst lr;
	_ =	strace $0xD0000000  }
0x3: {  	_ = 	snop  }
0x4: {  	_ = 	snop  }
0x5: {  	_ = 	snop  }
0x6: {  	_ = 	snop  }
0x7: {  	_ = 	snop  }
__scs_overlays_trampoline_lowered:
0x8: {  	[smem:$0x3FA4] =	sst s0  }
0x9: {  	[smem:$0x3FA5] =	sst s1  }
0xa: {  	[smem:$0x3FA6] =	sst s2  }
0xb: {  	[smem:$0x3FA7] =	sst s3  }
0xc: {  	[smem:$0x3FA8] =	sst s4  }
0xd: {  	[smem:$0x3FA9] =	sst s5  }
0xe: {  	[smem:$0x3FAA] =	sst s6  }
0xf: {  	[smem:$0x3FAB] =	sst s7  }
0x10: {  	[smem:$0x3FAC] =	sst s8  }
0x11: {  	[smem:$0x3FAD] =	sst s9;
	s0 =	simm.s32 @!p0 $0x0  }
0x12: {  	s1 =	sld [smem:$0x3F93];
	s0 =	simm.s32 @p0 $0x1  }
0x13: {  	[smem:$0x3FAE] =	sst s0;
	s0 =	simm.s32 @!p1 $0x0  }
0x14: {  	s2 =	sld [smem:$0x3F92];
	s0 =	simm.s32 @p1 $0x1  }
0x15: {  	[smem:$0x3FAF] =	sst s0;
	s0 =	simm.s32 @!p2 $0x0  }
0x16: {  	s3 =	sld [smem:$0x3FDB];
	s0 =	simm.s32 @p2 $0x1  }
0x17: {  	s4 =	simm.s32 $0x1BF5;
	[smem:$0x3FB1] =	sst s0  }
0x18: {  	s0 =	sld [smem:$0x3F94];
	_ =	swait.ge [sflag:s4], $0x0  }
0x19: {  	s7 =	sld [smem:$0x3F95]  }
0x1a: {  	s8 =	sadd.s32 $0xFFFFE003, lr  }
0x1b: {  	s9 =	sadd.s32 $0xFFFFFEF7, lr;
	s5 =	simm.s32 $0xFFFFFFFF;
	p2 =	slt.u32 s8, $0xFFFFF086  }
0x1c: {  	p1 =	slt.u32 s9, $0xF7A;
	s5 =	simm.s32 @!p2 $0x0  }
0x1d: {  	s5 =	simm.s32 @p1 $0x1;
	p0 =	seq.s32 s7, s2  }
0x1e: {  	s7 =	smul.u32 @!p0 $0xF7A, s2;
	p2 =	seq.s32 @!p0 s5, $0x0  }
0x1f: {  	s9 =	smul.u32 $0xF7A, s1;
	s8 =	simm.s32 @!p0 $0x1BF5;
	p2 =	por !p2, p0  }
0x20: {  	[sflag:s8] =	ssyncset.s32 @!p0 $0xFFFFF086;
	s6 =	sadd.s32 @!p0 s3, s7;
	s7 =	simm.s32 @!p0 $0x108  }
0x21: {  	s3 =	sadd.s32 s3, s9;
	s6 =	sadd.s32 @!p0 $0x88, s6;
	s7 =	simm.s32 @p2 $0x1082  }
0x22: {  	[simem:s7], [sflag:s8] =	dma.local @!p0 [hbm:s6], $0xF7A  }
0x23: {  	s9 =	sor.u32 $0xD0000000, s2;
	s6 =	simm.s32 $0x108;
	_ =	swait.ge @!p0 [sflag:s8], $0x0  }
0x24: {  	s3 =	sadd.s32 $0x88, s3;
	s6 =	simm.s32 @!p1 $0x1082;
	[sflag:s4] =	ssyncset.s32 $0xFFFFF086  }
0x25: {  	[simem:s6], [sflag:s4] =	dma.local [hbm:s3], $0xF7A  }
0x26: {  	[smem:$0x3F95] =	sst s1;
	(tag) =	ssettag s2;
	_ =	strace s9  }
0x27: {  	s1 =	sld [smem:$0x3FA5]  }
0x28: {  	s2 =	sld [smem:$0x3FA6]  }
0x29: {  	s4 =	sld [smem:$0x3FA8]  }
0x2a: {  	p0 =	seq.s32 s5, $0x0;
	s5 =	sld [smem:$0x3FA9]  }
0x2b: {  	s6 =	sld [smem:$0x3FAA]  }
0x2c: {  	s7 =	sld [smem:$0x3FAB]  }
0x2d: {  	s3 =	simm.s32 $0x108;
	s8 =	sld [smem:$0x3FAC]  }
0x2e: {  	s3 =	simm.s32 @!p0 $0x1082;
	s9 =	sld [smem:$0x3FAD]  }
0x2f: {  	lr =	sadd.s32 s0, s3;
	s0 =	sld [smem:$0x3FA4]  }
0x30: {  	s3 =	sld [smem:$0x3FA7]  }
0x31: {  	[smem:$0x3FB0] =	sst s10  }
0x32: {  	s10 =	sld [smem:$0x3FAE];
	_ =	sdelay $0x3  }
0x33: {  	p0 =	seq.s32 s10, $0x1;
	s10 =	sld [smem:$0x3FB0];
	_ =	sdelay $0x3  }
0x34: {  	[smem:$0x3FB0] =	sst s10  }
0x35: {  	s10 =	sld [smem:$0x3FAF];
	_ =	sdelay $0x3  }
0x36: {  	p1 =	seq.s32 s10, $0x1;
	s10 =	sld [smem:$0x3FB0];
	_ =	sdelay $0x3  }
0x37: {  	[smem:$0x3FB0] =	sst s10  }
0x38: {  	s10 =	sld [smem:$0x3FB1]  }
0x39: {  	_ = 	snop;
	(pc) =	sbr.ind lr, $3  }
0x3a: {  	_ = 	snop  }
0x3b: {  	_ = 	snop  }
0x3c: {  	p2 =	seq.s32 s10, $0x1;
	s10 =	sld [smem:$0x3FB0]  }
0x3d: {  	_ =	shalt  }
0x3e: {  	_ =	shalt  }
0x3f: {  	_ =	shalt  }
0x40: {  	_ =	shalt  }
0x41: {  	_ =	shalt  }
0x42: {  	_ =	shalt  }
0x43: {  	_ =	shalt  }
0x44: {  	_ =	shalt  }
0x45: {  	_ =	shalt  }
0x46: {  	_ =	shalt  }
0x47: {  	_ =	shalt  }
0x48: {  	_ =	shalt  }
0x49: {  	_ =	shalt  }
0x4a: {  	_ =	shalt  }
0x4b: {  	_ =	shalt  }
0x4c: {  	_ =	shalt  }
0x4d: {  	_ =	shalt  }
0x4e: {  	_ =	shalt  }
0x4f: {  	_ =	shalt  }
0x50: {  	_ =	shalt  }
0x51: {  	_ =	shalt  }
0x52: {  	_ =	shalt  }
0x53: {  	_ =	shalt  }
0x54: {  	_ =	shalt  }
0x55: {  	_ =	shalt  }
0x56: {  	_ =	shalt  }
0x57: {  	_ =	shalt  }
0x58: {  	_ =	shalt  }
0x59: {  	_ =	shalt  }
0x5a: {  	_ =	shalt  }
0x5b: {  	_ =	shalt  }
0x5c: {  	_ =	shalt  }
0x5d: {  	_ =	shalt  }
0x5e: {  	_ =	shalt  }
0x5f: {  	_ =	shalt  }
0x60: {  	_ =	shalt  }
0x61: {  	_ =	shalt  }
0x62: {  	_ =	shalt  }
0x63: {  	_ =	shalt  }
0x64: {  	_ =	shalt  }
0x65: {  	_ =	shalt  }
0x66: {  	_ =	shalt  }
0x67: {  	_ =	shalt  }
0x68: {  	_ =	shalt  }
0x69: {  	_ =	shalt  }
0x6a: {  	_ =	shalt  }
0x6b: {  	_ =	shalt  }
0x6c: {  	_ =	shalt  }
0x6d: {  	_ =	shalt  }
0x6e: {  	_ =	shalt  }
0x6f: {  	_ =	shalt  }
0x70: {  	_ =	shalt  }
0x71: {  	_ =	shalt  }
0x72: {  	_ =	shalt  }
0x73: {  	_ =	shalt  }
0x74: {  	_ =	shalt  }
0x75: {  	_ =	shalt  }
0x76: {  	_ =	shalt  }
0x77: {  	_ =	shalt  }
0x78: {  	_ =	shalt  }
0x79: {  	_ =	shalt  }
0x7a: {  	_ =	shalt  }
0x7b: {  	_ =	shalt  }
0x7c: {  	_ =	shalt  }
0x7d: {  	_ =	shalt  }
0x7e: {  	_ =	shalt  }
0x7f: {  	_ =	shalt  }
0x80: {  	_ =	shalt  }
0x81: {  	_ =	shalt  }
0x82: {  	_ =	shalt  }
0x83: {  	_ =	shalt  }
0x84: {  	_ =	shalt  }
0x85: {  	_ =	shalt  }
0x86: {  	_ =	shalt  }
0x87: {  	_ =	shalt  }
.Lfunc_end0:
.L_simem_size_0:
called_computation.4_lowered:
.L_overlay_start_0:
0x88: {  	s2 =	sld [smem:$0x3FD9]  }
0x89: {  	s3 =	sld [smem:$0x3FFE];
	_ =	sdelay $0x1  }
0x8a: {  	s1 =	srdreg.scid  }
0x8b: {  	s0 =	sand.u32 $0x1, s1  }
0x8c: {  	s17 =	sshll.u32 s0, $0xA;
	s2 =	sadd.s32 s3, s2  }
0x8d: {  	s2 =	sadd.s32 s2, s17  }
0x8e: {  	[smem:$0x3FBC] =	sst s2  }
0x8f: {  	_ = 	snop  }
0x90: {  	s2 =	sld [smem:$0x3FD0];
	(tm) =	ssettm $0x1  }
0x91: {  	s18 =	sld [smem:$0x3FFB];
	_ =	sdelay $0x3  }
0x92: {  	_ =	strace s18  }
0x93: {  	s3 =	sld [smem:$0x3FFC];
	_ =	sdelay $0x3  }
0x94: {  	_ =	strace s3  }
0x95: {  	s3 =	sld [smem:$0x3FFD];
	_ =	sdelay $0x3  }
0x96: {  	_ =	strace s3  }
0x97: {  	_ =	strace $0x8FFFFFFF  }
0x98: {  	s19 =	sld [smem:$0x3FDB];
	_ =	sdelay $0x1  }
0x99: {  	s4 =	simm.s32 $_scs_section_size  }
0x9a: {  	s5 =	simm.s32 $_size__tile_overlayer_lowered;
	s6 =	simm.s32 $_tile_overlayer_lowered  }
0x9b: {  	s22 =	simm.s32 $0x1BFF;
	s21 =	sshll.u32 s6, $0x1;
	s3 =	sadd.s32 s4, s19  }
0x9c: {  	s7 =	simm.s32 $0x0;
	s20 =	sshll.u32 s5, $0x1;
	s5 =	sadd.s32 s21, s3  }
0x9d: {  	[timem:s7], [sflag:s22] =	dma.local [hbm:s5], s20  }
0x9e: {  	_ =	swait.ge [sflag:s22], s20  }
0x9f: {  	s4 =	ssub.s32 $0x0, s20;
	[sflag:s22] =	ssyncset.done $0x0  }
0xa0: {  	[sflag:s22] =	ssyncadd.s32 s4;
	_ =	sdelay $0x1  }
0xa1: {  	s23 =	simm.s32 $0x1B8B  }
0xa2: {  	_ =	swait.ge [sflag:s23], $0x1  }
0xa3: {  	[sflag:s23] =	ssyncset.done $0x0  }
0xa4: {  	s25 =	simm.s32 $0x1B8E;
	s24 =	sld [smem:$0x3FFE];
	[sflag:s23] =	ssyncadd.s32 $0xFFFFFFFF  }
0xa5: {  	s26 =	simm.s32 $execute0_lowered;
	[smem:$0x3FD2] =	sst s25  }
0xa6: {  	s5 =	sshll.u32 s26, $0x1;
	_ =	strace $0x80000052;
	[dreg:$0x1] =	wrdreg $0xFFFFFFFF  }
0xa7: {  	s28 =	simm.s32 $_size_execute0_lowered;
	s3 =	sadd.s32 s3, s5;
	[dreg:$0x0] =	wrdreg $0x0  }
0xa8: {  	s5 =	sshll.u32 s28, $0x1;
	[dreg:$0x2] =	wrdreg s3  }
0xa9: {  	[dreg:$0x3] =	wrdreg s5  }
0xaa: {  	[dreg:$0x4] =	wrdreg $0xC0  }
0xab: {  	_ =	task [dreg:s7], $0x5FFFF  }
0xac: {  	[dreg:$0x1] =	wrdreg $0xFFFFFFFF  }
0xad: {  	[dreg:$0x0] =	wrdreg $0x60  }
0xae: {  	[dreg:$0x2] =	wrdreg s2  }
0xaf: {  	[dreg:$0x3] =	wrdreg s24  }
0xb0: {  	[dreg:$0x4] =	wrdreg $0xA3800  }
0xb1: {  	[dreg:$0x5] =	wrdreg $0x9  }
0xb2: {  	_ =	task.clear_ibuf [dreg:s7], $0x6FFFF;
	_ =	strace $0x90000052  }
0xb3: {  	s29 =	simm.s32 $0x9;
	_ =	strace $0x80000054  }
0xb4: {  	_ =	swait.ge [sflag:s29], $0x1  }
0xb5: {  	[sflag:s29] =	ssyncadd.s32 $0xFFFFFFFF  }
0xb6: {  	_ =	strace $0x90000054  }
0xb7: {  	_ =	sfence  }
0xb8: {  	s30 =	sld [smem:$0x0];
	_ =	sdelay $0x2  }
0xb9: {  	s31 =	sshll.u32 s1, $0xD;
	s1 =	sshrl.u32 s1, $0x2  }
0xba: {  	s3 =	sand.u32 $0x4000, s31;
	s1 =	sadd.s32 s1, s30  }
0xbb: {  	s0 =	sor.u32 s3, s0;
	s1 =	sshll.u32 s1, $0x11  }
0xbc: {  	s0 =	sor.u32 s1, s0  }
0xbd: {  	s0 =	sadd.s32 $0x8F2B, s0  }
0xbe: {  	[sflag:s0] =	ssyncadd.remote.s32 $0x1  }
0xbf: {  	_ =	sfence.sel $0xFFFF  }
0xc0: {  	[dreg:$0x0] =	wrdreg $0xFFFFFFFF;
	(pc) =	sbr.abs _section_cstart, $3  }
0xc1: {  	[dreg:$0x1] =	wrdreg $0xFFFFFFFF  }
0xc2: {  	_ =	task.clear_ibuf [dreg:s7], $0x2FFFF;
	_ =	strace $0x9FFFFFFF  }
0xc3: {  	(tm) =	ssettm $0x7FFFFFFF  }
tec
execute0_lowered:
.L_overlay_start_1:
0x0: {  	(tag) =	ssettag $0x1  }
0x1: {  	s25 =	rddreg [dreg:$0x0]  }
0x2: {  	s0 =	rddreg [dreg:$0x1]  }
0x3: {  	s1 =	srdreg.scid;
	s12 =	stileid.u32  }
0x4: {  	s4 =	simm.s32 $0x0;
	s1 =	sand.u32 $0x1, s1;
	s20 =	sshll.u32 s12, $0x1  }
0x5: {  	[smem:$0x7FF] =	sst s4;
	s5 =	smul.u32 $0x280, s12;
	s4 =	sor.u32 s1, s20  }
0x6: {  	s2 =	rddreg [dreg:$0x2];
	s6 =	sadd.s32 $0x59D600, s0;
	s10 =	smul.u32 $0x2710, s4  }
0x7: {  	s7 =	sadd.s32 $0xFE00, s0;
	s8 =	sadd.s32 $0x6000, s0;
	s4 =	smul.u32 $0x27100, s4  }
0x8: {  	s9 =	sadd.s32 $0x41400, s0;
	s3 =	smul.u32 $0x2800, s1;
	s1 =	ssub.s32 $0x2, s1  }
0x9: {  	_ =	strace $0x80000053;
	s21 =	sshrl.u32 s1, $0x1;
	s4 =	sadd.s32 s6, s4  }
0xa: {  	s1 =	ssub.s32 s1, s21;
	s26 =	sadd.s32 $0x50, s10;
	[dreg:$0x7] =	wrdreg s4  }
0xb: {  	s11 =	sshrl.u32 s10, $0x3;
	s1 =	smax.u32 s1, $0x1;
	[dreg:$0x8] =	wrdreg s26  }
0xc: {  	s3 =	sadd.s32 s5, s3;
	s22 =	sadd.s32 s7, s11;
	[dreg:$0xa] =	wrdreg s1  }
0xd: {  	s3 =	sshll.u32 s3, $0x4;
	s24 =	sadd.s32 s8, s11;
	[dreg:$0x4] =	wrdreg s22  }
0xe: {  	s0 =	sadd.s32 s3, s0;
	s11 =	sadd.s32 s9, s11;
	[dreg:$0x5] =	wrdreg s24  }
0xf: {  	[dreg:$0x6] =	wrdreg s11;
	s11 =	sadd.s32 $0x6A600, s0  }
0x10: {  	s23 =	smul.u32 $0x50000, s12;
	s12 =	sadd.s32 $0x6AB00, s0;
	[dreg:$0xb] =	wrdreg s11  }
0x11: {  	s13 =	sadd.s32 $0x6B000, s0;
	[dreg:$0xc] =	wrdreg s12  }
0x12: {  	s14 =	sadd.s32 $0x6B500, s0;
	[dreg:$0xd] =	wrdreg s13  }
0x13: {  	s16 =	sadd.s32 $0x6BA00, s0;
	[dreg:$0xe] =	wrdreg s14  }
0x14: {  	s28 =	simm.s32 $0x1;
	s17 =	sadd.s32 $0x6BF00, s0;
	[dreg:$0xf] =	wrdreg s16  }
0x15: {  	s29 =	simm.s32 $0x2;
	s18 =	sadd.s32 $0x6C400, s0;
	[dreg:$0x10] =	wrdreg s17  }
0x16: {  	s3 =	sshrl.u32 s23, $0x2;
	s0 =	sadd.s32 $0x6C900, s0;
	[dreg:$0x11] =	wrdreg s18  }
0x17: {  	s30 =	simm.s32 $0x3;
	s3 =	sadd.s32 s3, s2;
	[dreg:$0x12] =	wrdreg s0  }
0x18: {  	s31 =	simm.s32 $0x4;
	s19 =	sadd.s32 $0x2800, s3;
	[dreg:$0x9] =	wrdreg s3  }
0x19: {  	s15 =	sadd.s32 $0xA0, s10;
	s20 =	sadd.s32 $0x5000, s3;
	[dreg:$0x13] =	wrdreg s19  }
0x1a: {  	s10 =	simm.s32 $0x50;
	s21 =	sadd.s32 $0x7800, s3;
	[dreg:$0x14] =	wrdreg s20  }
0x1b: {  	s1 =	simm.s32 $0x0;
	s22 =	sadd.s32 $0xA000, s3;
	[dreg:$0x15] =	wrdreg s21  }
0x1c: {  	s23 =	sadd.s32 $0xC800, s3;
	s24 =	sadd.s32 $0xF000, s3;
	[dreg:$0x16] =	wrdreg s22  }
0x1d: {  	s26 =	sadd.s32 $0x11800, s3;
	s11 =	simm.s32 $0x300;
	[dreg:$0x17] =	wrdreg s23  }
0x1e: {  	s12 =	simm.s32 $0x2B80;
	s13 =	simm.s32 $0x7;
	[dreg:$0x18] =	wrdreg s24  }
0x1f: {  	v0 =	vlaneseq.u32;
	s17 =	simm.s32 $0x80;
	s18 =	simm.s32 $0x100;
	[dreg:$0x19] =	wrdreg s26  }
0x20: {  	v1 =	vimm.f32 $0.0e+00;
	v2 =	vor.u32 $0x10, v0;
	s19 =	simm.s32 $0x5;
	s21 =	simm.s32 $0x180;
	s22 =	simm.s32 $0x200  }
0x21: {  	v3 =	vor.u32 $0x20, v0;
	v4 =	vor.u32 $0x30, v0;
	v5 =	vor.u32 $0x40, v0;
	s23 =	simm.s32 $0x280;
	s24 =	simm.s32 $0x6;
	s26 =	simm.s32 $0x7B80  }
.LBB2_1:
0x22: {  	[dreg:$0x1a] =	wrdreg s1;
	s0 =	simm.s32 $0x0;
	s1 =	simm.s32 $0x200  }
.LBB2_2:
0x23: {  	p0 =	sne.s32 s1, $0x9E00;
	[tilespmem:s0+$0x2BF0] =	vst v1  }
0x24: {  	[tilespmem:s0+$0x2B80] =	vst v1  }
0x25: {  	[tilespmem:s0+$0x2B90] =	vst v1  }
.Ltmp0:
0x26: {  	[tilespmem:s0+$0x2BA0] =	vst v1;
	(pc) =	sbr.rel @p0 .LBB2_2-.Ltmp0, $4  }
0x27: {  	[tilespmem:s0+$0x2BB0] =	vst v1  }
0x28: {  	[tilespmem:s0+$0x2BC0] =	vst v1  }
0x29: {  	[tilespmem:s0+$0x2BD0] =	vst v1  }
0x2a: {  	[tilespmem:s0+$0x2BE0] =	vst v1;
	s0 =	sshra.s32 s1, $0x2;
	s1 =	sadd.s32 $0x200, s1  }
0x2b: {  	[tilespmem:s0+$0x2BF0] =	vst v1  }
0x2c: {  	[tilespmem:s0+$0x2B80] =	vst v1  }
0x2d: {  	[tilespmem:s0+$0x2B90] =	vst v1  }
0x2e: {  	[tilespmem:s0+$0x2BA0] =	vst v1  }
0x2f: {  	[tilespmem:s0+$0x2BB0] =	vst v1  }
0x30: {  	[tilespmem:s0+$0x2BC0] =	vst v1  }
0x31: {  	[tilespmem:s0+$0x2BD0] =	vst v1;
	s1 =	sadd.s32 $0x0, s5  }
0x32: {  	[tilespmem:s0+$0x2BE0] =	vst v1;
	v6 =	vadd.s32 s1, v5  }
0x33: {  	v7 =	vor.u32 s1, v0;
	[tilespmem:$0x340] =	vst v6  }
0x34: {  	v6 =	vadd.s32 s1, v2;
	[tilespmem:$0x300] =	vst v7  }
0x35: {  	v7 =	vadd.s32 s1, v3;
	[tilespmem:$0x310] =	vst v6  }
0x36: {  	s0 =	simm.s32 $0x50;
	v6 =	vadd.s32 s1, v4;
	[tilespmem:$0x320] =	vst v7  }
.LBB2_4:
0x37: {  	p0 =	sne.s32 s0, $0x230;
	[tilespmem:$0x330] =	vst v6;
	s1 =	smov.u32 s0;
	s0 =	sadd.s32 $0x50, s0  }
0x38: {  	[spmem:s2] =	stream.indirect.scatter [tilespmem:s12], [sflag:$0x7], $0x80, s11, s10, $0xb8;
	[tilespmem:$0x1E380] =	vst v63  }
0x39: {  	_ =	swait.ge [sflag:s13], $0x2800  }
0x3a: {  	s1 =	sadd.s32 s1, s5;
	[sflag:s13] =	ssyncset.done $0x0  }
.Ltmp1:
0x3b: {  	v7 =	vor.u32 s1, v0;
	v8 =	vadd.s32 s1, v2;
	v9 =	vadd.s32 s1, v5;
	[sflag:s13] =	ssyncadd.s32 $0xFFFFD800;
	(pc) =	sbr.rel @p0 .LBB2_4-.Ltmp1, $4  }
0x3c: {  	v10 =	vadd.s32 s1, v3;
	v6 =	vadd.s32 s1, v4;
	[tilespmem:$0x340] =	vst v9  }
0x3d: {  	[tilespmem:$0x300] =	vst v7  }
0x3e: {  	[tilespmem:$0x310] =	vst v8  }
0x3f: {  	[tilespmem:$0x320] =	vst v10  }
0x40: {  	[tilespmem:$0x330] =	vst v6  }
0x41: {  	[spmem:s2] =	stream.indirect.scatter [tilespmem:s12], [sflag:$0x7], $0x80, s11, s10, $0xb8;
	[tilespmem:$0x1E380] =	vst v63  }
0x42: {  	_ =	swait.ge [sflag:s13], $0x2800  }
0x43: {  	[sflag:s13] =	ssyncset.done $0x0  }
0x44: {  	[sflag:s13] =	ssyncadd.s32 $0xFFFFD800  }
0x45: {  	[bflag:$0x0] =	sbarrier.arrive $0xFFFF  }
0x46: {  	s3 =	simm.s32 $0x0;
	s0 =	rddreg [dreg:$0x4]  }
0x47: {  	[tilespmem:s3], [sflag:$0x5] =	stream.linear.gather [hbm4b:s0+s3], $0x50, $0x38;
	[tilespmem:$0x1E380] =	vst v63  }
0x48: {  	s4 =	rddreg [dreg:$0x5]  }
0x49: {  	[tilespmem:s17], [sflag:$0x5] =	stream.linear.gather [hbm4b:s4+s3], $0x50, $0x38;
	[tilespmem:$0x1E380] =	vst v63  }
0x4a: {  	s14 =	rddreg [dreg:$0x6]  }
0x4b: {  	[tilespmem:s18], [sflag:$0x5] =	stream.linear.gather [hbm4b:s14+s3], $0x50, $0x38;
	[tilespmem:$0x1E380] =	vst v63  }
0x4c: {  	_ =	swait.ge [sflag:s19], $0x50  }
0x4d: {  	[sflag:s19] =	ssyncset.done $0x0  }
0x4e: {  	[sflag:s19] =	ssyncadd.s32 $0xFFFFFFB0  }
0x4f: {  	_ =	swait.ge [sflag:s19], $0x50  }
0x50: {  	[sflag:s19] =	ssyncset.done $0x0  }
0x51: {  	[sflag:s19] =	ssyncadd.s32 $0xFFFFFFB0  }
0x52: {  	_ =	swait.ge [sflag:s19], $0x50  }
0x53: {  	[sflag:s19] =	ssyncset.done $0x0  }
0x54: {  	s16 =	simm.s32 $0x380;
	[sflag:s19] =	ssyncadd.s32 $0xFFFFFFB0  }
0x55: {  	[tilespmem:s16], [sflag:$0x1] =	stream.indirect.gather [hbm4b:s25+s10], $0x80, s3, s10, $0xb8;
	[tilespmem:$0x1E380] =	vst v63  }
0x56: {  	s20 =	rddreg [dreg:$0x7];
	s16 =	simm.s32 $0x0  }
0x57: {  	[tilespmem:s12], [sflag:$0x2] =	stream.linear.gather [hbm4b:s20+s3], $0x2800, $0x38;
	[tilespmem:$0x1E380] =	vst v63  }
.LBB2_6:
0x58: {  	s4 =	smul.u32 $0xA0, s16  }
0x59: {  	s0 =	rddreg [dreg:$0x8]  }
0x5a: {  	s0 =	sadd.s32 s4, s0  }
0x5b: {  	s1 =	sshrl.u32 s0, $0x3  }
0x5c: {  	s20 =	sadd.s32 s7, s1  }
0x5d: {  	[tilespmem:s21], [sflag:$0x6] =	stream.linear.gather [hbm4b:s20+s3], $0x50, $0x38;
	[tilespmem:$0x1E380] =	vst v63  }
0x5e: {  	s14 =	sadd.s32 s8, s1  }
0x5f: {  	[tilespmem:s22], [sflag:$0x6] =	stream.linear.gather [hbm4b:s14+s3], $0x50, $0x38;
	[tilespmem:$0x1E380] =	vst v63  }
0x60: {  	s1 =	sadd.s32 s9, s1  }
0x61: {  	[tilespmem:s23], [sflag:$0x6] =	stream.linear.gather [hbm4b:s1+s3], $0x50, $0x38;
	[tilespmem:$0x1E380] =	vst v63  }
0x62: {  	_ =	swait.ge [sflag:s24], $0x50  }
0x63: {  	[sflag:s24] =	ssyncset.done $0x0  }
0x64: {  	[sflag:s24] =	ssyncadd.s32 $0xFFFFFFB0  }
0x65: {  	_ =	swait.ge [sflag:s24], $0x50  }
0x66: {  	[sflag:s24] =	ssyncset.done $0x0  }
0x67: {  	[sflag:s24] =	ssyncadd.s32 $0xFFFFFFB0  }
0x68: {  	_ =	swait.ge [sflag:s24], $0x50  }
0x69: {  	[sflag:s24] =	ssyncset.done $0x0  }
0x6a: {  	s0 =	sshll.u32 s0, $0x4;
	s20 =	simm.s32 $0x5380;
	[sflag:s24] =	ssyncadd.s32 $0xFFFFFFB0  }
0x6b: {  	[tilespmem:s20], [sflag:$0x3] =	stream.indirect.gather [hbm4b:s25+s10], $0x80, s21, s10, $0xb8;
	[tilespmem:$0x1E380] =	vst v63  }
0x6c: {  	s0 =	sadd.s32 s6, s0  }
0x6d: {  	[tilespmem:s26], [sflag:$0x4] =	stream.linear.gather [hbm4b:s0+s3], $0x2800, $0x38;
	[tilespmem:$0x1E380] =	vst v63  }
0x6e: {  	_ =	swait.ge [sflag:s28], $0x2800  }
0x6f: {  	[sflag:s28] =	ssyncset.done $0x0  }
0x70: {  	[sflag:s28] =	ssyncadd.s32 $0xFFFFD800  }
0x71: {  	_ =	swait.ge [sflag:s29], $0x2800  }
0x72: {  	[sflag:s29] =	ssyncset.done $0x0  }
0x73: {  	v6 =	vmov s3;
	s14 =	smov.u32 s25;
	s25 =	simm.s32 $0x2BC0;
	[sflag:s29] =	ssyncadd.s32 $0xFFFFD800  }
0x74: {  	s0 =	simm.s32 $0x3C0;
	v7 =	vld [tilespmem:s25+$0xFFFFFFC0]  }
0x75: {  	v8 =	vld [tilespmem:s0+$0xFFFFFFC0];
	_ =	sdelay $0x2  }
0x76: {  	v6 =	vld.idx.msk [tilespmem:v6+s18+$0x0], $0xffff;
	_ =	sdelay $0x1  }
0x77: {  	v7 =	vadd.f32 v7, v8;
	_ =	sdelay $0x1  }
0x78: {  	v7 =	vmax.f32 v7, $0.0e+00  }
0x79: {  	v7 =	vmul.f32 v7, v6;
	_ =	sdelay $0x1  }
0x7a: {  	[tilespmem:s25+$0xFFFFFFC0] =	vst v7;
	v7 =	vld [tilespmem:s25+$0xFFFFFFD0]  }
0x7b: {  	v8 =	vld [tilespmem:s0+$0xFFFFFFD0];
	_ =	sdelay $0x4  }
0x7c: {  	v7 =	vadd.f32 v7, v8;
	_ =	sdelay $0x1  }
0x7d: {  	v7 =	vmax.f32 v7, $0.0e+00  }
0x7e: {  	v7 =	vmul.f32 v7, v6;
	_ =	sdelay $0x1  }
0x7f: {  	[tilespmem:s25+$0xFFFFFFD0] =	vst v7;
	v7 =	vld [tilespmem:s25+$0xFFFFFFE0]  }
0x80: {  	v8 =	vld [tilespmem:s0+$0xFFFFFFE0];
	_ =	sdelay $0x4  }
0x81: {  	v7 =	vadd.f32 v7, v8;
	_ =	sdelay $0x1  }
0x82: {  	v7 =	vmax.f32 v7, $0.0e+00  }
0x83: {  	v7 =	vmul.f32 v7, v6;
	_ =	sdelay $0x1  }
0x84: {  	[tilespmem:s25+$0xFFFFFFE0] =	vst v7;
	v7 =	vld [tilespmem:s25+$0xFFFFFFF0]  }
0x85: {  	v8 =	vld [tilespmem:s0+$0xFFFFFFF0];
	_ =	sdelay $0x4  }
0x86: {  	v7 =	vadd.f32 v7, v8;
	_ =	sdelay $0x1  }
0x87: {  	v7 =	vmax.f32 v7, $0.0e+00  }
0x88: {  	v7 =	vmul.f32 v7, v6;
	_ =	sdelay $0x1  }
0x89: {  	[tilespmem:s25+$0xFFFFFFF0] =	vst v7;
	v7 =	vld [tilespmem:s25+$0x0]  }
0x8a: {  	v8 =	vld [tilespmem:s0+$0x0];
	_ =	sdelay $0x4  }
0x8b: {  	v7 =	vadd.f32 v7, v8;
	_ =	sdelay $0x1  }
0x8c: {  	v7 =	vmax.f32 v7, $0.0e+00  }
0x8d: {  	v7 =	vmul.f32 v7, v6;
	_ =	sdelay $0x1  }
0x8e: {  	[tilespmem:s25+$0x0] =	vst v7;
	v7 =	vld [tilespmem:s25+$0x10]  }
0x8f: {  	v8 =	vld [tilespmem:s0+$0x10];
	_ =	sdelay $0x4  }
0x90: {  	v7 =	vadd.f32 v7, v8;
	_ =	sdelay $0x1  }
0x91: {  	v7 =	vmax.f32 v7, $0.0e+00  }
0x92: {  	v7 =	vmul.f32 v7, v6;
	_ =	sdelay $0x1  }
0x93: {  	[tilespmem:s25+$0x10] =	vst v7;
	v7 =	vld [tilespmem:s25+$0x20]  }
0x94: {  	v8 =	vld [tilespmem:s0+$0x20];
	_ =	sdelay $0x4  }
0x95: {  	v7 =	vadd.f32 v7, v8;
	_ =	sdelay $0x1  }
0x96: {  	v7 =	vmax.f32 v7, $0.0e+00  }
0x97: {  	v7 =	vmul.f32 v7, v6;
	_ =	sdelay $0x1  }
0x98: {  	[tilespmem:s25+$0x20] =	vst v7;
	v7 =	vld [tilespmem:s25+$0x30]  }
0x99: {  	v8 =	vld [tilespmem:s0+$0x30];
	_ =	sdelay $0x4  }
0x9a: {  	v7 =	vadd.f32 v7, v8  }
0x9b: {  	s20 =	simm.s32 $0x1  }
0x9c: {  	v8 =	vmax.f32 v7, $0.0e+00;
	v7 =	vmov s20  }
0x9d: {  	s1 =	simm.s32 $0x2BC0;
	s20 =	simm.s32 $0x2;
	v6 =	vmul.f32 v8, v6  }
.LBB2_7:
0x9e: {  	p0 =	sne.s32 s20, $0x4F;
	s25 =	sadd.s32 $0x80, s25  }
0x9f: {  	s0 =	sadd.s32 $0x80, s0;
	v8 =	vld [tilespmem:s25+$0xFFFFFFC0];
	[tilespmem:s1+$0x30] =	vst v6;
	s1 =	smov.u32 s25  }
0xa0: {  	v9 =	vld [tilespmem:s0+$0xFFFFFFC0]  }
0xa1: {  	v6 =	vld.idx.msk [tilespmem:v7+s18+$0x0], $0xffff;
	_ =	sdelay $0x3  }
0xa2: {  	v7 =	vadd.f32 v8, v9;
	_ =	sdelay $0x1  }
0xa3: {  	v7 =	vmax.f32 v7, $0.0e+00  }
0xa4: {  	v7 =	vmul.f32 v7, v6;
	_ =	sdelay $0x1  }
0xa5: {  	[tilespmem:s25+$0xFFFFFFC0] =	vst v7;
	v7 =	vld [tilespmem:s25+$0xFFFFFFD0]  }
0xa6: {  	v8 =	vld [tilespmem:s0+$0xFFFFFFD0];
	_ =	sdelay $0x4  }
0xa7: {  	v7 =	vadd.f32 v7, v8;
	_ =	sdelay $0x1  }
0xa8: {  	v7 =	vmax.f32 v7, $0.0e+00  }
0xa9: {  	v7 =	vmul.f32 v7, v6;
	_ =	sdelay $0x1  }
0xaa: {  	[tilespmem:s25+$0xFFFFFFD0] =	vst v7;
	v7 =	vld [tilespmem:s25+$0xFFFFFFE0]  }
0xab: {  	v8 =	vld [tilespmem:s0+$0xFFFFFFE0];
	_ =	sdelay $0x4  }
0xac: {  	v7 =	vadd.f32 v7, v8;
	_ =	sdelay $0x1  }
0xad: {  	v7 =	vmax.f32 v7, $0.0e+00  }
0xae: {  	v7 =	vmul.f32 v7, v6;
	_ =	sdelay $0x1  }
0xaf: {  	[tilespmem:s25+$0xFFFFFFE0] =	vst v7;
	v7 =	vld [tilespmem:s25+$0xFFFFFFF0]  }
0xb0: {  	v8 =	vld [tilespmem:s0+$0xFFFFFFF0];
	_ =	sdelay $0x4  }
0xb1: {  	v7 =	vadd.f32 v7, v8;
	_ =	sdelay $0x1  }
0xb2: {  	v7 =	vmax.f32 v7, $0.0e+00  }
0xb3: {  	v7 =	vmul.f32 v7, v6;
	_ =	sdelay $0x1  }
0xb4: {  	[tilespmem:s25+$0xFFFFFFF0] =	vst v7;
	v7 =	vld [tilespmem:s25+$0x0]  }
0xb5: {  	v8 =	vld [tilespmem:s0+$0x0];
	_ =	sdelay $0x4  }
0xb6: {  	v7 =	vadd.f32 v7, v8;
	_ =	sdelay $0x1  }
0xb7: {  	v7 =	vmax.f32 v7, $0.0e+00  }
0xb8: {  	v7 =	vmul.f32 v7, v6;
	_ =	sdelay $0x1  }
0xb9: {  	[tilespmem:s25+$0x0] =	vst v7;
	v7 =	vld [tilespmem:s25+$0x10]  }
0xba: {  	v8 =	vld [tilespmem:s0+$0x10];
	_ =	sdelay $0x4  }
0xbb: {  	v7 =	vadd.f32 v7, v8;
	_ =	sdelay $0x1  }
0xbc: {  	v7 =	vmax.f32 v7, $0.0e+00  }
0xbd: {  	v7 =	vmul.f32 v7, v6;
	_ =	sdelay $0x1  }
0xbe: {  	[tilespmem:s25+$0x10] =	vst v7;
	v7 =	vld [tilespmem:s25+$0x20]  }
0xbf: {  	v8 =	vld [tilespmem:s0+$0x20];
	_ =	sdelay $0x4  }
0xc0: {  	v7 =	vadd.f32 v7, v8;
	_ =	sdelay $0x1  }
0xc1: {  	v7 =	vmax.f32 v7, $0.0e+00  }
0xc2: {  	v7 =	vmul.f32 v7, v6;
	_ =	sdelay $0x1  }
0xc3: {  	[tilespmem:s25+$0x20] =	vst v7;
	v7 =	vld [tilespmem:s25+$0x30]  }
0xc4: {  	v8 =	vld [tilespmem:s0+$0x30];
	_ =	sdelay $0x3  }
.Ltmp2:
0xc5: {  	(pc) =	sbr.rel @p0 .LBB2_7-.Ltmp2, $3  }
0xc6: {  	v8 =	vadd.f32 v7, v8;
	_ =	sdelay $0x1  }
0xc7: {  	v7 =	vmov s20;
	v8 =	vmax.f32 v8, $0.0e+00  }
0xc8: {  	s20 =	sadd.s32 $0x1, s20;
	v6 =	vmul.f32 v8, v6  }
0xc9: {  	s20 =	sadd.s32 $0x80, s25  }
0xca: {  	s0 =	sadd.s32 $0x80, s0;
	v8 =	vld [tilespmem:s20+$0xFFFFFFC0];
	[tilespmem:s1+$0x30] =	vst v6  }
0xcb: {  	v6 =	vld [tilespmem:s0+$0xFFFFFFC0];
	_ =	sdelay $0x2  }
0xcc: {  	v7 =	vld.idx.msk [tilespmem:v7+s18+$0x0], $0xffff;
	_ =	sdelay $0x1  }
0xcd: {  	v6 =	vadd.f32 v8, v6;
	_ =	sdelay $0x1  }
0xce: {  	v6 =	vmax.f32 v6, $0.0e+00  }
0xcf: {  	v6 =	vmul.f32 v6, v7;
	_ =	sdelay $0x1  }
0xd0: {  	[tilespmem:s20+$0xFFFFFFC0] =	vst v6;
	v6 =	vld [tilespmem:s20+$0xFFFFFFD0]  }
0xd1: {  	v8 =	vld [tilespmem:s0+$0xFFFFFFD0];
	_ =	sdelay $0x4  }
0xd2: {  	v6 =	vadd.f32 v6, v8;
	_ =	sdelay $0x1  }
0xd3: {  	v6 =	vmax.f32 v6, $0.0e+00  }
0xd4: {  	v6 =	vmul.f32 v6, v7;
	_ =	sdelay $0x1  }
0xd5: {  	[tilespmem:s20+$0xFFFFFFD0] =	vst v6;
	v6 =	vld [tilespmem:s20+$0xFFFFFFE0]  }
0xd6: {  	v8 =	vld [tilespmem:s0+$0xFFFFFFE0];
	_ =	sdelay $0x4  }
0xd7: {  	v6 =	vadd.f32 v6, v8;
	_ =	sdelay $0x1  }
0xd8: {  	v6 =	vmax.f32 v6, $0.0e+00  }
0xd9: {  	v6 =	vmul.f32 v6, v7;
	_ =	sdelay $0x1  }
0xda: {  	[tilespmem:s20+$0xFFFFFFE0] =	vst v6;
	v6 =	vld [tilespmem:s20+$0xFFFFFFF0]  }
0xdb: {  	v8 =	vld [tilespmem:s0+$0xFFFFFFF0];
	_ =	sdelay $0x4  }
0xdc: {  	v6 =	vadd.f32 v6, v8;
	_ =	sdelay $0x1  }
0xdd: {  	v6 =	vmax.f32 v6, $0.0e+00  }
0xde: {  	v6 =	vmul.f32 v6, v7;
	_ =	sdelay $0x1  }
0xdf: {  	[tilespmem:s20+$0xFFFFFFF0] =	vst v6;
	v6 =	vld [tilespmem:s20+$0x0]  }
0xe0: {  	v8 =	vld [tilespmem:s0+$0x0];
	_ =	sdelay $0x4  }
0xe1: {  	v6 =	vadd.f32 v6, v8;
	_ =	sdelay $0x1  }
0xe2: {  	v6 =	vmax.f32 v6, $0.0e+00  }
0xe3: {  	v6 =	vmul.f32 v6, v7;
	_ =	sdelay $0x1  }
0xe4: {  	[tilespmem:s20+$0x0] =	vst v6;
	v6 =	vld [tilespmem:s20+$0x10]  }
0xe5: {  	v8 =	vld [tilespmem:s0+$0x10];
	_ =	sdelay $0x4  }
0xe6: {  	v6 =	vadd.f32 v6, v8;
	_ =	sdelay $0x1  }
0xe7: {  	v6 =	vmax.f32 v6, $0.0e+00  }
0xe8: {  	v6 =	vmul.f32 v6, v7;
	_ =	sdelay $0x1  }
0xe9: {  	[tilespmem:s20+$0x10] =	vst v6;
	v6 =	vld [tilespmem:s20+$0x20]  }
0xea: {  	v8 =	vld [tilespmem:s0+$0x20];
	_ =	sdelay $0x4  }
0xeb: {  	v6 =	vadd.f32 v6, v8;
	_ =	sdelay $0x1  }
0xec: {  	v6 =	vmax.f32 v6, $0.0e+00  }
0xed: {  	v6 =	vmul.f32 v6, v7;
	_ =	sdelay $0x1  }
0xee: {  	[tilespmem:s20+$0x20] =	vst v6;
	v6 =	vld [tilespmem:s20+$0x30]  }
0xef: {  	v8 =	vld [tilespmem:s0+$0x30];
	_ =	sdelay $0x4  }
0xf0: {  	v6 =	vadd.f32 v6, v8;
	_ =	sdelay $0x1  }
0xf1: {  	v6 =	vmax.f32 v6, $0.0e+00  }
0xf2: {  	v6 =	vmul.f32 v6, v7;
	_ =	sdelay $0x1  }
0xf3: {  	[tilespmem:s20+$0x30] =	vst v6  }
0xf4: {  	[spmem:s2] =	stream.indirect.scatter.add.f32 [tilespmem:s12], [sflag:$0x7], $0x80, s17, s10, $0xb8;
	[tilespmem:$0x1E380] =	vst v63  }
0xf5: {  	s0 =	sadd.s32 s4, s15;
	_ =	swait.ge [sflag:s13], $0x2800  }
0xf6: {  	s1 =	sshrl.u32 s0, $0x3;
	[sflag:s13] =	ssyncset.done $0x0  }
0xf7: {  	s25 =	sadd.s32 s7, s1;
	s20 =	simm.s32 $0x0;
	[sflag:s13] =	ssyncadd.s32 $0xFFFFD800  }
0xf8: {  	[tilespmem:s20], [sflag:$0x5] =	stream.linear.gather [hbm4b:s25+s20], $0x50, $0x38;
	[tilespmem:$0x1E380] =	vst v63  }
0xf9: {  	s25 =	sadd.s32 s8, s1  }
0xfa: {  	[tilespmem:s17], [sflag:$0x5] =	stream.linear.gather [hbm4b:s25+s20], $0x50, $0x38;
	[tilespmem:$0x1E380] =	vst v63  }
0xfb: {  	s1 =	sadd.s32 s9, s1  }
0xfc: {  	[tilespmem:s18], [sflag:$0x5] =	stream.linear.gather [hbm4b:s1+s20], $0x50, $0x38;
	[tilespmem:$0x1E380] =	vst v63  }
0xfd: {  	_ =	swait.ge [sflag:s19], $0x50  }
0xfe: {  	[sflag:s19] =	ssyncset.done $0x0  }
0xff: {  	[sflag:s19] =	ssyncadd.s32 $0xFFFFFFB0  }
0x100: {  	_ =	swait.ge [sflag:s19], $0x50  }
0x101: {  	[sflag:s19] =	ssyncset.done $0x0  }
0x102: {  	[sflag:s19] =	ssyncadd.s32 $0xFFFFFFB0  }
0x103: {  	_ =	swait.ge [sflag:s19], $0x50  }
0x104: {  	[sflag:s19] =	ssyncset.done $0x0  }
0x105: {  	s4 =	simm.s32 $0x380;
	s0 =	sshll.u32 s0, $0x4;
	[sflag:s19] =	ssyncadd.s32 $0xFFFFFFB0  }
0x106: {  	[tilespmem:s4], [sflag:$0x1] =	stream.indirect.gather [hbm4b:s14+s10], $0x80, s20, s10, $0xb8;
	[tilespmem:$0x1E380] =	vst v63  }
0x107: {  	s0 =	sadd.s32 s6, s0  }
0x108: {  	[tilespmem:s12], [sflag:$0x2] =	stream.linear.gather [hbm4b:s0+s20], $0x2800, $0x38;
	[tilespmem:$0x1E380] =	vst v63  }
0x109: {  	_ =	swait.ge [sflag:s30], $0x2800  }
0x10a: {  	[sflag:s30] =	ssyncset.done $0x0  }
0x10b: {  	[sflag:s30] =	ssyncadd.s32 $0xFFFFD800  }
0x10c: {  	_ =	swait.ge [sflag:s31], $0x2800  }
0x10d: {  	[sflag:s31] =	ssyncset.done $0x0  }
0x10e: {  	v6 =	vmov s20;
	s4 =	simm.s32 $0x7BC0;
	[sflag:s31] =	ssyncadd.s32 $0xFFFFD800  }
0x10f: {  	s0 =	simm.s32 $0x53C0;
	v7 =	vld [tilespmem:s4+$0xFFFFFFC0]  }
0x110: {  	v8 =	vld [tilespmem:s0+$0xFFFFFFC0];
	_ =	sdelay $0x2  }
0x111: {  	v6 =	vld.idx.msk [tilespmem:v6+s23+$0x0], $0xffff;
	_ =	sdelay $0x1  }
0x112: {  	v7 =	vadd.f32 v7, v8;
	_ =	sdelay $0x1  }
0x113: {  	v7 =	vmax.f32 v7, $0.0e+00  }
0x114: {  	v7 =	vmul.f32 v7, v6;
	_ =	sdelay $0x1  }
0x115: {  	[tilespmem:s4+$0xFFFFFFC0] =	vst v7;
	v7 =	vld [tilespmem:s4+$0xFFFFFFD0]  }
0x116: {  	v8 =	vld [tilespmem:s0+$0xFFFFFFD0];
	_ =	sdelay $0x4  }
0x117: {  	v7 =	vadd.f32 v7, v8;
	_ =	sdelay $0x1  }
0x118: {  	v7 =	vmax.f32 v7, $0.0e+00  }
0x119: {  	v7 =	vmul.f32 v7, v6;
	_ =	sdelay $0x1  }
0x11a: {  	[tilespmem:s4+$0xFFFFFFD0] =	vst v7;
	v7 =	vld [tilespmem:s4+$0xFFFFFFE0]  }
0x11b: {  	v8 =	vld [tilespmem:s0+$0xFFFFFFE0];
	_ =	sdelay $0x4  }
0x11c: {  	v7 =	vadd.f32 v7, v8;
	_ =	sdelay $0x1  }
0x11d: {  	v7 =	vmax.f32 v7, $0.0e+00  }
0x11e: {  	v7 =	vmul.f32 v7, v6;
	_ =	sdelay $0x1  }
0x11f: {  	[tilespmem:s4+$0xFFFFFFE0] =	vst v7;
	v7 =	vld [tilespmem:s4+$0xFFFFFFF0]  }
0x120: {  	v8 =	vld [tilespmem:s0+$0xFFFFFFF0];
	_ =	sdelay $0x4  }
0x121: {  	v7 =	vadd.f32 v7, v8;
	_ =	sdelay $0x1  }
0x122: {  	v7 =	vmax.f32 v7, $0.0e+00  }
0x123: {  	v7 =	vmul.f32 v7, v6;
	_ =	sdelay $0x1  }
0x124: {  	[tilespmem:s4+$0xFFFFFFF0] =	vst v7;
	v7 =	vld [tilespmem:s4+$0x0]  }
0x125: {  	v8 =	vld [tilespmem:s0+$0x0];
	_ =	sdelay $0x4  }
0x126: {  	v7 =	vadd.f32 v7, v8;
	_ =	sdelay $0x1  }
0x127: {  	v7 =	vmax.f32 v7, $0.0e+00  }
0x128: {  	v7 =	vmul.f32 v7, v6;
	_ =	sdelay $0x1  }
0x129: {  	[tilespmem:s4+$0x0] =	vst v7;
	v7 =	vld [tilespmem:s4+$0x10]  }
0x12a: {  	v8 =	vld [tilespmem:s0+$0x10];
	_ =	sdelay $0x4  }
0x12b: {  	v7 =	vadd.f32 v7, v8;
	_ =	sdelay $0x1  }
0x12c: {  	v7 =	vmax.f32 v7, $0.0e+00  }
0x12d: {  	v7 =	vmul.f32 v7, v6;
	_ =	sdelay $0x1  }
0x12e: {  	[tilespmem:s4+$0x10] =	vst v7;
	v7 =	vld [tilespmem:s4+$0x20]  }
0x12f: {  	v8 =	vld [tilespmem:s0+$0x20];
	_ =	sdelay $0x4  }
0x130: {  	v7 =	vadd.f32 v7, v8;
	_ =	sdelay $0x1  }
0x131: {  	v7 =	vmax.f32 v7, $0.0e+00  }
0x132: {  	v7 =	vmul.f32 v7, v6;
	_ =	sdelay $0x1  }
0x133: {  	[tilespmem:s4+$0x20] =	vst v7;
	v7 =	vld [tilespmem:s4+$0x30]  }
0x134: {  	v8 =	vld [tilespmem:s0+$0x30];
	_ =	sdelay $0x4  }
0x135: {  	v7 =	vadd.f32 v7, v8  }
0x136: {  	s20 =	simm.s32 $0x1  }
0x137: {  	v8 =	vmax.f32 v7, $0.0e+00;
	v7 =	vmov s20  }
0x138: {  	s25 =	smov.u32 s14;
	s1 =	simm.s32 $0x7BC0;
	s20 =	simm.s32 $0x2;
	v6 =	vmul.f32 v8, v6  }
.LBB2_9:
0x139: {  	p0 =	sne.s32 s20, $0x4F;
	s4 =	sadd.s32 $0x80, s4  }
0x13a: {  	s0 =	sadd.s32 $0x80, s0;
	v8 =	vld [tilespmem:s4+$0xFFFFFFC0];
	[tilespmem:s1+$0x30] =	vst v6;
	s1 =	smov.u32 s4  }
0x13b: {  	v9 =	vld [tilespmem:s0+$0xFFFFFFC0]  }
0x13c: {  	v6 =	vld.idx.msk [tilespmem:v7+s23+$0x0], $0xffff;
	_ =	sdelay $0x3  }
0x13d: {  	v7 =	vadd.f32 v8, v9;
	_ =	sdelay $0x1  }
0x13e: {  	v7 =	vmax.f32 v7, $0.0e+00  }
0x13f: {  	v7 =	vmul.f32 v7, v6;
	_ =	sdelay $0x1  }
0x140: {  	[tilespmem:s4+$0xFFFFFFC0] =	vst v7;
	v7 =	vld [tilespmem:s4+$0xFFFFFFD0]  }
0x141: {  	v8 =	vld [tilespmem:s0+$0xFFFFFFD0];
	_ =	sdelay $0x4  }
0x142: {  	v7 =	vadd.f32 v7, v8;
	_ =	sdelay $0x1  }
0x143: {  	v7 =	vmax.f32 v7, $0.0e+00  }
0x144: {  	v7 =	vmul.f32 v7, v6;
	_ =	sdelay $0x1  }
0x145: {  	[tilespmem:s4+$0xFFFFFFD0] =	vst v7;
	v7 =	vld [tilespmem:s4+$0xFFFFFFE0]  }
0x146: {  	v8 =	vld [tilespmem:s0+$0xFFFFFFE0];
	_ =	sdelay $0x4  }
0x147: {  	v7 =	vadd.f32 v7, v8;
	_ =	sdelay $0x1  }
0x148: {  	v7 =	vmax.f32 v7, $0.0e+00  }
0x149: {  	v7 =	vmul.f32 v7, v6;
	_ =	sdelay $0x1  }
0x14a: {  	[tilespmem:s4+$0xFFFFFFE0] =	vst v7;
	v7 =	vld [tilespmem:s4+$0xFFFFFFF0]  }
0x14b: {  	v8 =	vld [tilespmem:s0+$0xFFFFFFF0];
	_ =	sdelay $0x4  }
0x14c: {  	v7 =	vadd.f32 v7, v8;
	_ =	sdelay $0x1  }
0x14d: {  	v7 =	vmax.f32 v7, $0.0e+00  }
0x14e: {  	v7 =	vmul.f32 v7, v6;
	_ =	sdelay $0x1  }
0x14f: {  	[tilespmem:s4+$0xFFFFFFF0] =	vst v7;
	v7 =	vld [tilespmem:s4+$0x0]  }
0x150: {  	v8 =	vld [tilespmem:s0+$0x0];
	_ =	sdelay $0x4  }
0x151: {  	v7 =	vadd.f32 v7, v8;
	_ =	sdelay $0x1  }
0x152: {  	v7 =	vmax.f32 v7, $0.0e+00  }
0x153: {  	v7 =	vmul.f32 v7, v6;
	_ =	sdelay $0x1  }
0x154: {  	[tilespmem:s4+$0x0] =	vst v7;
	v7 =	vld [tilespmem:s4+$0x10]  }
0x155: {  	v8 =	vld [tilespmem:s0+$0x10];
	_ =	sdelay $0x4  }
0x156: {  	v7 =	vadd.f32 v7, v8;
	_ =	sdelay $0x1  }
0x157: {  	v7 =	vmax.f32 v7, $0.0e+00  }
0x158: {  	v7 =	vmul.f32 v7, v6;
	_ =	sdelay $0x1  }
0x159: {  	[tilespmem:s4+$0x10] =	vst v7;
	v7 =	vld [tilespmem:s4+$0x20]  }
0x15a: {  	v8 =	vld [tilespmem:s0+$0x20];
	_ =	sdelay $0x4  }
0x15b: {  	v7 =	vadd.f32 v7, v8;
	_ =	sdelay $0x1  }
0x15c: {  	v7 =	vmax.f32 v7, $0.0e+00  }
0x15d: {  	v7 =	vmul.f32 v7, v6;
	_ =	sdelay $0x1  }
0x15e: {  	[tilespmem:s4+$0x20] =	vst v7;
	v7 =	vld [tilespmem:s4+$0x30]  }
0x15f: {  	v8 =	vld [tilespmem:s0+$0x30];
	_ =	sdelay $0x3  }
.Ltmp3:
0x160: {  	(pc) =	sbr.rel @p0 .LBB2_9-.Ltmp3, $3  }
0x161: {  	v8 =	vadd.f32 v7, v8;
	_ =	sdelay $0x1  }
0x162: {  	v7 =	vmov s20;
	v8 =	vmax.f32 v8, $0.0e+00  }
0x163: {  	s20 =	sadd.s32 $0x1, s20;
	v6 =	vmul.f32 v8, v6  }
0x164: {  	s4 =	sadd.s32 $0x80, s4  }
0x165: {  	s0 =	sadd.s32 $0x80, s0;
	v8 =	vld [tilespmem:s4+$0xFFFFFFC0];
	[tilespmem:s1+$0x30] =	vst v6  }
0x166: {  	v6 =	vld [tilespmem:s0+$0xFFFFFFC0];
	_ =	sdelay $0x2  }
0x167: {  	v7 =	vld.idx.msk [tilespmem:v7+s23+$0x0], $0xffff;
	_ =	sdelay $0x1  }
0x168: {  	v6 =	vadd.f32 v8, v6;
	_ =	sdelay $0x1  }
0x169: {  	v6 =	vmax.f32 v6, $0.0e+00  }
0x16a: {  	v6 =	vmul.f32 v6, v7;
	_ =	sdelay $0x1  }
0x16b: {  	[tilespmem:s4+$0xFFFFFFC0] =	vst v6;
	v6 =	vld [tilespmem:s4+$0xFFFFFFD0]  }
0x16c: {  	v57 =	vld [tilespmem:s0+$0xFFFFFFD0];
	_ =	sdelay $0x4  }
0x16d: {  	v6 =	vadd.f32 v6, v57;
	_ =	sdelay $0x1  }
0x16e: {  	v6 =	vmax.f32 v6, $0.0e+00  }
0x16f: {  	v6 =	vmul.f32 v6, v7;
	_ =	sdelay $0x1  }
0x170: {  	[tilespmem:s4+$0xFFFFFFD0] =	vst v6;
	v6 =	vld [tilespmem:s4+$0xFFFFFFE0]  }
0x171: {  	v58 =	vld [tilespmem:s0+$0xFFFFFFE0];
	_ =	sdelay $0x4  }
0x172: {  	v6 =	vadd.f32 v6, v58;
	_ =	sdelay $0x1  }
0x173: {  	v6 =	vmax.f32 v6, $0.0e+00  }
0x174: {  	v6 =	vmul.f32 v6, v7;
	_ =	sdelay $0x1  }
0x175: {  	[tilespmem:s4+$0xFFFFFFE0] =	vst v6;
	v6 =	vld [tilespmem:s4+$0xFFFFFFF0]  }
0x176: {  	v59 =	vld [tilespmem:s0+$0xFFFFFFF0];
	_ =	sdelay $0x4  }
0x177: {  	v6 =	vadd.f32 v6, v59;
	_ =	sdelay $0x1  }
0x178: {  	v6 =	vmax.f32 v6, $0.0e+00  }
0x179: {  	v6 =	vmul.f32 v6, v7;
	_ =	sdelay $0x1  }
0x17a: {  	[tilespmem:s4+$0xFFFFFFF0] =	vst v6;
	v6 =	vld [tilespmem:s4+$0x0]  }
0x17b: {  	v60 =	vld [tilespmem:s0+$0x0];
	_ =	sdelay $0x4  }
0x17c: {  	v6 =	vadd.f32 v6, v60;
	_ =	sdelay $0x1  }
0x17d: {  	v6 =	vmax.f32 v6, $0.0e+00  }
0x17e: {  	v6 =	vmul.f32 v6, v7;
	_ =	sdelay $0x1  }
0x17f: {  	[tilespmem:s4+$0x0] =	vst v6;
	v6 =	vld [tilespmem:s4+$0x10]  }
0x180: {  	v61 =	vld [tilespmem:s0+$0x10];
	_ =	sdelay $0x4  }
0x181: {  	v6 =	vadd.f32 v6, v61;
	_ =	sdelay $0x1  }
0x182: {  	v6 =	vmax.f32 v6, $0.0e+00  }
0x183: {  	v6 =	vmul.f32 v6, v7;
	_ =	sdelay $0x1  }
0x184: {  	[tilespmem:s4+$0x10] =	vst v6;
	v6 =	vld [tilespmem:s4+$0x20]  }
0x185: {  	v62 =	vld [tilespmem:s0+$0x20];
	_ =	sdelay $0x4  }
0x186: {  	v6 =	vadd.f32 v6, v62;
	_ =	sdelay $0x1  }
0x187: {  	v6 =	vmax.f32 v6, $0.0e+00  }
0x188: {  	v6 =	vmul.f32 v6, v7;
	_ =	sdelay $0x1  }
0x189: {  	[tilespmem:s4+$0x20] =	vst v6;
	v6 =	vld [tilespmem:s4+$0x30]  }
0x18a: {  	v63 =	vld [tilespmem:s0+$0x30];
	_ =	sdelay $0x4  }
0x18b: {  	v6 =	vadd.f32 v6, v63;
	_ =	sdelay $0x1  }
0x18c: {  	v6 =	vmax.f32 v6, $0.0e+00  }
0x18d: {  	s16 =	sadd.s32 $0x1, s16;
	v6 =	vmul.f32 v6, v7  }
0x18e: {  	p0 =	sne.s32 s16, $0x3E  }
.Ltmp4:
0x18f: {  	[tilespmem:s4+$0x30] =	vst v6;
	(pc) =	sbr.rel @p0 .LBB2_6-.Ltmp4, $4  }
0x190: {  	[spmem:s2] =	stream.indirect.scatter.add.f32 [tilespmem:s26], [sflag:$0x7], $0x80, s22, s10, $0xb8;
	[tilespmem:$0x1E380] =	vst v63  }
0x191: {  	_ =	swait.ge [sflag:s13], $0x2800  }
0x192: {  	[sflag:s13] =	ssyncset.done $0x0  }
0x193: {  	[sflag:s13] =	ssyncadd.s32 $0xFFFFD800  }
0x194: {  	_ =	swait.ge [sflag:s28], $0x2800  }
0x195: {  	[sflag:s28] =	ssyncset.done $0x0  }
0x196: {  	[sflag:s28] =	ssyncadd.s32 $0xFFFFD800  }
0x197: {  	_ =	swait.ge [sflag:s29], $0x2800  }
0x198: {  	s0 =	simm.s32 $0x0;
	[sflag:s29] =	ssyncset.done $0x0  }
0x199: {  	s3 =	simm.s32 $0x2BC0;
	v6 =	vmov s0;
	[sflag:s29] =	ssyncadd.s32 $0xFFFFD800  }
0x19a: {  	s0 =	simm.s32 $0x3C0;
	v7 =	vld [tilespmem:s3+$0xFFFFFFC0]  }
0x19b: {  	v8 =	vld [tilespmem:s0+$0xFFFFFFC0];
	_ =	sdelay $0x2  }
0x19c: {  	v6 =	vld.idx.msk [tilespmem:v6+s18+$0x0], $0xffff;
	_ =	sdelay $0x1  }
0x19d: {  	v7 =	vadd.f32 v7, v8;
	_ =	sdelay $0x1  }
0x19e: {  	v7 =	vmax.f32 v7, $0.0e+00  }
0x19f: {  	v7 =	vmul.f32 v7, v6;
	_ =	sdelay $0x1  }
0x1a0: {  	[tilespmem:s3+$0xFFFFFFC0] =	vst v7;
	v7 =	vld [tilespmem:s3+$0xFFFFFFD0]  }
0x1a1: {  	v8 =	vld [tilespmem:s0+$0xFFFFFFD0];
	_ =	sdelay $0x4  }
0x1a2: {  	v7 =	vadd.f32 v7, v8;
	_ =	sdelay $0x1  }
0x1a3: {  	v7 =	vmax.f32 v7, $0.0e+00  }
0x1a4: {  	v7 =	vmul.f32 v7, v6;
	_ =	sdelay $0x1  }
0x1a5: {  	[tilespmem:s3+$0xFFFFFFD0] =	vst v7;
	v7 =	vld [tilespmem:s3+$0xFFFFFFE0]  }
0x1a6: {  	v8 =	vld [tilespmem:s0+$0xFFFFFFE0];
	_ =	sdelay $0x4  }
0x1a7: {  	v7 =	vadd.f32 v7, v8;
	_ =	sdelay $0x1  }
0x1a8: {  	v7 =	vmax.f32 v7, $0.0e+00  }
0x1a9: {  	v7 =	vmul.f32 v7, v6;
	_ =	sdelay $0x1  }
0x1aa: {  	[tilespmem:s3+$0xFFFFFFE0] =	vst v7;
	v7 =	vld [tilespmem:s3+$0xFFFFFFF0]  }
0x1ab: {  	v8 =	vld [tilespmem:s0+$0xFFFFFFF0];
	_ =	sdelay $0x4  }
0x1ac: {  	v7 =	vadd.f32 v7, v8;
	_ =	sdelay $0x1  }
0x1ad: {  	v7 =	vmax.f32 v7, $0.0e+00  }
0x1ae: {  	v7 =	vmul.f32 v7, v6;
	_ =	sdelay $0x1  }
0x1af: {  	[tilespmem:s3+$0xFFFFFFF0] =	vst v7;
	v7 =	vld [tilespmem:s3+$0x0]  }
0x1b0: {  	v8 =	vld [tilespmem:s0+$0x0];
	_ =	sdelay $0x4  }
0x1b1: {  	v7 =	vadd.f32 v7, v8;
	_ =	sdelay $0x1  }
0x1b2: {  	v7 =	vmax.f32 v7, $0.0e+00  }
0x1b3: {  	v7 =	vmul.f32 v7, v6;
	_ =	sdelay $0x1  }
0x1b4: {  	[tilespmem:s3+$0x0] =	vst v7;
	v7 =	vld [tilespmem:s3+$0x10]  }
0x1b5: {  	v8 =	vld [tilespmem:s0+$0x10];
	_ =	sdelay $0x4  }
0x1b6: {  	v7 =	vadd.f32 v7, v8;
	_ =	sdelay $0x1  }
0x1b7: {  	v7 =	vmax.f32 v7, $0.0e+00  }
0x1b8: {  	v7 =	vmul.f32 v7, v6;
	_ =	sdelay $0x1  }
0x1b9: {  	[tilespmem:s3+$0x10] =	vst v7;
	v7 =	vld [tilespmem:s3+$0x20]  }
0x1ba: {  	v8 =	vld [tilespmem:s0+$0x20];
	_ =	sdelay $0x4  }
0x1bb: {  	v7 =	vadd.f32 v7, v8;
	_ =	sdelay $0x1  }
0x1bc: {  	v7 =	vmax.f32 v7, $0.0e+00  }
0x1bd: {  	v7 =	vmul.f32 v7, v6;
	_ =	sdelay $0x1  }
0x1be: {  	[tilespmem:s3+$0x20] =	vst v7;
	v7 =	vld [tilespmem:s3+$0x30]  }
0x1bf: {  	v8 =	vld [tilespmem:s0+$0x30];
	_ =	sdelay $0x4  }
0x1c0: {  	v7 =	vadd.f32 v7, v8  }
0x1c1: {  	s1 =	simm.s32 $0x1  }
0x1c2: {  	v8 =	vmax.f32 v7, $0.0e+00;
	v7 =	vmov s1  }
0x1c3: {  	s4 =	simm.s32 $0x2;
	s1 =	simm.s32 $0x2BC0;
	v6 =	vmul.f32 v8, v6  }
.LBB2_12:
0x1c4: {  	p0 =	sne.s32 s4, $0x4F;
	s3 =	sadd.s32 $0x80, s3  }
0x1c5: {  	s0 =	sadd.s32 $0x80, s0;
	v8 =	vld [tilespmem:s3+$0xFFFFFFC0];
	[tilespmem:s1+$0x30] =	vst v6;
	s1 =	smov.u32 s3  }
0x1c6: {  	v9 =	vld [tilespmem:s0+$0xFFFFFFC0]  }
0x1c7: {  	v6 =	vld.idx.msk [tilespmem:v7+s18+$0x0], $0xffff;
	_ =	sdelay $0x3  }
0x1c8: {  	v7 =	vadd.f32 v8, v9;
	_ =	sdelay $0x1  }
0x1c9: {  	v7 =	vmax.f32 v7, $0.0e+00  }
0x1ca: {  	v7 =	vmul.f32 v7, v6;
	_ =	sdelay $0x1  }
0x1cb: {  	[tilespmem:s3+$0xFFFFFFC0] =	vst v7;
	v7 =	vld [tilespmem:s3+$0xFFFFFFD0]  }
0x1cc: {  	v8 =	vld [tilespmem:s0+$0xFFFFFFD0];
	_ =	sdelay $0x4  }
0x1cd: {  	v7 =	vadd.f32 v7, v8;
	_ =	sdelay $0x1  }
0x1ce: {  	v7 =	vmax.f32 v7, $0.0e+00  }
0x1cf: {  	v7 =	vmul.f32 v7, v6;
	_ =	sdelay $0x1  }
0x1d0: {  	[tilespmem:s3+$0xFFFFFFD0] =	vst v7;
	v7 =	vld [tilespmem:s3+$0xFFFFFFE0]  }
0x1d1: {  	v8 =	vld [tilespmem:s0+$0xFFFFFFE0];
	_ =	sdelay $0x4  }
0x1d2: {  	v7 =	vadd.f32 v7, v8;
	_ =	sdelay $0x1  }
0x1d3: {  	v7 =	vmax.f32 v7, $0.0e+00  }
0x1d4: {  	v7 =	vmul.f32 v7, v6;
	_ =	sdelay $0x1  }
0x1d5: {  	[tilespmem:s3+$0xFFFFFFE0] =	vst v7;
	v7 =	vld [tilespmem:s3+$0xFFFFFFF0]  }
0x1d6: {  	v8 =	vld [tilespmem:s0+$0xFFFFFFF0];
	_ =	sdelay $0x4  }
0x1d7: {  	v7 =	vadd.f32 v7, v8;
	_ =	sdelay $0x1  }
0x1d8: {  	v7 =	vmax.f32 v7, $0.0e+00  }
0x1d9: {  	v7 =	vmul.f32 v7, v6;
	_ =	sdelay $0x1  }
0x1da: {  	[tilespmem:s3+$0xFFFFFFF0] =	vst v7;
	v7 =	vld [tilespmem:s3+$0x0]  }
0x1db: {  	v8 =	vld [tilespmem:s0+$0x0];
	_ =	sdelay $0x4  }
0x1dc: {  	v7 =	vadd.f32 v7, v8;
	_ =	sdelay $0x1  }
0x1dd: {  	v7 =	vmax.f32 v7, $0.0e+00  }
0x1de: {  	v7 =	vmul.f32 v7, v6;
	_ =	sdelay $0x1  }
0x1df: {  	[tilespmem:s3+$0x0] =	vst v7;
	v7 =	vld [tilespmem:s3+$0x10]  }
0x1e0: {  	v8 =	vld [tilespmem:s0+$0x10];
	_ =	sdelay $0x4  }
0x1e1: {  	v7 =	vadd.f32 v7, v8;
	_ =	sdelay $0x1  }
0x1e2: {  	v7 =	vmax.f32 v7, $0.0e+00  }
0x1e3: {  	v7 =	vmul.f32 v7, v6;
	_ =	sdelay $0x1  }
0x1e4: {  	[tilespmem:s3+$0x10] =	vst v7;
	v7 =	vld [tilespmem:s3+$0x20]  }
0x1e5: {  	v8 =	vld [tilespmem:s0+$0x20];
	_ =	sdelay $0x4  }
0x1e6: {  	v7 =	vadd.f32 v7, v8;
	_ =	sdelay $0x1  }
0x1e7: {  	v7 =	vmax.f32 v7, $0.0e+00  }
0x1e8: {  	v7 =	vmul.f32 v7, v6;
	_ =	sdelay $0x1  }
0x1e9: {  	[tilespmem:s3+$0x20] =	vst v7;
	v7 =	vld [tilespmem:s3+$0x30]  }
0x1ea: {  	v8 =	vld [tilespmem:s0+$0x30];
	_ =	sdelay $0x3  }
.Ltmp5:
0x1eb: {  	(pc) =	sbr.rel @p0 .LBB2_12-.Ltmp5, $3  }
0x1ec: {  	v8 =	vadd.f32 v7, v8;
	_ =	sdelay $0x1  }
0x1ed: {  	v7 =	vmov s4;
	v8 =	vmax.f32 v8, $0.0e+00  }
0x1ee: {  	s4 =	sadd.s32 $0x1, s4;
	v6 =	vmul.f32 v8, v6  }
0x1ef: {  	s3 =	sadd.s32 $0x80, s3  }
0x1f0: {  	s0 =	sadd.s32 $0x80, s0;
	[tilespmem:s1+$0x30] =	vst v6;
	v6 =	vld [tilespmem:s3+$0xFFFFFFC0]  }
0x1f1: {  	v8 =	vld [tilespmem:s0+$0xFFFFFFC0];
	_ =	sdelay $0x2  }
0x1f2: {  	v7 =	vld.idx.msk [tilespmem:v7+s18+$0x0], $0xffff;
	_ =	sdelay $0x1  }
0x1f3: {  	v6 =	vadd.f32 v6, v8;
	_ =	sdelay $0x1  }
0x1f4: {  	v6 =	vmax.f32 v6, $0.0e+00  }
0x1f5: {  	v6 =	vmul.f32 v6, v7;
	_ =	sdelay $0x1  }
0x1f6: {  	[tilespmem:s3+$0xFFFFFFC0] =	vst v6;
	v6 =	vld [tilespmem:s3+$0xFFFFFFD0]  }
0x1f7: {  	v57 =	vld [tilespmem:s0+$0xFFFFFFD0];
	_ =	sdelay $0x4  }
0x1f8: {  	v6 =	vadd.f32 v6, v57;
	_ =	sdelay $0x1  }
0x1f9: {  	v6 =	vmax.f32 v6, $0.0e+00  }
0x1fa: {  	v6 =	vmul.f32 v6, v7;
	_ =	sdelay $0x1  }
0x1fb: {  	[tilespmem:s3+$0xFFFFFFD0] =	vst v6;
	v6 =	vld [tilespmem:s3+$0xFFFFFFE0]  }
0x1fc: {  	v58 =	vld [tilespmem:s0+$0xFFFFFFE0];
	_ =	sdelay $0x4  }
0x1fd: {  	v6 =	vadd.f32 v6, v58;
	_ =	sdelay $0x1  }
0x1fe: {  	v6 =	vmax.f32 v6, $0.0e+00  }
0x1ff: {  	v6 =	vmul.f32 v6, v7;
	_ =	sdelay $0x1  }
0x200: {  	[tilespmem:s3+$0xFFFFFFE0] =	vst v6;
	v6 =	vld [tilespmem:s3+$0xFFFFFFF0]  }
0x201: {  	v59 =	vld [tilespmem:s0+$0xFFFFFFF0];
	_ =	sdelay $0x4  }
0x202: {  	v6 =	vadd.f32 v6, v59;
	_ =	sdelay $0x1  }
0x203: {  	v6 =	vmax.f32 v6, $0.0e+00  }
0x204: {  	v6 =	vmul.f32 v6, v7;
	_ =	sdelay $0x1  }
0x205: {  	[tilespmem:s3+$0xFFFFFFF0] =	vst v6;
	v6 =	vld [tilespmem:s3+$0x0]  }
0x206: {  	v60 =	vld [tilespmem:s0+$0x0];
	_ =	sdelay $0x4  }
0x207: {  	v6 =	vadd.f32 v6, v60;
	_ =	sdelay $0x1  }
0x208: {  	v6 =	vmax.f32 v6, $0.0e+00  }
0x209: {  	v6 =	vmul.f32 v6, v7;
	_ =	sdelay $0x1  }
0x20a: {  	[tilespmem:s3+$0x0] =	vst v6;
	v6 =	vld [tilespmem:s3+$0x10]  }
0x20b: {  	v61 =	vld [tilespmem:s0+$0x10];
	_ =	sdelay $0x4  }
0x20c: {  	v6 =	vadd.f32 v6, v61;
	_ =	sdelay $0x1  }
0x20d: {  	v6 =	vmax.f32 v6, $0.0e+00  }
0x20e: {  	v6 =	vmul.f32 v6, v7;
	_ =	sdelay $0x1  }
0x20f: {  	[tilespmem:s3+$0x10] =	vst v6;
	v6 =	vld [tilespmem:s3+$0x20]  }
0x210: {  	v62 =	vld [tilespmem:s0+$0x20];
	_ =	sdelay $0x4  }
0x211: {  	v6 =	vadd.f32 v6, v62;
	_ =	sdelay $0x1  }
0x212: {  	v6 =	vmax.f32 v6, $0.0e+00  }
0x213: {  	v6 =	vmul.f32 v6, v7;
	_ =	sdelay $0x1  }
0x214: {  	v63 =	vld [tilespmem:s3+$0x30];
	[tilespmem:s3+$0x20] =	vst v6  }
0x215: {  	v6 =	vld [tilespmem:s0+$0x30];
	_ =	sdelay $0x4  }
0x216: {  	v6 =	vadd.f32 v63, v6;
	_ =	sdelay $0x1  }
0x217: {  	v6 =	vmax.f32 v6, $0.0e+00  }
0x218: {  	v6 =	vmul.f32 v6, v7;
	_ =	sdelay $0x1  }
0x219: {  	[tilespmem:s3+$0x30] =	vst v6  }
0x21a: {  	[spmem:s2] =	stream.indirect.scatter.add.f32 [tilespmem:s12], [sflag:$0x7], $0x80, s17, s10, $0xb8;
	[tilespmem:$0x1E380] =	vst v63  }
0x21b: {  	_ =	swait.ge [sflag:s13], $0x2800  }
0x21c: {  	[sflag:s13] =	ssyncset.done $0x0  }
0x21d: {  	[sflag:s13] =	ssyncadd.s32 $0xFFFFD800  }
0x21e: {  	[bflag:$0x0] =	sbarrier.arrive $0xFFFF  }
0x21f: {  	s14 =	rddreg [dreg:$0x9]  }
0x220: {  	[tilespmem:s12], [sflag:$0x7] =	stream.linear.gather [spmem:s14], $0x2800, $0x38;
	[tilespmem:$0x1E380] =	vst v63  }
0x221: {  	_ =	swait.ge [sflag:s13], $0x2800  }
0x222: {  	[sflag:s13] =	ssyncset.done $0x0  }
0x223: {  	s0 =	simm.s32 $0x0;
	s16 =	rddreg [dreg:$0xb];
	[sflag:s13] =	ssyncadd.s32 $0xFFFFD800  }
0x224: {  	[hbm4b:s16+s0] =	stream.linear.scatter [tilespmem:s12], [sflag:$0x7], $0x2800, $0x38;
	[tilespmem:$0x1E380] =	vst v63  }
0x225: {  	_ =	swait.ge [sflag:s13], $0x2800  }
0x226: {  	[sflag:s13] =	ssyncset.done $0x0  }
0x227: {  	s20 =	rddreg [dreg:$0x13];
	[sflag:s13] =	ssyncadd.s32 $0xFFFFD800  }
0x228: {  	[tilespmem:s12], [sflag:$0x7] =	stream.linear.gather [spmem:s20], $0x2800, $0x38;
	[tilespmem:$0x1E380] =	vst v63  }
0x229: {  	_ =	swait.ge [sflag:s13], $0x2800  }
0x22a: {  	[sflag:s13] =	ssyncset.done $0x0  }
0x22b: {  	s3 =	rddreg [dreg:$0xc];
	[sflag:s13] =	ssyncadd.s32 $0xFFFFD800  }
0x22c: {  	[hbm4b:s3+s0] =	stream.linear.scatter [tilespmem:s12], [sflag:$0x7], $0x2800, $0x38;
	[tilespmem:$0x1E380] =	vst v63  }
0x22d: {  	_ =	swait.ge [sflag:s13], $0x2800  }
0x22e: {  	[sflag:s13] =	ssyncset.done $0x0  }
0x22f: {  	s4 =	rddreg [dreg:$0x14];
	[sflag:s13] =	ssyncadd.s32 $0xFFFFD800  }
0x230: {  	[tilespmem:s12], [sflag:$0x7] =	stream.linear.gather [spmem:s4], $0x2800, $0x38;
	[tilespmem:$0x1E380] =	vst v63  }
0x231: {  	_ =	swait.ge [sflag:s13], $0x2800  }
0x232: {  	[sflag:s13] =	ssyncset.done $0x0  }
0x233: {  	s14 =	rddreg [dreg:$0xd];
	[sflag:s13] =	ssyncadd.s32 $0xFFFFD800  }
0x234: {  	[hbm4b:s14+s0] =	stream.linear.scatter [tilespmem:s12], [sflag:$0x7], $0x2800, $0x38;
	[tilespmem:$0x1E380] =	vst v63  }
0x235: {  	_ =	swait.ge [sflag:s13], $0x2800  }
0x236: {  	[sflag:s13] =	ssyncset.done $0x0  }
0x237: {  	s16 =	rddreg [dreg:$0x15];
	[sflag:s13] =	ssyncadd.s32 $0xFFFFD800  }
0x238: {  	[tilespmem:s12], [sflag:$0x7] =	stream.linear.gather [spmem:s16], $0x2800, $0x38;
	[tilespmem:$0x1E380] =	vst v63  }
0x239: {  	_ =	swait.ge [sflag:s13], $0x2800  }
0x23a: {  	[sflag:s13] =	ssyncset.done $0x0  }
0x23b: {  	s20 =	rddreg [dreg:$0xe];
	[sflag:s13] =	ssyncadd.s32 $0xFFFFD800  }
0x23c: {  	[hbm4b:s20+s0] =	stream.linear.scatter [tilespmem:s12], [sflag:$0x7], $0x2800, $0x38;
	[tilespmem:$0x1E380] =	vst v63  }
0x23d: {  	_ =	swait.ge [sflag:s13], $0x2800  }
0x23e: {  	[sflag:s13] =	ssyncset.done $0x0  }
0x23f: {  	s3 =	rddreg [dreg:$0x16];
	[sflag:s13] =	ssyncadd.s32 $0xFFFFD800  }
0x240: {  	[tilespmem:s12], [sflag:$0x7] =	stream.linear.gather [spmem:s3], $0x2800, $0x38;
	[tilespmem:$0x1E380] =	vst v63  }
0x241: {  	_ =	swait.ge [sflag:s13], $0x2800  }
0x242: {  	[sflag:s13] =	ssyncset.done $0x0  }
0x243: {  	s4 =	rddreg [dreg:$0xf];
	[sflag:s13] =	ssyncadd.s32 $0xFFFFD800  }
0x244: {  	[hbm4b:s4+s0] =	stream.linear.scatter [tilespmem:s12], [sflag:$0x7], $0x2800, $0x38;
	[tilespmem:$0x1E380] =	vst v63  }
0x245: {  	_ =	swait.ge [sflag:s13], $0x2800  }
0x246: {  	[sflag:s13] =	ssyncset.done $0x0  }
0x247: {  	s14 =	rddreg [dreg:$0x17];
	[sflag:s13] =	ssyncadd.s32 $0xFFFFD800  }
0x248: {  	[tilespmem:s12], [sflag:$0x7] =	stream.linear.gather [spmem:s14], $0x2800, $0x38;
	[tilespmem:$0x1E380] =	vst v63  }
0x249: {  	_ =	swait.ge [sflag:s13], $0x2800  }
0x24a: {  	[sflag:s13] =	ssyncset.done $0x0  }
0x24b: {  	s16 =	rddreg [dreg:$0x10];
	[sflag:s13] =	ssyncadd.s32 $0xFFFFD800  }
0x24c: {  	[hbm4b:s16+s0] =	stream.linear.scatter [tilespmem:s12], [sflag:$0x7], $0x2800, $0x38;
	[tilespmem:$0x1E380] =	vst v63  }
0x24d: {  	_ =	swait.ge [sflag:s13], $0x2800  }
0x24e: {  	[sflag:s13] =	ssyncset.done $0x0  }
0x24f: {  	s20 =	rddreg [dreg:$0x18];
	[sflag:s13] =	ssyncadd.s32 $0xFFFFD800  }
0x250: {  	[tilespmem:s12], [sflag:$0x7] =	stream.linear.gather [spmem:s20], $0x2800, $0x38;
	[tilespmem:$0x1E380] =	vst v63  }
0x251: {  	_ =	swait.ge [sflag:s13], $0x2800  }
0x252: {  	[sflag:s13] =	ssyncset.done $0x0  }
0x253: {  	s3 =	rddreg [dreg:$0x11];
	[sflag:s13] =	ssyncadd.s32 $0xFFFFD800  }
0x254: {  	[hbm4b:s3+s0] =	stream.linear.scatter [tilespmem:s12], [sflag:$0x7], $0x2800, $0x38;
	[tilespmem:$0x1E380] =	vst v63  }
0x255: {  	_ =	swait.ge [sflag:s13], $0x2800  }
0x256: {  	[sflag:s13] =	ssyncset.done $0x0  }
0x257: {  	s4 =	rddreg [dreg:$0x19];
	[sflag:s13] =	ssyncadd.s32 $0xFFFFD800  }
0x258: {  	[tilespmem:s12], [sflag:$0x7] =	stream.linear.gather [spmem:s4], $0x2800, $0x38;
	[tilespmem:$0x1E380] =	vst v63  }
0x259: {  	_ =	swait.ge [sflag:s13], $0x2800  }
0x25a: {  	[sflag:s13] =	ssyncset.done $0x0  }
0x25b: {  	s14 =	rddreg [dreg:$0x12];
	[sflag:s13] =	ssyncadd.s32 $0xFFFFD800  }
0x25c: {  	[hbm4b:s14+s0] =	stream.linear.scatter [tilespmem:s12], [sflag:$0x7], $0x2800, $0x38;
	[tilespmem:$0x1E380] =	vst v63  }
0x25d: {  	_ =	swait.ge [sflag:s13], $0x2800  }
0x25e: {  	s16 =	rddreg [dreg:$0x1a]  }
0x25f: {  	s20 =	rddreg [dreg:$0xa];
	s1 =	sadd.s32 $0x1, s16  }
0x260: {  	p0 =	sne.s32 s1, s20  }
.Ltmp6:
0x261: {  	_ = 	snop;
	(pc) =	sbr.rel @p0 .LBB2_1-.Ltmp6, $3  }
0x262: {  	_ =	sdelay $0x1  }
0x263: {  	[sflag:s13] =	ssyncset.done $0x0  }
0x264: {  	[sflag:s13] =	ssyncadd.s32 $0xFFFFD800  }
0x265: {  	_ =	sfence.sel $0x180000  }
0x266: {  	[bflag:$0x0] =	sbarrier.arrive $0xFFFF  }
0x267: {  	_ =	strace $0x90000053  }
0x268: {  	s0 =	stileid.u32;
	[bflag:$0x2] =	sbarrier.arrive $0xFFFF  }
0x269: {  	p0 =	sne.s32 s0, $0x0;
	s0 =	rddreg [dreg:$0x3]  }
0x26a: {  	s0 =	sadd.s32 @!p0 $0x100000, s0  }
0x26b: {  	[sflag:s0] =	ssyncadd.tile.s32 @!p0 $0x1;
	_ =	shalt  }
.Lfunc_end2:
_tile_overlayer_lowered:
.L_overlay_start_2:
0x26c: {  	(tag) =	ssettag $0x2  }
0x26d: {  	s0 =	rddreg [dreg:$0x0];
	s2 =	stileid.u32  }
0x26e: {  	s1 =	rddreg [dreg:$0x1];
	p0 =	sne.s32 s2, $0x0  }
0x26f: {  	s3 =	rddreg [dreg:$0x2];
	[bflag:$0x3] =	sbarrier.arrive $0xFFFF;
	s2 =	simm.s32 @!p0 $0x1C07  }
0x270: {  	[timem:s3], [sflag:s2] =	dma.local @!p0 [hbm:s0], s1  }
0x271: {  	s0 =	simm.s32 @!p0 $0x7  }
0x272: {  	_ =	swait.ge @!p0 [sflag:s0], s1  }
0x273: {  	s1 =	ssub.s32 @!p0 $0x0, s1;
	[sflag:s0] =	ssyncset.done @!p0 $0x0  }
0x274: {  	[sflag:s0] =	ssyncadd.s32 @!p0 s1  }
0x275: {  	[bflag:$0x3] =	sbarrier.arrive $0xFFFF  }
0x276: {  	_ =	shalt  }

</sc_bundles>
